<compile_context>
chip_gen: v7x
topology: tpu7x:2x2x1
jax: 0.10.2.dev20260603
libtpu: 0.0.44.dev20260713+nightly
codegen_flags: <defaults>
</compile_context>

<pallas_src>
import functools

import jax
import jax.numpy as jnp
from jax import lax
from jax.experimental import pallas as pl
from jax.experimental.pallas import tpu as pltpu
from jax.experimental.pallas import tpu_sc as plsc

_NUM_CLS = 1000
_TOPZ = 4096
_N = 16384
_D = 4096

_CR = _N // 128
_RANK_ROWS = 8

_NC = 2
_NS = 16
_NW = _NC * _NS
_SC_LANES = 16

_PAD_OUT = _TOPZ + _N


def _rank_body(ci_ref, cf_ref, rank_ref):
    ib = pl.program_id(0)
    ci3 = ci_ref[...][:, :, None]
    acc0 = jnp.zeros((_RANK_ROWS, 128, 128), jnp.float32)

    _G = 8

    def body_before(g, acc3):
        t = acc3
        for d in range(_G):
            jv3 = cf_ref[pl.ds(_G * g + d, 1), :].reshape(1, 1, 128)
            t = t + jnp.where(jv3 >= ci3, 1.0, 0.0)
        return t

    def body_after(g, acc3):
        t = acc3
        for d in range(_G):
            jv3 = cf_ref[pl.ds(_G * g + d, 1), :].reshape(1, 1, 128)
            t = t + jnp.where(jv3 > ci3, 1.0, 0.0)
        return t

    acc3 = lax.fori_loop(0, _RANK_ROWS * ib // _G, body_before, acc0)
    acc3 = lax.fori_loop(_RANK_ROWS * (ib + 1) // _G, _CR // _G, body_after,
                         acc3)

    r_iota = lax.broadcasted_iota(jnp.int32, (_RANK_ROWS, 128, 1), 0)
    c_iota = lax.broadcasted_iota(jnp.int32, (_RANK_ROWS, 128, 1), 1)
    iidx3 = 128 * (_RANK_ROWS * ib + r_iota) + c_iota
    jlane = lax.broadcasted_iota(jnp.int32, (1, 1, 128), 2)
    for dr in range(_RANK_ROWS):
        jr = _RANK_ROWS * ib + dr
        jv3 = cf_ref[pl.ds(jr, 1), :].reshape(1, 1, 128)
        jidx3 = 128 * jr + jlane
        above = (jv3 > ci3) | ((jv3 == ci3) & (jidx3 < iidx3))
        acc3 = acc3 + jnp.where(above, 1.0, 0.0)
    rank_ref[...] = jnp.sum(acc3, axis=2).astype(jnp.int32)


def _rank_call(conf2d):
    return pl.pallas_call(
        _rank_body,
        grid=(_CR // _RANK_ROWS,),
        in_specs=[
            pl.BlockSpec((_RANK_ROWS, 128), lambda i: (i, 0)),
            pl.BlockSpec((_CR, 128), lambda i: (0, 0)),
        ],
        out_specs=pl.BlockSpec((_RANK_ROWS, 128), lambda i: (i, 0)),
        out_shape=jax.ShapeDtypeStruct((_CR, 128), jnp.int32),
    )(conf2d, conf2d)


def _sc_scatter_body(rank_hbm, sel_hbm, rank_v, val_v,
                     idx0, idx1, idx2, idx3, idx4, idx5, idx6, idx7,
                     spbuf, sem):
    c = lax.axis_index("c")
    s = lax.axis_index("s")
    per = _N // _NS
    idx_refs = (idx0, idx1, idx2, idx3, idx4, idx5, idx6, idx7)
    lane = lax.iota(jnp.int32, _SC_LANES)

    @pl.when(c == 0)
    def _():
        base = s * per
        pltpu.sync_copy(rank_hbm.at[pl.ds(base, per)], rank_v)
        for chunk in range(per // 128):
            for k in range(128 // _SC_LANES):
                off = 128 * chunk + _SC_LANES * k
                r = rank_v[pl.ds(off, _SC_LANES)]
                own = base + off + lane
                idx_refs[chunk][pl.ds(_SC_LANES * k, _SC_LANES)] = jnp.where(
                    r < _TOPZ, r, _TOPZ + own)
                val_v[pl.ds(off, _SC_LANES)] = own
        copies = []
        for chunk in range(per // 128):
            copies.append(pltpu.async_copy(
                val_v.at[pl.ds(128 * chunk, 128)],
                spbuf.at[idx_refs[chunk]], sem))
        for cp in copies:
            cp.wait()

    plsc.subcore_barrier()

    @pl.when(c == 0)
    def _():
        out_per = _TOPZ // _NS
        pltpu.sync_copy(spbuf.at[pl.ds(s * out_per, out_per)],
                        sel_hbm.at[pl.ds(s * out_per, out_per)])


def _sc_scatter(rank):
    mesh = plsc.VectorSubcoreMesh(core_axis_name="c", subcore_axis_name="s")
    per = _N // _NS
    f = pl.kernel(
        _sc_scatter_body,
        out_type=jax.ShapeDtypeStruct((_TOPZ,), jnp.int32),
        mesh=mesh,
        scratch_types=[
            pltpu.VMEM((per,), jnp.int32),
            pltpu.VMEM((per,), jnp.int32),
            pltpu.VMEM((128,), jnp.int32),
            pltpu.VMEM((128,), jnp.int32),
            pltpu.VMEM((128,), jnp.int32),
            pltpu.VMEM((128,), jnp.int32),
            pltpu.VMEM((128,), jnp.int32),
            pltpu.VMEM((128,), jnp.int32),
            pltpu.VMEM((128,), jnp.int32),
            pltpu.VMEM((128,), jnp.int32),
            pltpu.VMEM_SHARED((_PAD_OUT,), jnp.int32),
            pltpu.SemaphoreType.DMA,
        ],
    )
    return f(rank)


_GC = 8


_HALF = _TOPZ


def _sc_gather_body(x_hbm, sel_hbm, pred_hbm, yt_hbm,
                    xg_hbm, predg_hbm, ytg_hbm,
                    idx_v, pg_v, yg_v, buf0, buf1, gsem, osem):
    wid = lax.axis_index("s") * _NC + lax.axis_index("c")
    rows = _HALF // _NW
    base = wid * rows
    pltpu.sync_copy(sel_hbm.at[pl.ds(base, rows)], idx_v)
    pgc = pltpu.async_copy(pred_hbm.at[idx_v], pg_v, gsem)
    ygc = pltpu.async_copy(yt_hbm.at[idx_v], yg_v, gsem)
    bufs = (buf0, buf1)
    nch = rows // _GC
    gcp = [None] * nch
    ocp = [None] * nch
    for c in range(nch):
        b = bufs[c % 2]
        if c >= 2:
            ocp[c - 2].wait()
        gcp[c] = pltpu.async_copy(
            x_hbm.at[idx_v.at[pl.ds(c * _GC, _GC)]], b, gsem)
        if c >= 1:
            gcp[c - 1].wait()
            ocp[c - 1] = pltpu.async_copy(
                bufs[(c - 1) % 2],
                xg_hbm.at[pl.ds(base + (c - 1) * _GC, _GC)], osem)
    gcp[nch - 1].wait()
    ocp[nch - 1] = pltpu.async_copy(
        bufs[(nch - 1) % 2],
        xg_hbm.at[pl.ds(base + (nch - 1) * _GC, _GC)], osem)
    ocp[nch - 2].wait()
    ocp[nch - 1].wait()
    pgc.wait()
    ygc.wait()
    pltpu.sync_copy(pg_v, predg_hbm.at[pl.ds(base, rows)])
    pltpu.sync_copy(yg_v, ytg_hbm.at[pl.ds(base, rows)])


def _sc_gather(x, sel, pred, y_true):
    mesh = plsc.VectorSubcoreMesh(core_axis_name="c", subcore_axis_name="s")
    rows = _HALF // _NW
    f = pl.kernel(
        _sc_gather_body,
        out_type=[
            jax.ShapeDtypeStruct((_HALF, _D), jnp.float32),
            jax.ShapeDtypeStruct((_HALF,), jnp.int32),
            jax.ShapeDtypeStruct((_HALF,), jnp.int32),
        ],
        mesh=mesh,
        scratch_types=[
            pltpu.VMEM((rows,), jnp.int32),
            pltpu.VMEM((rows,), jnp.int32),
            pltpu.VMEM((rows,), jnp.int32),
            pltpu.VMEM((_GC, _D), jnp.float32),
            pltpu.VMEM((_GC, _D), jnp.float32),
            pltpu.SemaphoreType.DMA,
            pltpu.SemaphoreType.DMA,
        ],
    )
    return f(x, sel, pred, y_true)


_BM = 256


def _loss_body(x_ref, w_ref, pred_ref, yt_ref, loss_ref, acc_ref):
    i = pl.program_id(0)
    logits = jnp.dot(x_ref[...], w_ref[...],
                     preferred_element_type=jnp.float32)
    m = jnp.max(logits, axis=1, keepdims=True)
    e = jnp.exp(logits - m)
    s = jnp.sum(e, axis=1, keepdims=True)
    lse = jnp.log(s) + m
    predg = pred_ref[...]
    cls = lax.broadcasted_iota(jnp.int32, (_BM, _NUM_CLS), 1)
    pick = jnp.sum(jnp.where(cls == predg[:, None], logits, 0.0), axis=1)
    part_loss = jnp.sum(lse[:, 0] - pick)
    part_acc = jnp.sum((predg == yt_ref[...]).astype(jnp.float32))

    @pl.when(i == 0)
    def _():
        loss_ref[...] = jnp.zeros((1, 1), jnp.float32)
        acc_ref[...] = jnp.zeros((1, 1), jnp.float32)

    loss_ref[...] = loss_ref[...] + part_loss
    acc_ref[...] = acc_ref[...] + part_acc

    @pl.when(i == _HALF // _BM - 1)
    def _():
        total = loss_ref[...]
        loss_ref[...] = jnp.where(total == 0.0, 0.0,
                                  total / jnp.float32(_TOPZ))
        acc_ref[...] = acc_ref[...] / jnp.float32(_TOPZ)


def _loss_call(xg, W, predg, ytg):
    return pl.pallas_call(
        _loss_body,
        grid=(_HALF // _BM,),
        in_specs=[
            pl.BlockSpec((_BM, _D), lambda i: (i, 0)),
            pl.BlockSpec((_D, _NUM_CLS), lambda i: (0, 0)),
            pl.BlockSpec((_BM,), lambda i: (i,)),
            pl.BlockSpec((_BM,), lambda i: (i,)),
        ],
        out_specs=[
            pl.BlockSpec((1, 1), lambda i: (0, 0)),
            pl.BlockSpec((1, 1), lambda i: (0, 0)),
        ],
        out_shape=[
            jax.ShapeDtypeStruct((1, 1), jnp.float32),
            jax.ShapeDtypeStruct((1, 1), jnp.float32),
        ],
    )(xg, W, predg, ytg)


def kernel(x, y_output, y_true, W):
    y_probs = jax.nn.softmax(y_output, axis=1)
    pred = jnp.argmax(y_probs, axis=1).astype(jnp.int32)
    conf = jnp.max(y_probs, axis=1)

    rank2d = _rank_call(conf.reshape(_CR, 128))
    rank = rank2d.reshape(_N)

    selected_idx = _sc_scatter(rank)

    xg, pg, yt = _sc_gather(x, selected_idx, pred, y_true)
    loss2, accu2 = _loss_call(xg, W, pg, yt)
    return (loss2[0, 0], accu2[0, 0], selected_idx)

# --- scband reference (transcript-rebuilt; emitter-appended) ---
"""Pipeline reference for scband-pltop-z-69260642615313 (READ-ONLY COPY).

The authoritative reference and input builder live on the scoring server;
editing this copy changes nothing except your own understanding.
"""

import jax, jax.numpy as jnp
import numpy as np

NUM_CLS = 1000
TOPZ = 4096
N = 16384
D = 4096


def setup_inputs(seed: int = 0) -> dict:
    key = jax.random.key(seed)
    k1, k2, k3, k4 = jax.random.split(key, 4)
    x = jax.random.normal(k1, (N, D), dtype=jnp.float32)
    y_output = jax.random.normal(k2, (N, NUM_CLS), dtype=jnp.float32)
    y_true = jax.random.randint(k3, (N,), 0, NUM_CLS, dtype=jnp.int32)
    # 'model' is treated as a linear classifier head: output = x @ W
    W = jax.random.normal(k4, (D, NUM_CLS), dtype=jnp.float32) * 0.02
    return {"x": x, "y_output": y_output, "y_true": y_true, "W": W}


def reference(x, y_output, y_true, W):
    # pseudo-label selection by top-Z confidence
    y_probs = jax.nn.softmax(y_output, axis=1)
    pred = jnp.argmax(y_probs, axis=1)
    onehot_label_pred = jax.nn.one_hot(pred, NUM_CLS, dtype=jnp.float32)
    conf = jnp.max(y_probs, axis=1)
    _, selected_idx = jax.lax.top_k(conf, TOPZ)
    gt_mask = jnp.zeros((N,), dtype=jnp.float32).at[selected_idx].set(1.0)
    num_selected = jnp.sum(gt_mask)

    # scenario == 'woDistractor': accuracy among selected pseudo-labels
    onehot_label_true = jax.nn.one_hot(y_true, NUM_CLS, dtype=jnp.float32)
    onehot_label_pred_selected = gt_mask[:, None] * onehot_label_pred
    onehot_sel_correct = onehot_label_true * onehot_label_pred_selected
    num_selected_correct = jnp.sum(jnp.sum(onehot_sel_correct, axis=1))
    accu_among_selected = num_selected_correct / num_selected

    # select_true_label=False, entropy=False -> target is masked predicted one-hot
    p_target = gt_mask[:, None] * onehot_label_pred

    # model(x, params) -> linear head
    output = x @ W
    losses_mask = -jnp.sum(jax.lax.stop_gradient(p_target) * jax.nn.log_softmax(output, axis=1), axis=1)
    total = jnp.sum(losses_mask)
    loss = jnp.where(total == 0, jnp.float32(0.0), total / num_selected)
    return (loss, accu_among_selected, selected_idx)

if __name__ == "__main__":
    import jax
    _d = setup_inputs()
    print(jax.jit(kernel)(*tuple(_d.values())))

</pallas_src>

<mosaic_0001>
#map = affine_map<(d0, d1) -> (0)>
module attributes {stable_mosaic.version = 14 : i64} {
  func.func @_sc_scatter_body(%arg0: i32, %arg1: i32, %arg2: memref<16384xi32, #tpu.memory_space<hbm>>, %arg3: memref<4096xi32, #tpu.memory_space<hbm>>, %arg4: memref<1024xi32, #tpu.memory_space<vmem>>, %arg5: memref<1024xi32, #tpu.memory_space<vmem>>, %arg6: memref<128xi32, #tpu.memory_space<vmem>>, %arg7: memref<128xi32, #tpu.memory_space<vmem>>, %arg8: memref<128xi32, #tpu.memory_space<vmem>>, %arg9: memref<128xi32, #tpu.memory_space<vmem>>, %arg10: memref<128xi32, #tpu.memory_space<vmem>>, %arg11: memref<128xi32, #tpu.memory_space<vmem>>, %arg12: memref<128xi32, #tpu.memory_space<vmem>>, %arg13: memref<128xi32, #tpu.memory_space<vmem>>, %arg14: memref<20480xi32, #tpu.memory_space<vmem_shared>>, %arg15: memref<!tpu.dma_semaphore, #tpu.memory_space<semaphore_mem>>) attributes {dimension_semantics = [#tpu.dimension_semantics<core_parallel>, #tpu.dimension_semantics<subcore_parallel>], iteration_bounds = array<i64: 2, 16>, scalar_prefetch = 0 : i64, scratch_operands = 12 : i64, tpu.core_type = #tpu.core_type<sc_vector_subcore>, window_params = [{transform_indices = #map}, {transform_indices = #map}]} {
    %iota3A = tpu.iota {dimensions = array<i32: 0>} : vector<16xi32>
    %eq3A = arith.constant 0 : i32
    %eq3A_0 = arith.cmpi eq, %arg0, %eq3A : i32
    %convert_element_type3A = arith.extui %eq3A_0 : i1 to i32
    %cond3A = arith.constant 0 : i32
    %cond3A_1 = arith.cmpi ne, %convert_element_type3A, %cond3A : i32
    scf.if %cond3A_1 {
      %mul3A = arith.constant 1024 : i32
      %mul3A_7 = arith.muli %arg1, %mul3A : i32
      "tpu.region"() ({
        %run_scoped3A = tpu.sem_alloc : memref<!tpu.dma_semaphore, #tpu.memory_space<semaphore_mem>>
        %dma_start3A_1473 = tpu.memref_slice %arg2[%mul3A_7] : memref<16384xi32, #tpu.memory_space<hbm>> -> memref<1024xi32, #tpu.memory_space<hbm>>
        %dma_start3A_1474 = tpu.memref_slice %arg2[%mul3A_7] : memref<16384xi32, #tpu.memory_space<hbm>> -> memref<1024xi32, #tpu.memory_space<hbm>>
        tpu.enqueue_dma source(%dma_start3A_1474 : memref<1024xi32, #tpu.memory_space<hbm>>) target(%arg4 : memref<1024xi32, #tpu.memory_space<vmem>>) target_semaphore(%run_scoped3A : memref<!tpu.dma_semaphore, #tpu.memory_space<semaphore_mem>>)
        %dma_wait3A_1475 = tpu.memref_slice %arg2[%mul3A_7] : memref<16384xi32, #tpu.memory_space<hbm>> -> memref<1024xi32, #tpu.memory_space<hbm>>
        %dma_wait3A_1476 = tpu.memref_slice %arg2[%mul3A_7] : memref<16384xi32, #tpu.memory_space<hbm>> -> memref<1024xi32, #tpu.memory_space<hbm>>
        tpu.wait_dma2 semaphore(%run_scoped3A : memref<!tpu.dma_semaphore, #tpu.memory_space<semaphore_mem>>) src(%dma_wait3A_1476 : memref<1024xi32, #tpu.memory_space<hbm>>) dst(%arg4 : memref<1024xi32, #tpu.memory_space<vmem>>)
        tpu.yield
      }) : () -> ()
      %get3A = arith.constant 0 : index
      %get3A_8 = tpu.vector_load %arg4[%get3A] {strides = array<i32>} : memref<1024xi32, #tpu.memory_space<vmem>>, vector<16xi32>,
      %get3A_9 = vector.shape_cast %get3A_8 : vector<16xi32> to vector<16xi32>
      %add3A = arith.constant 0 : i32
      %add3A_10 = arith.addi %mul3A_7, %add3A : i32
      %add3A_11 = vector.broadcast %add3A_10 : i32 to vector<16xi32>
      %add3A_12 = arith.addi %add3A_11, %iota3A : vector<16xi32>
      %lt3A = arith.constant 4096 : i32
      %lt3A_13 = vector.broadcast %lt3A : i32 to vector<16xi32>
      %lt3A_14 = arith.cmpi slt, %get3A_9, %lt3A_13 : vector<16xi32>
      %add3A_15 = arith.constant 4096 : i32
      %add3A_16 = vector.broadcast %add3A_15 : i32 to vector<16xi32>
      %add3A_17 = arith.addi %add3A_16, %add3A_12 : vector<16xi32>
      %select_n3A = arith.select %lt3A_14, %get3A_9, %add3A_17 : vector<16xi1>, vector<16xi32>
      %swap3A = arith.constant 0 : index
      %swap3A_18 = tpu.vector_load %arg6[%swap3A] {strides = array<i32>} : memref<128xi32, #tpu.memory_space<vmem>>, vector<16xi32>,
      %swap3A_19 = vector.shape_cast %swap3A_18 : vector<16xi32> to vector<16xi32>
      %swap3A_20 = vector.shape_cast %select_n3A : vector<16xi32> to vector<16xi32>
      tpu.vector_store %arg6[%swap3A], %swap3A_20 {strides = array<i32>} : memref<128xi32, #tpu.memory_space<vmem>>, vector<16xi32>,
      %swap3A_21 = arith.constant 0 : index
      %swap3A_22 = tpu.vector_load %arg5[%swap3A_21] {strides = array<i32>} : memref<1024xi32, #tpu.memory_space<vmem>>, vector<16xi32>,
      %swap3A_23 = vector.shape_cast %swap3A_22 : vector<16xi32> to vector<16xi32>
      %swap3A_24 = vector.shape_cast %add3A_12 : vector<16xi32> to vector<16xi32>
      tpu.vector_store %arg5[%swap3A_21], %swap3A_24 {strides = array<i32>} : memref<1024xi32, #tpu.memory_space<vmem>>, vector<16xi32>,
      %get3A_25 = arith.constant 16 : index
      %get3A_26 = tpu.vector_load %arg4[%get3A_25] {strides = array<i32>} : memref<1024xi32, #tpu.memory_space<vmem>>, vector<16xi32>,
      %get3A_27 = vector.shape_cast %get3A_26 : vector<16xi32> to vector<16xi32>
      %add3A_28 = arith.constant 16 : i32
      %add3A_29 = arith.addi %mul3A_7, %add3A_28 : i32
      %add3A_30 = vector.broadcast %add3A_29 : i32 to vector<16xi32>
      %add3A_31 = arith.addi %add3A_30, %iota3A : vector<16xi32>
      %lt3A_32 = arith.constant 4096 : i32
      %lt3A_33 = vector.broadcast %lt3A_32 : i32 to vector<16xi32>
      %lt3A_34 = arith.cmpi slt, %get3A_27, %lt3A_33 : vector<16xi32>
      %add3A_35 = arith.constant 4096 : i32
      %add3A_36 = vector.broadcast %add3A_35 : i32 to vector<16xi32>
      %add3A_37 = arith.addi %add3A_36, %add3A_31 : vector<16xi32>
      %select_n3A_38 = arith.select %lt3A_34, %get3A_27, %add3A_37 : vector<16xi1>, vector<16xi32>
      %swap3A_39 = arith.constant 16 : index
      %swap3A_40 = tpu.vector_load %arg6[%swap3A_39] {strides = array<i32>} : memref<128xi32, #tpu.memory_space<vmem>>, vector<16xi32>,
      %swap3A_41 = vector.shape_cast %swap3A_40 : vector<16xi32> to vector<16xi32>
      %swap3A_42 = vector.shape_cast %select_n3A_38 : vector<16xi32> to vector<16xi32>
      tpu.vector_store %arg6[%swap3A_39], %swap3A_42 {strides = array<i32>} : memref<128xi32, #tpu.memory_space<vmem>>, vector<16xi32>,
      %swap3A_43 = arith.constant 16 : index
      %swap3A_44 = tpu.vector_load %arg5[%swap3A_43] {strides = array<i32>} : memref<1024xi32, #tpu.memory_space<vmem>>, vector<16xi32>,
      %swap3A_45 = vector.shape_cast %swap3A_44 : vector<16xi32> to vector<16xi32>
      %swap3A_46 = vector.shape_cast %add3A_31 : vector<16xi32> to vector<16xi32>
      tpu.vector_store %arg5[%swap3A_43], %swap3A_46 {strides = array<i32>} : memref<1024xi32, #tpu.memory_space<vmem>>, vector<16xi32>,
      %get3A_47 = arith.constant 32 : index
      %get3A_48 = tpu.vector_load %arg4[%get3A_47] {strides = array<i32>} : memref<1024xi32, #tpu.memory_space<vmem>>, vector<16xi32>,
      %get3A_49 = vector.shape_cast %get3A_48 : vector<16xi32> to vector<16xi32>
      %add3A_50 = arith.constant 32 : i32
      %add3A_51 = arith.addi %mul3A_7, %add3A_50 : i32
      %add3A_52 = vector.broadcast %add3A_51 : i32 to vector<16xi32>
      %add3A_53 = arith.addi %add3A_52, %iota3A : vector<16xi32>
      %lt3A_54 = arith.constant 4096 : i32
      %lt3A_55 = vector.broadcast %lt3A_54 : i32 to vector<16xi32>
      %lt3A_56 = arith.cmpi slt, %get3A_49, %lt3A_55 : vector<16xi32>
      %add3A_57 = arith.constant 4096 : i32
      %add3A_58 = vector.broadcast %add3A_57 : i32 to vector<16xi32>
      %add3A_59 = arith.addi %add3A_58, %add3A_53 : vector<16xi32>
      %select_n3A_60 = arith.select %lt3A_56, %get3A_49, %add3A_59 : vector<16xi1>, vector<16xi32>
      %swap3A_61 = arith.constant 32 : index
      %swap3A_62 = tpu.vector_load %arg6[%swap3A_61] {strides = array<i32>} : memref<128xi32, #tpu.memory_space<vmem>>, vector<16xi32>,
      %swap3A_63 = vector.shape_cast %swap3A_62 : vector<16xi32> to vector<16xi32>
      %swap3A_64 = vector.shape_cast %select_n3A_60 : vector<16xi32> to vector<16xi32>
      tpu.vector_store %arg6[%swap3A_61], %swap3A_64 {strides = array<i32>} : memref<128xi32, #tpu.memory_space<vmem>>, vector<16xi32>,
      %swap3A_65 = arith.constant 32 : index
      %swap3A_66 = tpu.vector_load %arg5[%swap3A_65] {strides = array<i32>} : memref<1024xi32, #tpu.memory_space<vmem>>, vector<16xi32>,
      %swap3A_67 = vector.shape_cast %swap3A_66 : vector<16xi32> to vector<16xi32>
      %swap3A_68 = vector.shape_cast %add3A_53 : vector<16xi32> to vector<16xi32>
      tpu.vector_store %arg5[%swap3A_65], %swap3A_68 {strides = array<i32>} : memref<1024xi32, #tpu.memory_space<vmem>>, vector<16xi32>,
      %get3A_69 = arith.constant 48 : index
      %get3A_70 = tpu.vector_load %arg4[%get3A_69] {strides = array<i32>} : memref<1024xi32, #tpu.memory_space<vmem>>, vector<16xi32>,
      %get3A_71 = vector.shape_cast %get3A_70 : vector<16xi32> to vector<16xi32>
      %add3A_72 = arith.constant 48 : i32
      %add3A_73 = arith.addi %mul3A_7, %add3A_72 : i32
      %add3A_74 = vector.broadcast %add3A_73 : i32 to vector<16xi32>
      %add3A_75 = arith.addi %add3A_74, %iota3A : vector<16xi32>
      %lt3A_76 = arith.constant 4096 : i32
      %lt3A_77 = vector.broadcast %lt3A_76 : i32 to vector<16xi32>
      %lt3A_78 = arith.cmpi slt, %get3A_71, %lt3A_77 : vector<16xi32>
      %add3A_79 = arith.constant 4096 : i32
      %add3A_80 = vector.broadcast %add3A_79 : i32 to vector<16xi32>
      %add3A_81 = arith.addi %add3A_80, %add3A_75 : vector<16xi32>
      %select_n3A_82 = arith.select %lt3A_78, %get3A_71, %add3A_81 : vector<16xi1>, vector<16xi32>
      %swap3A_83 = arith.constant 48 : index
      %swap3A_84 = tpu.vector_load %arg6[%swap3A_83] {strides = array<i32>} : memref<128xi32, #tpu.memory_space<vmem>>, vector<16xi32>,
      %swap3A_85 = vector.shape_cast %swap3A_84 : vector<16xi32> to vector<16xi32>
      %swap3A_86 = vector.shape_cast %select_n3A_82 : vector<16xi32> to vector<16xi32>
      tpu.vector_store %arg6[%swap3A_83], %swap3A_86 {strides = array<i32>} : memref<128xi32, #tpu.memory_space<vmem>>, vector<16xi32>,
      %swap3A_87 = arith.constant 48 : index
      %swap3A_88 = tpu.vector_load %arg5[%swap3A_87] {strides = array<i32>} : memref<1024xi32, #tpu.memory_space<vmem>>, vector<16xi32>,
      %swap3A_89 = vector.shape_cast %swap3A_88 : vector<16xi32> to vector<16xi32>
      %swap3A_90 = vector.shape_cast %add3A_75 : vector<16xi32> to vector<16xi32>
      tpu.vector_store %arg5[%swap3A_87], %swap3A_90 {strides = array<i32>} : memref<1024xi32, #tpu.memory_space<vmem>>, vector<16xi32>,
      %get3A_91 = arith.constant 64 : index
      %get3A_92 = tpu.vector_load %arg4[%get3A_91] {strides = array<i32>} : memref<1024xi32, #tpu.memory_space<vmem>>, vector<16xi32>,
      %get3A_93 = vector.shape_cast %get3A_92 : vector<16xi32> to vector<16xi32>
      %add3A_94 = arith.constant 64 : i32
      %add3A_95 = arith.addi %mul3A_7, %add3A_94 : i32
      %add3A_96 = vector.broadcast %add3A_95 : i32 to vector<16xi32>
      %add3A_97 = arith.addi %add3A_96, %iota3A : vector<16xi32>
      %lt3A_98 = arith.constant 4096 : i32
      %lt3A_99 = vector.broadcast %lt3A_98 : i32 to vector<16xi32>
      %lt3A_100 = arith.cmpi slt, %get3A_93, %lt3A_99 : vector<16xi32>
      %add3A_101 = arith.constant 4096 : i32
      %add3A_102 = vector.broadcast %add3A_101 : i32 to vector<16xi32>
      %add3A_103 = arith.addi %add3A_102, %add3A_97 : vector<16xi32>
      %select_n3A_104 = arith.select %lt3A_100, %get3A_93, %add3A_103 : vector<16xi1>, vector<16xi32>
      %swap3A_105 = arith.constant 64 : index
      %swap3A_106 = tpu.vector_load %arg6[%swap3A_105] {strides = array<i32>} : memref<128xi32, #tpu.memory_space<vmem>>, vector<16xi32>,
      %swap3A_107 = vector.shape_cast %swap3A_106 : vector<16xi32> to vector<16xi32>
      %swap3A_108 = vector.shape_cast %select_n3A_104 : vector<16xi32> to vector<16xi32>
      tpu.vector_store %arg6[%swap3A_105], %swap3A_108 {strides = array<i32>} : memref<128xi32, #tpu.memory_space<vmem>>, vector<16xi32>,
      %swap3A_109 = arith.constant 64 : index
      %swap3A_110 = tpu.vector_load %arg5[%swap3A_109] {strides = array<i32>} : memref<1024xi32, #tpu.memory_space<vmem>>, vector<16xi32>,
      %swap3A_111 = vector.shape_cast %swap3A_110 : vector<16xi32> to vector<16xi32>
      %swap3A_112 = vector.shape_cast %add3A_97 : vector<16xi32> to vector<16xi32>
      tpu.vector_store %arg5[%swap3A_109], %swap3A_112 {strides = array<i32>} : memref<1024xi32, #tpu.memory_space<vmem>>, vector<16xi32>,
      %get3A_113 = arith.constant 80 : index
      %get3A_114 = tpu.vector_load %arg4[%get3A_113] {strides = array<i32>} : memref<1024xi32, #tpu.memory_space<vmem>>, vector<16xi32>,
      %get3A_115 = vector.shape_cast %get3A_114 : vector<16xi32> to vector<16xi32>
      %add3A_116 = arith.constant 80 : i32
      %add3A_117 = arith.addi %mul3A_7, %add3A_116 : i32
      %add3A_118 = vector.broadcast %add3A_117 : i32 to vector<16xi32>
      %add3A_119 = arith.addi %add3A_118, %iota3A : vector<16xi32>
      %lt3A_120 = arith.constant 4096 : i32
      %lt3A_121 = vector.broadcast %lt3A_120 : i32 to vector<16xi32>
      %lt3A_122 = arith.cmpi slt, %get3A_115, %lt3A_121 : vector<16xi32>
      %add3A_123 = arith.constant 4096 : i32
      %add3A_124 = vector.broadcast %add3A_123 : i32 to vector<16xi32>
      %add3A_125 = arith.addi %add3A_124, %add3A_119 : vector<16xi32>
      %select_n3A_126 = arith.select %lt3A_122, %get3A_115, %add3A_125 : vector<16xi1>, vector<16xi32>
      %swap3A_127 = arith.constant 80 : index
      %swap3A_128 = tpu.vector_load %arg6[%swap3A_127] {strides = array<i32>} : memref<128xi32, #tpu.memory_space<vmem>>, vector<16xi32>,
      %swap3A_129 = vector.shape_cast %swap3A_128 : vector<16xi32> to vector<16xi32>
      %swap3A_130 = vector.shape_cast %select_n3A_126 : vector<16xi32> to vector<16xi32>
      tpu.vector_store %arg6[%swap3A_127], %swap3A_130 {strides = array<i32>} : memref<128xi32, #tpu.memory_space<vmem>>, vector<16xi32>,
      %swap3A_131 = arith.constant 80 : index
      %swap3A_132 = tpu.vector_load %arg5[%swap3A_131] {strides = array<i32>} : memref<1024xi32, #tpu.memory_space<vmem>>, vector<16xi32>,
      %swap3A_133 = vector.shape_cast %swap3A_132 : vector<16xi32> to vector<16xi32>
      %swap3A_134 = vector.shape_cast %add3A_119 : vector<16xi32> to vector<16xi32>
      tpu.vector_store %arg5[%swap3A_131], %swap3A_134 {strides = array<i32>} : memref<1024xi32, #tpu.memory_space<vmem>>, vector<16xi32>,
      %get3A_135 = arith.constant 96 : index
      %get3A_136 = tpu.vector_load %arg4[%get3A_135] {strides = array<i32>} : memref<1024xi32, #tpu.memory_space<vmem>>, vector<16xi32>,
      %get3A_137 = vector.shape_cast %get3A_136 : vector<16xi32> to vector<16xi32>
      %add3A_138 = arith.constant 96 : i32
      %add3A_139 = arith.addi %mul3A_7, %add3A_138 : i32
      %add3A_140 = vector.broadcast %add3A_139 : i32 to vector<16xi32>
      %add3A_141 = arith.addi %add3A_140, %iota3A : vector<16xi32>
      %lt3A_142 = arith.constant 4096 : i32
      %lt3A_143 = vector.broadcast %lt3A_142 : i32 to vector<16xi32>
      %lt3A_144 = arith.cmpi slt, %get3A_137, %lt3A_143 : vector<16xi32>
      %add3A_145 = arith.constant 4096 : i32
      %add3A_146 = vector.broadcast %add3A_145 : i32 to vector<16xi32>
      %add3A_147 = arith.addi %add3A_146, %add3A_141 : vector<16xi32>
      %select_n3A_148 = arith.select %lt3A_144, %get3A_137, %add3A_147 : vector<16xi1>, vector<16xi32>
      %swap3A_149 = arith.constant 96 : index
      %swap3A_150 = tpu.vector_load %arg6[%swap3A_149] {strides = array<i32>} : memref<128xi32, #tpu.memory_space<vmem>>, vector<16xi32>,
      %swap3A_151 = vector.shape_cast %swap3A_150 : vector<16xi32> to vector<16xi32>
      %swap3A_152 = vector.shape_cast %select_n3A_148 : vector<16xi32> to vector<16xi32>
      tpu.vector_store %arg6[%swap3A_149], %swap3A_152 {strides = array<i32>} : memref<128xi32, #tpu.memory_space<vmem>>, vector<16xi32>,
      %swap3A_153 = arith.constant 96 : index
      %swap3A_154 = tpu.vector_load %arg5[%swap3A_153] {strides = array<i32>} : memref<1024xi32, #tpu.memory_space<vmem>>, vector<16xi32>,
      %swap3A_155 = vector.shape_cast %swap3A_154 : vector<16xi32> to vector<16xi32>
      %swap3A_156 = vector.shape_cast %add3A_141 : vector<16xi32> to vector<16xi32>
      tpu.vector_store %arg5[%swap3A_153], %swap3A_156 {strides = array<i32>} : memref<1024xi32, #tpu.memory_space<vmem>>, vector<16xi32>,
      %get3A_157 = arith.constant 112 : index
      %get3A_158 = tpu.vector_load %arg4[%get3A_157] {strides = array<i32>} : memref<1024xi32, #tpu.memory_space<vmem>>, vector<16xi32>,
      %get3A_159 = vector.shape_cast %get3A_158 : vector<16xi32> to vector<16xi32>
      %add3A_160 = arith.constant 112 : i32
      %add3A_161 = arith.addi %mul3A_7, %add3A_160 : i32
      %add3A_162 = vector.broadcast %add3A_161 : i32 to vector<16xi32>
      %add3A_163 = arith.addi %add3A_162, %iota3A : vector<16xi32>
      %lt3A_164 = arith.constant 4096 : i32
      %lt3A_165 = vector.broadcast %lt3A_164 : i32 to vector<16xi32>
      %lt3A_166 = arith.cmpi slt, %get3A_159, %lt3A_165 : vector<16xi32>
      %add3A_167 = arith.constant 4096 : i32
      %add3A_168 = vector.broadcast %add3A_167 : i32 to vector<16xi32>
      %add3A_169 = arith.addi %add3A_168, %add3A_163 : vector<16xi32>
      %select_n3A_170 = arith.select %lt3A_166, %get3A_159, %add3A_169 : vector<16xi1>, vector<16xi32>
      %swap3A_171 = arith.constant 112 : index
      %swap3A_172 = tpu.vector_load %arg6[%swap3A_171] {strides = array<i32>} : memref<128xi32, #tpu.memory_space<vmem>>, vector<16xi32>,
      %swap3A_173 = vector.shape_cast %swap3A_172 : vector<16xi32> to vector<16xi32>
      %swap3A_174 = vector.shape_cast %select_n3A_170 : vector<16xi32> to vector<16xi32>
      tpu.vector_store %arg6[%swap3A_171], %swap3A_174 {strides = array<i32>} : memref<128xi32, #tpu.memory_space<vmem>>, vector<16xi32>,
      %swap3A_175 = arith.constant 112 : index
      %swap3A_176 = tpu.vector_load %arg5[%swap3A_175] {strides = array<i32>} : memref<1024xi32, #tpu.memory_space<vmem>>, vector<16xi32>,
      %swap3A_177 = vector.shape_cast %swap3A_176 : vector<16xi32> to vector<16xi32>
      %swap3A_178 = vector.shape_cast %add3A_163 : vector<16xi32> to vector<16xi32>
      tpu.vector_store %arg5[%swap3A_175], %swap3A_178 {strides = array<i32>} : memref<1024xi32, #tpu.memory_space<vmem>>, vector<16xi32>,
      %get3A_179 = arith.constant 128 : index
      %get3A_180 = tpu.vector_load %arg4[%get3A_179] {strides = array<i32>} : memref<1024xi32, #tpu.memory_space<vmem>>, vector<16xi32>,
      %get3A_181 = vector.shape_cast %get3A_180 : vector<16xi32> to vector<16xi32>
      %add3A_182 = arith.constant 128 : i32
      %add3A_183 = arith.addi %mul3A_7, %add3A_182 : i32
      %add3A_184 = vector.broadcast %add3A_183 : i32 to vector<16xi32>
      %add3A_185 = arith.addi %add3A_184, %iota3A : vector<16xi32>
      %lt3A_186 = arith.constant 4096 : i32
      %lt3A_187 = vector.broadcast %lt3A_186 : i32 to vector<16xi32>
      %lt3A_188 = arith.cmpi slt, %get3A_181, %lt3A_187 : vector<16xi32>
      %add3A_189 = arith.constant 4096 : i32
      %add3A_190 = vector.broadcast %add3A_189 : i32 to vector<16xi32>
      %add3A_191 = arith.addi %add3A_190, %add3A_185 : vector<16xi32>
      %select_n3A_192 = arith.select %lt3A_188, %get3A_181, %add3A_191 : vector<16xi1>, vector<16xi32>
      %swap3A_193 = arith.constant 0 : index
      %swap3A_194 = tpu.vector_load %arg7[%swap3A_193] {strides = array<i32>} : memref<128xi32, #tpu.memory_space<vmem>>, vector<16xi32>,
      %swap3A_195 = vector.shape_cast %swap3A_194 : vector<16xi32> to vector<16xi32>
      %swap3A_196 = vector.shape_cast %select_n3A_192 : vector<16xi32> to vector<16xi32>
      tpu.vector_store %arg7[%swap3A_193], %swap3A_196 {strides = array<i32>} : memref<128xi32, #tpu.memory_space<vmem>>, vector<16xi32>,
      %swap3A_197 = arith.constant 128 : index
      %swap3A_198 = tpu.vector_load %arg5[%swap3A_197] {strides = array<i32>} : memref<1024xi32, #tpu.memory_space<vmem>>, vector<16xi32>,
      %swap3A_199 = vector.shape_cast %swap3A_198 : vector<16xi32> to vector<16xi32>
      %swap3A_200 = vector.shape_cast %add3A_185 : vector<16xi32> to vector<16xi32>
      tpu.vector_store %arg5[%swap3A_197], %swap3A_200 {strides = array<i32>} : memref<1024xi32, #tpu.memory_space<vmem>>, vector<16xi32>,
      %get3A_201 = arith.constant 144 : index
      %get3A_202 = tpu.vector_load %arg4[%get3A_201] {strides = array<i32>} : memref<1024xi32, #tpu.memory_space<vmem>>, vector<16xi32>,
      %get3A_203 = vector.shape_cast %get3A_202 : vector<16xi32> to vector<16xi32>
      %add3A_204 = arith.constant 144 : i32
      %add3A_205 = arith.addi %mul3A_7, %add3A_204 : i32
      %add3A_206 = vector.broadcast %add3A_205 : i32 to vector<16xi32>
      %add3A_207 = arith.addi %add3A_206, %iota3A : vector<16xi32>
      %lt3A_208 = arith.constant 4096 : i32
      %lt3A_209 = vector.broadcast %lt3A_208 : i32 to vector<16xi32>
      %lt3A_210 = arith.cmpi slt, %get3A_203, %lt3A_209 : vector<16xi32>
      %add3A_211 = arith.constant 4096 : i32
      %add3A_212 = vector.broadcast %add3A_211 : i32 to vector<16xi32>
      %add3A_213 = arith.addi %add3A_212, %add3A_207 : vector<16xi32>
      %select_n3A_214 = arith.select %lt3A_210, %get3A_203, %add3A_213 : vector<16xi1>, vector<16xi32>
      %swap3A_215 = arith.constant 16 : index
      %swap3A_216 = tpu.vector_load %arg7[%swap3A_215] {strides = array<i32>} : memref<128xi32, #tpu.memory_space<vmem>>, vector<16xi32>,
      %swap3A_217 = vector.shape_cast %swap3A_216 : vector<16xi32> to vector<16xi32>
      %swap3A_218 = vector.shape_cast %select_n3A_214 : vector<16xi32> to vector<16xi32>
      tpu.vector_store %arg7[%swap3A_215], %swap3A_218 {strides = array<i32>} : memref<128xi32, #tpu.memory_space<vmem>>, vector<16xi32>,
      %swap3A_219 = arith.constant 144 : index
      %swap3A_220 = tpu.vector_load %arg5[%swap3A_219] {strides = array<i32>} : memref<1024xi32, #tpu.memory_space<vmem>>, vector<16xi32>,
      %swap3A_221 = vector.shape_cast %swap3A_220 : vector<16xi32> to vector<16xi32>
      %swap3A_222 = vector.shape_cast %add3A_207 : vector<16xi32> to vector<16xi32>
      tpu.vector_store %arg5[%swap3A_219], %swap3A_222 {strides = array<i32>} : memref<1024xi32, #tpu.memory_space<vmem>>, vector<16xi32>,
      %get3A_223 = arith.constant 160 : index
      %get3A_224 = tpu.vector_load %arg4[%get3A_223] {strides = array<i32>} : memref<1024xi32, #tpu.memory_space<vmem>>, vector<16xi32>,
      %get3A_225 = vector.shape_cast %get3A_224 : vector<16xi32> to vector<16xi32>
      %add3A_226 = arith.constant 160 : i32
      %add3A_227 = arith.addi %mul3A_7, %add3A_226 : i32
      %add3A_228 = vector.broadcast %add3A_227 : i32 to vector<16xi32>
      %add3A_229 = arith.addi %add3A_228, %iota3A : vector<16xi32>
      %lt3A_230 = arith.constant 4096 : i32
      %lt3A_231 = vector.broadcast %lt3A_230 : i32 to vector<16xi32>
      %lt3A_232 = arith.cmpi slt, %get3A_225, %lt3A_231 : vector<16xi32>
      %add3A_233 = arith.constant 4096 : i32
      %add3A_234 = vector.broadcast %add3A_233 : i32 to vector<16xi32>
      %add3A_235 = arith.addi %add3A_234, %add3A_229 : vector<16xi32>
      %select_n3A_236 = arith.select %lt3A_232, %get3A_225, %add3A_235 : vector<16xi1>, vector<16xi32>
      %swap3A_237 = arith.constant 32 : index
      %swap3A_238 = tpu.vector_load %arg7[%swap3A_237] {strides = array<i32>} : memref<128xi32, #tpu.memory_space<vmem>>, vector<16xi32>,
      %swap3A_239 = vector.shape_cast %swap3A_238 : vector<16xi32> to vector<16xi32>
      %swap3A_240 = vector.shape_cast %select_n3A_236 : vector<16xi32> to vector<16xi32>
      tpu.vector_store %arg7[%swap3A_237], %swap3A_240 {strides = array<i32>} : memref<128xi32, #tpu.memory_space<vmem>>, vector<16xi32>,
      %swap3A_241 = arith.constant 160 : index
      %swap3A_242 = tpu.vector_load %arg5[%swap3A_241] {strides = array<i32>} : memref<1024xi32, #tpu.memory_space<vmem>>, vector<16xi32>,
      %swap3A_243 = vector.shape_cast %swap3A_242 : vector<16xi32> to vector<16xi32>
      %swap3A_244 = vector.shape_cast %add3A_229 : vector<16xi32> to vector<16xi32>
      tpu.vector_store %arg5[%swap3A_241], %swap3A_244 {strides = array<i32>} : memref<1024xi32, #tpu.memory_space<vmem>>, vector<16xi32>,
      %get3A_245 = arith.constant 176 : index
      %get3A_246 = tpu.vector_load %arg4[%get3A_245] {strides = array<i32>} : memref<1024xi32, #tpu.memory_space<vmem>>, vector<16xi32>,
      %get3A_247 = vector.shape_cast %get3A_246 : vector<16xi32> to vector<16xi32>
      %add3A_248 = arith.constant 176 : i32
      %add3A_249 = arith.addi %mul3A_7, %add3A_248 : i32
      %add3A_250 = vector.broadcast %add3A_249 : i32 to vector<16xi32>
      %add3A_251 = arith.addi %add3A_250, %iota3A : vector<16xi32>
      %lt3A_252 = arith.constant 4096 : i32
      %lt3A_253 = vector.broadcast %lt3A_252 : i32 to vector<16xi32>
      %lt3A_254 = arith.cmpi slt, %get3A_247, %lt3A_253 : vector<16xi32>
      %add3A_255 = arith.constant 4096 : i32
      %add3A_256 = vector.broadcast %add3A_255 : i32 to vector<16xi32>
      %add3A_257 = arith.addi %add3A_256, %add3A_251 : vector<16xi32>
      %select_n3A_258 = arith.select %lt3A_254, %get3A_247, %add3A_257 : vector<16xi1>, vector<16xi32>
      %swap3A_259 = arith.constant 48 : index
      %swap3A_260 = tpu.vector_load %arg7[%swap3A_259] {strides = array<i32>} : memref<128xi32, #tpu.memory_space<vmem>>, vector<16xi32>,
      %swap3A_261 = vector.shape_cast %swap3A_260 : vector<16xi32> to vector<16xi32>
      %swap3A_262 = vector.shape_cast %select_n3A_258 : vector<16xi32> to vector<16xi32>
      tpu.vector_store %arg7[%swap3A_259], %swap3A_262 {strides = array<i32>} : memref<128xi32, #tpu.memory_space<vmem>>, vector<16xi32>,
      %swap3A_263 = arith.constant 176 : index
      %swap3A_264 = tpu.vector_load %arg5[%swap3A_263] {strides = array<i32>} : memref<1024xi32, #tpu.memory_space<vmem>>, vector<16xi32>,
      %swap3A_265 = vector.shape_cast %swap3A_264 : vector<16xi32> to vector<16xi32>
      %swap3A_266 = vector.shape_cast %add3A_251 : vector<16xi32> to vector<16xi32>
      tpu.vector_store %arg5[%swap3A_263], %swap3A_266 {strides = array<i32>} : memref<1024xi32, #tpu.memory_space<vmem>>, vector<16xi32>,
      %get3A_267 = arith.constant 192 : index
      %get3A_268 = tpu.vector_load %arg4[%get3A_267] {strides = array<i32>} : memref<1024xi32, #tpu.memory_space<vmem>>, vector<16xi32>,
      %get3A_269 = vector.shape_cast %get3A_268 : vector<16xi32> to vector<16xi32>
      %add3A_270 = arith.constant 192 : i32
      %add3A_271 = arith.addi %mul3A_7, %add3A_270 : i32
      %add3A_272 = vector.broadcast %add3A_271 : i32 to vector<16xi32>
      %add3A_273 = arith.addi %add3A_272, %iota3A : vector<16xi32>
      %lt3A_274 = arith.constant 4096 : i32
      %lt3A_275 = vector.broadcast %lt3A_274 : i32 to vector<16xi32>
      %lt3A_276 = arith.cmpi slt, %get3A_269, %lt3A_275 : vector<16xi32>
      %add3A_277 = arith.constant 4096 : i32
      %add3A_278 = vector.broadcast %add3A_277 : i32 to vector<16xi32>
      %add3A_279 = arith.addi %add3A_278, %add3A_273 : vector<16xi32>
      %select_n3A_280 = arith.select %lt3A_276, %get3A_269, %add3A_279 : vector<16xi1>, vector<16xi32>
      %swap3A_281 = arith.constant 64 : index
      %swap3A_282 = tpu.vector_load %arg7[%swap3A_281] {strides = array<i32>} : memref<128xi32, #tpu.memory_space<vmem>>, vector<16xi32>,
      %swap3A_283 = vector.shape_cast %swap3A_282 : vector<16xi32> to vector<16xi32>
      %swap3A_284 = vector.shape_cast %select_n3A_280 : vector<16xi32> to vector<16xi32>
      tpu.vector_store %arg7[%swap3A_281], %swap3A_284 {strides = array<i32>} : memref<128xi32, #tpu.memory_space<vmem>>, vector<16xi32>,
      %swap3A_285 = arith.constant 192 : index
      %swap3A_286 = tpu.vector_load %arg5[%swap3A_285] {strides = array<i32>} : memref<1024xi32, #tpu.memory_space<vmem>>, vector<16xi32>,
      %swap3A_287 = vector.shape_cast %swap3A_286 : vector<16xi32> to vector<16xi32>
      %swap3A_288 = vector.shape_cast %add3A_273 : vector<16xi32> to vector<16xi32>
      tpu.vector_store %arg5[%swap3A_285], %swap3A_288 {strides = array<i32>} : memref<1024xi32, #tpu.memory_space<vmem>>, vector<16xi32>,
      %get3A_289 = arith.constant 208 : index
      %get3A_290 = tpu.vector_load %arg4[%get3A_289] {strides = array<i32>} : memref<1024xi32, #tpu.memory_space<vmem>>, vector<16xi32>,
      %get3A_291 = vector.shape_cast %get3A_290 : vector<16xi32> to vector<16xi32>
      %add3A_292 = arith.constant 208 : i32
      %add3A_293 = arith.addi %mul3A_7, %add3A_292 : i32
      %add3A_294 = vector.broadcast %add3A_293 : i32 to vector<16xi32>
      %add3A_295 = arith.addi %add3A_294, %iota3A : vector<16xi32>
      %lt3A_296 = arith.constant 4096 : i32
      %lt3A_297 = vector.broadcast %lt3A_296 : i32 to vector<16xi32>
      %lt3A_298 = arith.cmpi slt, %get3A_291, %lt3A_297 : vector<16xi32>
      %add3A_299 = arith.constant 4096 : i32
      %add3A_300 = vector.broadcast %add3A_299 : i32 to vector<16xi32>
      %add3A_301 = arith.addi %add3A_300, %add3A_295 : vector<16xi32>
      %select_n3A_302 = arith.select %lt3A_298, %get3A_291, %add3A_301 : vector<16xi1>, vector<16xi32>
      %swap3A_303 = arith.constant 80 : index
      %swap3A_304 = tpu.vector_load %arg7[%swap3A_303] {strides = array<i32>} : memref<128xi32, #tpu.memory_space<vmem>>, vector<16xi32>,
      %swap3A_305 = vector.shape_cast %swap3A_304 : vector<16xi32> to vector<16xi32>
      %swap3A_306 = vector.shape_cast %select_n3A_302 : vector<16xi32> to vector<16xi32>
      tpu.vector_store %arg7[%swap3A_303], %swap3A_306 {strides = array<i32>} : memref<128xi32, #tpu.memory_space<vmem>>, vector<16xi32>,
      %swap3A_307 = arith.constant 208 : index
      %swap3A_308 = tpu.vector_load %arg5[%swap3A_307] {strides = array<i32>} : memref<1024xi32, #tpu.memory_space<vmem>>, vector<16xi32>,
      %swap3A_309 = vector.shape_cast %swap3A_308 : vector<16xi32> to vector<16xi32>
      %swap3A_310 = vector.shape_cast %add3A_295 : vector<16xi32> to vector<16xi32>
      tpu.vector_store %arg5[%swap3A_307], %swap3A_310 {strides = array<i32>} : memref<1024xi32, #tpu.memory_space<vmem>>, vector<16xi32>,
      %get3A_311 = arith.constant 224 : index
      %get3A_312 = tpu.vector_load %arg4[%get3A_311] {strides = array<i32>} : memref<1024xi32, #tpu.memory_space<vmem>>, vector<16xi32>,
      %get3A_313 = vector.shape_cast %get3A_312 : vector<16xi32> to vector<16xi32>
      %add3A_314 = arith.constant 224 : i32
      %add3A_315 = arith.addi %mul3A_7, %add3A_314 : i32
      %add3A_316 = vector.broadcast %add3A_315 : i32 to vector<16xi32>
      %add3A_317 = arith.addi %add3A_316, %iota3A : vector<16xi32>
      %lt3A_318 = arith.constant 4096 : i32
      %lt3A_319 = vector.broadcast %lt3A_318 : i32 to vector<16xi32>
      %lt3A_320 = arith.cmpi slt, %get3A_313, %lt3A_319 : vector<16xi32>
      %add3A_321 = arith.constant 4096 : i32
      %add3A_322 = vector.broadcast %add3A_321 : i32 to vector<16xi32>
      %add3A_323 = arith.addi %add3A_322, %add3A_317 : vector<16xi32>
      %select_n3A_324 = arith.select %lt3A_320, %get3A_313, %add3A_323 : vector<16xi1>, vector<16xi32>
      %swap3A_325 = arith.constant 96 : index
      %swap3A_326 = tpu.vector_load %arg7[%swap3A_325] {strides = array<i32>} : memref<128xi32, #tpu.memory_space<vmem>>, vector<16xi32>,
      %swap3A_327 = vector.shape_cast %swap3A_326 : vector<16xi32> to vector<16xi32>
      %swap3A_328 = vector.shape_cast %select_n3A_324 : vector<16xi32> to vector<16xi32>
      tpu.vector_store %arg7[%swap3A_325], %swap3A_328 {strides = array<i32>} : memref<128xi32, #tpu.memory_space<vmem>>, vector<16xi32>,
      %swap3A_329 = arith.constant 224 : index
      %swap3A_330 = tpu.vector_load %arg5[%swap3A_329] {strides = array<i32>} : memref<1024xi32, #tpu.memory_space<vmem>>, vector<16xi32>,
      %swap3A_331 = vector.shape_cast %swap3A_330 : vector<16xi32> to vector<16xi32>
      %swap3A_332 = vector.shape_cast %add3A_317 : vector<16xi32> to vector<16xi32>
      tpu.vector_store %arg5[%swap3A_329], %swap3A_332 {strides = array<i32>} : memref<1024xi32, #tpu.memory_space<vmem>>, vector<16xi32>,
      %get3A_333 = arith.constant 240 : index
      %get3A_334 = tpu.vector_load %arg4[%get3A_333] {strides = array<i32>} : memref<1024xi32, #tpu.memory_space<vmem>>, vector<16xi32>,
      %get3A_335 = vector.shape_cast %get3A_334 : vector<16xi32> to vector<16xi32>
      %add3A_336 = arith.constant 240 : i32
      %add3A_337 = arith.addi %mul3A_7, %add3A_336 : i32
      %add3A_338 = vector.broadcast %add3A_337 : i32 to vector<16xi32>
      %add3A_339 = arith.addi %add3A_338, %iota3A : vector<16xi32>
      %lt3A_340 = arith.constant 4096 : i32
      %lt3A_341 = vector.broadcast %lt3A_340 : i32 to vector<16xi32>
      %lt3A_342 = arith.cmpi slt, %get3A_335, %lt3A_341 : vector<16xi32>
      %add3A_343 = arith.constant 4096 : i32
      %add3A_344 = vector.broadcast %add3A_343 : i32 to vector<16xi32>
      %add3A_345 = arith.addi %add3A_344, %add3A_339 : vector<16xi32>
      %select_n3A_346 = arith.select %lt3A_342, %get3A_335, %add3A_345 : vector<16xi1>, vector<16xi32>
      %swap3A_347 = arith.constant 112 : index
      %swap3A_348 = tpu.vector_load %arg7[%swap3A_347] {strides = array<i32>} : memref<128xi32, #tpu.memory_space<vmem>>, vector<16xi32>,
      %swap3A_349 = vector.shape_cast %swap3A_348 : vector<16xi32> to vector<16xi32>
      %swap3A_350 = vector.shape_cast %select_n3A_346 : vector<16xi32> to vector<16xi32>
      tpu.vector_store %arg7[%swap3A_347], %swap3A_350 {strides = array<i32>} : memref<128xi32, #tpu.memory_space<vmem>>, vector<16xi32>,
      %swap3A_351 = arith.constant 240 : index
      %swap3A_352 = tpu.vector_load %arg5[%swap3A_351] {strides = array<i32>} : memref<1024xi32, #tpu.memory_space<vmem>>, vector<16xi32>,
      %swap3A_353 = vector.shape_cast %swap3A_352 : vector<16xi32> to vector<16xi32>
      %swap3A_354 = vector.shape_cast %add3A_339 : vector<16xi32> to vector<16xi32>
      tpu.vector_store %arg5[%swap3A_351], %swap3A_354 {strides = array<i32>} : memref<1024xi32, #tpu.memory_space<vmem>>, vector<16xi32>,
      %get3A_355 = arith.constant 256 : index
      %get3A_356 = tpu.vector_load %arg4[%get3A_355] {strides = array<i32>} : memref<1024xi32, #tpu.memory_space<vmem>>, vector<16xi32>,
      %get3A_357 = vector.shape_cast %get3A_356 : vector<16xi32> to vector<16xi32>
      %add3A_358 = arith.constant 256 : i32
      %add3A_359 = arith.addi %mul3A_7, %add3A_358 : i32
      %add3A_360 = vector.broadcast %add3A_359 : i32 to vector<16xi32>
      %add3A_361 = arith.addi %add3A_360, %iota3A : vector<16xi32>
      %lt3A_362 = arith.constant 4096 : i32
      %lt3A_363 = vector.broadcast %lt3A_362 : i32 to vector<16xi32>
      %lt3A_364 = arith.cmpi slt, %get3A_357, %lt3A_363 : vector<16xi32>
      %add3A_365 = arith.constant 4096 : i32
      %add3A_366 = vector.broadcast %add3A_365 : i32 to vector<16xi32>
      %add3A_367 = arith.addi %add3A_366, %add3A_361 : vector<16xi32>
      %select_n3A_368 = arith.select %lt3A_364, %get3A_357, %add3A_367 : vector<16xi1>, vector<16xi32>
      %swap3A_369 = arith.constant 0 : index
      %swap3A_370 = tpu.vector_load %arg8[%swap3A_369] {strides = array<i32>} : memref<128xi32, #tpu.memory_space<vmem>>, vector<16xi32>,
      %swap3A_371 = vector.shape_cast %swap3A_370 : vector<16xi32> to vector<16xi32>
      %swap3A_372 = vector.shape_cast %select_n3A_368 : vector<16xi32> to vector<16xi32>
      tpu.vector_store %arg8[%swap3A_369], %swap3A_372 {strides = array<i32>} : memref<128xi32, #tpu.memory_space<vmem>>, vector<16xi32>,
      %swap3A_373 = arith.constant 256 : index
      %swap3A_374 = tpu.vector_load %arg5[%swap3A_373] {strides = array<i32>} : memref<1024xi32, #tpu.memory_space<vmem>>, vector<16xi32>,
      %swap3A_375 = vector.shape_cast %swap3A_374 : vector<16xi32> to vector<16xi32>
      %swap3A_376 = vector.shape_cast %add3A_361 : vector<16xi32> to vector<16xi32>
      tpu.vector_store %arg5[%swap3A_373], %swap3A_376 {strides = array<i32>} : memref<1024xi32, #tpu.memory_space<vmem>>, vector<16xi32>,
      %get3A_377 = arith.constant 272 : index
      %get3A_378 = tpu.vector_load %arg4[%get3A_377] {strides = array<i32>} : memref<1024xi32, #tpu.memory_space<vmem>>, vector<16xi32>,
      %get3A_379 = vector.shape_cast %get3A_378 : vector<16xi32> to vector<16xi32>
      %add3A_380 = arith.constant 272 : i32
      %add3A_381 = arith.addi %mul3A_7, %add3A_380 : i32
      %add3A_382 = vector.broadcast %add3A_381 : i32 to vector<16xi32>
      %add3A_383 = arith.addi %add3A_382, %iota3A : vector<16xi32>
      %lt3A_384 = arith.constant 4096 : i32
      %lt3A_385 = vector.broadcast %lt3A_384 : i32 to vector<16xi32>
      %lt3A_386 = arith.cmpi slt, %get3A_379, %lt3A_385 : vector<16xi32>
      %add3A_387 = arith.constant 4096 : i32
      %add3A_388 = vector.broadcast %add3A_387 : i32 to vector<16xi32>
      %add3A_389 = arith.addi %add3A_388, %add3A_383 : vector<16xi32>
      %select_n3A_390 = arith.select %lt3A_386, %get3A_379, %add3A_389 : vector<16xi1>, vector<16xi32>
      %swap3A_391 = arith.constant 16 : index
      %swap3A_392 = tpu.vector_load %arg8[%swap3A_391] {strides = array<i32>} : memref<128xi32, #tpu.memory_space<vmem>>, vector<16xi32>,
      %swap3A_393 = vector.shape_cast %swap3A_392 : vector<16xi32> to vector<16xi32>
      %swap3A_394 = vector.shape_cast %select_n3A_390 : vector<16xi32> to vector<16xi32>
      tpu.vector_store %arg8[%swap3A_391], %swap3A_394 {strides = array<i32>} : memref<128xi32, #tpu.memory_space<vmem>>, vector<16xi32>,
      %swap3A_395 = arith.constant 272 : index
      %swap3A_396 = tpu.vector_load %arg5[%swap3A_395] {strides = array<i32>} : memref<1024xi32, #tpu.memory_space<vmem>>, vector<16xi32>,
      %swap3A_397 = vector.shape_cast %swap3A_396 : vector<16xi32> to vector<16xi32>
      %swap3A_398 = vector.shape_cast %add3A_383 : vector<16xi32> to vector<16xi32>
      tpu.vector_store %arg5[%swap3A_395], %swap3A_398 {strides = array<i32>} : memref<1024xi32, #tpu.memory_space<vmem>>, vector<16xi32>,
      %get3A_399 = arith.constant 288 : index
      %get3A_400 = tpu.vector_load %arg4[%get3A_399] {strides = array<i32>} : memref<1024xi32, #tpu.memory_space<vmem>>, vector<16xi32>,
      %get3A_401 = vector.shape_cast %get3A_400 : vector<16xi32> to vector<16xi32>
      %add3A_402 = arith.constant 288 : i32
      %add3A_403 = arith.addi %mul3A_7, %add3A_402 : i32
      %add3A_404 = vector.broadcast %add3A_403 : i32 to vector<16xi32>
      %add3A_405 = arith.addi %add3A_404, %iota3A : vector<16xi32>
      %lt3A_406 = arith.constant 4096 : i32
      %lt3A_407 = vector.broadcast %lt3A_406 : i32 to vector<16xi32>
      %lt3A_408 = arith.cmpi slt, %get3A_401, %lt3A_407 : vector<16xi32>
      %add3A_409 = arith.constant 4096 : i32
      %add3A_410 = vector.broadcast %add3A_409 : i32 to vector<16xi32>
      %add3A_411 = arith.addi %add3A_410, %add3A_405 : vector<16xi32>
      %select_n3A_412 = arith.select %lt3A_408, %get3A_401, %add3A_411 : vector<16xi1>, vector<16xi32>
      %swap3A_413 = arith.constant 32 : index
      %swap3A_414 = tpu.vector_load %arg8[%swap3A_413] {strides = array<i32>} : memref<128xi32, #tpu.memory_space<vmem>>, vector<16xi32>,
      %swap3A_415 = vector.shape_cast %swap3A_414 : vector<16xi32> to vector<16xi32>
      %swap3A_416 = vector.shape_cast %select_n3A_412 : vector<16xi32> to vector<16xi32>
      tpu.vector_store %arg8[%swap3A_413], %swap3A_416 {strides = array<i32>} : memref<128xi32, #tpu.memory_space<vmem>>, vector<16xi32>,
      %swap3A_417 = arith.constant 288 : index
      %swap3A_418 = tpu.vector_load %arg5[%swap3A_417] {strides = array<i32>} : memref<1024xi32, #tpu.memory_space<vmem>>, vector<16xi32>,
      %swap3A_419 = vector.shape_cast %swap3A_418 : vector<16xi32> to vector<16xi32>
      %swap3A_420 = vector.shape_cast %add3A_405 : vector<16xi32> to vector<16xi32>
      tpu.vector_store %arg5[%swap3A_417], %swap3A_420 {strides = array<i32>} : memref<1024xi32, #tpu.memory_space<vmem>>, vector<16xi32>,
      %get3A_421 = arith.constant 304 : index
      %get3A_422 = tpu.vector_load %arg4[%get3A_421] {strides = array<i32>} : memref<1024xi32, #tpu.memory_space<vmem>>, vector<16xi32>,
      %get3A_423 = vector.shape_cast %get3A_422 : vector<16xi32> to vector<16xi32>
      %add3A_424 = arith.constant 304 : i32
      %add3A_425 = arith.addi %mul3A_7, %add3A_424 : i32
      %add3A_426 = vector.broadcast %add3A_425 : i32 to vector<16xi32>
      %add3A_427 = arith.addi %add3A_426, %iota3A : vector<16xi32>
      %lt3A_428 = arith.constant 4096 : i32
      %lt3A_429 = vector.broadcast %lt3A_428 : i32 to vector<16xi32>
      %lt3A_430 = arith.cmpi slt, %get3A_423, %lt3A_429 : vector<16xi32>
      %add3A_431 = arith.constant 4096 : i32
      %add3A_432 = vector.broadcast %add3A_431 : i32 to vector<16xi32>
      %add3A_433 = arith.addi %add3A_432, %add3A_427 : vector<16xi32>
      %select_n3A_434 = arith.select %lt3A_430, %get3A_423, %add3A_433 : vector<16xi1>, vector<16xi32>
      %swap3A_435 = arith.constant 48 : index
      %swap3A_436 = tpu.vector_load %arg8[%swap3A_435] {strides = array<i32>} : memref<128xi32, #tpu.memory_space<vmem>>, vector<16xi32>,
      %swap3A_437 = vector.shape_cast %swap3A_436 : vector<16xi32> to vector<16xi32>
      %swap3A_438 = vector.shape_cast %select_n3A_434 : vector<16xi32> to vector<16xi32>
      tpu.vector_store %arg8[%swap3A_435], %swap3A_438 {strides = array<i32>} : memref<128xi32, #tpu.memory_space<vmem>>, vector<16xi32>,
      %swap3A_439 = arith.constant 304 : index
      %swap3A_440 = tpu.vector_load %arg5[%swap3A_439] {strides = array<i32>} : memref<1024xi32, #tpu.memory_space<vmem>>, vector<16xi32>,
      %swap3A_441 = vector.shape_cast %swap3A_440 : vector<16xi32> to vector<16xi32>
      %swap3A_442 = vector.shape_cast %add3A_427 : vector<16xi32> to vector<16xi32>
      tpu.vector_store %arg5[%swap3A_439], %swap3A_442 {strides = array<i32>} : memref<1024xi32, #tpu.memory_space<vmem>>, vector<16xi32>,
      %get3A_443 = arith.constant 320 : index
      %get3A_444 = tpu.vector_load %arg4[%get3A_443] {strides = array<i32>} : memref<1024xi32, #tpu.memory_space<vmem>>, vector<16xi32>,
      %get3A_445 = vector.shape_cast %get3A_444 : vector<16xi32> to vector<16xi32>
      %add3A_446 = arith.constant 320 : i32
      %add3A_447 = arith.addi %mul3A_7, %add3A_446 : i32
      %add3A_448 = vector.broadcast %add3A_447 : i32 to vector<16xi32>
      %add3A_449 = arith.addi %add3A_448, %iota3A : vector<16xi32>
      %lt3A_450 = arith.constant 4096 : i32
      %lt3A_451 = vector.broadcast %lt3A_450 : i32 to vector<16xi32>
      %lt3A_452 = arith.cmpi slt, %get3A_445, %lt3A_451 : vector<16xi32>
      %add3A_453 = arith.constant 4096 : i32
      %add3A_454 = vector.broadcast %add3A_453 : i32 to vector<16xi32>
      %add3A_455 = arith.addi %add3A_454, %add3A_449 : vector<16xi32>
      %select_n3A_456 = arith.select %lt3A_452, %get3A_445, %add3A_455 : vector<16xi1>, vector<16xi32>
      %swap3A_457 = arith.constant 64 : index
      %swap3A_458 = tpu.vector_load %arg8[%swap3A_457] {strides = array<i32>} : memref<128xi32, #tpu.memory_space<vmem>>, vector<16xi32>,
      %swap3A_459 = vector.shape_cast %swap3A_458 : vector<16xi32> to vector<16xi32>
      %swap3A_460 = vector.shape_cast %select_n3A_456 : vector<16xi32> to vector<16xi32>
      tpu.vector_store %arg8[%swap3A_457], %swap3A_460 {strides = array<i32>} : memref<128xi32, #tpu.memory_space<vmem>>, vector<16xi32>,
      %swap3A_461 = arith.constant 320 : index
      %swap3A_462 = tpu.vector_load %arg5[%swap3A_461] {strides = array<i32>} : memref<1024xi32, #tpu.memory_space<vmem>>, vector<16xi32>,
      %swap3A_463 = vector.shape_cast %swap3A_462 : vector<16xi32> to vector<16xi32>
      %swap3A_464 = vector.shape_cast %add3A_449 : vector<16xi32> to vector<16xi32>
      tpu.vector_store %arg5[%swap3A_461], %swap3A_464 {strides = array<i32>} : memref<1024xi32, #tpu.memory_space<vmem>>, vector<16xi32>,
      %get3A_465 = arith.constant 336 : index
      %get3A_466 = tpu.vector_load %arg4[%get3A_465] {strides = array<i32>} : memref<1024xi32, #tpu.memory_space<vmem>>, vector<16xi32>,
      %get3A_467 = vector.shape_cast %get3A_466 : vector<16xi32> to vector<16xi32>
      %add3A_468 = arith.constant 336 : i32
      %add3A_469 = arith.addi %mul3A_7, %add3A_468 : i32
      %add3A_470 = vector.broadcast %add3A_469 : i32 to vector<16xi32>
      %add3A_471 = arith.addi %add3A_470, %iota3A : vector<16xi32>
      %lt3A_472 = arith.constant 4096 : i32
      %lt3A_473 = vector.broadcast %lt3A_472 : i32 to vector<16xi32>
      %lt3A_474 = arith.cmpi slt, %get3A_467, %lt3A_473 : vector<16xi32>
      %add3A_475 = arith.constant 4096 : i32
      %add3A_476 = vector.broadcast %add3A_475 : i32 to vector<16xi32>
      %add3A_477 = arith.addi %add3A_476, %add3A_471 : vector<16xi32>
      %select_n3A_478 = arith.select %lt3A_474, %get3A_467, %add3A_477 : vector<16xi1>, vector<16xi32>
      %swap3A_479 = arith.constant 80 : index
      %swap3A_480 = tpu.vector_load %arg8[%swap3A_479] {strides = array<i32>} : memref<128xi32, #tpu.memory_space<vmem>>, vector<16xi32>,
      %swap3A_481 = vector.shape_cast %swap3A_480 : vector<16xi32> to vector<16xi32>
      %swap3A_482 = vector.shape_cast %select_n3A_478 : vector<16xi32> to vector<16xi32>
      tpu.vector_store %arg8[%swap3A_479], %swap3A_482 {strides = array<i32>} : memref<128xi32, #tpu.memory_space<vmem>>, vector<16xi32>,
      %swap3A_483 = arith.constant 336 : index
      %swap3A_484 = tpu.vector_load %arg5[%swap3A_483] {strides = array<i32>} : memref<1024xi32, #tpu.memory_space<vmem>>, vector<16xi32>,
      %swap3A_485 = vector.shape_cast %swap3A_484 : vector<16xi32> to vector<16xi32>
      %swap3A_486 = vector.shape_cast %add3A_471 : vector<16xi32> to vector<16xi32>
      tpu.vector_store %arg5[%swap3A_483], %swap3A_486 {strides = array<i32>} : memref<1024xi32, #tpu.memory_space<vmem>>, vector<16xi32>,
      %get3A_487 = arith.constant 352 : index
      %get3A_488 = tpu.vector_load %arg4[%get3A_487] {strides = array<i32>} : memref<1024xi32, #tpu.memory_space<vmem>>, vector<16xi32>,
      %get3A_489 = vector.shape_cast %get3A_488 : vector<16xi32> to vector<16xi32>
      %add3A_490 = arith.constant 352 : i32
      %add3A_491 = arith.addi %mul3A_7, %add3A_490 : i32
      %add3A_492 = vector.broadcast %add3A_491 : i32 to vector<16xi32>
      %add3A_493 = arith.addi %add3A_492, %iota3A : vector<16xi32>
      %lt3A_494 = arith.constant 4096 : i32
      %lt3A_495 = vector.broadcast %lt3A_494 : i32 to vector<16xi32>
      %lt3A_496 = arith.cmpi slt, %get3A_489, %lt3A_495 : vector<16xi32>
      %add3A_497 = arith.constant 4096 : i32
      %add3A_498 = vector.broadcast %add3A_497 : i32 to vector<16xi32>
      %add3A_499 = arith.addi %add3A_498, %add3A_493 : vector<16xi32>
      %select_n3A_500 = arith.select %lt3A_496, %get3A_489, %add3A_499 : vector<16xi1>, vector<16xi32>
      %swap3A_501 = arith.constant 96 : index
      %swap3A_502 = tpu.vector_load %arg8[%swap3A_501] {strides = array<i32>} : memref<128xi32, #tpu.memory_space<vmem>>, vector<16xi32>,
      %swap3A_503 = vector.shape_cast %swap3A_502 : vector<16xi32> to vector<16xi32>
      %swap3A_504 = vector.shape_cast %select_n3A_500 : vector<16xi32> to vector<16xi32>
      tpu.vector_store %arg8[%swap3A_501], %swap3A_504 {strides = array<i32>} : memref<128xi32, #tpu.memory_space<vmem>>, vector<16xi32>,
      %swap3A_505 = arith.constant 352 : index
      %swap3A_506 = tpu.vector_load %arg5[%swap3A_505] {strides = array<i32>} : memref<1024xi32, #tpu.memory_space<vmem>>, vector<16xi32>,
      %swap3A_507 = vector.shape_cast %swap3A_506 : vector<16xi32> to vector<16xi32>
      %swap3A_508 = vector.shape_cast %add3A_493 : vector<16xi32> to vector<16xi32>
      tpu.vector_store %arg5[%swap3A_505], %swap3A_508 {strides = array<i32>} : memref<1024xi32, #tpu.memory_space<vmem>>, vector<16xi32>,
      %get3A_509 = arith.constant 368 : index
      %get3A_510 = tpu.vector_load %arg4[%get3A_509] {strides = array<i32>} : memref<1024xi32, #tpu.memory_space<vmem>>, vector<16xi32>,
      %get3A_511 = vector.shape_cast %get3A_510 : vector<16xi32> to vector<16xi32>
      %add3A_512 = arith.constant 368 : i32
      %add3A_513 = arith.addi %mul3A_7, %add3A_512 : i32
      %add3A_514 = vector.broadcast %add3A_513 : i32 to vector<16xi32>
      %add3A_515 = arith.addi %add3A_514, %iota3A : vector<16xi32>
      %lt3A_516 = arith.constant 4096 : i32
      %lt3A_517 = vector.broadcast %lt3A_516 : i32 to vector<16xi32>
      %lt3A_518 = arith.cmpi slt, %get3A_511, %lt3A_517 : vector<16xi32>
      %add3A_519 = arith.constant 4096 : i32
      %add3A_520 = vector.broadcast %add3A_519 : i32 to vector<16xi32>
      %add3A_521 = arith.addi %add3A_520, %add3A_515 : vector<16xi32>
      %select_n3A_522 = arith.select %lt3A_518, %get3A_511, %add3A_521 : vector<16xi1>, vector<16xi32>
      %swap3A_523 = arith.constant 112 : index
      %swap3A_524 = tpu.vector_load %arg8[%swap3A_523] {strides = array<i32>} : memref<128xi32, #tpu.memory_space<vmem>>, vector<16xi32>,
      %swap3A_525 = vector.shape_cast %swap3A_524 : vector<16xi32> to vector<16xi32>
      %swap3A_526 = vector.shape_cast %select_n3A_522 : vector<16xi32> to vector<16xi32>
      tpu.vector_store %arg8[%swap3A_523], %swap3A_526 {strides = array<i32>} : memref<128xi32, #tpu.memory_space<vmem>>, vector<16xi32>,
      %swap3A_527 = arith.constant 368 : index
      %swap3A_528 = tpu.vector_load %arg5[%swap3A_527] {strides = array<i32>} : memref<1024xi32, #tpu.memory_space<vmem>>, vector<16xi32>,
      %swap3A_529 = vector.shape_cast %swap3A_528 : vector<16xi32> to vector<16xi32>
      %swap3A_530 = vector.shape_cast %add3A_515 : vector<16xi32> to vector<16xi32>
      tpu.vector_store %arg5[%swap3A_527], %swap3A_530 {strides = array<i32>} : memref<1024xi32, #tpu.memory_space<vmem>>, vector<16xi32>,
      %get3A_531 = arith.constant 384 : index
      %get3A_532 = tpu.vector_load %arg4[%get3A_531] {strides = array<i32>} : memref<1024xi32, #tpu.memory_space<vmem>>, vector<16xi32>,
      %get3A_533 = vector.shape_cast %get3A_532 : vector<16xi32> to vector<16xi32>
      %add3A_534 = arith.constant 384 : i32
      %add3A_535 = arith.addi %mul3A_7, %add3A_534 : i32
      %add3A_536 = vector.broadcast %add3A_535 : i32 to vector<16xi32>
      %add3A_537 = arith.addi %add3A_536, %iota3A : vector<16xi32>
      %lt3A_538 = arith.constant 4096 : i32
      %lt3A_539 = vector.broadcast %lt3A_538 : i32 to vector<16xi32>
      %lt3A_540 = arith.cmpi slt, %get3A_533, %lt3A_539 : vector<16xi32>
      %add3A_541 = arith.constant 4096 : i32
      %add3A_542 = vector.broadcast %add3A_541 : i32 to vector<16xi32>
      %add3A_543 = arith.addi %add3A_542, %add3A_537 : vector<16xi32>
      %select_n3A_544 = arith.select %lt3A_540, %get3A_533, %add3A_543 : vector<16xi1>, vector<16xi32>
      %swap3A_545 = arith.constant 0 : index
      %swap3A_546 = tpu.vector_load %arg9[%swap3A_545] {strides = array<i32>} : memref<128xi32, #tpu.memory_space<vmem>>, vector<16xi32>,
      %swap3A_547 = vector.shape_cast %swap3A_546 : vector<16xi32> to vector<16xi32>
      %swap3A_548 = vector.shape_cast %select_n3A_544 : vector<16xi32> to vector<16xi32>
      tpu.vector_store %arg9[%swap3A_545], %swap3A_548 {strides = array<i32>} : memref<128xi32, #tpu.memory_space<vmem>>, vector<16xi32>,
      %swap3A_549 = arith.constant 384 : index
      %swap3A_550 = tpu.vector_load %arg5[%swap3A_549] {strides = array<i32>} : memref<1024xi32, #tpu.memory_space<vmem>>, vector<16xi32>,
      %swap3A_551 = vector.shape_cast %swap3A_550 : vector<16xi32> to vector<16xi32>
      %swap3A_552 = vector.shape_cast %add3A_537 : vector<16xi32> to vector<16xi32>
      tpu.vector_store %arg5[%swap3A_549], %swap3A_552 {strides = array<i32>} : memref<1024xi32, #tpu.memory_space<vmem>>, vector<16xi32>,
      %get3A_553 = arith.constant 400 : index
      %get3A_554 = tpu.vector_load %arg4[%get3A_553] {strides = array<i32>} : memref<1024xi32, #tpu.memory_space<vmem>>, vector<16xi32>,
      %get3A_555 = vector.shape_cast %get3A_554 : vector<16xi32> to vector<16xi32>
      %add3A_556 = arith.constant 400 : i32
      %add3A_557 = arith.addi %mul3A_7, %add3A_556 : i32
      %add3A_558 = vector.broadcast %add3A_557 : i32 to vector<16xi32>
      %add3A_559 = arith.addi %add3A_558, %iota3A : vector<16xi32>
      %lt3A_560 = arith.constant 4096 : i32
      %lt3A_561 = vector.broadcast %lt3A_560 : i32 to vector<16xi32>
      %lt3A_562 = arith.cmpi slt, %get3A_555, %lt3A_561 : vector<16xi32>
      %add3A_563 = arith.constant 4096 : i32
      %add3A_564 = vector.broadcast %add3A_563 : i32 to vector<16xi32>
      %add3A_565 = arith.addi %add3A_564, %add3A_559 : vector<16xi32>
      %select_n3A_566 = arith.select %lt3A_562, %get3A_555, %add3A_565 : vector<16xi1>, vector<16xi32>
      %swap3A_567 = arith.constant 16 : index
      %swap3A_568 = tpu.vector_load %arg9[%swap3A_567] {strides = array<i32>} : memref<128xi32, #tpu.memory_space<vmem>>, vector<16xi32>,
      %swap3A_569 = vector.shape_cast %swap3A_568 : vector<16xi32> to vector<16xi32>
      %swap3A_570 = vector.shape_cast %select_n3A_566 : vector<16xi32> to vector<16xi32>
      tpu.vector_store %arg9[%swap3A_567], %swap3A_570 {strides = array<i32>} : memref<128xi32, #tpu.memory_space<vmem>>, vector<16xi32>,
      %swap3A_571 = arith.constant 400 : index
      %swap3A_572 = tpu.vector_load %arg5[%swap3A_571] {strides = array<i32>} : memref<1024xi32, #tpu.memory_space<vmem>>, vector<16xi32>,
      %swap3A_573 = vector.shape_cast %swap3A_572 : vector<16xi32> to vector<16xi32>
      %swap3A_574 = vector.shape_cast %add3A_559 : vector<16xi32> to vector<16xi32>
      tpu.vector_store %arg5[%swap3A_571], %swap3A_574 {strides = array<i32>} : memref<1024xi32, #tpu.memory_space<vmem>>, vector<16xi32>,
      %get3A_575 = arith.constant 416 : index
      %get3A_576 = tpu.vector_load %arg4[%get3A_575] {strides = array<i32>} : memref<1024xi32, #tpu.memory_space<vmem>>, vector<16xi32>,
      %get3A_577 = vector.shape_cast %get3A_576 : vector<16xi32> to vector<16xi32>
      %add3A_578 = arith.constant 416 : i32
      %add3A_579 = arith.addi %mul3A_7, %add3A_578 : i32
      %add3A_580 = vector.broadcast %add3A_579 : i32 to vector<16xi32>
      %add3A_581 = arith.addi %add3A_580, %iota3A : vector<16xi32>
      %lt3A_582 = arith.constant 4096 : i32
      %lt3A_583 = vector.broadcast %lt3A_582 : i32 to vector<16xi32>
      %lt3A_584 = arith.cmpi slt, %get3A_577, %lt3A_583 : vector<16xi32>
      %add3A_585 = arith.constant 4096 : i32
      %add3A_586 = vector.broadcast %add3A_585 : i32 to vector<16xi32>
      %add3A_587 = arith.addi %add3A_586, %add3A_581 : vector<16xi32>
      %select_n3A_588 = arith.select %lt3A_584, %get3A_577, %add3A_587 : vector<16xi1>, vector<16xi32>
      %swap3A_589 = arith.constant 32 : index
      %swap3A_590 = tpu.vector_load %arg9[%swap3A_589] {strides = array<i32>} : memref<128xi32, #tpu.memory_space<vmem>>, vector<16xi32>,
      %swap3A_591 = vector.shape_cast %swap3A_590 : vector<16xi32> to vector<16xi32>
      %swap3A_592 = vector.shape_cast %select_n3A_588 : vector<16xi32> to vector<16xi32>
      tpu.vector_store %arg9[%swap3A_589], %swap3A_592 {strides = array<i32>} : memref<128xi32, #tpu.memory_space<vmem>>, vector<16xi32>,
      %swap3A_593 = arith.constant 416 : index
      %swap3A_594 = tpu.vector_load %arg5[%swap3A_593] {strides = array<i32>} : memref<1024xi32, #tpu.memory_space<vmem>>, vector<16xi32>,
      %swap3A_595 = vector.shape_cast %swap3A_594 : vector<16xi32> to vector<16xi32>
      %swap3A_596 = vector.shape_cast %add3A_581 : vector<16xi32> to vector<16xi32>
      tpu.vector_store %arg5[%swap3A_593], %swap3A_596 {strides = array<i32>} : memref<1024xi32, #tpu.memory_space<vmem>>, vector<16xi32>,
      %get3A_597 = arith.constant 432 : index
      %get3A_598 = tpu.vector_load %arg4[%get3A_597] {strides = array<i32>} : memref<1024xi32, #tpu.memory_space<vmem>>, vector<16xi32>,
      %get3A_599 = vector.shape_cast %get3A_598 : vector<16xi32> to vector<16xi32>
      %add3A_600 = arith.constant 432 : i32
      %add3A_601 = arith.addi %mul3A_7, %add3A_600 : i32
      %add3A_602 = vector.broadcast %add3A_601 : i32 to vector<16xi32>
      %add3A_603 = arith.addi %add3A_602, %iota3A : vector<16xi32>
      %lt3A_604 = arith.constant 4096 : i32
      %lt3A_605 = vector.broadcast %lt3A_604 : i32 to vector<16xi32>
      %lt3A_606 = arith.cmpi slt, %get3A_599, %lt3A_605 : vector<16xi32>
      %add3A_607 = arith.constant 4096 : i32
      %add3A_608 = vector.broadcast %add3A_607 : i32 to vector<16xi32>
      %add3A_609 = arith.addi %add3A_608, %add3A_603 : vector<16xi32>
      %select_n3A_610 = arith.select %lt3A_606, %get3A_599, %add3A_609 : vector<16xi1>, vector<16xi32>
      %swap3A_611 = arith.constant 48 : index
      %swap3A_612 = tpu.vector_load %arg9[%swap3A_611] {strides = array<i32>} : memref<128xi32, #tpu.memory_space<vmem>>, vector<16xi32>,
      %swap3A_613 = vector.shape_cast %swap3A_612 : vector<16xi32> to vector<16xi32>
      %swap3A_614 = vector.shape_cast %select_n3A_610 : vector<16xi32> to vector<16xi32>
      tpu.vector_store %arg9[%swap3A_611], %swap3A_614 {strides = array<i32>} : memref<128xi32, #tpu.memory_space<vmem>>, vector<16xi32>,
      %swap3A_615 = arith.constant 432 : index
      %swap3A_616 = tpu.vector_load %arg5[%swap3A_615] {strides = array<i32>} : memref<1024xi32, #tpu.memory_space<vmem>>, vector<16xi32>,
      %swap3A_617 = vector.shape_cast %swap3A_616 : vector<16xi32> to vector<16xi32>
      %swap3A_618 = vector.shape_cast %add3A_603 : vector<16xi32> to vector<16xi32>
      tpu.vector_store %arg5[%swap3A_615], %swap3A_618 {strides = array<i32>} : memref<1024xi32, #tpu.memory_space<vmem>>, vector<16xi32>,
      %get3A_619 = arith.constant 448 : index
      %get3A_620 = tpu.vector_load %arg4[%get3A_619] {strides = array<i32>} : memref<1024xi32, #tpu.memory_space<vmem>>, vector<16xi32>,
      %get3A_621 = vector.shape_cast %get3A_620 : vector<16xi32> to vector<16xi32>
      %add3A_622 = arith.constant 448 : i32
      %add3A_623 = arith.addi %mul3A_7, %add3A_622 : i32
      %add3A_624 = vector.broadcast %add3A_623 : i32 to vector<16xi32>
      %add3A_625 = arith.addi %add3A_624, %iota3A : vector<16xi32>
      %lt3A_626 = arith.constant 4096 : i32
      %lt3A_627 = vector.broadcast %lt3A_626 : i32 to vector<16xi32>
      %lt3A_628 = arith.cmpi slt, %get3A_621, %lt3A_627 : vector<16xi32>
      %add3A_629 = arith.constant 4096 : i32
      %add3A_630 = vector.broadcast %add3A_629 : i32 to vector<16xi32>
      %add3A_631 = arith.addi %add3A_630, %add3A_625 : vector<16xi32>
      %select_n3A_632 = arith.select %lt3A_628, %get3A_621, %add3A_631 : vector<16xi1>, vector<16xi32>
      %swap3A_633 = arith.constant 64 : index
      %swap3A_634 = tpu.vector_load %arg9[%swap3A_633] {strides = array<i32>} : memref<128xi32, #tpu.memory_space<vmem>>, vector<16xi32>,
      %swap3A_635 = vector.shape_cast %swap3A_634 : vector<16xi32> to vector<16xi32>
      %swap3A_636 = vector.shape_cast %select_n3A_632 : vector<16xi32> to vector<16xi32>
      tpu.vector_store %arg9[%swap3A_633], %swap3A_636 {strides = array<i32>} : memref<128xi32, #tpu.memory_space<vmem>>, vector<16xi32>,
      %swap3A_637 = arith.constant 448 : index
      %swap3A_638 = tpu.vector_load %arg5[%swap3A_637] {strides = array<i32>} : memref<1024xi32, #tpu.memory_space<vmem>>, vector<16xi32>,
      %swap3A_639 = vector.shape_cast %swap3A_638 : vector<16xi32> to vector<16xi32>
      %swap3A_640 = vector.shape_cast %add3A_625 : vector<16xi32> to vector<16xi32>
      tpu.vector_store %arg5[%swap3A_637], %swap3A_640 {strides = array<i32>} : memref<1024xi32, #tpu.memory_space<vmem>>, vector<16xi32>,
      %get3A_641 = arith.constant 464 : index
      %get3A_642 = tpu.vector_load %arg4[%get3A_641] {strides = array<i32>} : memref<1024xi32, #tpu.memory_space<vmem>>, vector<16xi32>,
      %get3A_643 = vector.shape_cast %get3A_642 : vector<16xi32> to vector<16xi32>
      %add3A_644 = arith.constant 464 : i32
      %add3A_645 = arith.addi %mul3A_7, %add3A_644 : i32
      %add3A_646 = vector.broadcast %add3A_645 : i32 to vector<16xi32>
      %add3A_647 = arith.addi %add3A_646, %iota3A : vector<16xi32>
      %lt3A_648 = arith.constant 4096 : i32
      %lt3A_649 = vector.broadcast %lt3A_648 : i32 to vector<16xi32>
      %lt3A_650 = arith.cmpi slt, %get3A_643, %lt3A_649 : vector<16xi32>
      %add3A_651 = arith.constant 4096 : i32
      %add3A_652 = vector.broadcast %add3A_651 : i32 to vector<16xi32>
      %add3A_653 = arith.addi %add3A_652, %add3A_647 : vector<16xi32>
      %select_n3A_654 = arith.select %lt3A_650, %get3A_643, %add3A_653 : vector<16xi1>, vector<16xi32>
      %swap3A_655 = arith.constant 80 : index
      %swap3A_656 = tpu.vector_load %arg9[%swap3A_655] {strides = array<i32>} : memref<128xi32, #tpu.memory_space<vmem>>, vector<16xi32>,
      %swap3A_657 = vector.shape_cast %swap3A_656 : vector<16xi32> to vector<16xi32>
      %swap3A_658 = vector.shape_cast %select_n3A_654 : vector<16xi32> to vector<16xi32>
      tpu.vector_store %arg9[%swap3A_655], %swap3A_658 {strides = array<i32>} : memref<128xi32, #tpu.memory_space<vmem>>, vector<16xi32>,
      %swap3A_659 = arith.constant 464 : index
      %swap3A_660 = tpu.vector_load %arg5[%swap3A_659] {strides = array<i32>} : memref<1024xi32, #tpu.memory_space<vmem>>, vector<16xi32>,
      %swap3A_661 = vector.shape_cast %swap3A_660 : vector<16xi32> to vector<16xi32>
      %swap3A_662 = vector.shape_cast %add3A_647 : vector<16xi32> to vector<16xi32>
      tpu.vector_store %arg5[%swap3A_659], %swap3A_662 {strides = array<i32>} : memref<1024xi32, #tpu.memory_space<vmem>>, vector<16xi32>,
      %get3A_663 = arith.constant 480 : index
      %get3A_664 = tpu.vector_load %arg4[%get3A_663] {strides = array<i32>} : memref<1024xi32, #tpu.memory_space<vmem>>, vector<16xi32>,
      %get3A_665 = vector.shape_cast %get3A_664 : vector<16xi32> to vector<16xi32>
      %add3A_666 = arith.constant 480 : i32
      %add3A_667 = arith.addi %mul3A_7, %add3A_666 : i32
      %add3A_668 = vector.broadcast %add3A_667 : i32 to vector<16xi32>
      %add3A_669 = arith.addi %add3A_668, %iota3A : vector<16xi32>
      %lt3A_670 = arith.constant 4096 : i32
      %lt3A_671 = vector.broadcast %lt3A_670 : i32 to vector<16xi32>
      %lt3A_672 = arith.cmpi slt, %get3A_665, %lt3A_671 : vector<16xi32>
      %add3A_673 = arith.constant 4096 : i32
      %add3A_674 = vector.broadcast %add3A_673 : i32 to vector<16xi32>
      %add3A_675 = arith.addi %add3A_674, %add3A_669 : vector<16xi32>
      %select_n3A_676 = arith.select %lt3A_672, %get3A_665, %add3A_675 : vector<16xi1>, vector<16xi32>
      %swap3A_677 = arith.constant 96 : index
      %swap3A_678 = tpu.vector_load %arg9[%swap3A_677] {strides = array<i32>} : memref<128xi32, #tpu.memory_space<vmem>>, vector<16xi32>,
      %swap3A_679 = vector.shape_cast %swap3A_678 : vector<16xi32> to vector<16xi32>
      %swap3A_680 = vector.shape_cast %select_n3A_676 : vector<16xi32> to vector<16xi32>
      tpu.vector_store %arg9[%swap3A_677], %swap3A_680 {strides = array<i32>} : memref<128xi32, #tpu.memory_space<vmem>>, vector<16xi32>,
      %swap3A_681 = arith.constant 480 : index
      %swap3A_682 = tpu.vector_load %arg5[%swap3A_681] {strides = array<i32>} : memref<1024xi32, #tpu.memory_space<vmem>>, vector<16xi32>,
      %swap3A_683 = vector.shape_cast %swap3A_682 : vector<16xi32> to vector<16xi32>
      %swap3A_684 = vector.shape_cast %add3A_669 : vector<16xi32> to vector<16xi32>
      tpu.vector_store %arg5[%swap3A_681], %swap3A_684 {strides = array<i32>} : memref<1024xi32, #tpu.memory_space<vmem>>, vector<16xi32>,
      %get3A_685 = arith.constant 496 : index
      %get3A_686 = tpu.vector_load %arg4[%get3A_685] {strides = array<i32>} : memref<1024xi32, #tpu.memory_space<vmem>>, vector<16xi32>,
      %get3A_687 = vector.shape_cast %get3A_686 : vector<16xi32> to vector<16xi32>
      %add3A_688 = arith.constant 496 : i32
      %add3A_689 = arith.addi %mul3A_7, %add3A_688 : i32
      %add3A_690 = vector.broadcast %add3A_689 : i32 to vector<16xi32>
      %add3A_691 = arith.addi %add3A_690, %iota3A : vector<16xi32>
      %lt3A_692 = arith.constant 4096 : i32
      %lt3A_693 = vector.broadcast %lt3A_692 : i32 to vector<16xi32>
      %lt3A_694 = arith.cmpi slt, %get3A_687, %lt3A_693 : vector<16xi32>
      %add3A_695 = arith.constant 4096 : i32
      %add3A_696 = vector.broadcast %add3A_695 : i32 to vector<16xi32>
      %add3A_697 = arith.addi %add3A_696, %add3A_691 : vector<16xi32>
      %select_n3A_698 = arith.select %lt3A_694, %get3A_687, %add3A_697 : vector<16xi1>, vector<16xi32>
      %swap3A_699 = arith.constant 112 : index
      %swap3A_700 = tpu.vector_load %arg9[%swap3A_699] {strides = array<i32>} : memref<128xi32, #tpu.memory_space<vmem>>, vector<16xi32>,
      %swap3A_701 = vector.shape_cast %swap3A_700 : vector<16xi32> to vector<16xi32>
      %swap3A_702 = vector.shape_cast %select_n3A_698 : vector<16xi32> to vector<16xi32>
      tpu.vector_store %arg9[%swap3A_699], %swap3A_702 {strides = array<i32>} : memref<128xi32, #tpu.memory_space<vmem>>, vector<16xi32>,
      %swap3A_703 = arith.constant 496 : index
      %swap3A_704 = tpu.vector_load %arg5[%swap3A_703] {strides = array<i32>} : memref<1024xi32, #tpu.memory_space<vmem>>, vector<16xi32>,
      %swap3A_705 = vector.shape_cast %swap3A_704 : vector<16xi32> to vector<16xi32>
      %swap3A_706 = vector.shape_cast %add3A_691 : vector<16xi32> to vector<16xi32>
      tpu.vector_store %arg5[%swap3A_703], %swap3A_706 {strides = array<i32>} : memref<1024xi32, #tpu.memory_space<vmem>>, vector<16xi32>,
      %get3A_707 = arith.constant 512 : index
      %get3A_708 = tpu.vector_load %arg4[%get3A_707] {strides = array<i32>} : memref<1024xi32, #tpu.memory_space<vmem>>, vector<16xi32>,
      %get3A_709 = vector.shape_cast %get3A_708 : vector<16xi32> to vector<16xi32>
      %add3A_710 = arith.constant 512 : i32
      %add3A_711 = arith.addi %mul3A_7, %add3A_710 : i32
      %add3A_712 = vector.broadcast %add3A_711 : i32 to vector<16xi32>
      %add3A_713 = arith.addi %add3A_712, %iota3A : vector<16xi32>
      %lt3A_714 = arith.constant 4096 : i32
      %lt3A_715 = vector.broadcast %lt3A_714 : i32 to vector<16xi32>
      %lt3A_716 = arith.cmpi slt, %get3A_709, %lt3A_715 : vector<16xi32>
      %add3A_717 = arith.constant 4096 : i32
      %add3A_718 = vector.broadcast %add3A_717 : i32 to vector<16xi32>
      %add3A_719 = arith.addi %add3A_718, %add3A_713 : vector<16xi32>
      %select_n3A_720 = arith.select %lt3A_716, %get3A_709, %add3A_719 : vector<16xi1>, vector<16xi32>
      %swap3A_721 = arith.constant 0 : index
      %swap3A_722 = tpu.vector_load %arg10[%swap3A_721] {strides = array<i32>} : memref<128xi32, #tpu.memory_space<vmem>>, vector<16xi32>,
      %swap3A_723 = vector.shape_cast %swap3A_722 : vector<16xi32> to vector<16xi32>
      %swap3A_724 = vector.shape_cast %select_n3A_720 : vector<16xi32> to vector<16xi32>
      tpu.vector_store %arg10[%swap3A_721], %swap3A_724 {strides = array<i32>} : memref<128xi32, #tpu.memory_space<vmem>>, vector<16xi32>,
      %swap3A_725 = arith.constant 512 : index
      %swap3A_726 = tpu.vector_load %arg5[%swap3A_725] {strides = array<i32>} : memref<1024xi32, #tpu.memory_space<vmem>>, vector<16xi32>,
      %swap3A_727 = vector.shape_cast %swap3A_726 : vector<16xi32> to vector<16xi32>
      %swap3A_728 = vector.shape_cast %add3A_713 : vector<16xi32> to vector<16xi32>
      tpu.vector_store %arg5[%swap3A_725], %swap3A_728 {strides = array<i32>} : memref<1024xi32, #tpu.memory_space<vmem>>, vector<16xi32>,
      %get3A_729 = arith.constant 528 : index
      %get3A_730 = tpu.vector_load %arg4[%get3A_729] {strides = array<i32>} : memref<1024xi32, #tpu.memory_space<vmem>>, vector<16xi32>,
      %get3A_731 = vector.shape_cast %get3A_730 : vector<16xi32> to vector<16xi32>
      %add3A_732 = arith.constant 528 : i32
      %add3A_733 = arith.addi %mul3A_7, %add3A_732 : i32
      %add3A_734 = vector.broadcast %add3A_733 : i32 to vector<16xi32>
      %add3A_735 = arith.addi %add3A_734, %iota3A : vector<16xi32>
      %lt3A_736 = arith.constant 4096 : i32
      %lt3A_737 = vector.broadcast %lt3A_736 : i32 to vector<16xi32>
      %lt3A_738 = arith.cmpi slt, %get3A_731, %lt3A_737 : vector<16xi32>
      %add3A_739 = arith.constant 4096 : i32
      %add3A_740 = vector.broadcast %add3A_739 : i32 to vector<16xi32>
      %add3A_741 = arith.addi %add3A_740, %add3A_735 : vector<16xi32>
      %select_n3A_742 = arith.select %lt3A_738, %get3A_731, %add3A_741 : vector<16xi1>, vector<16xi32>
      %swap3A_743 = arith.constant 16 : index
      %swap3A_744 = tpu.vector_load %arg10[%swap3A_743] {strides = array<i32>} : memref<128xi32, #tpu.memory_space<vmem>>, vector<16xi32>,
      %swap3A_745 = vector.shape_cast %swap3A_744 : vector<16xi32> to vector<16xi32>
      %swap3A_746 = vector.shape_cast %select_n3A_742 : vector<16xi32> to vector<16xi32>
      tpu.vector_store %arg10[%swap3A_743], %swap3A_746 {strides = array<i32>} : memref<128xi32, #tpu.memory_space<vmem>>, vector<16xi32>,
      %swap3A_747 = arith.constant 528 : index
      %swap3A_748 = tpu.vector_load %arg5[%swap3A_747] {strides = array<i32>} : memref<1024xi32, #tpu.memory_space<vmem>>, vector<16xi32>,
      %swap3A_749 = vector.shape_cast %swap3A_748 : vector<16xi32> to vector<16xi32>
      %swap3A_750 = vector.shape_cast %add3A_735 : vector<16xi32> to vector<16xi32>
      tpu.vector_store %arg5[%swap3A_747], %swap3A_750 {strides = array<i32>} : memref<1024xi32, #tpu.memory_space<vmem>>, vector<16xi32>,
      %get3A_751 = arith.constant 544 : index
      %get3A_752 = tpu.vector_load %arg4[%get3A_751] {strides = array<i32>} : memref<1024xi32, #tpu.memory_space<vmem>>, vector<16xi32>,
      %get3A_753 = vector.shape_cast %get3A_752 : vector<16xi32> to vector<16xi32>
      %add3A_754 = arith.constant 544 : i32
      %add3A_755 = arith.addi %mul3A_7, %add3A_754 : i32
      %add3A_756 = vector.broadcast %add3A_755 : i32 to vector<16xi32>
      %add3A_757 = arith.addi %add3A_756, %iota3A : vector<16xi32>
      %lt3A_758 = arith.constant 4096 : i32
      %lt3A_759 = vector.broadcast %lt3A_758 : i32 to vector<16xi32>
      %lt3A_760 = arith.cmpi slt, %get3A_753, %lt3A_759 : vector<16xi32>
      %add3A_761 = arith.constant 4096 : i32
      %add3A_762 = vector.broadcast %add3A_761 : i32 to vector<16xi32>
      %add3A_763 = arith.addi %add3A_762, %add3A_757 : vector<16xi32>
      %select_n3A_764 = arith.select %lt3A_760, %get3A_753, %add3A_763 : vector<16xi1>, vector<16xi32>
      %swap3A_765 = arith.constant 32 : index
      %swap3A_766 = tpu.vector_load %arg10[%swap3A_765] {strides = array<i32>} : memref<128xi32, #tpu.memory_space<vmem>>, vector<16xi32>,
      %swap3A_767 = vector.shape_cast %swap3A_766 : vector<16xi32> to vector<16xi32>
      %swap3A_768 = vector.shape_cast %select_n3A_764 : vector<16xi32> to vector<16xi32>
      tpu.vector_store %arg10[%swap3A_765], %swap3A_768 {strides = array<i32>} : memref<128xi32, #tpu.memory_space<vmem>>, vector<16xi32>,
      %swap3A_769 = arith.constant 544 : index
      %swap3A_770 = tpu.vector_load %arg5[%swap3A_769] {strides = array<i32>} : memref<1024xi32, #tpu.memory_space<vmem>>, vector<16xi32>,
      %swap3A_771 = vector.shape_cast %swap3A_770 : vector<16xi32> to vector<16xi32>
      %swap3A_772 = vector.shape_cast %add3A_757 : vector<16xi32> to vector<16xi32>
      tpu.vector_store %arg5[%swap3A_769], %swap3A_772 {strides = array<i32>} : memref<1024xi32, #tpu.memory_space<vmem>>, vector<16xi32>,
      %get3A_773 = arith.constant 560 : index
      %get3A_774 = tpu.vector_load %arg4[%get3A_773] {strides = array<i32>} : memref<1024xi32, #tpu.memory_space<vmem>>, vector<16xi32>,
      %get3A_775 = vector.shape_cast %get3A_774 : vector<16xi32> to vector<16xi32>
      %add3A_776 = arith.constant 560 : i32
      %add3A_777 = arith.addi %mul3A_7, %add3A_776 : i32
      %add3A_778 = vector.broadcast %add3A_777 : i32 to vector<16xi32>
      %add3A_779 = arith.addi %add3A_778, %iota3A : vector<16xi32>
      %lt3A_780 = arith.constant 4096 : i32
      %lt3A_781 = vector.broadcast %lt3A_780 : i32 to vector<16xi32>
      %lt3A_782 = arith.cmpi slt, %get3A_775, %lt3A_781 : vector<16xi32>
      %add3A_783 = arith.constant 4096 : i32
      %add3A_784 = vector.broadcast %add3A_783 : i32 to vector<16xi32>
      %add3A_785 = arith.addi %add3A_784, %add3A_779 : vector<16xi32>
      %select_n3A_786 = arith.select %lt3A_782, %get3A_775, %add3A_785 : vector<16xi1>, vector<16xi32>
      %swap3A_787 = arith.constant 48 : index
      %swap3A_788 = tpu.vector_load %arg10[%swap3A_787] {strides = array<i32>} : memref<128xi32, #tpu.memory_space<vmem>>, vector<16xi32>,
      %swap3A_789 = vector.shape_cast %swap3A_788 : vector<16xi32> to vector<16xi32>
      %swap3A_790 = vector.shape_cast %select_n3A_786 : vector<16xi32> to vector<16xi32>
      tpu.vector_store %arg10[%swap3A_787], %swap3A_790 {strides = array<i32>} : memref<128xi32, #tpu.memory_space<vmem>>, vector<16xi32>,
      %swap3A_791 = arith.constant 560 : index
      %swap3A_792 = tpu.vector_load %arg5[%swap3A_791] {strides = array<i32>} : memref<1024xi32, #tpu.memory_space<vmem>>, vector<16xi32>,
      %swap3A_793 = vector.shape_cast %swap3A_792 : vector<16xi32> to vector<16xi32>
      %swap3A_794 = vector.shape_cast %add3A_779 : vector<16xi32> to vector<16xi32>
      tpu.vector_store %arg5[%swap3A_791], %swap3A_794 {strides = array<i32>} : memref<1024xi32, #tpu.memory_space<vmem>>, vector<16xi32>,
      %get3A_795 = arith.constant 576 : index
      %get3A_796 = tpu.vector_load %arg4[%get3A_795] {strides = array<i32>} : memref<1024xi32, #tpu.memory_space<vmem>>, vector<16xi32>,
      %get3A_797 = vector.shape_cast %get3A_796 : vector<16xi32> to vector<16xi32>
      %add3A_798 = arith.constant 576 : i32
      %add3A_799 = arith.addi %mul3A_7, %add3A_798 : i32
      %add3A_800 = vector.broadcast %add3A_799 : i32 to vector<16xi32>
      %add3A_801 = arith.addi %add3A_800, %iota3A : vector<16xi32>
      %lt3A_802 = arith.constant 4096 : i32
      %lt3A_803 = vector.broadcast %lt3A_802 : i32 to vector<16xi32>
      %lt3A_804 = arith.cmpi slt, %get3A_797, %lt3A_803 : vector<16xi32>
      %add3A_805 = arith.constant 4096 : i32
      %add3A_806 = vector.broadcast %add3A_805 : i32 to vector<16xi32>
      %add3A_807 = arith.addi %add3A_806, %add3A_801 : vector<16xi32>
      %select_n3A_808 = arith.select %lt3A_804, %get3A_797, %add3A_807 : vector<16xi1>, vector<16xi32>
      %swap3A_809 = arith.constant 64 : index
      %swap3A_810 = tpu.vector_load %arg10[%swap3A_809] {strides = array<i32>} : memref<128xi32, #tpu.memory_space<vmem>>, vector<16xi32>,
      %swap3A_811 = vector.shape_cast %swap3A_810 : vector<16xi32> to vector<16xi32>
      %swap3A_812 = vector.shape_cast %select_n3A_808 : vector<16xi32> to vector<16xi32>
      tpu.vector_store %arg10[%swap3A_809], %swap3A_812 {strides = array<i32>} : memref<128xi32, #tpu.memory_space<vmem>>, vector<16xi32>,
      %swap3A_813 = arith.constant 576 : index
      %swap3A_814 = tpu.vector_load %arg5[%swap3A_813] {strides = array<i32>} : memref<1024xi32, #tpu.memory_space<vmem>>, vector<16xi32>,
      %swap3A_815 = vector.shape_cast %swap3A_814 : vector<16xi32> to vector<16xi32>
      %swap3A_816 = vector.shape_cast %add3A_801 : vector<16xi32> to vector<16xi32>
      tpu.vector_store %arg5[%swap3A_813], %swap3A_816 {strides = array<i32>} : memref<1024xi32, #tpu.memory_space<vmem>>, vector<16xi32>,
      %get3A_817 = arith.constant 592 : index
      %get3A_818 = tpu.vector_load %arg4[%get3A_817] {strides = array<i32>} : memref<1024xi32, #tpu.memory_space<vmem>>, vector<16xi32>,
      %get3A_819 = vector.shape_cast %get3A_818 : vector<16xi32> to vector<16xi32>
      %add3A_820 = arith.constant 592 : i32
      %add3A_821 = arith.addi %mul3A_7, %add3A_820 : i32
      %add3A_822 = vector.broadcast %add3A_821 : i32 to vector<16xi32>
      %add3A_823 = arith.addi %add3A_822, %iota3A : vector<16xi32>
      %lt3A_824 = arith.constant 4096 : i32
      %lt3A_825 = vector.broadcast %lt3A_824 : i32 to vector<16xi32>
      %lt3A_826 = arith.cmpi slt, %get3A_819, %lt3A_825 : vector<16xi32>
      %add3A_827 = arith.constant 4096 : i32
      %add3A_828 = vector.broadcast %add3A_827 : i32 to vector<16xi32>
      %add3A_829 = arith.addi %add3A_828, %add3A_823 : vector<16xi32>
      %select_n3A_830 = arith.select %lt3A_826, %get3A_819, %add3A_829 : vector<16xi1>, vector<16xi32>
      %swap3A_831 = arith.constant 80 : index
      %swap3A_832 = tpu.vector_load %arg10[%swap3A_831] {strides = array<i32>} : memref<128xi32, #tpu.memory_space<vmem>>, vector<16xi32>,
      %swap3A_833 = vector.shape_cast %swap3A_832 : vector<16xi32> to vector<16xi32>
      %swap3A_834 = vector.shape_cast %select_n3A_830 : vector<16xi32> to vector<16xi32>
      tpu.vector_store %arg10[%swap3A_831], %swap3A_834 {strides = array<i32>} : memref<128xi32, #tpu.memory_space<vmem>>, vector<16xi32>,
      %swap3A_835 = arith.constant 592 : index
      %swap3A_836 = tpu.vector_load %arg5[%swap3A_835] {strides = array<i32>} : memref<1024xi32, #tpu.memory_space<vmem>>, vector<16xi32>,
      %swap3A_837 = vector.shape_cast %swap3A_836 : vector<16xi32> to vector<16xi32>
      %swap3A_838 = vector.shape_cast %add3A_823 : vector<16xi32> to vector<16xi32>
      tpu.vector_store %arg5[%swap3A_835], %swap3A_838 {strides = array<i32>} : memref<1024xi32, #tpu.memory_space<vmem>>, vector<16xi32>,
      %get3A_839 = arith.constant 608 : index
      %get3A_840 = tpu.vector_load %arg4[%get3A_839] {strides = array<i32>} : memref<1024xi32, #tpu.memory_space<vmem>>, vector<16xi32>,
      %get3A_841 = vector.shape_cast %get3A_840 : vector<16xi32> to vector<16xi32>
      %add3A_842 = arith.constant 608 : i32
      %add3A_843 = arith.addi %mul3A_7, %add3A_842 : i32
      %add3A_844 = vector.broadcast %add3A_843 : i32 to vector<16xi32>
      %add3A_845 = arith.addi %add3A_844, %iota3A : vector<16xi32>
      %lt3A_846 = arith.constant 4096 : i32
      %lt3A_847 = vector.broadcast %lt3A_846 : i32 to vector<16xi32>
      %lt3A_848 = arith.cmpi slt, %get3A_841, %lt3A_847 : vector<16xi32>
      %add3A_849 = arith.constant 4096 : i32
      %add3A_850 = vector.broadcast %add3A_849 : i32 to vector<16xi32>
      %add3A_851 = arith.addi %add3A_850, %add3A_845 : vector<16xi32>
      %select_n3A_852 = arith.select %lt3A_848, %get3A_841, %add3A_851 : vector<16xi1>, vector<16xi32>
      %swap3A_853 = arith.constant 96 : index
      %swap3A_854 = tpu.vector_load %arg10[%swap3A_853] {strides = array<i32>} : memref<128xi32, #tpu.memory_space<vmem>>, vector<16xi32>,
      %swap3A_855 = vector.shape_cast %swap3A_854 : vector<16xi32> to vector<16xi32>
      %swap3A_856 = vector.shape_cast %select_n3A_852 : vector<16xi32> to vector<16xi32>
      tpu.vector_store %arg10[%swap3A_853], %swap3A_856 {strides = array<i32>} : memref<128xi32, #tpu.memory_space<vmem>>, vector<16xi32>,
      %swap3A_857 = arith.constant 608 : index
      %swap3A_858 = tpu.vector_load %arg5[%swap3A_857] {strides = array<i32>} : memref<1024xi32, #tpu.memory_space<vmem>>, vector<16xi32>,
      %swap3A_859 = vector.shape_cast %swap3A_858 : vector<16xi32> to vector<16xi32>
      %swap3A_860 = vector.shape_cast %add3A_845 : vector<16xi32> to vector<16xi32>
      tpu.vector_store %arg5[%swap3A_857], %swap3A_860 {strides = array<i32>} : memref<1024xi32, #tpu.memory_space<vmem>>, vector<16xi32>,
      %get3A_861 = arith.constant 624 : index
      %get3A_862 = tpu.vector_load %arg4[%get3A_861] {strides = array<i32>} : memref<1024xi32, #tpu.memory_space<vmem>>, vector<16xi32>,
      %get3A_863 = vector.shape_cast %get3A_862 : vector<16xi32> to vector<16xi32>
      %add3A_864 = arith.constant 624 : i32
      %add3A_865 = arith.addi %mul3A_7, %add3A_864 : i32
      %add3A_866 = vector.broadcast %add3A_865 : i32 to vector<16xi32>
      %add3A_867 = arith.addi %add3A_866, %iota3A : vector<16xi32>
      %lt3A_868 = arith.constant 4096 : i32
      %lt3A_869 = vector.broadcast %lt3A_868 : i32 to vector<16xi32>
      %lt3A_870 = arith.cmpi slt, %get3A_863, %lt3A_869 : vector<16xi32>
      %add3A_871 = arith.constant 4096 : i32
      %add3A_872 = vector.broadcast %add3A_871 : i32 to vector<16xi32>
      %add3A_873 = arith.addi %add3A_872, %add3A_867 : vector<16xi32>
      %select_n3A_874 = arith.select %lt3A_870, %get3A_863, %add3A_873 : vector<16xi1>, vector<16xi32>
      %swap3A_875 = arith.constant 112 : index
      %swap3A_876 = tpu.vector_load %arg10[%swap3A_875] {strides = array<i32>} : memref<128xi32, #tpu.memory_space<vmem>>, vector<16xi32>,
      %swap3A_877 = vector.shape_cast %swap3A_876 : vector<16xi32> to vector<16xi32>
      %swap3A_878 = vector.shape_cast %select_n3A_874 : vector<16xi32> to vector<16xi32>
      tpu.vector_store %arg10[%swap3A_875], %swap3A_878 {strides = array<i32>} : memref<128xi32, #tpu.memory_space<vmem>>, vector<16xi32>,
      %swap3A_879 = arith.constant 624 : index
      %swap3A_880 = tpu.vector_load %arg5[%swap3A_879] {strides = array<i32>} : memref<1024xi32, #tpu.memory_space<vmem>>, vector<16xi32>,
      %swap3A_881 = vector.shape_cast %swap3A_880 : vector<16xi32> to vector<16xi32>
      %swap3A_882 = vector.shape_cast %add3A_867 : vector<16xi32> to vector<16xi32>
      tpu.vector_store %arg5[%swap3A_879], %swap3A_882 {strides = array<i32>} : memref<1024xi32, #tpu.memory_space<vmem>>, vector<16xi32>,
      %get3A_883 = arith.constant 640 : index
      %get3A_884 = tpu.vector_load %arg4[%get3A_883] {strides = array<i32>} : memref<1024xi32, #tpu.memory_space<vmem>>, vector<16xi32>,
      %get3A_885 = vector.shape_cast %get3A_884 : vector<16xi32> to vector<16xi32>
      %add3A_886 = arith.constant 640 : i32
      %add3A_887 = arith.addi %mul3A_7, %add3A_886 : i32
      %add3A_888 = vector.broadcast %add3A_887 : i32 to vector<16xi32>
      %add3A_889 = arith.addi %add3A_888, %iota3A : vector<16xi32>
      %lt3A_890 = arith.constant 4096 : i32
      %lt3A_891 = vector.broadcast %lt3A_890 : i32 to vector<16xi32>
      %lt3A_892 = arith.cmpi slt, %get3A_885, %lt3A_891 : vector<16xi32>
      %add3A_893 = arith.constant 4096 : i32
      %add3A_894 = vector.broadcast %add3A_893 : i32 to vector<16xi32>
      %add3A_895 = arith.addi %add3A_894, %add3A_889 : vector<16xi32>
      %select_n3A_896 = arith.select %lt3A_892, %get3A_885, %add3A_895 : vector<16xi1>, vector<16xi32>
      %swap3A_897 = arith.constant 0 : index
      %swap3A_898 = tpu.vector_load %arg11[%swap3A_897] {strides = array<i32>} : memref<128xi32, #tpu.memory_space<vmem>>, vector<16xi32>,
      %swap3A_899 = vector.shape_cast %swap3A_898 : vector<16xi32> to vector<16xi32>
      %swap3A_900 = vector.shape_cast %select_n3A_896 : vector<16xi32> to vector<16xi32>
      tpu.vector_store %arg11[%swap3A_897], %swap3A_900 {strides = array<i32>} : memref<128xi32, #tpu.memory_space<vmem>>, vector<16xi32>,
      %swap3A_901 = arith.constant 640 : index
      %swap3A_902 = tpu.vector_load %arg5[%swap3A_901] {strides = array<i32>} : memref<1024xi32, #tpu.memory_space<vmem>>, vector<16xi32>,
      %swap3A_903 = vector.shape_cast %swap3A_902 : vector<16xi32> to vector<16xi32>
      %swap3A_904 = vector.shape_cast %add3A_889 : vector<16xi32> to vector<16xi32>
      tpu.vector_store %arg5[%swap3A_901], %swap3A_904 {strides = array<i32>} : memref<1024xi32, #tpu.memory_space<vmem>>, vector<16xi32>,
      %get3A_905 = arith.constant 656 : index
      %get3A_906 = tpu.vector_load %arg4[%get3A_905] {strides = array<i32>} : memref<1024xi32, #tpu.memory_space<vmem>>, vector<16xi32>,
      %get3A_907 = vector.shape_cast %get3A_906 : vector<16xi32> to vector<16xi32>
      %add3A_908 = arith.constant 656 : i32
      %add3A_909 = arith.addi %mul3A_7, %add3A_908 : i32
      %add3A_910 = vector.broadcast %add3A_909 : i32 to vector<16xi32>
      %add3A_911 = arith.addi %add3A_910, %iota3A : vector<16xi32>
      %lt3A_912 = arith.constant 4096 : i32
      %lt3A_913 = vector.broadcast %lt3A_912 : i32 to vector<16xi32>
      %lt3A_914 = arith.cmpi slt, %get3A_907, %lt3A_913 : vector<16xi32>
      %add3A_915 = arith.constant 4096 : i32
      %add3A_916 = vector.broadcast %add3A_915 : i32 to vector<16xi32>
      %add3A_917 = arith.addi %add3A_916, %add3A_911 : vector<16xi32>
      %select_n3A_918 = arith.select %lt3A_914, %get3A_907, %add3A_917 : vector<16xi1>, vector<16xi32>
      %swap3A_919 = arith.constant 16 : index
      %swap3A_920 = tpu.vector_load %arg11[%swap3A_919] {strides = array<i32>} : memref<128xi32, #tpu.memory_space<vmem>>, vector<16xi32>,
      %swap3A_921 = vector.shape_cast %swap3A_920 : vector<16xi32> to vector<16xi32>
      %swap3A_922 = vector.shape_cast %select_n3A_918 : vector<16xi32> to vector<16xi32>
      tpu.vector_store %arg11[%swap3A_919], %swap3A_922 {strides = array<i32>} : memref<128xi32, #tpu.memory_space<vmem>>, vector<16xi32>,
      %swap3A_923 = arith.constant 656 : index
      %swap3A_924 = tpu.vector_load %arg5[%swap3A_923] {strides = array<i32>} : memref<1024xi32, #tpu.memory_space<vmem>>, vector<16xi32>,
      %swap3A_925 = vector.shape_cast %swap3A_924 : vector<16xi32> to vector<16xi32>
      %swap3A_926 = vector.shape_cast %add3A_911 : vector<16xi32> to vector<16xi32>
      tpu.vector_store %arg5[%swap3A_923], %swap3A_926 {strides = array<i32>} : memref<1024xi32, #tpu.memory_space<vmem>>, vector<16xi32>,
      %get3A_927 = arith.constant 672 : index
      %get3A_928 = tpu.vector_load %arg4[%get3A_927] {strides = array<i32>} : memref<1024xi32, #tpu.memory_space<vmem>>, vector<16xi32>,
      %get3A_929 = vector.shape_cast %get3A_928 : vector<16xi32> to vector<16xi32>
      %add3A_930 = arith.constant 672 : i32
      %add3A_931 = arith.addi %mul3A_7, %add3A_930 : i32
      %add3A_932 = vector.broadcast %add3A_931 : i32 to vector<16xi32>
      %add3A_933 = arith.addi %add3A_932, %iota3A : vector<16xi32>
      %lt3A_934 = arith.constant 4096 : i32
      %lt3A_935 = vector.broadcast %lt3A_934 : i32 to vector<16xi32>
      %lt3A_936 = arith.cmpi slt, %get3A_929, %lt3A_935 : vector<16xi32>
      %add3A_937 = arith.constant 4096 : i32
      %add3A_938 = vector.broadcast %add3A_937 : i32 to vector<16xi32>
      %add3A_939 = arith.addi %add3A_938, %add3A_933 : vector<16xi32>
      %select_n3A_940 = arith.select %lt3A_936, %get3A_929, %add3A_939 : vector<16xi1>, vector<16xi32>
      %swap3A_941 = arith.constant 32 : index
      %swap3A_942 = tpu.vector_load %arg11[%swap3A_941] {strides = array<i32>} : memref<128xi32, #tpu.memory_space<vmem>>, vector<16xi32>,
      %swap3A_943 = vector.shape_cast %swap3A_942 : vector<16xi32> to vector<16xi32>
      %swap3A_944 = vector.shape_cast %select_n3A_940 : vector<16xi32> to vector<16xi32>
      tpu.vector_store %arg11[%swap3A_941], %swap3A_944 {strides = array<i32>} : memref<128xi32, #tpu.memory_space<vmem>>, vector<16xi32>,
      %swap3A_945 = arith.constant 672 : index
      %swap3A_946 = tpu.vector_load %arg5[%swap3A_945] {strides = array<i32>} : memref<1024xi32, #tpu.memory_space<vmem>>, vector<16xi32>,
      %swap3A_947 = vector.shape_cast %swap3A_946 : vector<16xi32> to vector<16xi32>
      %swap3A_948 = vector.shape_cast %add3A_933 : vector<16xi32> to vector<16xi32>
      tpu.vector_store %arg5[%swap3A_945], %swap3A_948 {strides = array<i32>} : memref<1024xi32, #tpu.memory_space<vmem>>, vector<16xi32>,
      %get3A_949 = arith.constant 688 : index
      %get3A_950 = tpu.vector_load %arg4[%get3A_949] {strides = array<i32>} : memref<1024xi32, #tpu.memory_space<vmem>>, vector<16xi32>,
      %get3A_951 = vector.shape_cast %get3A_950 : vector<16xi32> to vector<16xi32>
      %add3A_952 = arith.constant 688 : i32
      %add3A_953 = arith.addi %mul3A_7, %add3A_952 : i32
      %add3A_954 = vector.broadcast %add3A_953 : i32 to vector<16xi32>
      %add3A_955 = arith.addi %add3A_954, %iota3A : vector<16xi32>
      %lt3A_956 = arith.constant 4096 : i32
      %lt3A_957 = vector.broadcast %lt3A_956 : i32 to vector<16xi32>
      %lt3A_958 = arith.cmpi slt, %get3A_951, %lt3A_957 : vector<16xi32>
      %add3A_959 = arith.constant 4096 : i32
      %add3A_960 = vector.broadcast %add3A_959 : i32 to vector<16xi32>
      %add3A_961 = arith.addi %add3A_960, %add3A_955 : vector<16xi32>
      %select_n3A_962 = arith.select %lt3A_958, %get3A_951, %add3A_961 : vector<16xi1>, vector<16xi32>
      %swap3A_963 = arith.constant 48 : index
      %swap3A_964 = tpu.vector_load %arg11[%swap3A_963] {strides = array<i32>} : memref<128xi32, #tpu.memory_space<vmem>>, vector<16xi32>,
      %swap3A_965 = vector.shape_cast %swap3A_964 : vector<16xi32> to vector<16xi32>
      %swap3A_966 = vector.shape_cast %select_n3A_962 : vector<16xi32> to vector<16xi32>
      tpu.vector_store %arg11[%swap3A_963], %swap3A_966 {strides = array<i32>} : memref<128xi32, #tpu.memory_space<vmem>>, vector<16xi32>,
      %swap3A_967 = arith.constant 688 : index
      %swap3A_968 = tpu.vector_load %arg5[%swap3A_967] {strides = array<i32>} : memref<1024xi32, #tpu.memory_space<vmem>>, vector<16xi32>,
      %swap3A_969 = vector.shape_cast %swap3A_968 : vector<16xi32> to vector<16xi32>
      %swap3A_970 = vector.shape_cast %add3A_955 : vector<16xi32> to vector<16xi32>
      tpu.vector_store %arg5[%swap3A_967], %swap3A_970 {strides = array<i32>} : memref<1024xi32, #tpu.memory_space<vmem>>, vector<16xi32>,
      %get3A_971 = arith.constant 704 : index
      %get3A_972 = tpu.vector_load %arg4[%get3A_971] {strides = array<i32>} : memref<1024xi32, #tpu.memory_space<vmem>>, vector<16xi32>,
      %get3A_973 = vector.shape_cast %get3A_972 : vector<16xi32> to vector<16xi32>
      %add3A_974 = arith.constant 704 : i32
      %add3A_975 = arith.addi %mul3A_7, %add3A_974 : i32
      %add3A_976 = vector.broadcast %add3A_975 : i32 to vector<16xi32>
      %add3A_977 = arith.addi %add3A_976, %iota3A : vector<16xi32>
      %lt3A_978 = arith.constant 4096 : i32
      %lt3A_979 = vector.broadcast %lt3A_978 : i32 to vector<16xi32>
      %lt3A_980 = arith.cmpi slt, %get3A_973, %lt3A_979 : vector<16xi32>
      %add3A_981 = arith.constant 4096 : i32
      %add3A_982 = vector.broadcast %add3A_981 : i32 to vector<16xi32>
      %add3A_983 = arith.addi %add3A_982, %add3A_977 : vector<16xi32>
      %select_n3A_984 = arith.select %lt3A_980, %get3A_973, %add3A_983 : vector<16xi1>, vector<16xi32>
      %swap3A_985 = arith.constant 64 : index
      %swap3A_986 = tpu.vector_load %arg11[%swap3A_985] {strides = array<i32>} : memref<128xi32, #tpu.memory_space<vmem>>, vector<16xi32>,
      %swap3A_987 = vector.shape_cast %swap3A_986 : vector<16xi32> to vector<16xi32>
      %swap3A_988 = vector.shape_cast %select_n3A_984 : vector<16xi32> to vector<16xi32>
      tpu.vector_store %arg11[%swap3A_985], %swap3A_988 {strides = array<i32>} : memref<128xi32, #tpu.memory_space<vmem>>, vector<16xi32>,
      %swap3A_989 = arith.constant 704 : index
      %swap3A_990 = tpu.vector_load %arg5[%swap3A_989] {strides = array<i32>} : memref<1024xi32, #tpu.memory_space<vmem>>, vector<16xi32>,
      %swap3A_991 = vector.shape_cast %swap3A_990 : vector<16xi32> to vector<16xi32>
      %swap3A_992 = vector.shape_cast %add3A_977 : vector<16xi32> to vector<16xi32>
      tpu.vector_store %arg5[%swap3A_989], %swap3A_992 {strides = array<i32>} : memref<1024xi32, #tpu.memory_space<vmem>>, vector<16xi32>,
      %get3A_993 = arith.constant 720 : index
      %get3A_994 = tpu.vector_load %arg4[%get3A_993] {strides = array<i32>} : memref<1024xi32, #tpu.memory_space<vmem>>, vector<16xi32>,
      %get3A_995 = vector.shape_cast %get3A_994 : vector<16xi32> to vector<16xi32>
      %add3A_996 = arith.constant 720 : i32
      %add3A_997 = arith.addi %mul3A_7, %add3A_996 : i32
      %add3A_998 = vector.broadcast %add3A_997 : i32 to vector<16xi32>
      %add3A_999 = arith.addi %add3A_998, %iota3A : vector<16xi32>
      %lt3A_1000 = arith.constant 4096 : i32
      %lt3A_1001 = vector.broadcast %lt3A_1000 : i32 to vector<16xi32>
      %lt3A_1002 = arith.cmpi slt, %get3A_995, %lt3A_1001 : vector<16xi32>
      %add3A_1003 = arith.constant 4096 : i32
      %add3A_1004 = vector.broadcast %add3A_1003 : i32 to vector<16xi32>
      %add3A_1005 = arith.addi %add3A_1004, %add3A_999 : vector<16xi32>
      %select_n3A_1006 = arith.select %lt3A_1002, %get3A_995, %add3A_1005 : vector<16xi1>, vector<16xi32>
      %swap3A_1007 = arith.constant 80 : index
      %swap3A_1008 = tpu.vector_load %arg11[%swap3A_1007] {strides = array<i32>} : memref<128xi32, #tpu.memory_space<vmem>>, vector<16xi32>,
      %swap3A_1009 = vector.shape_cast %swap3A_1008 : vector<16xi32> to vector<16xi32>
      %swap3A_1010 = vector.shape_cast %select_n3A_1006 : vector<16xi32> to vector<16xi32>
      tpu.vector_store %arg11[%swap3A_1007], %swap3A_1010 {strides = array<i32>} : memref<128xi32, #tpu.memory_space<vmem>>, vector<16xi32>,
      %swap3A_1011 = arith.constant 720 : index
      %swap3A_1012 = tpu.vector_load %arg5[%swap3A_1011] {strides = array<i32>} : memref<1024xi32, #tpu.memory_space<vmem>>, vector<16xi32>,
      %swap3A_1013 = vector.shape_cast %swap3A_1012 : vector<16xi32> to vector<16xi32>
      %swap3A_1014 = vector.shape_cast %add3A_999 : vector<16xi32> to vector<16xi32>
      tpu.vector_store %arg5[%swap3A_1011], %swap3A_1014 {strides = array<i32>} : memref<1024xi32, #tpu.memory_space<vmem>>, vector<16xi32>,
      %get3A_1015 = arith.constant 736 : index
      %get3A_1016 = tpu.vector_load %arg4[%get3A_1015] {strides = array<i32>} : memref<1024xi32, #tpu.memory_space<vmem>>, vector<16xi32>,
      %get3A_1017 = vector.shape_cast %get3A_1016 : vector<16xi32> to vector<16xi32>
      %add3A_1018 = arith.constant 736 : i32
      %add3A_1019 = arith.addi %mul3A_7, %add3A_1018 : i32
      %add3A_1020 = vector.broadcast %add3A_1019 : i32 to vector<16xi32>
      %add3A_1021 = arith.addi %add3A_1020, %iota3A : vector<16xi32>
      %lt3A_1022 = arith.constant 4096 : i32
      %lt3A_1023 = vector.broadcast %lt3A_1022 : i32 to vector<16xi32>
      %lt3A_1024 = arith.cmpi slt, %get3A_1017, %lt3A_1023 : vector<16xi32>
      %add3A_1025 = arith.constant 4096 : i32
      %add3A_1026 = vector.broadcast %add3A_1025 : i32 to vector<16xi32>
      %add3A_1027 = arith.addi %add3A_1026, %add3A_1021 : vector<16xi32>
      %select_n3A_1028 = arith.select %lt3A_1024, %get3A_1017, %add3A_1027 : vector<16xi1>, vector<16xi32>
      %swap3A_1029 = arith.constant 96 : index
      %swap3A_1030 = tpu.vector_load %arg11[%swap3A_1029] {strides = array<i32>} : memref<128xi32, #tpu.memory_space<vmem>>, vector<16xi32>,
      %swap3A_1031 = vector.shape_cast %swap3A_1030 : vector<16xi32> to vector<16xi32>
      %swap3A_1032 = vector.shape_cast %select_n3A_1028 : vector<16xi32> to vector<16xi32>
      tpu.vector_store %arg11[%swap3A_1029], %swap3A_1032 {strides = array<i32>} : memref<128xi32, #tpu.memory_space<vmem>>, vector<16xi32>,
      %swap3A_1033 = arith.constant 736 : index
      %swap3A_1034 = tpu.vector_load %arg5[%swap3A_1033] {strides = array<i32>} : memref<1024xi32, #tpu.memory_space<vmem>>, vector<16xi32>,
      %swap3A_1035 = vector.shape_cast %swap3A_1034 : vector<16xi32> to vector<16xi32>
      %swap3A_1036 = vector.shape_cast %add3A_1021 : vector<16xi32> to vector<16xi32>
      tpu.vector_store %arg5[%swap3A_1033], %swap3A_1036 {strides = array<i32>} : memref<1024xi32, #tpu.memory_space<vmem>>, vector<16xi32>,
      %get3A_1037 = arith.constant 752 : index
      %get3A_1038 = tpu.vector_load %arg4[%get3A_1037] {strides = array<i32>} : memref<1024xi32, #tpu.memory_space<vmem>>, vector<16xi32>,
      %get3A_1039 = vector.shape_cast %get3A_1038 : vector<16xi32> to vector<16xi32>
      %add3A_1040 = arith.constant 752 : i32
      %add3A_1041 = arith.addi %mul3A_7, %add3A_1040 : i32
      %add3A_1042 = vector.broadcast %add3A_1041 : i32 to vector<16xi32>
      %add3A_1043 = arith.addi %add3A_1042, %iota3A : vector<16xi32>
      %lt3A_1044 = arith.constant 4096 : i32
      %lt3A_1045 = vector.broadcast %lt3A_1044 : i32 to vector<16xi32>
      %lt3A_1046 = arith.cmpi slt, %get3A_1039, %lt3A_1045 : vector<16xi32>
      %add3A_1047 = arith.constant 4096 : i32
      %add3A_1048 = vector.broadcast %add3A_1047 : i32 to vector<16xi32>
      %add3A_1049 = arith.addi %add3A_1048, %add3A_1043 : vector<16xi32>
      %select_n3A_1050 = arith.select %lt3A_1046, %get3A_1039, %add3A_1049 : vector<16xi1>, vector<16xi32>
      %swap3A_1051 = arith.constant 112 : index
      %swap3A_1052 = tpu.vector_load %arg11[%swap3A_1051] {strides = array<i32>} : memref<128xi32, #tpu.memory_space<vmem>>, vector<16xi32>,
      %swap3A_1053 = vector.shape_cast %swap3A_1052 : vector<16xi32> to vector<16xi32>
      %swap3A_1054 = vector.shape_cast %select_n3A_1050 : vector<16xi32> to vector<16xi32>
      tpu.vector_store %arg11[%swap3A_1051], %swap3A_1054 {strides = array<i32>} : memref<128xi32, #tpu.memory_space<vmem>>, vector<16xi32>,
      %swap3A_1055 = arith.constant 752 : index
      %swap3A_1056 = tpu.vector_load %arg5[%swap3A_1055] {strides = array<i32>} : memref<1024xi32, #tpu.memory_space<vmem>>, vector<16xi32>,
      %swap3A_1057 = vector.shape_cast %swap3A_1056 : vector<16xi32> to vector<16xi32>
      %swap3A_1058 = vector.shape_cast %add3A_1043 : vector<16xi32> to vector<16xi32>
      tpu.vector_store %arg5[%swap3A_1055], %swap3A_1058 {strides = array<i32>} : memref<1024xi32, #tpu.memory_space<vmem>>, vector<16xi32>,
      %get3A_1059 = arith.constant 768 : index
      %get3A_1060 = tpu.vector_load %arg4[%get3A_1059] {strides = array<i32>} : memref<1024xi32, #tpu.memory_space<vmem>>, vector<16xi32>,
      %get3A_1061 = vector.shape_cast %get3A_1060 : vector<16xi32> to vector<16xi32>
      %add3A_1062 = arith.constant 768 : i32
      %add3A_1063 = arith.addi %mul3A_7, %add3A_1062 : i32
      %add3A_1064 = vector.broadcast %add3A_1063 : i32 to vector<16xi32>
      %add3A_1065 = arith.addi %add3A_1064, %iota3A : vector<16xi32>
      %lt3A_1066 = arith.constant 4096 : i32
      %lt3A_1067 = vector.broadcast %lt3A_1066 : i32 to vector<16xi32>
      %lt3A_1068 = arith.cmpi slt, %get3A_1061, %lt3A_1067 : vector<16xi32>
      %add3A_1069 = arith.constant 4096 : i32
      %add3A_1070 = vector.broadcast %add3A_1069 : i32 to vector<16xi32>
      %add3A_1071 = arith.addi %add3A_1070, %add3A_1065 : vector<16xi32>
      %select_n3A_1072 = arith.select %lt3A_1068, %get3A_1061, %add3A_1071 : vector<16xi1>, vector<16xi32>
      %swap3A_1073 = arith.constant 0 : index
      %swap3A_1074 = tpu.vector_load %arg12[%swap3A_1073] {strides = array<i32>} : memref<128xi32, #tpu.memory_space<vmem>>, vector<16xi32>,
      %swap3A_1075 = vector.shape_cast %swap3A_1074 : vector<16xi32> to vector<16xi32>
      %swap3A_1076 = vector.shape_cast %select_n3A_1072 : vector<16xi32> to vector<16xi32>
      tpu.vector_store %arg12[%swap3A_1073], %swap3A_1076 {strides = array<i32>} : memref<128xi32, #tpu.memory_space<vmem>>, vector<16xi32>,
      %swap3A_1077 = arith.constant 768 : index
      %swap3A_1078 = tpu.vector_load %arg5[%swap3A_1077] {strides = array<i32>} : memref<1024xi32, #tpu.memory_space<vmem>>, vector<16xi32>,
      %swap3A_1079 = vector.shape_cast %swap3A_1078 : vector<16xi32> to vector<16xi32>
      %swap3A_1080 = vector.shape_cast %add3A_1065 : vector<16xi32> to vector<16xi32>
      tpu.vector_store %arg5[%swap3A_1077], %swap3A_1080 {strides = array<i32>} : memref<1024xi32, #tpu.memory_space<vmem>>, vector<16xi32>,
      %get3A_1081 = arith.constant 784 : index
      %get3A_1082 = tpu.vector_load %arg4[%get3A_1081] {strides = array<i32>} : memref<1024xi32, #tpu.memory_space<vmem>>, vector<16xi32>,
      %get3A_1083 = vector.shape_cast %get3A_1082 : vector<16xi32> to vector<16xi32>
      %add3A_1084 = arith.constant 784 : i32
      %add3A_1085 = arith.addi %mul3A_7, %add3A_1084 : i32
      %add3A_1086 = vector.broadcast %add3A_1085 : i32 to vector<16xi32>
      %add3A_1087 = arith.addi %add3A_1086, %iota3A : vector<16xi32>
      %lt3A_1088 = arith.constant 4096 : i32
      %lt3A_1089 = vector.broadcast %lt3A_1088 : i32 to vector<16xi32>
      %lt3A_1090 = arith.cmpi slt, %get3A_1083, %lt3A_1089 : vector<16xi32>
      %add3A_1091 = arith.constant 4096 : i32
      %add3A_1092 = vector.broadcast %add3A_1091 : i32 to vector<16xi32>
      %add3A_1093 = arith.addi %add3A_1092, %add3A_1087 : vector<16xi32>
      %select_n3A_1094 = arith.select %lt3A_1090, %get3A_1083, %add3A_1093 : vector<16xi1>, vector<16xi32>
      %swap3A_1095 = arith.constant 16 : index
      %swap3A_1096 = tpu.vector_load %arg12[%swap3A_1095] {strides = array<i32>} : memref<128xi32, #tpu.memory_space<vmem>>, vector<16xi32>,
      %swap3A_1097 = vector.shape_cast %swap3A_1096 : vector<16xi32> to vector<16xi32>
      %swap3A_1098 = vector.shape_cast %select_n3A_1094 : vector<16xi32> to vector<16xi32>
      tpu.vector_store %arg12[%swap3A_1095], %swap3A_1098 {strides = array<i32>} : memref<128xi32, #tpu.memory_space<vmem>>, vector<16xi32>,
      %swap3A_1099 = arith.constant 784 : index
      %swap3A_1100 = tpu.vector_load %arg5[%swap3A_1099] {strides = array<i32>} : memref<1024xi32, #tpu.memory_space<vmem>>, vector<16xi32>,
      %swap3A_1101 = vector.shape_cast %swap3A_1100 : vector<16xi32> to vector<16xi32>
      %swap3A_1102 = vector.shape_cast %add3A_1087 : vector<16xi32> to vector<16xi32>
      tpu.vector_store %arg5[%swap3A_1099], %swap3A_1102 {strides = array<i32>} : memref<1024xi32, #tpu.memory_space<vmem>>, vector<16xi32>,
      %get3A_1103 = arith.constant 800 : index
      %get3A_1104 = tpu.vector_load %arg4[%get3A_1103] {strides = array<i32>} : memref<1024xi32, #tpu.memory_space<vmem>>, vector<16xi32>,
      %get3A_1105 = vector.shape_cast %get3A_1104 : vector<16xi32> to vector<16xi32>
      %add3A_1106 = arith.constant 800 : i32
      %add3A_1107 = arith.addi %mul3A_7, %add3A_1106 : i32
      %add3A_1108 = vector.broadcast %add3A_1107 : i32 to vector<16xi32>
      %add3A_1109 = arith.addi %add3A_1108, %iota3A : vector<16xi32>
      %lt3A_1110 = arith.constant 4096 : i32
      %lt3A_1111 = vector.broadcast %lt3A_1110 : i32 to vector<16xi32>
      %lt3A_1112 = arith.cmpi slt, %get3A_1105, %lt3A_1111 : vector<16xi32>
      %add3A_1113 = arith.constant 4096 : i32
      %add3A_1114 = vector.broadcast %add3A_1113 : i32 to vector<16xi32>
      %add3A_1115 = arith.addi %add3A_1114, %add3A_1109 : vector<16xi32>
      %select_n3A_1116 = arith.select %lt3A_1112, %get3A_1105, %add3A_1115 : vector<16xi1>, vector<16xi32>
      %swap3A_1117 = arith.constant 32 : index
      %swap3A_1118 = tpu.vector_load %arg12[%swap3A_1117] {strides = array<i32>} : memref<128xi32, #tpu.memory_space<vmem>>, vector<16xi32>,
      %swap3A_1119 = vector.shape_cast %swap3A_1118 : vector<16xi32> to vector<16xi32>
      %swap3A_1120 = vector.shape_cast %select_n3A_1116 : vector<16xi32> to vector<16xi32>
      tpu.vector_store %arg12[%swap3A_1117], %swap3A_1120 {strides = array<i32>} : memref<128xi32, #tpu.memory_space<vmem>>, vector<16xi32>,
      %swap3A_1121 = arith.constant 800 : index
      %swap3A_1122 = tpu.vector_load %arg5[%swap3A_1121] {strides = array<i32>} : memref<1024xi32, #tpu.memory_space<vmem>>, vector<16xi32>,
      %swap3A_1123 = vector.shape_cast %swap3A_1122 : vector<16xi32> to vector<16xi32>
      %swap3A_1124 = vector.shape_cast %add3A_1109 : vector<16xi32> to vector<16xi32>
      tpu.vector_store %arg5[%swap3A_1121], %swap3A_1124 {strides = array<i32>} : memref<1024xi32, #tpu.memory_space<vmem>>, vector<16xi32>,
      %get3A_1125 = arith.constant 816 : index
      %get3A_1126 = tpu.vector_load %arg4[%get3A_1125] {strides = array<i32>} : memref<1024xi32, #tpu.memory_space<vmem>>, vector<16xi32>,
      %get3A_1127 = vector.shape_cast %get3A_1126 : vector<16xi32> to vector<16xi32>
      %add3A_1128 = arith.constant 816 : i32
      %add3A_1129 = arith.addi %mul3A_7, %add3A_1128 : i32
      %add3A_1130 = vector.broadcast %add3A_1129 : i32 to vector<16xi32>
      %add3A_1131 = arith.addi %add3A_1130, %iota3A : vector<16xi32>
      %lt3A_1132 = arith.constant 4096 : i32
      %lt3A_1133 = vector.broadcast %lt3A_1132 : i32 to vector<16xi32>
      %lt3A_1134 = arith.cmpi slt, %get3A_1127, %lt3A_1133 : vector<16xi32>
      %add3A_1135 = arith.constant 4096 : i32
      %add3A_1136 = vector.broadcast %add3A_1135 : i32 to vector<16xi32>
      %add3A_1137 = arith.addi %add3A_1136, %add3A_1131 : vector<16xi32>
      %select_n3A_1138 = arith.select %lt3A_1134, %get3A_1127, %add3A_1137 : vector<16xi1>, vector<16xi32>
      %swap3A_1139 = arith.constant 48 : index
      %swap3A_1140 = tpu.vector_load %arg12[%swap3A_1139] {strides = array<i32>} : memref<128xi32, #tpu.memory_space<vmem>>, vector<16xi32>,
      %swap3A_1141 = vector.shape_cast %swap3A_1140 : vector<16xi32> to vector<16xi32>
      %swap3A_1142 = vector.shape_cast %select_n3A_1138 : vector<16xi32> to vector<16xi32>
      tpu.vector_store %arg12[%swap3A_1139], %swap3A_1142 {strides = array<i32>} : memref<128xi32, #tpu.memory_space<vmem>>, vector<16xi32>,
      %swap3A_1143 = arith.constant 816 : index
      %swap3A_1144 = tpu.vector_load %arg5[%swap3A_1143] {strides = array<i32>} : memref<1024xi32, #tpu.memory_space<vmem>>, vector<16xi32>,
      %swap3A_1145 = vector.shape_cast %swap3A_1144 : vector<16xi32> to vector<16xi32>
      %swap3A_1146 = vector.shape_cast %add3A_1131 : vector<16xi32> to vector<16xi32>
      tpu.vector_store %arg5[%swap3A_1143], %swap3A_1146 {strides = array<i32>} : memref<1024xi32, #tpu.memory_space<vmem>>, vector<16xi32>,
      %get3A_1147 = arith.constant 832 : index
      %get3A_1148 = tpu.vector_load %arg4[%get3A_1147] {strides = array<i32>} : memref<1024xi32, #tpu.memory_space<vmem>>, vector<16xi32>,
      %get3A_1149 = vector.shape_cast %get3A_1148 : vector<16xi32> to vector<16xi32>
      %add3A_1150 = arith.constant 832 : i32
      %add3A_1151 = arith.addi %mul3A_7, %add3A_1150 : i32
      %add3A_1152 = vector.broadcast %add3A_1151 : i32 to vector<16xi32>
      %add3A_1153 = arith.addi %add3A_1152, %iota3A : vector<16xi32>
      %lt3A_1154 = arith.constant 4096 : i32
      %lt3A_1155 = vector.broadcast %lt3A_1154 : i32 to vector<16xi32>
      %lt3A_1156 = arith.cmpi slt, %get3A_1149, %lt3A_1155 : vector<16xi32>
      %add3A_1157 = arith.constant 4096 : i32
      %add3A_1158 = vector.broadcast %add3A_1157 : i32 to vector<16xi32>
      %add3A_1159 = arith.addi %add3A_1158, %add3A_1153 : vector<16xi32>
      %select_n3A_1160 = arith.select %lt3A_1156, %get3A_1149, %add3A_1159 : vector<16xi1>, vector<16xi32>
      %swap3A_1161 = arith.constant 64 : index
      %swap3A_1162 = tpu.vector_load %arg12[%swap3A_1161] {strides = array<i32>} : memref<128xi32, #tpu.memory_space<vmem>>, vector<16xi32>,
      %swap3A_1163 = vector.shape_cast %swap3A_1162 : vector<16xi32> to vector<16xi32>
      %swap3A_1164 = vector.shape_cast %select_n3A_1160 : vector<16xi32> to vector<16xi32>
      tpu.vector_store %arg12[%swap3A_1161], %swap3A_1164 {strides = array<i32>} : memref<128xi32, #tpu.memory_space<vmem>>, vector<16xi32>,
      %swap3A_1165 = arith.constant 832 : index
      %swap3A_1166 = tpu.vector_load %arg5[%swap3A_1165] {strides = array<i32>} : memref<1024xi32, #tpu.memory_space<vmem>>, vector<16xi32>,
      %swap3A_1167 = vector.shape_cast %swap3A_1166 : vector<16xi32> to vector<16xi32>
      %swap3A_1168 = vector.shape_cast %add3A_1153 : vector<16xi32> to vector<16xi32>
      tpu.vector_store %arg5[%swap3A_1165], %swap3A_1168 {strides = array<i32>} : memref<1024xi32, #tpu.memory_space<vmem>>, vector<16xi32>,
      %get3A_1169 = arith.constant 848 : index
      %get3A_1170 = tpu.vector_load %arg4[%get3A_1169] {strides = array<i32>} : memref<1024xi32, #tpu.memory_space<vmem>>, vector<16xi32>,
      %get3A_1171 = vector.shape_cast %get3A_1170 : vector<16xi32> to vector<16xi32>
      %add3A_1172 = arith.constant 848 : i32
      %add3A_1173 = arith.addi %mul3A_7, %add3A_1172 : i32
      %add3A_1174 = vector.broadcast %add3A_1173 : i32 to vector<16xi32>
      %add3A_1175 = arith.addi %add3A_1174, %iota3A : vector<16xi32>
      %lt3A_1176 = arith.constant 4096 : i32
      %lt3A_1177 = vector.broadcast %lt3A_1176 : i32 to vector<16xi32>
      %lt3A_1178 = arith.cmpi slt, %get3A_1171, %lt3A_1177 : vector<16xi32>
      %add3A_1179 = arith.constant 4096 : i32
      %add3A_1180 = vector.broadcast %add3A_1179 : i32 to vector<16xi32>
      %add3A_1181 = arith.addi %add3A_1180, %add3A_1175 : vector<16xi32>
      %select_n3A_1182 = arith.select %lt3A_1178, %get3A_1171, %add3A_1181 : vector<16xi1>, vector<16xi32>
      %swap3A_1183 = arith.constant 80 : index
      %swap3A_1184 = tpu.vector_load %arg12[%swap3A_1183] {strides = array<i32>} : memref<128xi32, #tpu.memory_space<vmem>>, vector<16xi32>,
      %swap3A_1185 = vector.shape_cast %swap3A_1184 : vector<16xi32> to vector<16xi32>
      %swap3A_1186 = vector.shape_cast %select_n3A_1182 : vector<16xi32> to vector<16xi32>
      tpu.vector_store %arg12[%swap3A_1183], %swap3A_1186 {strides = array<i32>} : memref<128xi32, #tpu.memory_space<vmem>>, vector<16xi32>,
      %swap3A_1187 = arith.constant 848 : index
      %swap3A_1188 = tpu.vector_load %arg5[%swap3A_1187] {strides = array<i32>} : memref<1024xi32, #tpu.memory_space<vmem>>, vector<16xi32>,
      %swap3A_1189 = vector.shape_cast %swap3A_1188 : vector<16xi32> to vector<16xi32>
      %swap3A_1190 = vector.shape_cast %add3A_1175 : vector<16xi32> to vector<16xi32>
      tpu.vector_store %arg5[%swap3A_1187], %swap3A_1190 {strides = array<i32>} : memref<1024xi32, #tpu.memory_space<vmem>>, vector<16xi32>,
      %get3A_1191 = arith.constant 864 : index
      %get3A_1192 = tpu.vector_load %arg4[%get3A_1191] {strides = array<i32>} : memref<1024xi32, #tpu.memory_space<vmem>>, vector<16xi32>,
      %get3A_1193 = vector.shape_cast %get3A_1192 : vector<16xi32> to vector<16xi32>
      %add3A_1194 = arith.constant 864 : i32
      %add3A_1195 = arith.addi %mul3A_7, %add3A_1194 : i32
      %add3A_1196 = vector.broadcast %add3A_1195 : i32 to vector<16xi32>
      %add3A_1197 = arith.addi %add3A_1196, %iota3A : vector<16xi32>
      %lt3A_1198 = arith.constant 4096 : i32
      %lt3A_1199 = vector.broadcast %lt3A_1198 : i32 to vector<16xi32>
      %lt3A_1200 = arith.cmpi slt, %get3A_1193, %lt3A_1199 : vector<16xi32>
      %add3A_1201 = arith.constant 4096 : i32
      %add3A_1202 = vector.broadcast %add3A_1201 : i32 to vector<16xi32>
      %add3A_1203 = arith.addi %add3A_1202, %add3A_1197 : vector<16xi32>
      %select_n3A_1204 = arith.select %lt3A_1200, %get3A_1193, %add3A_1203 : vector<16xi1>, vector<16xi32>
      %swap3A_1205 = arith.constant 96 : index
      %swap3A_1206 = tpu.vector_load %arg12[%swap3A_1205] {strides = array<i32>} : memref<128xi32, #tpu.memory_space<vmem>>, vector<16xi32>,
      %swap3A_1207 = vector.shape_cast %swap3A_1206 : vector<16xi32> to vector<16xi32>
      %swap3A_1208 = vector.shape_cast %select_n3A_1204 : vector<16xi32> to vector<16xi32>
      tpu.vector_store %arg12[%swap3A_1205], %swap3A_1208 {strides = array<i32>} : memref<128xi32, #tpu.memory_space<vmem>>, vector<16xi32>,
      %swap3A_1209 = arith.constant 864 : index
      %swap3A_1210 = tpu.vector_load %arg5[%swap3A_1209] {strides = array<i32>} : memref<1024xi32, #tpu.memory_space<vmem>>, vector<16xi32>,
      %swap3A_1211 = vector.shape_cast %swap3A_1210 : vector<16xi32> to vector<16xi32>
      %swap3A_1212 = vector.shape_cast %add3A_1197 : vector<16xi32> to vector<16xi32>
      tpu.vector_store %arg5[%swap3A_1209], %swap3A_1212 {strides = array<i32>} : memref<1024xi32, #tpu.memory_space<vmem>>, vector<16xi32>,
      %get3A_1213 = arith.constant 880 : index
      %get3A_1214 = tpu.vector_load %arg4[%get3A_1213] {strides = array<i32>} : memref<1024xi32, #tpu.memory_space<vmem>>, vector<16xi32>,
      %get3A_1215 = vector.shape_cast %get3A_1214 : vector<16xi32> to vector<16xi32>
      %add3A_1216 = arith.constant 880 : i32
      %add3A_1217 = arith.addi %mul3A_7, %add3A_1216 : i32
      %add3A_1218 = vector.broadcast %add3A_1217 : i32 to vector<16xi32>
      %add3A_1219 = arith.addi %add3A_1218, %iota3A : vector<16xi32>
      %lt3A_1220 = arith.constant 4096 : i32
      %lt3A_1221 = vector.broadcast %lt3A_1220 : i32 to vector<16xi32>
      %lt3A_1222 = arith.cmpi slt, %get3A_1215, %lt3A_1221 : vector<16xi32>
      %add3A_1223 = arith.constant 4096 : i32
      %add3A_1224 = vector.broadcast %add3A_1223 : i32 to vector<16xi32>
      %add3A_1225 = arith.addi %add3A_1224, %add3A_1219 : vector<16xi32>
      %select_n3A_1226 = arith.select %lt3A_1222, %get3A_1215, %add3A_1225 : vector<16xi1>, vector<16xi32>
      %swap3A_1227 = arith.constant 112 : index
      %swap3A_1228 = tpu.vector_load %arg12[%swap3A_1227] {strides = array<i32>} : memref<128xi32, #tpu.memory_space<vmem>>, vector<16xi32>,
      %swap3A_1229 = vector.shape_cast %swap3A_1228 : vector<16xi32> to vector<16xi32>
      %swap3A_1230 = vector.shape_cast %select_n3A_1226 : vector<16xi32> to vector<16xi32>
      tpu.vector_store %arg12[%swap3A_1227], %swap3A_1230 {strides = array<i32>} : memref<128xi32, #tpu.memory_space<vmem>>, vector<16xi32>,
      %swap3A_1231 = arith.constant 880 : index
      %swap3A_1232 = tpu.vector_load %arg5[%swap3A_1231] {strides = array<i32>} : memref<1024xi32, #tpu.memory_space<vmem>>, vector<16xi32>,
      %swap3A_1233 = vector.shape_cast %swap3A_1232 : vector<16xi32> to vector<16xi32>
      %swap3A_1234 = vector.shape_cast %add3A_1219 : vector<16xi32> to vector<16xi32>
      tpu.vector_store %arg5[%swap3A_1231], %swap3A_1234 {strides = array<i32>} : memref<1024xi32, #tpu.memory_space<vmem>>, vector<16xi32>,
      %get3A_1235 = arith.constant 896 : index
      %get3A_1236 = tpu.vector_load %arg4[%get3A_1235] {strides = array<i32>} : memref<1024xi32, #tpu.memory_space<vmem>>, vector<16xi32>,
      %get3A_1237 = vector.shape_cast %get3A_1236 : vector<16xi32> to vector<16xi32>
      %add3A_1238 = arith.constant 896 : i32
      %add3A_1239 = arith.addi %mul3A_7, %add3A_1238 : i32
      %add3A_1240 = vector.broadcast %add3A_1239 : i32 to vector<16xi32>
      %add3A_1241 = arith.addi %add3A_1240, %iota3A : vector<16xi32>
      %lt3A_1242 = arith.constant 4096 : i32
      %lt3A_1243 = vector.broadcast %lt3A_1242 : i32 to vector<16xi32>
      %lt3A_1244 = arith.cmpi slt, %get3A_1237, %lt3A_1243 : vector<16xi32>
      %add3A_1245 = arith.constant 4096 : i32
      %add3A_1246 = vector.broadcast %add3A_1245 : i32 to vector<16xi32>
      %add3A_1247 = arith.addi %add3A_1246, %add3A_1241 : vector<16xi32>
      %select_n3A_1248 = arith.select %lt3A_1244, %get3A_1237, %add3A_1247 : vector<16xi1>, vector<16xi32>
      %swap3A_1249 = arith.constant 0 : index
      %swap3A_1250 = tpu.vector_load %arg13[%swap3A_1249] {strides = array<i32>} : memref<128xi32, #tpu.memory_space<vmem>>, vector<16xi32>,
      %swap3A_1251 = vector.shape_cast %swap3A_1250 : vector<16xi32> to vector<16xi32>
      %swap3A_1252 = vector.shape_cast %select_n3A_1248 : vector<16xi32> to vector<16xi32>
      tpu.vector_store %arg13[%swap3A_1249], %swap3A_1252 {strides = array<i32>} : memref<128xi32, #tpu.memory_space<vmem>>, vector<16xi32>,
      %swap3A_1253 = arith.constant 896 : index
      %swap3A_1254 = tpu.vector_load %arg5[%swap3A_1253] {strides = array<i32>} : memref<1024xi32, #tpu.memory_space<vmem>>, vector<16xi32>,
      %swap3A_1255 = vector.shape_cast %swap3A_1254 : vector<16xi32> to vector<16xi32>
      %swap3A_1256 = vector.shape_cast %add3A_1241 : vector<16xi32> to vector<16xi32>
      tpu.vector_store %arg5[%swap3A_1253], %swap3A_1256 {strides = array<i32>} : memref<1024xi32, #tpu.memory_space<vmem>>, vector<16xi32>,
      %get3A_1257 = arith.constant 912 : index
      %get3A_1258 = tpu.vector_load %arg4[%get3A_1257] {strides = array<i32>} : memref<1024xi32, #tpu.memory_space<vmem>>, vector<16xi32>,
      %get3A_1259 = vector.shape_cast %get3A_1258 : vector<16xi32> to vector<16xi32>
      %add3A_1260 = arith.constant 912 : i32
      %add3A_1261 = arith.addi %mul3A_7, %add3A_1260 : i32
      %add3A_1262 = vector.broadcast %add3A_1261 : i32 to vector<16xi32>
      %add3A_1263 = arith.addi %add3A_1262, %iota3A : vector<16xi32>
      %lt3A_1264 = arith.constant 4096 : i32
      %lt3A_1265 = vector.broadcast %lt3A_1264 : i32 to vector<16xi32>
      %lt3A_1266 = arith.cmpi slt, %get3A_1259, %lt3A_1265 : vector<16xi32>
      %add3A_1267 = arith.constant 4096 : i32
      %add3A_1268 = vector.broadcast %add3A_1267 : i32 to vector<16xi32>
      %add3A_1269 = arith.addi %add3A_1268, %add3A_1263 : vector<16xi32>
      %select_n3A_1270 = arith.select %lt3A_1266, %get3A_1259, %add3A_1269 : vector<16xi1>, vector<16xi32>
      %swap3A_1271 = arith.constant 16 : index
      %swap3A_1272 = tpu.vector_load %arg13[%swap3A_1271] {strides = array<i32>} : memref<128xi32, #tpu.memory_space<vmem>>, vector<16xi32>,
      %swap3A_1273 = vector.shape_cast %swap3A_1272 : vector<16xi32> to vector<16xi32>
      %swap3A_1274 = vector.shape_cast %select_n3A_1270 : vector<16xi32> to vector<16xi32>
      tpu.vector_store %arg13[%swap3A_1271], %swap3A_1274 {strides = array<i32>} : memref<128xi32, #tpu.memory_space<vmem>>, vector<16xi32>,
      %swap3A_1275 = arith.constant 912 : index
      %swap3A_1276 = tpu.vector_load %arg5[%swap3A_1275] {strides = array<i32>} : memref<1024xi32, #tpu.memory_space<vmem>>, vector<16xi32>,
      %swap3A_1277 = vector.shape_cast %swap3A_1276 : vector<16xi32> to vector<16xi32>
      %swap3A_1278 = vector.shape_cast %add3A_1263 : vector<16xi32> to vector<16xi32>
      tpu.vector_store %arg5[%swap3A_1275], %swap3A_1278 {strides = array<i32>} : memref<1024xi32, #tpu.memory_space<vmem>>, vector<16xi32>,
      %get3A_1279 = arith.constant 928 : index
      %get3A_1280 = tpu.vector_load %arg4[%get3A_1279] {strides = array<i32>} : memref<1024xi32, #tpu.memory_space<vmem>>, vector<16xi32>,
      %get3A_1281 = vector.shape_cast %get3A_1280 : vector<16xi32> to vector<16xi32>
      %add3A_1282 = arith.constant 928 : i32
      %add3A_1283 = arith.addi %mul3A_7, %add3A_1282 : i32
      %add3A_1284 = vector.broadcast %add3A_1283 : i32 to vector<16xi32>
      %add3A_1285 = arith.addi %add3A_1284, %iota3A : vector<16xi32>
      %lt3A_1286 = arith.constant 4096 : i32
      %lt3A_1287 = vector.broadcast %lt3A_1286 : i32 to vector<16xi32>
      %lt3A_1288 = arith.cmpi slt, %get3A_1281, %lt3A_1287 : vector<16xi32>
      %add3A_1289 = arith.constant 4096 : i32
      %add3A_1290 = vector.broadcast %add3A_1289 : i32 to vector<16xi32>
      %add3A_1291 = arith.addi %add3A_1290, %add3A_1285 : vector<16xi32>
      %select_n3A_1292 = arith.select %lt3A_1288, %get3A_1281, %add3A_1291 : vector<16xi1>, vector<16xi32>
      %swap3A_1293 = arith.constant 32 : index
      %swap3A_1294 = tpu.vector_load %arg13[%swap3A_1293] {strides = array<i32>} : memref<128xi32, #tpu.memory_space<vmem>>, vector<16xi32>,
      %swap3A_1295 = vector.shape_cast %swap3A_1294 : vector<16xi32> to vector<16xi32>
      %swap3A_1296 = vector.shape_cast %select_n3A_1292 : vector<16xi32> to vector<16xi32>
      tpu.vector_store %arg13[%swap3A_1293], %swap3A_1296 {strides = array<i32>} : memref<128xi32, #tpu.memory_space<vmem>>, vector<16xi32>,
      %swap3A_1297 = arith.constant 928 : index
      %swap3A_1298 = tpu.vector_load %arg5[%swap3A_1297] {strides = array<i32>} : memref<1024xi32, #tpu.memory_space<vmem>>, vector<16xi32>,
      %swap3A_1299 = vector.shape_cast %swap3A_1298 : vector<16xi32> to vector<16xi32>
      %swap3A_1300 = vector.shape_cast %add3A_1285 : vector<16xi32> to vector<16xi32>
      tpu.vector_store %arg5[%swap3A_1297], %swap3A_1300 {strides = array<i32>} : memref<1024xi32, #tpu.memory_space<vmem>>, vector<16xi32>,
      %get3A_1301 = arith.constant 944 : index
      %get3A_1302 = tpu.vector_load %arg4[%get3A_1301] {strides = array<i32>} : memref<1024xi32, #tpu.memory_space<vmem>>, vector<16xi32>,
      %get3A_1303 = vector.shape_cast %get3A_1302 : vector<16xi32> to vector<16xi32>
      %add3A_1304 = arith.constant 944 : i32
      %add3A_1305 = arith.addi %mul3A_7, %add3A_1304 : i32
      %add3A_1306 = vector.broadcast %add3A_1305 : i32 to vector<16xi32>
      %add3A_1307 = arith.addi %add3A_1306, %iota3A : vector<16xi32>
      %lt3A_1308 = arith.constant 4096 : i32
      %lt3A_1309 = vector.broadcast %lt3A_1308 : i32 to vector<16xi32>
      %lt3A_1310 = arith.cmpi slt, %get3A_1303, %lt3A_1309 : vector<16xi32>
      %add3A_1311 = arith.constant 4096 : i32
      %add3A_1312 = vector.broadcast %add3A_1311 : i32 to vector<16xi32>
      %add3A_1313 = arith.addi %add3A_1312, %add3A_1307 : vector<16xi32>
      %select_n3A_1314 = arith.select %lt3A_1310, %get3A_1303, %add3A_1313 : vector<16xi1>, vector<16xi32>
      %swap3A_1315 = arith.constant 48 : index
      %swap3A_1316 = tpu.vector_load %arg13[%swap3A_1315] {strides = array<i32>} : memref<128xi32, #tpu.memory_space<vmem>>, vector<16xi32>,
      %swap3A_1317 = vector.shape_cast %swap3A_1316 : vector<16xi32> to vector<16xi32>
      %swap3A_1318 = vector.shape_cast %select_n3A_1314 : vector<16xi32> to vector<16xi32>
      tpu.vector_store %arg13[%swap3A_1315], %swap3A_1318 {strides = array<i32>} : memref<128xi32, #tpu.memory_space<vmem>>, vector<16xi32>,
      %swap3A_1319 = arith.constant 944 : index
      %swap3A_1320 = tpu.vector_load %arg5[%swap3A_1319] {strides = array<i32>} : memref<1024xi32, #tpu.memory_space<vmem>>, vector<16xi32>,
      %swap3A_1321 = vector.shape_cast %swap3A_1320 : vector<16xi32> to vector<16xi32>
      %swap3A_1322 = vector.shape_cast %add3A_1307 : vector<16xi32> to vector<16xi32>
      tpu.vector_store %arg5[%swap3A_1319], %swap3A_1322 {strides = array<i32>} : memref<1024xi32, #tpu.memory_space<vmem>>, vector<16xi32>,
      %get3A_1323 = arith.constant 960 : index
      %get3A_1324 = tpu.vector_load %arg4[%get3A_1323] {strides = array<i32>} : memref<1024xi32, #tpu.memory_space<vmem>>, vector<16xi32>,
      %get3A_1325 = vector.shape_cast %get3A_1324 : vector<16xi32> to vector<16xi32>
      %add3A_1326 = arith.constant 960 : i32
      %add3A_1327 = arith.addi %mul3A_7, %add3A_1326 : i32
      %add3A_1328 = vector.broadcast %add3A_1327 : i32 to vector<16xi32>
      %add3A_1329 = arith.addi %add3A_1328, %iota3A : vector<16xi32>
      %lt3A_1330 = arith.constant 4096 : i32
      %lt3A_1331 = vector.broadcast %lt3A_1330 : i32 to vector<16xi32>
      %lt3A_1332 = arith.cmpi slt, %get3A_1325, %lt3A_1331 : vector<16xi32>
      %add3A_1333 = arith.constant 4096 : i32
      %add3A_1334 = vector.broadcast %add3A_1333 : i32 to vector<16xi32>
      %add3A_1335 = arith.addi %add3A_1334, %add3A_1329 : vector<16xi32>
      %select_n3A_1336 = arith.select %lt3A_1332, %get3A_1325, %add3A_1335 : vector<16xi1>, vector<16xi32>
      %swap3A_1337 = arith.constant 64 : index
      %swap3A_1338 = tpu.vector_load %arg13[%swap3A_1337] {strides = array<i32>} : memref<128xi32, #tpu.memory_space<vmem>>, vector<16xi32>,
      %swap3A_1339 = vector.shape_cast %swap3A_1338 : vector<16xi32> to vector<16xi32>
      %swap3A_1340 = vector.shape_cast %select_n3A_1336 : vector<16xi32> to vector<16xi32>
      tpu.vector_store %arg13[%swap3A_1337], %swap3A_1340 {strides = array<i32>} : memref<128xi32, #tpu.memory_space<vmem>>, vector<16xi32>,
      %swap3A_1341 = arith.constant 960 : index
      %swap3A_1342 = tpu.vector_load %arg5[%swap3A_1341] {strides = array<i32>} : memref<1024xi32, #tpu.memory_space<vmem>>, vector<16xi32>,
      %swap3A_1343 = vector.shape_cast %swap3A_1342 : vector<16xi32> to vector<16xi32>
      %swap3A_1344 = vector.shape_cast %add3A_1329 : vector<16xi32> to vector<16xi32>
      tpu.vector_store %arg5[%swap3A_1341], %swap3A_1344 {strides = array<i32>} : memref<1024xi32, #tpu.memory_space<vmem>>, vector<16xi32>,
      %get3A_1345 = arith.constant 976 : index
      %get3A_1346 = tpu.vector_load %arg4[%get3A_1345] {strides = array<i32>} : memref<1024xi32, #tpu.memory_space<vmem>>, vector<16xi32>,
      %get3A_1347 = vector.shape_cast %get3A_1346 : vector<16xi32> to vector<16xi32>
      %add3A_1348 = arith.constant 976 : i32
      %add3A_1349 = arith.addi %mul3A_7, %add3A_1348 : i32
      %add3A_1350 = vector.broadcast %add3A_1349 : i32 to vector<16xi32>
      %add3A_1351 = arith.addi %add3A_1350, %iota3A : vector<16xi32>
      %lt3A_1352 = arith.constant 4096 : i32
      %lt3A_1353 = vector.broadcast %lt3A_1352 : i32 to vector<16xi32>
      %lt3A_1354 = arith.cmpi slt, %get3A_1347, %lt3A_1353 : vector<16xi32>
      %add3A_1355 = arith.constant 4096 : i32
      %add3A_1356 = vector.broadcast %add3A_1355 : i32 to vector<16xi32>
      %add3A_1357 = arith.addi %add3A_1356, %add3A_1351 : vector<16xi32>
      %select_n3A_1358 = arith.select %lt3A_1354, %get3A_1347, %add3A_1357 : vector<16xi1>, vector<16xi32>
      %swap3A_1359 = arith.constant 80 : index
      %swap3A_1360 = tpu.vector_load %arg13[%swap3A_1359] {strides = array<i32>} : memref<128xi32, #tpu.memory_space<vmem>>, vector<16xi32>,
      %swap3A_1361 = vector.shape_cast %swap3A_1360 : vector<16xi32> to vector<16xi32>
      %swap3A_1362 = vector.shape_cast %select_n3A_1358 : vector<16xi32> to vector<16xi32>
      tpu.vector_store %arg13[%swap3A_1359], %swap3A_1362 {strides = array<i32>} : memref<128xi32, #tpu.memory_space<vmem>>, vector<16xi32>,
      %swap3A_1363 = arith.constant 976 : index
      %swap3A_1364 = tpu.vector_load %arg5[%swap3A_1363] {strides = array<i32>} : memref<1024xi32, #tpu.memory_space<vmem>>, vector<16xi32>,
      %swap3A_1365 = vector.shape_cast %swap3A_1364 : vector<16xi32> to vector<16xi32>
      %swap3A_1366 = vector.shape_cast %add3A_1351 : vector<16xi32> to vector<16xi32>
      tpu.vector_store %arg5[%swap3A_1363], %swap3A_1366 {strides = array<i32>} : memref<1024xi32, #tpu.memory_space<vmem>>, vector<16xi32>,
      %get3A_1367 = arith.constant 992 : index
      %get3A_1368 = tpu.vector_load %arg4[%get3A_1367] {strides = array<i32>} : memref<1024xi32, #tpu.memory_space<vmem>>, vector<16xi32>,
      %get3A_1369 = vector.shape_cast %get3A_1368 : vector<16xi32> to vector<16xi32>
      %add3A_1370 = arith.constant 992 : i32
      %add3A_1371 = arith.addi %mul3A_7, %add3A_1370 : i32
      %add3A_1372 = vector.broadcast %add3A_1371 : i32 to vector<16xi32>
      %add3A_1373 = arith.addi %add3A_1372, %iota3A : vector<16xi32>
      %lt3A_1374 = arith.constant 4096 : i32
      %lt3A_1375 = vector.broadcast %lt3A_1374 : i32 to vector<16xi32>
      %lt3A_1376 = arith.cmpi slt, %get3A_1369, %lt3A_1375 : vector<16xi32>
      %add3A_1377 = arith.constant 4096 : i32
      %add3A_1378 = vector.broadcast %add3A_1377 : i32 to vector<16xi32>
      %add3A_1379 = arith.addi %add3A_1378, %add3A_1373 : vector<16xi32>
      %select_n3A_1380 = arith.select %lt3A_1376, %get3A_1369, %add3A_1379 : vector<16xi1>, vector<16xi32>
      %swap3A_1381 = arith.constant 96 : index
      %swap3A_1382 = tpu.vector_load %arg13[%swap3A_1381] {strides = array<i32>} : memref<128xi32, #tpu.memory_space<vmem>>, vector<16xi32>,
      %swap3A_1383 = vector.shape_cast %swap3A_1382 : vector<16xi32> to vector<16xi32>
      %swap3A_1384 = vector.shape_cast %select_n3A_1380 : vector<16xi32> to vector<16xi32>
      tpu.vector_store %arg13[%swap3A_1381], %swap3A_1384 {strides = array<i32>} : memref<128xi32, #tpu.memory_space<vmem>>, vector<16xi32>,
      %swap3A_1385 = arith.constant 992 : index
      %swap3A_1386 = tpu.vector_load %arg5[%swap3A_1385] {strides = array<i32>} : memref<1024xi32, #tpu.memory_space<vmem>>, vector<16xi32>,
      %swap3A_1387 = vector.shape_cast %swap3A_1386 : vector<16xi32> to vector<16xi32>
      %swap3A_1388 = vector.shape_cast %add3A_1373 : vector<16xi32> to vector<16xi32>
      tpu.vector_store %arg5[%swap3A_1385], %swap3A_1388 {strides = array<i32>} : memref<1024xi32, #tpu.memory_space<vmem>>, vector<16xi32>,
      %get3A_1389 = arith.constant 1008 : index
      %get3A_1390 = tpu.vector_load %arg4[%get3A_1389] {strides = array<i32>} : memref<1024xi32, #tpu.memory_space<vmem>>, vector<16xi32>,
      %get3A_1391 = vector.shape_cast %get3A_1390 : vector<16xi32> to vector<16xi32>
      %add3A_1392 = arith.constant 1008 : i32
      %add3A_1393 = arith.addi %mul3A_7, %add3A_1392 : i32
      %add3A_1394 = vector.broadcast %add3A_1393 : i32 to vector<16xi32>
      %add3A_1395 = arith.addi %add3A_1394, %iota3A : vector<16xi32>
      %lt3A_1396 = arith.constant 4096 : i32
      %lt3A_1397 = vector.broadcast %lt3A_1396 : i32 to vector<16xi32>
      %lt3A_1398 = arith.cmpi slt, %get3A_1391, %lt3A_1397 : vector<16xi32>
      %add3A_1399 = arith.constant 4096 : i32
      %add3A_1400 = vector.broadcast %add3A_1399 : i32 to vector<16xi32>
      %add3A_1401 = arith.addi %add3A_1400, %add3A_1395 : vector<16xi32>
      %select_n3A_1402 = arith.select %lt3A_1398, %get3A_1391, %add3A_1401 : vector<16xi1>, vector<16xi32>
      %swap3A_1403 = arith.constant 112 : index
      %swap3A_1404 = tpu.vector_load %arg13[%swap3A_1403] {strides = array<i32>} : memref<128xi32, #tpu.memory_space<vmem>>, vector<16xi32>,
      %swap3A_1405 = vector.shape_cast %swap3A_1404 : vector<16xi32> to vector<16xi32>
      %swap3A_1406 = vector.shape_cast %select_n3A_1402 : vector<16xi32> to vector<16xi32>
      tpu.vector_store %arg13[%swap3A_1403], %swap3A_1406 {strides = array<i32>} : memref<128xi32, #tpu.memory_space<vmem>>, vector<16xi32>,
      %swap3A_1407 = arith.constant 1008 : index
      %swap3A_1408 = tpu.vector_load %arg5[%swap3A_1407] {strides = array<i32>} : memref<1024xi32, #tpu.memory_space<vmem>>, vector<16xi32>,
      %swap3A_1409 = vector.shape_cast %swap3A_1408 : vector<16xi32> to vector<16xi32>
      %swap3A_1410 = vector.shape_cast %add3A_1395 : vector<16xi32> to vector<16xi32>
      tpu.vector_store %arg5[%swap3A_1407], %swap3A_1410 {strides = array<i32>} : memref<1024xi32, #tpu.memory_space<vmem>>, vector<16xi32>,
      %dma_start3A = arith.constant 0 : i32
      %dma_start3A_1411 = tpu.memref_slice %arg5[%dma_start3A] : memref<1024xi32, #tpu.memory_space<vmem>> -> memref<128xi32, #tpu.memory_space<vmem>>
      %dma_start3A_1412 = arith.constant 0 : i32
      %dma_start3A_1413 = tpu.memref_slice %arg14[%dma_start3A_1412] : memref<20480xi32, #tpu.memory_space<vmem_shared>> -> memref<20480xi32, #tpu.memory_space<vmem_shared>>
      tpu.enqueue_indirect_dma source(%dma_start3A_1411 : memref<128xi32, #tpu.memory_space<vmem>>) target(%dma_start3A_1413 : memref<20480xi32, #tpu.memory_space<vmem_shared>>) offsets(%arg6 : memref<128xi32, #tpu.memory_space<vmem>>) semaphore(%arg15 : memref<!tpu.dma_semaphore, #tpu.memory_space<semaphore_mem>>)
      %dma_start3A_1414 = arith.constant 128 : i32
      %dma_start3A_1415 = tpu.memref_slice %arg5[%dma_start3A_1414] : memref<1024xi32, #tpu.memory_space<vmem>> -> memref<128xi32, #tpu.memory_space<vmem>>
      %dma_start3A_1416 = arith.constant 0 : i32
      %dma_start3A_1417 = tpu.memref_slice %arg14[%dma_start3A_1416] : memref<20480xi32, #tpu.memory_space<vmem_shared>> -> memref<20480xi32, #tpu.memory_space<vmem_shared>>
      tpu.enqueue_indirect_dma source(%dma_start3A_1415 : memref<128xi32, #tpu.memory_space<vmem>>) target(%dma_start3A_1417 : memref<20480xi32, #tpu.memory_space<vmem_shared>>) offsets(%arg7 : memref<128xi32, #tpu.memory_space<vmem>>) semaphore(%arg15 : memref<!tpu.dma_semaphore, #tpu.memory_space<semaphore_mem>>)
      %dma_start3A_1418 = arith.constant 256 : i32
      %dma_start3A_1419 = tpu.memref_slice %arg5[%dma_start3A_1418] : memref<1024xi32, #tpu.memory_space<vmem>> -> memref<128xi32, #tpu.memory_space<vmem>>
      %dma_start3A_1420 = arith.constant 0 : i32
      %dma_start3A_1421 = tpu.memref_slice %arg14[%dma_start3A_1420] : memref<20480xi32, #tpu.memory_space<vmem_shared>> -> memref<20480xi32, #tpu.memory_space<vmem_shared>>
      tpu.enqueue_indirect_dma source(%dma_start3A_1419 : memref<128xi32, #tpu.memory_space<vmem>>) target(%dma_start3A_1421 : memref<20480xi32, #tpu.memory_space<vmem_shared>>) offsets(%arg8 : memref<128xi32, #tpu.memory_space<vmem>>) semaphore(%arg15 : memref<!tpu.dma_semaphore, #tpu.memory_space<semaphore_mem>>)
      %dma_start3A_1422 = arith.constant 384 : i32
      %dma_start3A_1423 = tpu.memref_slice %arg5[%dma_start3A_1422] : memref<1024xi32, #tpu.memory_space<vmem>> -> memref<128xi32, #tpu.memory_space<vmem>>
      %dma_start3A_1424 = arith.constant 0 : i32
      %dma_start3A_1425 = tpu.memref_slice %arg14[%dma_start3A_1424] : memref<20480xi32, #tpu.memory_space<vmem_shared>> -> memref<20480xi32, #tpu.memory_space<vmem_shared>>
      tpu.enqueue_indirect_dma source(%dma_start3A_1423 : memref<128xi32, #tpu.memory_space<vmem>>) target(%dma_start3A_1425 : memref<20480xi32, #tpu.memory_space<vmem_shared>>) offsets(%arg9 : memref<128xi32, #tpu.memory_space<vmem>>) semaphore(%arg15 : memref<!tpu.dma_semaphore, #tpu.memory_space<semaphore_mem>>)
      %dma_start3A_1426 = arith.constant 512 : i32
      %dma_start3A_1427 = tpu.memref_slice %arg5[%dma_start3A_1426] : memref<1024xi32, #tpu.memory_space<vmem>> -> memref<128xi32, #tpu.memory_space<vmem>>
      %dma_start3A_1428 = arith.constant 0 : i32
      %dma_start3A_1429 = tpu.memref_slice %arg14[%dma_start3A_1428] : memref<20480xi32, #tpu.memory_space<vmem_shared>> -> memref<20480xi32, #tpu.memory_space<vmem_shared>>
      tpu.enqueue_indirect_dma source(%dma_start3A_1427 : memref<128xi32, #tpu.memory_space<vmem>>) target(%dma_start3A_1429 : memref<20480xi32, #tpu.memory_space<vmem_shared>>) offsets(%arg10 : memref<128xi32, #tpu.memory_space<vmem>>) semaphore(%arg15 : memref<!tpu.dma_semaphore, #tpu.memory_space<semaphore_mem>>)
      %dma_start3A_1430 = arith.constant 640 : i32
      %dma_start3A_1431 = tpu.memref_slice %arg5[%dma_start3A_1430] : memref<1024xi32, #tpu.memory_space<vmem>> -> memref<128xi32, #tpu.memory_space<vmem>>
      %dma_start3A_1432 = arith.constant 0 : i32
      %dma_start3A_1433 = tpu.memref_slice %arg14[%dma_start3A_1432] : memref<20480xi32, #tpu.memory_space<vmem_shared>> -> memref<20480xi32, #tpu.memory_space<vmem_shared>>
      tpu.enqueue_indirect_dma source(%dma_start3A_1431 : memref<128xi32, #tpu.memory_space<vmem>>) target(%dma_start3A_1433 : memref<20480xi32, #tpu.memory_space<vmem_shared>>) offsets(%arg11 : memref<128xi32, #tpu.memory_space<vmem>>) semaphore(%arg15 : memref<!tpu.dma_semaphore, #tpu.memory_space<semaphore_mem>>)
      %dma_start3A_1434 = arith.constant 768 : i32
      %dma_start3A_1435 = tpu.memref_slice %arg5[%dma_start3A_1434] : memref<1024xi32, #tpu.memory_space<vmem>> -> memref<128xi32, #tpu.memory_space<vmem>>
      %dma_start3A_1436 = arith.constant 0 : i32
      %dma_start3A_1437 = tpu.memref_slice %arg14[%dma_start3A_1436] : memref<20480xi32, #tpu.memory_space<vmem_shared>> -> memref<20480xi32, #tpu.memory_space<vmem_shared>>
      tpu.enqueue_indirect_dma source(%dma_start3A_1435 : memref<128xi32, #tpu.memory_space<vmem>>) target(%dma_start3A_1437 : memref<20480xi32, #tpu.memory_space<vmem_shared>>) offsets(%arg12 : memref<128xi32, #tpu.memory_space<vmem>>) semaphore(%arg15 : memref<!tpu.dma_semaphore, #tpu.memory_space<semaphore_mem>>)
      %dma_start3A_1438 = arith.constant 896 : i32
      %dma_start3A_1439 = tpu.memref_slice %arg5[%dma_start3A_1438] : memref<1024xi32, #tpu.memory_space<vmem>> -> memref<128xi32, #tpu.memory_space<vmem>>
      %dma_start3A_1440 = arith.constant 0 : i32
      %dma_start3A_1441 = tpu.memref_slice %arg14[%dma_start3A_1440] : memref<20480xi32, #tpu.memory_space<vmem_shared>> -> memref<20480xi32, #tpu.memory_space<vmem_shared>>
      tpu.enqueue_indirect_dma source(%dma_start3A_1439 : memref<128xi32, #tpu.memory_space<vmem>>) target(%dma_start3A_1441 : memref<20480xi32, #tpu.memory_space<vmem_shared>>) offsets(%arg13 : memref<128xi32, #tpu.memory_space<vmem>>) semaphore(%arg15 : memref<!tpu.dma_semaphore, #tpu.memory_space<semaphore_mem>>)
      %dma_wait3A = arith.constant 0 : i32
      %dma_wait3A_1442 = tpu.memref_slice %arg5[%dma_wait3A] : memref<1024xi32, #tpu.memory_space<vmem>> -> memref<128xi32, #tpu.memory_space<vmem>>
      %dma_wait3A_1443 = arith.constant 0 : i32
      %dma_wait3A_1444 = tpu.memref_slice %arg14[%dma_wait3A_1443] : memref<20480xi32, #tpu.memory_space<vmem_shared>> -> memref<20480xi32, #tpu.memory_space<vmem_shared>>
      tpu.wait_indirect_dma semaphore(%arg15 : memref<!tpu.dma_semaphore, #tpu.memory_space<semaphore_mem>>) src(%dma_wait3A_1442 : memref<128xi32, #tpu.memory_space<vmem>>) dst(%dma_wait3A_1444 : memref<20480xi32, #tpu.memory_space<vmem_shared>>)
      %dma_wait3A_1445 = arith.constant 128 : i32
      %dma_wait3A_1446 = tpu.memref_slice %arg5[%dma_wait3A_1445] : memref<1024xi32, #tpu.memory_space<vmem>> -> memref<128xi32, #tpu.memory_space<vmem>>
      %dma_wait3A_1447 = arith.constant 0 : i32
      %dma_wait3A_1448 = tpu.memref_slice %arg14[%dma_wait3A_1447] : memref<20480xi32, #tpu.memory_space<vmem_shared>> -> memref<20480xi32, #tpu.memory_space<vmem_shared>>
      tpu.wait_indirect_dma semaphore(%arg15 : memref<!tpu.dma_semaphore, #tpu.memory_space<semaphore_mem>>) src(%dma_wait3A_1446 : memref<128xi32, #tpu.memory_space<vmem>>) dst(%dma_wait3A_1448 : memref<20480xi32, #tpu.memory_space<vmem_shared>>)
      %dma_wait3A_1449 = arith.constant 256 : i32
      %dma_wait3A_1450 = tpu.memref_slice %arg5[%dma_wait3A_1449] : memref<1024xi32, #tpu.memory_space<vmem>> -> memref<128xi32, #tpu.memory_space<vmem>>
      %dma_wait3A_1451 = arith.constant 0 : i32
      %dma_wait3A_1452 = tpu.memref_slice %arg14[%dma_wait3A_1451] : memref<20480xi32, #tpu.memory_space<vmem_shared>> -> memref<20480xi32, #tpu.memory_space<vmem_shared>>
      tpu.wait_indirect_dma semaphore(%arg15 : memref<!tpu.dma_semaphore, #tpu.memory_space<semaphore_mem>>) src(%dma_wait3A_1450 : memref<128xi32, #tpu.memory_space<vmem>>) dst(%dma_wait3A_1452 : memref<20480xi32, #tpu.memory_space<vmem_shared>>)
      %dma_wait3A_1453 = arith.constant 384 : i32
      %dma_wait3A_1454 = tpu.memref_slice %arg5[%dma_wait3A_1453] : memref<1024xi32, #tpu.memory_space<vmem>> -> memref<128xi32, #tpu.memory_space<vmem>>
      %dma_wait3A_1455 = arith.constant 0 : i32
      %dma_wait3A_1456 = tpu.memref_slice %arg14[%dma_wait3A_1455] : memref<20480xi32, #tpu.memory_space<vmem_shared>> -> memref<20480xi32, #tpu.memory_space<vmem_shared>>
      tpu.wait_indirect_dma semaphore(%arg15 : memref<!tpu.dma_semaphore, #tpu.memory_space<semaphore_mem>>) src(%dma_wait3A_1454 : memref<128xi32, #tpu.memory_space<vmem>>) dst(%dma_wait3A_1456 : memref<20480xi32, #tpu.memory_space<vmem_shared>>)
      %dma_wait3A_1457 = arith.constant 512 : i32
      %dma_wait3A_1458 = tpu.memref_slice %arg5[%dma_wait3A_1457] : memref<1024xi32, #tpu.memory_space<vmem>> -> memref<128xi32, #tpu.memory_space<vmem>>
      %dma_wait3A_1459 = arith.constant 0 : i32
      %dma_wait3A_1460 = tpu.memref_slice %arg14[%dma_wait3A_1459] : memref<20480xi32, #tpu.memory_space<vmem_shared>> -> memref<20480xi32, #tpu.memory_space<vmem_shared>>
      tpu.wait_indirect_dma semaphore(%arg15 : memref<!tpu.dma_semaphore, #tpu.memory_space<semaphore_mem>>) src(%dma_wait3A_1458 : memref<128xi32, #tpu.memory_space<vmem>>) dst(%dma_wait3A_1460 : memref<20480xi32, #tpu.memory_space<vmem_shared>>)
      %dma_wait3A_1461 = arith.constant 640 : i32
      %dma_wait3A_1462 = tpu.memref_slice %arg5[%dma_wait3A_1461] : memref<1024xi32, #tpu.memory_space<vmem>> -> memref<128xi32, #tpu.memory_space<vmem>>
      %dma_wait3A_1463 = arith.constant 0 : i32
      %dma_wait3A_1464 = tpu.memref_slice %arg14[%dma_wait3A_1463] : memref<20480xi32, #tpu.memory_space<vmem_shared>> -> memref<20480xi32, #tpu.memory_space<vmem_shared>>
      tpu.wait_indirect_dma semaphore(%arg15 : memref<!tpu.dma_semaphore, #tpu.memory_space<semaphore_mem>>) src(%dma_wait3A_1462 : memref<128xi32, #tpu.memory_space<vmem>>) dst(%dma_wait3A_1464 : memref<20480xi32, #tpu.memory_space<vmem_shared>>)
      %dma_wait3A_1465 = arith.constant 768 : i32
      %dma_wait3A_1466 = tpu.memref_slice %arg5[%dma_wait3A_1465] : memref<1024xi32, #tpu.memory_space<vmem>> -> memref<128xi32, #tpu.memory_space<vmem>>
      %dma_wait3A_1467 = arith.constant 0 : i32
      %dma_wait3A_1468 = tpu.memref_slice %arg14[%dma_wait3A_1467] : memref<20480xi32, #tpu.memory_space<vmem_shared>> -> memref<20480xi32, #tpu.memory_space<vmem_shared>>
      tpu.wait_indirect_dma semaphore(%arg15 : memref<!tpu.dma_semaphore, #tpu.memory_space<semaphore_mem>>) src(%dma_wait3A_1466 : memref<128xi32, #tpu.memory_space<vmem>>) dst(%dma_wait3A_1468 : memref<20480xi32, #tpu.memory_space<vmem_shared>>)
      %dma_wait3A_1469 = arith.constant 896 : i32
      %dma_wait3A_1470 = tpu.memref_slice %arg5[%dma_wait3A_1469] : memref<1024xi32, #tpu.memory_space<vmem>> -> memref<128xi32, #tpu.memory_space<vmem>>
      %dma_wait3A_1471 = arith.constant 0 : i32
      %dma_wait3A_1472 = tpu.memref_slice %arg14[%dma_wait3A_1471] : memref<20480xi32, #tpu.memory_space<vmem_shared>> -> memref<20480xi32, #tpu.memory_space<vmem_shared>>
      tpu.wait_indirect_dma semaphore(%arg15 : memref<!tpu.dma_semaphore, #tpu.memory_space<semaphore_mem>>) src(%dma_wait3A_1470 : memref<128xi32, #tpu.memory_space<vmem>>) dst(%dma_wait3A_1472 : memref<20480xi32, #tpu.memory_space<vmem_shared>>)
    } else {
    }
    %barrier3A = arith.constant 0 : index
    tpu.barrier barrier_id(%barrier3A)
    %eq3A_2 = arith.constant 0 : i32
    %eq3A_3 = arith.cmpi eq, %arg0, %eq3A_2 : i32
    %convert_element_type3A_4 = arith.extui %eq3A_3 : i1 to i32
    %cond3A_5 = arith.constant 0 : i32
    %cond3A_6 = arith.cmpi ne, %convert_element_type3A_4, %cond3A_5 : i32
    scf.if %cond3A_6 {
      %mul3A = arith.constant 256 : i32
      %mul3A_7 = arith.muli %arg1, %mul3A : i32
      %mul3A_8 = arith.constant 256 : i32
      %mul3A_9 = arith.muli %arg1, %mul3A_8 : i32
      "tpu.region"() ({
        %run_scoped3A = tpu.sem_alloc : memref<!tpu.dma_semaphore, #tpu.memory_space<semaphore_mem>>
        %dma_start3A = tpu.memref_slice %arg3[%mul3A_9] : memref<4096xi32, #tpu.memory_space<hbm>> -> memref<256xi32, #tpu.memory_space<hbm>>
        %dma_start3A_10 = tpu.memref_slice %arg14[%mul3A_7] : memref<20480xi32, #tpu.memory_space<vmem_shared>> -> memref<256xi32, #tpu.memory_space<vmem_shared>>
        tpu.enqueue_dma source(%dma_start3A_10 : memref<256xi32, #tpu.memory_space<vmem_shared>>) target(%dma_start3A : memref<256xi32, #tpu.memory_space<hbm>>) target_semaphore(%run_scoped3A : memref<!tpu.dma_semaphore, #tpu.memory_space<semaphore_mem>>)
        %dma_wait3A = tpu.memref_slice %arg3[%mul3A_9] : memref<4096xi32, #tpu.memory_space<hbm>> -> memref<256xi32, #tpu.memory_space<hbm>>
        %dma_wait3A_11 = tpu.memref_slice %arg14[%mul3A_7] : memref<20480xi32, #tpu.memory_space<vmem_shared>> -> memref<256xi32, #tpu.memory_space<vmem_shared>>
        tpu.wait_dma2 semaphore(%run_scoped3A : memref<!tpu.dma_semaphore, #tpu.memory_space<semaphore_mem>>) src(%dma_wait3A_11 : memref<256xi32, #tpu.memory_space<vmem_shared>>) dst(%dma_wait3A : memref<256xi32, #tpu.memory_space<hbm>>)
        tpu.yield
      }) : () -> ()
    } else {
    }
    return
  }
}

#map = affine_map<(d0, d1) -> (0, 0)>
#map1 = affine_map<(d0, d1) -> (0)>
module attributes {stable_mosaic.version = 14 : i64} {
  func.func @_sc_gather_body(%arg0: i32, %arg1: i32, %arg2: memref<16384x4096xf32, #tpu.memory_space<hbm>>, %arg3: memref<4096xi32, #tpu.memory_space<hbm>>, %arg4: memref<16384xi32, #tpu.memory_space<hbm>>, %arg5: memref<16384xi32, #tpu.memory_space<hbm>>, %arg6: memref<4096x4096xf32, #tpu.memory_space<hbm>>, %arg7: memref<4096xi32, #tpu.memory_space<hbm>>, %arg8: memref<4096xi32, #tpu.memory_space<hbm>>, %arg9: memref<128xi32, #tpu.memory_space<vmem>>, %arg10: memref<128xi32, #tpu.memory_space<vmem>>, %arg11: memref<128xi32, #tpu.memory_space<vmem>>, %arg12: memref<8x4096xf32, #tpu.memory_space<vmem>>, %arg13: memref<8x4096xf32, #tpu.memory_space<vmem>>, %arg14: memref<!tpu.dma_semaphore, #tpu.memory_space<semaphore_mem>>, %arg15: memref<!tpu.dma_semaphore, #tpu.memory_space<semaphore_mem>>) attributes {dimension_semantics = [#tpu.dimension_semantics<core_parallel>, #tpu.dimension_semantics<subcore_parallel>], iteration_bounds = array<i64: 2, 16>, scalar_prefetch = 0 : i64, scratch_operands = 7 : i64, tpu.core_type = #tpu.core_type<sc_vector_subcore>, window_params = [{transform_indices = #map}, {transform_indices = #map1}, {transform_indices = #map1}, {transform_indices = #map1}, {transform_indices = #map}, {transform_indices = #map1}, {transform_indices = #map1}]} {
    %mul3A = arith.constant 2 : i32
    %mul3A_0 = arith.muli %arg1, %mul3A : i32
    %add3A = arith.addi %mul3A_0, %arg0 : i32
    %mul3A_1 = arith.constant 128 : i32
    %mul3A_2 = arith.muli %add3A, %mul3A_1 : i32
    "tpu.region"() ({
      %run_scoped3A = tpu.sem_alloc : memref<!tpu.dma_semaphore, #tpu.memory_space<semaphore_mem>>
      %dma_start3A_329 = tpu.memref_slice %arg3[%mul3A_2] : memref<4096xi32, #tpu.memory_space<hbm>> -> memref<128xi32, #tpu.memory_space<hbm>>
      %dma_start3A_330 = tpu.memref_slice %arg3[%mul3A_2] : memref<4096xi32, #tpu.memory_space<hbm>> -> memref<128xi32, #tpu.memory_space<hbm>>
      tpu.enqueue_dma source(%dma_start3A_330 : memref<128xi32, #tpu.memory_space<hbm>>) target(%arg9 : memref<128xi32, #tpu.memory_space<vmem>>) target_semaphore(%run_scoped3A : memref<!tpu.dma_semaphore, #tpu.memory_space<semaphore_mem>>)
      %dma_wait3A_331 = tpu.memref_slice %arg3[%mul3A_2] : memref<4096xi32, #tpu.memory_space<hbm>> -> memref<128xi32, #tpu.memory_space<hbm>>
      %dma_wait3A_332 = tpu.memref_slice %arg3[%mul3A_2] : memref<4096xi32, #tpu.memory_space<hbm>> -> memref<128xi32, #tpu.memory_space<hbm>>
      tpu.wait_dma2 semaphore(%run_scoped3A : memref<!tpu.dma_semaphore, #tpu.memory_space<semaphore_mem>>) src(%dma_wait3A_332 : memref<128xi32, #tpu.memory_space<hbm>>) dst(%arg9 : memref<128xi32, #tpu.memory_space<vmem>>)
      tpu.yield
    }) : () -> ()
    %dma_start3A = arith.constant 0 : i32
    %dma_start3A_3 = tpu.memref_slice %arg4[%dma_start3A] : memref<16384xi32, #tpu.memory_space<hbm>> -> memref<16384xi32, #tpu.memory_space<hbm>>
    tpu.enqueue_indirect_dma source(%dma_start3A_3 : memref<16384xi32, #tpu.memory_space<hbm>>) target(%arg10 : memref<128xi32, #tpu.memory_space<vmem>>) offsets(%arg9 : memref<128xi32, #tpu.memory_space<vmem>>) semaphore(%arg14 : memref<!tpu.dma_semaphore, #tpu.memory_space<semaphore_mem>>)
    %dma_start3A_4 = arith.constant 0 : i32
    %dma_start3A_5 = tpu.memref_slice %arg5[%dma_start3A_4] : memref<16384xi32, #tpu.memory_space<hbm>> -> memref<16384xi32, #tpu.memory_space<hbm>>
    tpu.enqueue_indirect_dma source(%dma_start3A_5 : memref<16384xi32, #tpu.memory_space<hbm>>) target(%arg11 : memref<128xi32, #tpu.memory_space<vmem>>) offsets(%arg9 : memref<128xi32, #tpu.memory_space<vmem>>) semaphore(%arg14 : memref<!tpu.dma_semaphore, #tpu.memory_space<semaphore_mem>>)
    %dma_start3A_6 = arith.constant 0 : i32
    %dma_start3A_7 = tpu.memref_slice %arg9[%dma_start3A_6] : memref<128xi32, #tpu.memory_space<vmem>> -> memref<8xi32, #tpu.memory_space<vmem>>
    %dma_start3A_8 = arith.constant 0 : i32
    %dma_start3A_9 = arith.constant 0 : i32
    %dma_start3A_10 = tpu.memref_slice %arg2[%dma_start3A_8, %dma_start3A_9] : memref<16384x4096xf32, #tpu.memory_space<hbm>> -> memref<16384x4096xf32, #tpu.memory_space<hbm>>
    tpu.enqueue_indirect_dma source(%dma_start3A_10 : memref<16384x4096xf32, #tpu.memory_space<hbm>>) target(%arg12 : memref<8x4096xf32, #tpu.memory_space<vmem>>) offsets(%dma_start3A_7 : memref<8xi32, #tpu.memory_space<vmem>>) semaphore(%arg14 : memref<!tpu.dma_semaphore, #tpu.memory_space<semaphore_mem>>)
    %dma_start3A_11 = arith.constant 8 : i32
    %dma_start3A_12 = tpu.memref_slice %arg9[%dma_start3A_11] : memref<128xi32, #tpu.memory_space<vmem>> -> memref<8xi32, #tpu.memory_space<vmem>>
    %dma_start3A_13 = arith.constant 0 : i32
    %dma_start3A_14 = arith.constant 0 : i32
    %dma_start3A_15 = tpu.memref_slice %arg2[%dma_start3A_13, %dma_start3A_14] : memref<16384x4096xf32, #tpu.memory_space<hbm>> -> memref<16384x4096xf32, #tpu.memory_space<hbm>>
    tpu.enqueue_indirect_dma source(%dma_start3A_15 : memref<16384x4096xf32, #tpu.memory_space<hbm>>) target(%arg13 : memref<8x4096xf32, #tpu.memory_space<vmem>>) offsets(%dma_start3A_12 : memref<8xi32, #tpu.memory_space<vmem>>) semaphore(%arg14 : memref<!tpu.dma_semaphore, #tpu.memory_space<semaphore_mem>>)
    %dma_wait3A = arith.constant 0 : i32
    %dma_wait3A_16 = tpu.memref_slice %arg9[%dma_wait3A] : memref<128xi32, #tpu.memory_space<vmem>> -> memref<8xi32, #tpu.memory_space<vmem>>
    %dma_wait3A_17 = arith.constant 0 : i32
    %dma_wait3A_18 = arith.constant 0 : i32
    %dma_wait3A_19 = tpu.memref_slice %arg2[%dma_wait3A_17, %dma_wait3A_18] : memref<16384x4096xf32, #tpu.memory_space<hbm>> -> memref<16384x4096xf32, #tpu.memory_space<hbm>>
    tpu.wait_indirect_dma semaphore(%arg14 : memref<!tpu.dma_semaphore, #tpu.memory_space<semaphore_mem>>) src(%dma_wait3A_19 : memref<16384x4096xf32, #tpu.memory_space<hbm>>) dst(%arg12 : memref<8x4096xf32, #tpu.memory_space<vmem>>)
    %add3A_20 = arith.constant 0 : i32
    %add3A_21 = arith.addi %mul3A_2, %add3A_20 : i32
    %dma_start3A_22 = arith.constant 0 : i32
    %dma_start3A_23 = tpu.memref_slice %arg6[%add3A_21, %dma_start3A_22] : memref<4096x4096xf32, #tpu.memory_space<hbm>> -> memref<8x4096xf32, #tpu.memory_space<hbm>>
    %dma_start3A_24 = arith.constant 0 : i32
    %dma_start3A_25 = tpu.memref_slice %arg6[%add3A_21, %dma_start3A_24] : memref<4096x4096xf32, #tpu.memory_space<hbm>> -> memref<8x4096xf32, #tpu.memory_space<hbm>>
    tpu.enqueue_dma source(%arg12 : memref<8x4096xf32, #tpu.memory_space<vmem>>) target(%dma_start3A_25 : memref<8x4096xf32, #tpu.memory_space<hbm>>) target_semaphore(%arg15 : memref<!tpu.dma_semaphore, #tpu.memory_space<semaphore_mem>>)
    %dma_wait3A_26 = arith.constant 0 : i32
    %dma_wait3A_27 = tpu.memref_slice %arg6[%add3A_21, %dma_wait3A_26] : memref<4096x4096xf32, #tpu.memory_space<hbm>> -> memref<8x4096xf32, #tpu.memory_space<hbm>>
    %dma_wait3A_28 = arith.constant 0 : i32
    %dma_wait3A_29 = tpu.memref_slice %arg6[%add3A_21, %dma_wait3A_28] : memref<4096x4096xf32, #tpu.memory_space<hbm>> -> memref<8x4096xf32, #tpu.memory_space<hbm>>
    tpu.wait_dma2 semaphore(%arg15 : memref<!tpu.dma_semaphore, #tpu.memory_space<semaphore_mem>>) src(%arg12 : memref<8x4096xf32, #tpu.memory_space<vmem>>) dst(%dma_wait3A_29 : memref<8x4096xf32, #tpu.memory_space<hbm>>)
    %dma_start3A_30 = arith.constant 16 : i32
    %dma_start3A_31 = tpu.memref_slice %arg9[%dma_start3A_30] : memref<128xi32, #tpu.memory_space<vmem>> -> memref<8xi32, #tpu.memory_space<vmem>>
    %dma_start3A_32 = arith.constant 0 : i32
    %dma_start3A_33 = arith.constant 0 : i32
    %dma_start3A_34 = tpu.memref_slice %arg2[%dma_start3A_32, %dma_start3A_33] : memref<16384x4096xf32, #tpu.memory_space<hbm>> -> memref<16384x4096xf32, #tpu.memory_space<hbm>>
    tpu.enqueue_indirect_dma source(%dma_start3A_34 : memref<16384x4096xf32, #tpu.memory_space<hbm>>) target(%arg12 : memref<8x4096xf32, #tpu.memory_space<vmem>>) offsets(%dma_start3A_31 : memref<8xi32, #tpu.memory_space<vmem>>) semaphore(%arg14 : memref<!tpu.dma_semaphore, #tpu.memory_space<semaphore_mem>>)
    %dma_wait3A_35 = arith.constant 8 : i32
    %dma_wait3A_36 = tpu.memref_slice %arg9[%dma_wait3A_35] : memref<128xi32, #tpu.memory_space<vmem>> -> memref<8xi32, #tpu.memory_space<vmem>>
    %dma_wait3A_37 = arith.constant 0 : i32
    %dma_wait3A_38 = arith.constant 0 : i32
    %dma_wait3A_39 = tpu.memref_slice %arg2[%dma_wait3A_37, %dma_wait3A_38] : memref<16384x4096xf32, #tpu.memory_space<hbm>> -> memref<16384x4096xf32, #tpu.memory_space<hbm>>
    tpu.wait_indirect_dma semaphore(%arg14 : memref<!tpu.dma_semaphore, #tpu.memory_space<semaphore_mem>>) src(%dma_wait3A_39 : memref<16384x4096xf32, #tpu.memory_space<hbm>>) dst(%arg13 : memref<8x4096xf32, #tpu.memory_space<vmem>>)
    %add3A_40 = arith.constant 8 : i32
    %add3A_41 = arith.addi %mul3A_2, %add3A_40 : i32
    %dma_start3A_42 = arith.constant 0 : i32
    %dma_start3A_43 = tpu.memref_slice %arg6[%add3A_41, %dma_start3A_42] : memref<4096x4096xf32, #tpu.memory_space<hbm>> -> memref<8x4096xf32, #tpu.memory_space<hbm>>
    %dma_start3A_44 = arith.constant 0 : i32
    %dma_start3A_45 = tpu.memref_slice %arg6[%add3A_41, %dma_start3A_44] : memref<4096x4096xf32, #tpu.memory_space<hbm>> -> memref<8x4096xf32, #tpu.memory_space<hbm>>
    tpu.enqueue_dma source(%arg13 : memref<8x4096xf32, #tpu.memory_space<vmem>>) target(%dma_start3A_45 : memref<8x4096xf32, #tpu.memory_space<hbm>>) target_semaphore(%arg15 : memref<!tpu.dma_semaphore, #tpu.memory_space<semaphore_mem>>)
    %dma_wait3A_46 = arith.constant 0 : i32
    %dma_wait3A_47 = tpu.memref_slice %arg6[%add3A_41, %dma_wait3A_46] : memref<4096x4096xf32, #tpu.memory_space<hbm>> -> memref<8x4096xf32, #tpu.memory_space<hbm>>
    %dma_wait3A_48 = arith.constant 0 : i32
    %dma_wait3A_49 = tpu.memref_slice %arg6[%add3A_41, %dma_wait3A_48] : memref<4096x4096xf32, #tpu.memory_space<hbm>> -> memref<8x4096xf32, #tpu.memory_space<hbm>>
    tpu.wait_dma2 semaphore(%arg15 : memref<!tpu.dma_semaphore, #tpu.memory_space<semaphore_mem>>) src(%arg13 : memref<8x4096xf32, #tpu.memory_space<vmem>>) dst(%dma_wait3A_49 : memref<8x4096xf32, #tpu.memory_space<hbm>>)
    %dma_start3A_50 = arith.constant 24 : i32
    %dma_start3A_51 = tpu.memref_slice %arg9[%dma_start3A_50] : memref<128xi32, #tpu.memory_space<vmem>> -> memref<8xi32, #tpu.memory_space<vmem>>
    %dma_start3A_52 = arith.constant 0 : i32
    %dma_start3A_53 = arith.constant 0 : i32
    %dma_start3A_54 = tpu.memref_slice %arg2[%dma_start3A_52, %dma_start3A_53] : memref<16384x4096xf32, #tpu.memory_space<hbm>> -> memref<16384x4096xf32, #tpu.memory_space<hbm>>
    tpu.enqueue_indirect_dma source(%dma_start3A_54 : memref<16384x4096xf32, #tpu.memory_space<hbm>>) target(%arg13 : memref<8x4096xf32, #tpu.memory_space<vmem>>) offsets(%dma_start3A_51 : memref<8xi32, #tpu.memory_space<vmem>>) semaphore(%arg14 : memref<!tpu.dma_semaphore, #tpu.memory_space<semaphore_mem>>)
    %dma_wait3A_55 = arith.constant 16 : i32
    %dma_wait3A_56 = tpu.memref_slice %arg9[%dma_wait3A_55] : memref<128xi32, #tpu.memory_space<vmem>> -> memref<8xi32, #tpu.memory_space<vmem>>
    %dma_wait3A_57 = arith.constant 0 : i32
    %dma_wait3A_58 = arith.constant 0 : i32
    %dma_wait3A_59 = tpu.memref_slice %arg2[%dma_wait3A_57, %dma_wait3A_58] : memref<16384x4096xf32, #tpu.memory_space<hbm>> -> memref<16384x4096xf32, #tpu.memory_space<hbm>>
    tpu.wait_indirect_dma semaphore(%arg14 : memref<!tpu.dma_semaphore, #tpu.memory_space<semaphore_mem>>) src(%dma_wait3A_59 : memref<16384x4096xf32, #tpu.memory_space<hbm>>) dst(%arg12 : memref<8x4096xf32, #tpu.memory_space<vmem>>)
    %add3A_60 = arith.constant 16 : i32
    %add3A_61 = arith.addi %mul3A_2, %add3A_60 : i32
    %dma_start3A_62 = arith.constant 0 : i32
    %dma_start3A_63 = tpu.memref_slice %arg6[%add3A_61, %dma_start3A_62] : memref<4096x4096xf32, #tpu.memory_space<hbm>> -> memref<8x4096xf32, #tpu.memory_space<hbm>>
    %dma_start3A_64 = arith.constant 0 : i32
    %dma_start3A_65 = tpu.memref_slice %arg6[%add3A_61, %dma_start3A_64] : memref<4096x4096xf32, #tpu.memory_space<hbm>> -> memref<8x4096xf32, #tpu.memory_space<hbm>>
    tpu.enqueue_dma source(%arg12 : memref<8x4096xf32, #tpu.memory_space<vmem>>) target(%dma_start3A_65 : memref<8x4096xf32, #tpu.memory_space<hbm>>) target_semaphore(%arg15 : memref<!tpu.dma_semaphore, #tpu.memory_space<semaphore_mem>>)
    %dma_wait3A_66 = arith.constant 0 : i32
    %dma_wait3A_67 = tpu.memref_slice %arg6[%add3A_61, %dma_wait3A_66] : memref<4096x4096xf32, #tpu.memory_space<hbm>> -> memref<8x4096xf32, #tpu.memory_space<hbm>>
    %dma_wait3A_68 = arith.constant 0 : i32
    %dma_wait3A_69 = tpu.memref_slice %arg6[%add3A_61, %dma_wait3A_68] : memref<4096x4096xf32, #tpu.memory_space<hbm>> -> memref<8x4096xf32, #tpu.memory_space<hbm>>
    tpu.wait_dma2 semaphore(%arg15 : memref<!tpu.dma_semaphore, #tpu.memory_space<semaphore_mem>>) src(%arg12 : memref<8x4096xf32, #tpu.memory_space<vmem>>) dst(%dma_wait3A_69 : memref<8x4096xf32, #tpu.memory_space<hbm>>)
    %dma_start3A_70 = arith.constant 32 : i32
    %dma_start3A_71 = tpu.memref_slice %arg9[%dma_start3A_70] : memref<128xi32, #tpu.memory_space<vmem>> -> memref<8xi32, #tpu.memory_space<vmem>>
    %dma_start3A_72 = arith.constant 0 : i32
    %dma_start3A_73 = arith.constant 0 : i32
    %dma_start3A_74 = tpu.memref_slice %arg2[%dma_start3A_72, %dma_start3A_73] : memref<16384x4096xf32, #tpu.memory_space<hbm>> -> memref<16384x4096xf32, #tpu.memory_space<hbm>>
    tpu.enqueue_indirect_dma source(%dma_start3A_74 : memref<16384x4096xf32, #tpu.memory_space<hbm>>) target(%arg12 : memref<8x4096xf32, #tpu.memory_space<vmem>>) offsets(%dma_start3A_71 : memref<8xi32, #tpu.memory_space<vmem>>) semaphore(%arg14 : memref<!tpu.dma_semaphore, #tpu.memory_space<semaphore_mem>>)
    %dma_wait3A_75 = arith.constant 24 : i32
    %dma_wait3A_76 = tpu.memref_slice %arg9[%dma_wait3A_75] : memref<128xi32, #tpu.memory_space<vmem>> -> memref<8xi32, #tpu.memory_space<vmem>>
    %dma_wait3A_77 = arith.constant 0 : i32
    %dma_wait3A_78 = arith.constant 0 : i32
    %dma_wait3A_79 = tpu.memref_slice %arg2[%dma_wait3A_77, %dma_wait3A_78] : memref<16384x4096xf32, #tpu.memory_space<hbm>> -> memref<16384x4096xf32, #tpu.memory_space<hbm>>
    tpu.wait_indirect_dma semaphore(%arg14 : memref<!tpu.dma_semaphore, #tpu.memory_space<semaphore_mem>>) src(%dma_wait3A_79 : memref<16384x4096xf32, #tpu.memory_space<hbm>>) dst(%arg13 : memref<8x4096xf32, #tpu.memory_space<vmem>>)
    %add3A_80 = arith.constant 24 : i32
    %add3A_81 = arith.addi %mul3A_2, %add3A_80 : i32
    %dma_start3A_82 = arith.constant 0 : i32
    %dma_start3A_83 = tpu.memref_slice %arg6[%add3A_81, %dma_start3A_82] : memref<4096x4096xf32, #tpu.memory_space<hbm>> -> memref<8x4096xf32, #tpu.memory_space<hbm>>
    %dma_start3A_84 = arith.constant 0 : i32
    %dma_start3A_85 = tpu.memref_slice %arg6[%add3A_81, %dma_start3A_84] : memref<4096x4096xf32, #tpu.memory_space<hbm>> -> memref<8x4096xf32, #tpu.memory_space<hbm>>
    tpu.enqueue_dma source(%arg13 : memref<8x4096xf32, #tpu.memory_space<vmem>>) target(%dma_start3A_85 : memref<8x4096xf32, #tpu.memory_space<hbm>>) target_semaphore(%arg15 : memref<!tpu.dma_semaphore, #tpu.memory_space<semaphore_mem>>)
    %dma_wait3A_86 = arith.constant 0 : i32
    %dma_wait3A_87 = tpu.memref_slice %arg6[%add3A_81, %dma_wait3A_86] : memref<4096x4096xf32, #tpu.memory_space<hbm>> -> memref<8x4096xf32, #tpu.memory_space<hbm>>
    %dma_wait3A_88 = arith.constant 0 : i32
    %dma_wait3A_89 = tpu.memref_slice %arg6[%add3A_81, %dma_wait3A_88] : memref<4096x4096xf32, #tpu.memory_space<hbm>> -> memref<8x4096xf32, #tpu.memory_space<hbm>>
    tpu.wait_dma2 semaphore(%arg15 : memref<!tpu.dma_semaphore, #tpu.memory_space<semaphore_mem>>) src(%arg13 : memref<8x4096xf32, #tpu.memory_space<vmem>>) dst(%dma_wait3A_89 : memref<8x4096xf32, #tpu.memory_space<hbm>>)
    %dma_start3A_90 = arith.constant 40 : i32
    %dma_start3A_91 = tpu.memref_slice %arg9[%dma_start3A_90] : memref<128xi32, #tpu.memory_space<vmem>> -> memref<8xi32, #tpu.memory_space<vmem>>
    %dma_start3A_92 = arith.constant 0 : i32
    %dma_start3A_93 = arith.constant 0 : i32
    %dma_start3A_94 = tpu.memref_slice %arg2[%dma_start3A_92, %dma_start3A_93] : memref<16384x4096xf32, #tpu.memory_space<hbm>> -> memref<16384x4096xf32, #tpu.memory_space<hbm>>
    tpu.enqueue_indirect_dma source(%dma_start3A_94 : memref<16384x4096xf32, #tpu.memory_space<hbm>>) target(%arg13 : memref<8x4096xf32, #tpu.memory_space<vmem>>) offsets(%dma_start3A_91 : memref<8xi32, #tpu.memory_space<vmem>>) semaphore(%arg14 : memref<!tpu.dma_semaphore, #tpu.memory_space<semaphore_mem>>)
    %dma_wait3A_95 = arith.constant 32 : i32
    %dma_wait3A_96 = tpu.memref_slice %arg9[%dma_wait3A_95] : memref<128xi32, #tpu.memory_space<vmem>> -> memref<8xi32, #tpu.memory_space<vmem>>
    %dma_wait3A_97 = arith.constant 0 : i32
    %dma_wait3A_98 = arith.constant 0 : i32
    %dma_wait3A_99 = tpu.memref_slice %arg2[%dma_wait3A_97, %dma_wait3A_98] : memref<16384x4096xf32, #tpu.memory_space<hbm>> -> memref<16384x4096xf32, #tpu.memory_space<hbm>>
    tpu.wait_indirect_dma semaphore(%arg14 : memref<!tpu.dma_semaphore, #tpu.memory_space<semaphore_mem>>) src(%dma_wait3A_99 : memref<16384x4096xf32, #tpu.memory_space<hbm>>) dst(%arg12 : memref<8x4096xf32, #tpu.memory_space<vmem>>)
    %add3A_100 = arith.constant 32 : i32
    %add3A_101 = arith.addi %mul3A_2, %add3A_100 : i32
    %dma_start3A_102 = arith.constant 0 : i32
    %dma_start3A_103 = tpu.memref_slice %arg6[%add3A_101, %dma_start3A_102] : memref<4096x4096xf32, #tpu.memory_space<hbm>> -> memref<8x4096xf32, #tpu.memory_space<hbm>>
    %dma_start3A_104 = arith.constant 0 : i32
    %dma_start3A_105 = tpu.memref_slice %arg6[%add3A_101, %dma_start3A_104] : memref<4096x4096xf32, #tpu.memory_space<hbm>> -> memref<8x4096xf32, #tpu.memory_space<hbm>>
    tpu.enqueue_dma source(%arg12 : memref<8x4096xf32, #tpu.memory_space<vmem>>) target(%dma_start3A_105 : memref<8x4096xf32, #tpu.memory_space<hbm>>) target_semaphore(%arg15 : memref<!tpu.dma_semaphore, #tpu.memory_space<semaphore_mem>>)
    %dma_wait3A_106 = arith.constant 0 : i32
    %dma_wait3A_107 = tpu.memref_slice %arg6[%add3A_101, %dma_wait3A_106] : memref<4096x4096xf32, #tpu.memory_space<hbm>> -> memref<8x4096xf32, #tpu.memory_space<hbm>>
    %dma_wait3A_108 = arith.constant 0 : i32
    %dma_wait3A_109 = tpu.memref_slice %arg6[%add3A_101, %dma_wait3A_108] : memref<4096x4096xf32, #tpu.memory_space<hbm>> -> memref<8x4096xf32, #tpu.memory_space<hbm>>
    tpu.wait_dma2 semaphore(%arg15 : memref<!tpu.dma_semaphore, #tpu.memory_space<semaphore_mem>>) src(%arg12 : memref<8x4096xf32, #tpu.memory_space<vmem>>) dst(%dma_wait3A_109 : memref<8x4096xf32, #tpu.memory_space<hbm>>)
    %dma_start3A_110 = arith.constant 48 : i32
    %dma_start3A_111 = tpu.memref_slice %arg9[%dma_start3A_110] : memref<128xi32, #tpu.memory_space<vmem>> -> memref<8xi32, #tpu.memory_space<vmem>>
    %dma_start3A_112 = arith.constant 0 : i32
    %dma_start3A_113 = arith.constant 0 : i32
    %dma_start3A_114 = tpu.memref_slice %arg2[%dma_start3A_112, %dma_start3A_113] : memref<16384x4096xf32, #tpu.memory_space<hbm>> -> memref<16384x4096xf32, #tpu.memory_space<hbm>>
    tpu.enqueue_indirect_dma source(%dma_start3A_114 : memref<16384x4096xf32, #tpu.memory_space<hbm>>) target(%arg12 : memref<8x4096xf32, #tpu.memory_space<vmem>>) offsets(%dma_start3A_111 : memref<8xi32, #tpu.memory_space<vmem>>) semaphore(%arg14 : memref<!tpu.dma_semaphore, #tpu.memory_space<semaphore_mem>>)
    %dma_wait3A_115 = arith.constant 40 : i32
    %dma_wait3A_116 = tpu.memref_slice %arg9[%dma_wait3A_115] : memref<128xi32, #tpu.memory_space<vmem>> -> memref<8xi32, #tpu.memory_space<vmem>>
    %dma_wait3A_117 = arith.constant 0 : i32
    %dma_wait3A_118 = arith.constant 0 : i32
    %dma_wait3A_119 = tpu.memref_slice %arg2[%dma_wait3A_117, %dma_wait3A_118] : memref<16384x4096xf32, #tpu.memory_space<hbm>> -> memref<16384x4096xf32, #tpu.memory_space<hbm>>
    tpu.wait_indirect_dma semaphore(%arg14 : memref<!tpu.dma_semaphore, #tpu.memory_space<semaphore_mem>>) src(%dma_wait3A_119 : memref<16384x4096xf32, #tpu.memory_space<hbm>>) dst(%arg13 : memref<8x4096xf32, #tpu.memory_space<vmem>>)
    %add3A_120 = arith.constant 40 : i32
    %add3A_121 = arith.addi %mul3A_2, %add3A_120 : i32
    %dma_start3A_122 = arith.constant 0 : i32
    %dma_start3A_123 = tpu.memref_slice %arg6[%add3A_121, %dma_start3A_122] : memref<4096x4096xf32, #tpu.memory_space<hbm>> -> memref<8x4096xf32, #tpu.memory_space<hbm>>
    %dma_start3A_124 = arith.constant 0 : i32
    %dma_start3A_125 = tpu.memref_slice %arg6[%add3A_121, %dma_start3A_124] : memref<4096x4096xf32, #tpu.memory_space<hbm>> -> memref<8x4096xf32, #tpu.memory_space<hbm>>
    tpu.enqueue_dma source(%arg13 : memref<8x4096xf32, #tpu.memory_space<vmem>>) target(%dma_start3A_125 : memref<8x4096xf32, #tpu.memory_space<hbm>>) target_semaphore(%arg15 : memref<!tpu.dma_semaphore, #tpu.memory_space<semaphore_mem>>)
    %dma_wait3A_126 = arith.constant 0 : i32
    %dma_wait3A_127 = tpu.memref_slice %arg6[%add3A_121, %dma_wait3A_126] : memref<4096x4096xf32, #tpu.memory_space<hbm>> -> memref<8x4096xf32, #tpu.memory_space<hbm>>
    %dma_wait3A_128 = arith.constant 0 : i32
    %dma_wait3A_129 = tpu.memref_slice %arg6[%add3A_121, %dma_wait3A_128] : memref<4096x4096xf32, #tpu.memory_space<hbm>> -> memref<8x4096xf32, #tpu.memory_space<hbm>>
    tpu.wait_dma2 semaphore(%arg15 : memref<!tpu.dma_semaphore, #tpu.memory_space<semaphore_mem>>) src(%arg13 : memref<8x4096xf32, #tpu.memory_space<vmem>>) dst(%dma_wait3A_129 : memref<8x4096xf32, #tpu.memory_space<hbm>>)
    %dma_start3A_130 = arith.constant 56 : i32
    %dma_start3A_131 = tpu.memref_slice %arg9[%dma_start3A_130] : memref<128xi32, #tpu.memory_space<vmem>> -> memref<8xi32, #tpu.memory_space<vmem>>
    %dma_start3A_132 = arith.constant 0 : i32
    %dma_start3A_133 = arith.constant 0 : i32
    %dma_start3A_134 = tpu.memref_slice %arg2[%dma_start3A_132, %dma_start3A_133] : memref<16384x4096xf32, #tpu.memory_space<hbm>> -> memref<16384x4096xf32, #tpu.memory_space<hbm>>
    tpu.enqueue_indirect_dma source(%dma_start3A_134 : memref<16384x4096xf32, #tpu.memory_space<hbm>>) target(%arg13 : memref<8x4096xf32, #tpu.memory_space<vmem>>) offsets(%dma_start3A_131 : memref<8xi32, #tpu.memory_space<vmem>>) semaphore(%arg14 : memref<!tpu.dma_semaphore, #tpu.memory_space<semaphore_mem>>)
    %dma_wait3A_135 = arith.constant 48 : i32
    %dma_wait3A_136 = tpu.memref_slice %arg9[%dma_wait3A_135] : memref<128xi32, #tpu.memory_space<vmem>> -> memref<8xi32, #tpu.memory_space<vmem>>
    %dma_wait3A_137 = arith.constant 0 : i32
    %dma_wait3A_138 = arith.constant 0 : i32
    %dma_wait3A_139 = tpu.memref_slice %arg2[%dma_wait3A_137, %dma_wait3A_138] : memref<16384x4096xf32, #tpu.memory_space<hbm>> -> memref<16384x4096xf32, #tpu.memory_space<hbm>>
    tpu.wait_indirect_dma semaphore(%arg14 : memref<!tpu.dma_semaphore, #tpu.memory_space<semaphore_mem>>) src(%dma_wait3A_139 : memref<16384x4096xf32, #tpu.memory_space<hbm>>) dst(%arg12 : memref<8x4096xf32, #tpu.memory_space<vmem>>)
    %add3A_140 = arith.constant 48 : i32
    %add3A_141 = arith.addi %mul3A_2, %add3A_140 : i32
    %dma_start3A_142 = arith.constant 0 : i32
    %dma_start3A_143 = tpu.memref_slice %arg6[%add3A_141, %dma_start3A_142] : memref<4096x4096xf32, #tpu.memory_space<hbm>> -> memref<8x4096xf32, #tpu.memory_space<hbm>>
    %dma_start3A_144 = arith.constant 0 : i32
    %dma_start3A_145 = tpu.memref_slice %arg6[%add3A_141, %dma_start3A_144] : memref<4096x4096xf32, #tpu.memory_space<hbm>> -> memref<8x4096xf32, #tpu.memory_space<hbm>>
    tpu.enqueue_dma source(%arg12 : memref<8x4096xf32, #tpu.memory_space<vmem>>) target(%dma_start3A_145 : memref<8x4096xf32, #tpu.memory_space<hbm>>) target_semaphore(%arg15 : memref<!tpu.dma_semaphore, #tpu.memory_space<semaphore_mem>>)
    %dma_wait3A_146 = arith.constant 0 : i32
    %dma_wait3A_147 = tpu.memref_slice %arg6[%add3A_141, %dma_wait3A_146] : memref<4096x4096xf32, #tpu.memory_space<hbm>> -> memref<8x4096xf32, #tpu.memory_space<hbm>>
    %dma_wait3A_148 = arith.constant 0 : i32
    %dma_wait3A_149 = tpu.memref_slice %arg6[%add3A_141, %dma_wait3A_148] : memref<4096x4096xf32, #tpu.memory_space<hbm>> -> memref<8x4096xf32, #tpu.memory_space<hbm>>
    tpu.wait_dma2 semaphore(%arg15 : memref<!tpu.dma_semaphore, #tpu.memory_space<semaphore_mem>>) src(%arg12 : memref<8x4096xf32, #tpu.memory_space<vmem>>) dst(%dma_wait3A_149 : memref<8x4096xf32, #tpu.memory_space<hbm>>)
    %dma_start3A_150 = arith.constant 64 : i32
    %dma_start3A_151 = tpu.memref_slice %arg9[%dma_start3A_150] : memref<128xi32, #tpu.memory_space<vmem>> -> memref<8xi32, #tpu.memory_space<vmem>>
    %dma_start3A_152 = arith.constant 0 : i32
    %dma_start3A_153 = arith.constant 0 : i32
    %dma_start3A_154 = tpu.memref_slice %arg2[%dma_start3A_152, %dma_start3A_153] : memref<16384x4096xf32, #tpu.memory_space<hbm>> -> memref<16384x4096xf32, #tpu.memory_space<hbm>>
    tpu.enqueue_indirect_dma source(%dma_start3A_154 : memref<16384x4096xf32, #tpu.memory_space<hbm>>) target(%arg12 : memref<8x4096xf32, #tpu.memory_space<vmem>>) offsets(%dma_start3A_151 : memref<8xi32, #tpu.memory_space<vmem>>) semaphore(%arg14 : memref<!tpu.dma_semaphore, #tpu.memory_space<semaphore_mem>>)
    %dma_wait3A_155 = arith.constant 56 : i32
    %dma_wait3A_156 = tpu.memref_slice %arg9[%dma_wait3A_155] : memref<128xi32, #tpu.memory_space<vmem>> -> memref<8xi32, #tpu.memory_space<vmem>>
    %dma_wait3A_157 = arith.constant 0 : i32
    %dma_wait3A_158 = arith.constant 0 : i32
    %dma_wait3A_159 = tpu.memref_slice %arg2[%dma_wait3A_157, %dma_wait3A_158] : memref<16384x4096xf32, #tpu.memory_space<hbm>> -> memref<16384x4096xf32, #tpu.memory_space<hbm>>
    tpu.wait_indirect_dma semaphore(%arg14 : memref<!tpu.dma_semaphore, #tpu.memory_space<semaphore_mem>>) src(%dma_wait3A_159 : memref<16384x4096xf32, #tpu.memory_space<hbm>>) dst(%arg13 : memref<8x4096xf32, #tpu.memory_space<vmem>>)
    %add3A_160 = arith.constant 56 : i32
    %add3A_161 = arith.addi %mul3A_2, %add3A_160 : i32
    %dma_start3A_162 = arith.constant 0 : i32
    %dma_start3A_163 = tpu.memref_slice %arg6[%add3A_161, %dma_start3A_162] : memref<4096x4096xf32, #tpu.memory_space<hbm>> -> memref<8x4096xf32, #tpu.memory_space<hbm>>
    %dma_start3A_164 = arith.constant 0 : i32
    %dma_start3A_165 = tpu.memref_slice %arg6[%add3A_161, %dma_start3A_164] : memref<4096x4096xf32, #tpu.memory_space<hbm>> -> memref<8x4096xf32, #tpu.memory_space<hbm>>
    tpu.enqueue_dma source(%arg13 : memref<8x4096xf32, #tpu.memory_space<vmem>>) target(%dma_start3A_165 : memref<8x4096xf32, #tpu.memory_space<hbm>>) target_semaphore(%arg15 : memref<!tpu.dma_semaphore, #tpu.memory_space<semaphore_mem>>)
    %dma_wait3A_166 = arith.constant 0 : i32
    %dma_wait3A_167 = tpu.memref_slice %arg6[%add3A_161, %dma_wait3A_166] : memref<4096x4096xf32, #tpu.memory_space<hbm>> -> memref<8x4096xf32, #tpu.memory_space<hbm>>
    %dma_wait3A_168 = arith.constant 0 : i32
    %dma_wait3A_169 = tpu.memref_slice %arg6[%add3A_161, %dma_wait3A_168] : memref<4096x4096xf32, #tpu.memory_space<hbm>> -> memref<8x4096xf32, #tpu.memory_space<hbm>>
    tpu.wait_dma2 semaphore(%arg15 : memref<!tpu.dma_semaphore, #tpu.memory_space<semaphore_mem>>) src(%arg13 : memref<8x4096xf32, #tpu.memory_space<vmem>>) dst(%dma_wait3A_169 : memref<8x4096xf32, #tpu.memory_space<hbm>>)
    %dma_start3A_170 = arith.constant 72 : i32
    %dma_start3A_171 = tpu.memref_slice %arg9[%dma_start3A_170] : memref<128xi32, #tpu.memory_space<vmem>> -> memref<8xi32, #tpu.memory_space<vmem>>
    %dma_start3A_172 = arith.constant 0 : i32
    %dma_start3A_173 = arith.constant 0 : i32
    %dma_start3A_174 = tpu.memref_slice %arg2[%dma_start3A_172, %dma_start3A_173] : memref<16384x4096xf32, #tpu.memory_space<hbm>> -> memref<16384x4096xf32, #tpu.memory_space<hbm>>
    tpu.enqueue_indirect_dma source(%dma_start3A_174 : memref<16384x4096xf32, #tpu.memory_space<hbm>>) target(%arg13 : memref<8x4096xf32, #tpu.memory_space<vmem>>) offsets(%dma_start3A_171 : memref<8xi32, #tpu.memory_space<vmem>>) semaphore(%arg14 : memref<!tpu.dma_semaphore, #tpu.memory_space<semaphore_mem>>)
    %dma_wait3A_175 = arith.constant 64 : i32
    %dma_wait3A_176 = tpu.memref_slice %arg9[%dma_wait3A_175] : memref<128xi32, #tpu.memory_space<vmem>> -> memref<8xi32, #tpu.memory_space<vmem>>
    %dma_wait3A_177 = arith.constant 0 : i32
    %dma_wait3A_178 = arith.constant 0 : i32
    %dma_wait3A_179 = tpu.memref_slice %arg2[%dma_wait3A_177, %dma_wait3A_178] : memref<16384x4096xf32, #tpu.memory_space<hbm>> -> memref<16384x4096xf32, #tpu.memory_space<hbm>>
    tpu.wait_indirect_dma semaphore(%arg14 : memref<!tpu.dma_semaphore, #tpu.memory_space<semaphore_mem>>) src(%dma_wait3A_179 : memref<16384x4096xf32, #tpu.memory_space<hbm>>) dst(%arg12 : memref<8x4096xf32, #tpu.memory_space<vmem>>)
    %add3A_180 = arith.constant 64 : i32
    %add3A_181 = arith.addi %mul3A_2, %add3A_180 : i32
    %dma_start3A_182 = arith.constant 0 : i32
    %dma_start3A_183 = tpu.memref_slice %arg6[%add3A_181, %dma_start3A_182] : memref<4096x4096xf32, #tpu.memory_space<hbm>> -> memref<8x4096xf32, #tpu.memory_space<hbm>>
    %dma_start3A_184 = arith.constant 0 : i32
    %dma_start3A_185 = tpu.memref_slice %arg6[%add3A_181, %dma_start3A_184] : memref<4096x4096xf32, #tpu.memory_space<hbm>> -> memref<8x4096xf32, #tpu.memory_space<hbm>>
    tpu.enqueue_dma source(%arg12 : memref<8x4096xf32, #tpu.memory_space<vmem>>) target(%dma_start3A_185 : memref<8x4096xf32, #tpu.memory_space<hbm>>) target_semaphore(%arg15 : memref<!tpu.dma_semaphore, #tpu.memory_space<semaphore_mem>>)
    %dma_wait3A_186 = arith.constant 0 : i32
    %dma_wait3A_187 = tpu.memref_slice %arg6[%add3A_181, %dma_wait3A_186] : memref<4096x4096xf32, #tpu.memory_space<hbm>> -> memref<8x4096xf32, #tpu.memory_space<hbm>>
    %dma_wait3A_188 = arith.constant 0 : i32
    %dma_wait3A_189 = tpu.memref_slice %arg6[%add3A_181, %dma_wait3A_188] : memref<4096x4096xf32, #tpu.memory_space<hbm>> -> memref<8x4096xf32, #tpu.memory_space<hbm>>
    tpu.wait_dma2 semaphore(%arg15 : memref<!tpu.dma_semaphore, #tpu.memory_space<semaphore_mem>>) src(%arg12 : memref<8x4096xf32, #tpu.memory_space<vmem>>) dst(%dma_wait3A_189 : memref<8x4096xf32, #tpu.memory_space<hbm>>)
    %dma_start3A_190 = arith.constant 80 : i32
    %dma_start3A_191 = tpu.memref_slice %arg9[%dma_start3A_190] : memref<128xi32, #tpu.memory_space<vmem>> -> memref<8xi32, #tpu.memory_space<vmem>>
    %dma_start3A_192 = arith.constant 0 : i32
    %dma_start3A_193 = arith.constant 0 : i32
    %dma_start3A_194 = tpu.memref_slice %arg2[%dma_start3A_192, %dma_start3A_193] : memref<16384x4096xf32, #tpu.memory_space<hbm>> -> memref<16384x4096xf32, #tpu.memory_space<hbm>>
    tpu.enqueue_indirect_dma source(%dma_start3A_194 : memref<16384x4096xf32, #tpu.memory_space<hbm>>) target(%arg12 : memref<8x4096xf32, #tpu.memory_space<vmem>>) offsets(%dma_start3A_191 : memref<8xi32, #tpu.memory_space<vmem>>) semaphore(%arg14 : memref<!tpu.dma_semaphore, #tpu.memory_space<semaphore_mem>>)
    %dma_wait3A_195 = arith.constant 72 : i32
    %dma_wait3A_196 = tpu.memref_slice %arg9[%dma_wait3A_195] : memref<128xi32, #tpu.memory_space<vmem>> -> memref<8xi32, #tpu.memory_space<vmem>>
    %dma_wait3A_197 = arith.constant 0 : i32
    %dma_wait3A_198 = arith.constant 0 : i32
    %dma_wait3A_199 = tpu.memref_slice %arg2[%dma_wait3A_197, %dma_wait3A_198] : memref<16384x4096xf32, #tpu.memory_space<hbm>> -> memref<16384x4096xf32, #tpu.memory_space<hbm>>
    tpu.wait_indirect_dma semaphore(%arg14 : memref<!tpu.dma_semaphore, #tpu.memory_space<semaphore_mem>>) src(%dma_wait3A_199 : memref<16384x4096xf32, #tpu.memory_space<hbm>>) dst(%arg13 : memref<8x4096xf32, #tpu.memory_space<vmem>>)
    %add3A_200 = arith.constant 72 : i32
    %add3A_201 = arith.addi %mul3A_2, %add3A_200 : i32
    %dma_start3A_202 = arith.constant 0 : i32
    %dma_start3A_203 = tpu.memref_slice %arg6[%add3A_201, %dma_start3A_202] : memref<4096x4096xf32, #tpu.memory_space<hbm>> -> memref<8x4096xf32, #tpu.memory_space<hbm>>
    %dma_start3A_204 = arith.constant 0 : i32
    %dma_start3A_205 = tpu.memref_slice %arg6[%add3A_201, %dma_start3A_204] : memref<4096x4096xf32, #tpu.memory_space<hbm>> -> memref<8x4096xf32, #tpu.memory_space<hbm>>
    tpu.enqueue_dma source(%arg13 : memref<8x4096xf32, #tpu.memory_space<vmem>>) target(%dma_start3A_205 : memref<8x4096xf32, #tpu.memory_space<hbm>>) target_semaphore(%arg15 : memref<!tpu.dma_semaphore, #tpu.memory_space<semaphore_mem>>)
    %dma_wait3A_206 = arith.constant 0 : i32
    %dma_wait3A_207 = tpu.memref_slice %arg6[%add3A_201, %dma_wait3A_206] : memref<4096x4096xf32, #tpu.memory_space<hbm>> -> memref<8x4096xf32, #tpu.memory_space<hbm>>
    %dma_wait3A_208 = arith.constant 0 : i32
    %dma_wait3A_209 = tpu.memref_slice %arg6[%add3A_201, %dma_wait3A_208] : memref<4096x4096xf32, #tpu.memory_space<hbm>> -> memref<8x4096xf32, #tpu.memory_space<hbm>>
    tpu.wait_dma2 semaphore(%arg15 : memref<!tpu.dma_semaphore, #tpu.memory_space<semaphore_mem>>) src(%arg13 : memref<8x4096xf32, #tpu.memory_space<vmem>>) dst(%dma_wait3A_209 : memref<8x4096xf32, #tpu.memory_space<hbm>>)
    %dma_start3A_210 = arith.constant 88 : i32
    %dma_start3A_211 = tpu.memref_slice %arg9[%dma_start3A_210] : memref<128xi32, #tpu.memory_space<vmem>> -> memref<8xi32, #tpu.memory_space<vmem>>
    %dma_start3A_212 = arith.constant 0 : i32
    %dma_start3A_213 = arith.constant 0 : i32
    %dma_start3A_214 = tpu.memref_slice %arg2[%dma_start3A_212, %dma_start3A_213] : memref<16384x4096xf32, #tpu.memory_space<hbm>> -> memref<16384x4096xf32, #tpu.memory_space<hbm>>
    tpu.enqueue_indirect_dma source(%dma_start3A_214 : memref<16384x4096xf32, #tpu.memory_space<hbm>>) target(%arg13 : memref<8x4096xf32, #tpu.memory_space<vmem>>) offsets(%dma_start3A_211 : memref<8xi32, #tpu.memory_space<vmem>>) semaphore(%arg14 : memref<!tpu.dma_semaphore, #tpu.memory_space<semaphore_mem>>)
    %dma_wait3A_215 = arith.constant 80 : i32
    %dma_wait3A_216 = tpu.memref_slice %arg9[%dma_wait3A_215] : memref<128xi32, #tpu.memory_space<vmem>> -> memref<8xi32, #tpu.memory_space<vmem>>
    %dma_wait3A_217 = arith.constant 0 : i32
    %dma_wait3A_218 = arith.constant 0 : i32
    %dma_wait3A_219 = tpu.memref_slice %arg2[%dma_wait3A_217, %dma_wait3A_218] : memref<16384x4096xf32, #tpu.memory_space<hbm>> -> memref<16384x4096xf32, #tpu.memory_space<hbm>>
    tpu.wait_indirect_dma semaphore(%arg14 : memref<!tpu.dma_semaphore, #tpu.memory_space<semaphore_mem>>) src(%dma_wait3A_219 : memref<16384x4096xf32, #tpu.memory_space<hbm>>) dst(%arg12 : memref<8x4096xf32, #tpu.memory_space<vmem>>)
    %add3A_220 = arith.constant 80 : i32
    %add3A_221 = arith.addi %mul3A_2, %add3A_220 : i32
    %dma_start3A_222 = arith.constant 0 : i32
    %dma_start3A_223 = tpu.memref_slice %arg6[%add3A_221, %dma_start3A_222] : memref<4096x4096xf32, #tpu.memory_space<hbm>> -> memref<8x4096xf32, #tpu.memory_space<hbm>>
    %dma_start3A_224 = arith.constant 0 : i32
    %dma_start3A_225 = tpu.memref_slice %arg6[%add3A_221, %dma_start3A_224] : memref<4096x4096xf32, #tpu.memory_space<hbm>> -> memref<8x4096xf32, #tpu.memory_space<hbm>>
    tpu.enqueue_dma source(%arg12 : memref<8x4096xf32, #tpu.memory_space<vmem>>) target(%dma_start3A_225 : memref<8x4096xf32, #tpu.memory_space<hbm>>) target_semaphore(%arg15 : memref<!tpu.dma_semaphore, #tpu.memory_space<semaphore_mem>>)
    %dma_wait3A_226 = arith.constant 0 : i32
    %dma_wait3A_227 = tpu.memref_slice %arg6[%add3A_221, %dma_wait3A_226] : memref<4096x4096xf32, #tpu.memory_space<hbm>> -> memref<8x4096xf32, #tpu.memory_space<hbm>>
    %dma_wait3A_228 = arith.constant 0 : i32
    %dma_wait3A_229 = tpu.memref_slice %arg6[%add3A_221, %dma_wait3A_228] : memref<4096x4096xf32, #tpu.memory_space<hbm>> -> memref<8x4096xf32, #tpu.memory_space<hbm>>
    tpu.wait_dma2 semaphore(%arg15 : memref<!tpu.dma_semaphore, #tpu.memory_space<semaphore_mem>>) src(%arg12 : memref<8x4096xf32, #tpu.memory_space<vmem>>) dst(%dma_wait3A_229 : memref<8x4096xf32, #tpu.memory_space<hbm>>)
    %dma_start3A_230 = arith.constant 96 : i32
    %dma_start3A_231 = tpu.memref_slice %arg9[%dma_start3A_230] : memref<128xi32, #tpu.memory_space<vmem>> -> memref<8xi32, #tpu.memory_space<vmem>>
    %dma_start3A_232 = arith.constant 0 : i32
    %dma_start3A_233 = arith.constant 0 : i32
    %dma_start3A_234 = tpu.memref_slice %arg2[%dma_start3A_232, %dma_start3A_233] : memref<16384x4096xf32, #tpu.memory_space<hbm>> -> memref<16384x4096xf32, #tpu.memory_space<hbm>>
    tpu.enqueue_indirect_dma source(%dma_start3A_234 : memref<16384x4096xf32, #tpu.memory_space<hbm>>) target(%arg12 : memref<8x4096xf32, #tpu.memory_space<vmem>>) offsets(%dma_start3A_231 : memref<8xi32, #tpu.memory_space<vmem>>) semaphore(%arg14 : memref<!tpu.dma_semaphore, #tpu.memory_space<semaphore_mem>>)
    %dma_wait3A_235 = arith.constant 88 : i32
    %dma_wait3A_236 = tpu.memref_slice %arg9[%dma_wait3A_235] : memref<128xi32, #tpu.memory_space<vmem>> -> memref<8xi32, #tpu.memory_space<vmem>>
    %dma_wait3A_237 = arith.constant 0 : i32
    %dma_wait3A_238 = arith.constant 0 : i32
    %dma_wait3A_239 = tpu.memref_slice %arg2[%dma_wait3A_237, %dma_wait3A_238] : memref<16384x4096xf32, #tpu.memory_space<hbm>> -> memref<16384x4096xf32, #tpu.memory_space<hbm>>
    tpu.wait_indirect_dma semaphore(%arg14 : memref<!tpu.dma_semaphore, #tpu.memory_space<semaphore_mem>>) src(%dma_wait3A_239 : memref<16384x4096xf32, #tpu.memory_space<hbm>>) dst(%arg13 : memref<8x4096xf32, #tpu.memory_space<vmem>>)
    %add3A_240 = arith.constant 88 : i32
    %add3A_241 = arith.addi %mul3A_2, %add3A_240 : i32
    %dma_start3A_242 = arith.constant 0 : i32
    %dma_start3A_243 = tpu.memref_slice %arg6[%add3A_241, %dma_start3A_242] : memref<4096x4096xf32, #tpu.memory_space<hbm>> -> memref<8x4096xf32, #tpu.memory_space<hbm>>
    %dma_start3A_244 = arith.constant 0 : i32
    %dma_start3A_245 = tpu.memref_slice %arg6[%add3A_241, %dma_start3A_244] : memref<4096x4096xf32, #tpu.memory_space<hbm>> -> memref<8x4096xf32, #tpu.memory_space<hbm>>
    tpu.enqueue_dma source(%arg13 : memref<8x4096xf32, #tpu.memory_space<vmem>>) target(%dma_start3A_245 : memref<8x4096xf32, #tpu.memory_space<hbm>>) target_semaphore(%arg15 : memref<!tpu.dma_semaphore, #tpu.memory_space<semaphore_mem>>)
    %dma_wait3A_246 = arith.constant 0 : i32
    %dma_wait3A_247 = tpu.memref_slice %arg6[%add3A_241, %dma_wait3A_246] : memref<4096x4096xf32, #tpu.memory_space<hbm>> -> memref<8x4096xf32, #tpu.memory_space<hbm>>
    %dma_wait3A_248 = arith.constant 0 : i32
    %dma_wait3A_249 = tpu.memref_slice %arg6[%add3A_241, %dma_wait3A_248] : memref<4096x4096xf32, #tpu.memory_space<hbm>> -> memref<8x4096xf32, #tpu.memory_space<hbm>>
    tpu.wait_dma2 semaphore(%arg15 : memref<!tpu.dma_semaphore, #tpu.memory_space<semaphore_mem>>) src(%arg13 : memref<8x4096xf32, #tpu.memory_space<vmem>>) dst(%dma_wait3A_249 : memref<8x4096xf32, #tpu.memory_space<hbm>>)
    %dma_start3A_250 = arith.constant 104 : i32
    %dma_start3A_251 = tpu.memref_slice %arg9[%dma_start3A_250] : memref<128xi32, #tpu.memory_space<vmem>> -> memref<8xi32, #tpu.memory_space<vmem>>
    %dma_start3A_252 = arith.constant 0 : i32
    %dma_start3A_253 = arith.constant 0 : i32
    %dma_start3A_254 = tpu.memref_slice %arg2[%dma_start3A_252, %dma_start3A_253] : memref<16384x4096xf32, #tpu.memory_space<hbm>> -> memref<16384x4096xf32, #tpu.memory_space<hbm>>
    tpu.enqueue_indirect_dma source(%dma_start3A_254 : memref<16384x4096xf32, #tpu.memory_space<hbm>>) target(%arg13 : memref<8x4096xf32, #tpu.memory_space<vmem>>) offsets(%dma_start3A_251 : memref<8xi32, #tpu.memory_space<vmem>>) semaphore(%arg14 : memref<!tpu.dma_semaphore, #tpu.memory_space<semaphore_mem>>)
    %dma_wait3A_255 = arith.constant 96 : i32
    %dma_wait3A_256 = tpu.memref_slice %arg9[%dma_wait3A_255] : memref<128xi32, #tpu.memory_space<vmem>> -> memref<8xi32, #tpu.memory_space<vmem>>
    %dma_wait3A_257 = arith.constant 0 : i32
    %dma_wait3A_258 = arith.constant 0 : i32
    %dma_wait3A_259 = tpu.memref_slice %arg2[%dma_wait3A_257, %dma_wait3A_258] : memref<16384x4096xf32, #tpu.memory_space<hbm>> -> memref<16384x4096xf32, #tpu.memory_space<hbm>>
    tpu.wait_indirect_dma semaphore(%arg14 : memref<!tpu.dma_semaphore, #tpu.memory_space<semaphore_mem>>) src(%dma_wait3A_259 : memref<16384x4096xf32, #tpu.memory_space<hbm>>) dst(%arg12 : memref<8x4096xf32, #tpu.memory_space<vmem>>)
    %add3A_260 = arith.constant 96 : i32
    %add3A_261 = arith.addi %mul3A_2, %add3A_260 : i32
    %dma_start3A_262 = arith.constant 0 : i32
    %dma_start3A_263 = tpu.memref_slice %arg6[%add3A_261, %dma_start3A_262] : memref<4096x4096xf32, #tpu.memory_space<hbm>> -> memref<8x4096xf32, #tpu.memory_space<hbm>>
    %dma_start3A_264 = arith.constant 0 : i32
    %dma_start3A_265 = tpu.memref_slice %arg6[%add3A_261, %dma_start3A_264] : memref<4096x4096xf32, #tpu.memory_space<hbm>> -> memref<8x4096xf32, #tpu.memory_space<hbm>>
    tpu.enqueue_dma source(%arg12 : memref<8x4096xf32, #tpu.memory_space<vmem>>) target(%dma_start3A_265 : memref<8x4096xf32, #tpu.memory_space<hbm>>) target_semaphore(%arg15 : memref<!tpu.dma_semaphore, #tpu.memory_space<semaphore_mem>>)
    %dma_wait3A_266 = arith.constant 0 : i32
    %dma_wait3A_267 = tpu.memref_slice %arg6[%add3A_261, %dma_wait3A_266] : memref<4096x4096xf32, #tpu.memory_space<hbm>> -> memref<8x4096xf32, #tpu.memory_space<hbm>>
    %dma_wait3A_268 = arith.constant 0 : i32
    %dma_wait3A_269 = tpu.memref_slice %arg6[%add3A_261, %dma_wait3A_268] : memref<4096x4096xf32, #tpu.memory_space<hbm>> -> memref<8x4096xf32, #tpu.memory_space<hbm>>
    tpu.wait_dma2 semaphore(%arg15 : memref<!tpu.dma_semaphore, #tpu.memory_space<semaphore_mem>>) src(%arg12 : memref<8x4096xf32, #tpu.memory_space<vmem>>) dst(%dma_wait3A_269 : memref<8x4096xf32, #tpu.memory_space<hbm>>)
    %dma_start3A_270 = arith.constant 112 : i32
    %dma_start3A_271 = tpu.memref_slice %arg9[%dma_start3A_270] : memref<128xi32, #tpu.memory_space<vmem>> -> memref<8xi32, #tpu.memory_space<vmem>>
    %dma_start3A_272 = arith.constant 0 : i32
    %dma_start3A_273 = arith.constant 0 : i32
    %dma_start3A_274 = tpu.memref_slice %arg2[%dma_start3A_272, %dma_start3A_273] : memref<16384x4096xf32, #tpu.memory_space<hbm>> -> memref<16384x4096xf32, #tpu.memory_space<hbm>>
    tpu.enqueue_indirect_dma source(%dma_start3A_274 : memref<16384x4096xf32, #tpu.memory_space<hbm>>) target(%arg12 : memref<8x4096xf32, #tpu.memory_space<vmem>>) offsets(%dma_start3A_271 : memref<8xi32, #tpu.memory_space<vmem>>) semaphore(%arg14 : memref<!tpu.dma_semaphore, #tpu.memory_space<semaphore_mem>>)
    %dma_wait3A_275 = arith.constant 104 : i32
    %dma_wait3A_276 = tpu.memref_slice %arg9[%dma_wait3A_275] : memref<128xi32, #tpu.memory_space<vmem>> -> memref<8xi32, #tpu.memory_space<vmem>>
    %dma_wait3A_277 = arith.constant 0 : i32
    %dma_wait3A_278 = arith.constant 0 : i32
    %dma_wait3A_279 = tpu.memref_slice %arg2[%dma_wait3A_277, %dma_wait3A_278] : memref<16384x4096xf32, #tpu.memory_space<hbm>> -> memref<16384x4096xf32, #tpu.memory_space<hbm>>
    tpu.wait_indirect_dma semaphore(%arg14 : memref<!tpu.dma_semaphore, #tpu.memory_space<semaphore_mem>>) src(%dma_wait3A_279 : memref<16384x4096xf32, #tpu.memory_space<hbm>>) dst(%arg13 : memref<8x4096xf32, #tpu.memory_space<vmem>>)
    %add3A_280 = arith.constant 104 : i32
    %add3A_281 = arith.addi %mul3A_2, %add3A_280 : i32
    %dma_start3A_282 = arith.constant 0 : i32
    %dma_start3A_283 = tpu.memref_slice %arg6[%add3A_281, %dma_start3A_282] : memref<4096x4096xf32, #tpu.memory_space<hbm>> -> memref<8x4096xf32, #tpu.memory_space<hbm>>
    %dma_start3A_284 = arith.constant 0 : i32
    %dma_start3A_285 = tpu.memref_slice %arg6[%add3A_281, %dma_start3A_284] : memref<4096x4096xf32, #tpu.memory_space<hbm>> -> memref<8x4096xf32, #tpu.memory_space<hbm>>
    tpu.enqueue_dma source(%arg13 : memref<8x4096xf32, #tpu.memory_space<vmem>>) target(%dma_start3A_285 : memref<8x4096xf32, #tpu.memory_space<hbm>>) target_semaphore(%arg15 : memref<!tpu.dma_semaphore, #tpu.memory_space<semaphore_mem>>)
    %dma_wait3A_286 = arith.constant 0 : i32
    %dma_wait3A_287 = tpu.memref_slice %arg6[%add3A_281, %dma_wait3A_286] : memref<4096x4096xf32, #tpu.memory_space<hbm>> -> memref<8x4096xf32, #tpu.memory_space<hbm>>
    %dma_wait3A_288 = arith.constant 0 : i32
    %dma_wait3A_289 = tpu.memref_slice %arg6[%add3A_281, %dma_wait3A_288] : memref<4096x4096xf32, #tpu.memory_space<hbm>> -> memref<8x4096xf32, #tpu.memory_space<hbm>>
    tpu.wait_dma2 semaphore(%arg15 : memref<!tpu.dma_semaphore, #tpu.memory_space<semaphore_mem>>) src(%arg13 : memref<8x4096xf32, #tpu.memory_space<vmem>>) dst(%dma_wait3A_289 : memref<8x4096xf32, #tpu.memory_space<hbm>>)
    %dma_start3A_290 = arith.constant 120 : i32
    %dma_start3A_291 = tpu.memref_slice %arg9[%dma_start3A_290] : memref<128xi32, #tpu.memory_space<vmem>> -> memref<8xi32, #tpu.memory_space<vmem>>
    %dma_start3A_292 = arith.constant 0 : i32
    %dma_start3A_293 = arith.constant 0 : i32
    %dma_start3A_294 = tpu.memref_slice %arg2[%dma_start3A_292, %dma_start3A_293] : memref<16384x4096xf32, #tpu.memory_space<hbm>> -> memref<16384x4096xf32, #tpu.memory_space<hbm>>
    tpu.enqueue_indirect_dma source(%dma_start3A_294 : memref<16384x4096xf32, #tpu.memory_space<hbm>>) target(%arg13 : memref<8x4096xf32, #tpu.memory_space<vmem>>) offsets(%dma_start3A_291 : memref<8xi32, #tpu.memory_space<vmem>>) semaphore(%arg14 : memref<!tpu.dma_semaphore, #tpu.memory_space<semaphore_mem>>)
    %dma_wait3A_295 = arith.constant 112 : i32
    %dma_wait3A_296 = tpu.memref_slice %arg9[%dma_wait3A_295] : memref<128xi32, #tpu.memory_space<vmem>> -> memref<8xi32, #tpu.memory_space<vmem>>
    %dma_wait3A_297 = arith.constant 0 : i32
    %dma_wait3A_298 = arith.constant 0 : i32
    %dma_wait3A_299 = tpu.memref_slice %arg2[%dma_wait3A_297, %dma_wait3A_298] : memref<16384x4096xf32, #tpu.memory_space<hbm>> -> memref<16384x4096xf32, #tpu.memory_space<hbm>>
    tpu.wait_indirect_dma semaphore(%arg14 : memref<!tpu.dma_semaphore, #tpu.memory_space<semaphore_mem>>) src(%dma_wait3A_299 : memref<16384x4096xf32, #tpu.memory_space<hbm>>) dst(%arg12 : memref<8x4096xf32, #tpu.memory_space<vmem>>)
    %add3A_300 = arith.constant 112 : i32
    %add3A_301 = arith.addi %mul3A_2, %add3A_300 : i32
    %dma_start3A_302 = arith.constant 0 : i32
    %dma_start3A_303 = tpu.memref_slice %arg6[%add3A_301, %dma_start3A_302] : memref<4096x4096xf32, #tpu.memory_space<hbm>> -> memref<8x4096xf32, #tpu.memory_space<hbm>>
    %dma_start3A_304 = arith.constant 0 : i32
    %dma_start3A_305 = tpu.memref_slice %arg6[%add3A_301, %dma_start3A_304] : memref<4096x4096xf32, #tpu.memory_space<hbm>> -> memref<8x4096xf32, #tpu.memory_space<hbm>>
    tpu.enqueue_dma source(%arg12 : memref<8x4096xf32, #tpu.memory_space<vmem>>) target(%dma_start3A_305 : memref<8x4096xf32, #tpu.memory_space<hbm>>) target_semaphore(%arg15 : memref<!tpu.dma_semaphore, #tpu.memory_space<semaphore_mem>>)
    %dma_wait3A_306 = arith.constant 120 : i32
    %dma_wait3A_307 = tpu.memref_slice %arg9[%dma_wait3A_306] : memref<128xi32, #tpu.memory_space<vmem>> -> memref<8xi32, #tpu.memory_space<vmem>>
    %dma_wait3A_308 = arith.constant 0 : i32
    %dma_wait3A_309 = arith.constant 0 : i32
    %dma_wait3A_310 = tpu.memref_slice %arg2[%dma_wait3A_308, %dma_wait3A_309] : memref<16384x4096xf32, #tpu.memory_space<hbm>> -> memref<16384x4096xf32, #tpu.memory_space<hbm>>
    tpu.wait_indirect_dma semaphore(%arg14 : memref<!tpu.dma_semaphore, #tpu.memory_space<semaphore_mem>>) src(%dma_wait3A_310 : memref<16384x4096xf32, #tpu.memory_space<hbm>>) dst(%arg13 : memref<8x4096xf32, #tpu.memory_space<vmem>>)
    %add3A_311 = arith.constant 120 : i32
    %add3A_312 = arith.addi %mul3A_2, %add3A_311 : i32
    %dma_start3A_313 = arith.constant 0 : i32
    %dma_start3A_314 = tpu.memref_slice %arg6[%add3A_312, %dma_start3A_313] : memref<4096x4096xf32, #tpu.memory_space<hbm>> -> memref<8x4096xf32, #tpu.memory_space<hbm>>
    %dma_start3A_315 = arith.constant 0 : i32
    %dma_start3A_316 = tpu.memref_slice %arg6[%add3A_312, %dma_start3A_315] : memref<4096x4096xf32, #tpu.memory_space<hbm>> -> memref<8x4096xf32, #tpu.memory_space<hbm>>
    tpu.enqueue_dma source(%arg13 : memref<8x4096xf32, #tpu.memory_space<vmem>>) target(%dma_start3A_316 : memref<8x4096xf32, #tpu.memory_space<hbm>>) target_semaphore(%arg15 : memref<!tpu.dma_semaphore, #tpu.memory_space<semaphore_mem>>)
    %dma_wait3A_317 = arith.constant 0 : i32
    %dma_wait3A_318 = tpu.memref_slice %arg6[%add3A_301, %dma_wait3A_317] : memref<4096x4096xf32, #tpu.memory_space<hbm>> -> memref<8x4096xf32, #tpu.memory_space<hbm>>
    %dma_wait3A_319 = arith.constant 0 : i32
    %dma_wait3A_320 = tpu.memref_slice %arg6[%add3A_301, %dma_wait3A_319] : memref<4096x4096xf32, #tpu.memory_space<hbm>> -> memref<8x4096xf32, #tpu.memory_space<hbm>>
    tpu.wait_dma2 semaphore(%arg15 : memref<!tpu.dma_semaphore, #tpu.memory_space<semaphore_mem>>) src(%arg12 : memref<8x4096xf32, #tpu.memory_space<vmem>>) dst(%dma_wait3A_320 : memref<8x4096xf32, #tpu.memory_space<hbm>>)
    %dma_wait3A_321 = arith.constant 0 : i32
    %dma_wait3A_322 = tpu.memref_slice %arg6[%add3A_312, %dma_wait3A_321] : memref<4096x4096xf32, #tpu.memory_space<hbm>> -> memref<8x4096xf32, #tpu.memory_space<hbm>>
    %dma_wait3A_323 = arith.constant 0 : i32
    %dma_wait3A_324 = tpu.memref_slice %arg6[%add3A_312, %dma_wait3A_323] : memref<4096x4096xf32, #tpu.memory_space<hbm>> -> memref<8x4096xf32, #tpu.memory_space<hbm>>
    tpu.wait_dma2 semaphore(%arg15 : memref<!tpu.dma_semaphore, #tpu.memory_space<semaphore_mem>>) src(%arg13 : memref<8x4096xf32, #tpu.memory_space<vmem>>) dst(%dma_wait3A_324 : memref<8x4096xf32, #tpu.memory_space<hbm>>)
    %dma_wait3A_325 = arith.constant 0 : i32
    %dma_wait3A_326 = tpu.memref_slice %arg4[%dma_wait3A_325] : memref<16384xi32, #tpu.memory_space<hbm>> -> memref<16384xi32, #tpu.memory_space<hbm>>
    tpu.wait_indirect_dma semaphore(%arg14 : memref<!tpu.dma_semaphore, #tpu.memory_space<semaphore_mem>>) src(%dma_wait3A_326 : memref<16384xi32, #tpu.memory_space<hbm>>) dst(%arg10 : memref<128xi32, #tpu.memory_space<vmem>>)
    %dma_wait3A_327 = arith.constant 0 : i32
    %dma_wait3A_328 = tpu.memref_slice %arg5[%dma_wait3A_327] : memref<16384xi32, #tpu.memory_space<hbm>> -> memref<16384xi32, #tpu.memory_space<hbm>>
    tpu.wait_indirect_dma semaphore(%arg14 : memref<!tpu.dma_semaphore, #tpu.memory_space<semaphore_mem>>) src(%dma_wait3A_328 : memref<16384xi32, #tpu.memory_space<hbm>>) dst(%arg11 : memref<128xi32, #tpu.memory_space<vmem>>)
    "tpu.region"() ({
      %run_scoped3A = tpu.sem_alloc : memref<!tpu.dma_semaphore, #tpu.memory_space<semaphore_mem>>
      %dma_start3A_329 = tpu.memref_slice %arg7[%mul3A_2] : memref<4096xi32, #tpu.memory_space<hbm>> -> memref<128xi32, #tpu.memory_space<hbm>>
      %dma_start3A_330 = tpu.memref_slice %arg7[%mul3A_2] : memref<4096xi32, #tpu.memory_space<hbm>> -> memref<128xi32, #tpu.memory_space<hbm>>
      tpu.enqueue_dma source(%arg10 : memref<128xi32, #tpu.memory_space<vmem>>) target(%dma_start3A_330 : memref<128xi32, #tpu.memory_space<hbm>>) target_semaphore(%run_scoped3A : memref<!tpu.dma_semaphore, #tpu.memory_space<semaphore_mem>>)
      %dma_wait3A_331 = tpu.memref_slice %arg7[%mul3A_2] : memref<4096xi32, #tpu.memory_space<hbm>> -> memref<128xi32, #tpu.memory_space<hbm>>
      %dma_wait3A_332 = tpu.memref_slice %arg7[%mul3A_2] : memref<4096xi32, #tpu.memory_space<hbm>> -> memref<128xi32, #tpu.memory_space<hbm>>
      tpu.wait_dma2 semaphore(%run_scoped3A : memref<!tpu.dma_semaphore, #tpu.memory_space<semaphore_mem>>) src(%arg10 : memref<128xi32, #tpu.memory_space<vmem>>) dst(%dma_wait3A_332 : memref<128xi32, #tpu.memory_space<hbm>>)
      tpu.yield
    }) : () -> ()
    "tpu.region"() ({
      %run_scoped3A = tpu.sem_alloc : memref<!tpu.dma_semaphore, #tpu.memory_space<semaphore_mem>>
      %dma_start3A_329 = tpu.memref_slice %arg8[%mul3A_2] : memref<4096xi32, #tpu.memory_space<hbm>> -> memref<128xi32, #tpu.memory_space<hbm>>
      %dma_start3A_330 = tpu.memref_slice %arg8[%mul3A_2] : memref<4096xi32, #tpu.memory_space<hbm>> -> memref<128xi32, #tpu.memory_space<hbm>>
      tpu.enqueue_dma source(%arg11 : memref<128xi32, #tpu.memory_space<vmem>>) target(%dma_start3A_330 : memref<128xi32, #tpu.memory_space<hbm>>) target_semaphore(%run_scoped3A : memref<!tpu.dma_semaphore, #tpu.memory_space<semaphore_mem>>)
      %dma_wait3A_331 = tpu.memref_slice %arg8[%mul3A_2] : memref<4096xi32, #tpu.memory_space<hbm>> -> memref<128xi32, #tpu.memory_space<hbm>>
      %dma_wait3A_332 = tpu.memref_slice %arg8[%mul3A_2] : memref<4096xi32, #tpu.memory_space<hbm>> -> memref<128xi32, #tpu.memory_space<hbm>>
      tpu.wait_dma2 semaphore(%run_scoped3A : memref<!tpu.dma_semaphore, #tpu.memory_space<semaphore_mem>>) src(%arg11 : memref<128xi32, #tpu.memory_space<vmem>>) dst(%dma_wait3A_332 : memref<128xi32, #tpu.memory_space<hbm>>)
      tpu.yield
    }) : () -> ()
    return
  }
}

module attributes {stable_mosaic.version = 14 : i64} {
  func.func @_rank_body(%arg0: i32, %arg1: memref<8x128xf32, #tpu.memory_space<vmem>>, %arg2: memref<128x128xf32, #tpu.memory_space<vmem>>, %arg3: memref<8x128xi32, #tpu.memory_space<vmem>>) attributes {dimension_semantics = [#tpu.dimension_semantics<arbitrary>], iteration_bounds = array<i64: 16>, scalar_prefetch = 0 : i64, scratch_operands = 0 : i64, tpu.core_type = #tpu.core_type<tc>, window_params = [{transform_indices = @transform_0, window_bounds = array<i64: 8, 128>}, {pipeline_mode = #tpu.pipeline_mode<synchronous>, transform_indices = @transform_1, window_bounds = array<i64: 128, 128>}, {transform_indices = @transform_2, window_bounds = array<i64: 8, 128>}]} {
    %get3A = arith.constant 0 : index
    %get3A_0 = arith.constant 0 : index
    %get3A_1 = vector.load %arg1[%get3A, %get3A_0] : memref<8x128xf32, #tpu.memory_space<vmem>>, vector<8x128xf32>
    %broadcast_in_dim3A = vector.shape_cast %get3A_1 : vector<8x128xf32> to vector<8x128x1xf32>
    %broadcast_in_dim3A_2 = arith.constant 0.000000e+00 : f32
    %broadcast_in_dim3A_3 = vector.broadcast %broadcast_in_dim3A_2 : f32 to vector<8x128x128xf32>
    %mul3A = arith.constant 8 : i32
    %mul3A_4 = arith.muli %mul3A, %arg0 : i32
    %jit3A = arith.constant 8 : i32
    %div3A = arith.divsi %mul3A_4, %jit3A : i32
    %sign3A = arith.constant 0 : i32
    %sign3A_5 = arith.cmpi sgt, %mul3A_4, %sign3A : i32
    %sign3A_6 = arith.extui %sign3A_5 : i1 to i32
    %sign3A_7 = arith.constant 0 : i32
    %sign3A_8 = arith.cmpi slt, %mul3A_4, %sign3A_7 : i32
    %sign3A_9 = arith.extui %sign3A_8 : i1 to i32
    %sign3A_10 = arith.subi %sign3A_6, %sign3A_9 : i32
    %sign3A_11 = arith.constant 0 : i32
    %sign3A_12 = arith.cmpi sgt, %jit3A, %sign3A_11 : i32
    %sign3A_13 = arith.extui %sign3A_12 : i1 to i32
    %sign3A_14 = arith.constant 0 : i32
    %sign3A_15 = arith.cmpi slt, %jit3A, %sign3A_14 : i32
    %sign3A_16 = arith.extui %sign3A_15 : i1 to i32
    %sign3A_17 = arith.subi %sign3A_13, %sign3A_16 : i32
    %ne3A = arith.cmpi ne, %sign3A_10, %sign3A_17 : i32
    %rem3A = arith.remsi %mul3A_4, %jit3A : i32
    %ne3A_18 = arith.constant 0 : i32
    %ne3A_19 = arith.cmpi ne, %rem3A, %ne3A_18 : i32
    %and3A = arith.andi %ne3A, %ne3A_19 : i1
    %sub3A = arith.constant 1 : i32
    %sub3A_20 = arith.subi %div3A, %sub3A : i32
    %select_n3A = arith.select %and3A, %sub3A_20, %div3A : i32
    %while3A = arith.constant 0 : i32
    %while3A_21 = arith.subi %select_n3A, %while3A : i32
    %while3A_22 = arith.addi %while3A, %while3A_21 : i32
    %while3A_23 = arith.constant 1 : i32
    %while3A_24 = arith.divsi %while3A_21, %while3A_23 : i32
    %while3A_25 = arith.muli %while3A_24, %while3A_23 : i32
    %while3A_26 = arith.addi %while3A, %while3A_25 : i32
    %while3A_27 = arith.constant 1 : i32
    %while3A_28 = scf.for %while3A_309 = %while3A to %while3A_26 step %while3A_27 iter_args(%while3A_310 = %broadcast_in_dim3A_3) -> (vector<8x128x128xf32>)  : i32 {
      %mul3A_311 = arith.constant 8 : i32
      %mul3A_312 = arith.muli %mul3A_311, %while3A_309 : i32
      %add3A_313 = arith.constant 0 : i32
      %add3A_314 = arith.addi %mul3A_312, %add3A_313 : i32
      %get3A_315 = arith.index_cast %add3A_314 : i32 to index
      %get3A_316 = arith.constant 0 : index
      %get3A_317 = vector.load %arg2[%get3A_315, %get3A_316] : memref<128x128xf32, #tpu.memory_space<vmem>>, vector<1x128xf32>
      %reshape3A_318 = vector.shape_cast %get3A_317 : vector<1x128xf32> to vector<1x1x128xf32>
      %ge3A = vector.broadcast %reshape3A_318 : vector<1x1x128xf32> to vector<8x128x128xf32>
      %ge3A_319 = vector.broadcast %broadcast_in_dim3A : vector<8x128x1xf32> to vector<8x128x128xf32>
      %ge3A_320 = arith.cmpf oge, %ge3A, %ge3A_319 : vector<8x128x128xf32>
      %jit3A_321 = arith.constant 1.000000e+00 : f32
      %jit3A_322 = arith.constant 0.000000e+00 : f32
      %broadcast_in_dim3A_323 = vector.broadcast %jit3A_321 : f32 to vector<8x128x128xf32>
      %broadcast_in_dim3A_324 = vector.broadcast %jit3A_322 : f32 to vector<8x128x128xf32>
      %select_n3A_325 = arith.select %ge3A_320, %broadcast_in_dim3A_323, %broadcast_in_dim3A_324 : vector<8x128x128xi1>, vector<8x128x128xf32>
      %add3A_326 = arith.addf %while3A_310, %select_n3A_325 : vector<8x128x128xf32>
      %mul3A_327 = arith.constant 8 : i32
      %mul3A_328 = arith.muli %mul3A_327, %while3A_309 : i32
      %add3A_329 = arith.constant 1 : i32
      %add3A_330 = arith.addi %mul3A_328, %add3A_329 : i32
      %get3A_331 = arith.index_cast %add3A_330 : i32 to index
      %get3A_332 = arith.constant 0 : index
      %get3A_333 = vector.load %arg2[%get3A_331, %get3A_332] : memref<128x128xf32, #tpu.memory_space<vmem>>, vector<1x128xf32>
      %reshape3A_334 = vector.shape_cast %get3A_333 : vector<1x128xf32> to vector<1x1x128xf32>
      %ge3A_335 = vector.broadcast %reshape3A_334 : vector<1x1x128xf32> to vector<8x128x128xf32>
      %ge3A_336 = vector.broadcast %broadcast_in_dim3A : vector<8x128x1xf32> to vector<8x128x128xf32>
      %ge3A_337 = arith.cmpf oge, %ge3A_335, %ge3A_336 : vector<8x128x128xf32>
      %jit3A_338 = arith.constant 1.000000e+00 : f32
      %jit3A_339 = arith.constant 0.000000e+00 : f32
      %broadcast_in_dim3A_340 = vector.broadcast %jit3A_338 : f32 to vector<8x128x128xf32>
      %broadcast_in_dim3A_341 = vector.broadcast %jit3A_339 : f32 to vector<8x128x128xf32>
      %select_n3A_342 = arith.select %ge3A_337, %broadcast_in_dim3A_340, %broadcast_in_dim3A_341 : vector<8x128x128xi1>, vector<8x128x128xf32>
      %add3A_343 = arith.addf %add3A_326, %select_n3A_342 : vector<8x128x128xf32>
      %mul3A_344 = arith.constant 8 : i32
      %mul3A_345 = arith.muli %mul3A_344, %while3A_309 : i32
      %add3A_346 = arith.constant 2 : i32
      %add3A_347 = arith.addi %mul3A_345, %add3A_346 : i32
      %get3A_348 = arith.index_cast %add3A_347 : i32 to index
      %get3A_349 = arith.constant 0 : index
      %get3A_350 = vector.load %arg2[%get3A_348, %get3A_349] : memref<128x128xf32, #tpu.memory_space<vmem>>, vector<1x128xf32>
      %reshape3A_351 = vector.shape_cast %get3A_350 : vector<1x128xf32> to vector<1x1x128xf32>
      %ge3A_352 = vector.broadcast %reshape3A_351 : vector<1x1x128xf32> to vector<8x128x128xf32>
      %ge3A_353 = vector.broadcast %broadcast_in_dim3A : vector<8x128x1xf32> to vector<8x128x128xf32>
      %ge3A_354 = arith.cmpf oge, %ge3A_352, %ge3A_353 : vector<8x128x128xf32>
      %jit3A_355 = arith.constant 1.000000e+00 : f32
      %jit3A_356 = arith.constant 0.000000e+00 : f32
      %broadcast_in_dim3A_357 = vector.broadcast %jit3A_355 : f32 to vector<8x128x128xf32>
      %broadcast_in_dim3A_358 = vector.broadcast %jit3A_356 : f32 to vector<8x128x128xf32>
      %select_n3A_359 = arith.select %ge3A_354, %broadcast_in_dim3A_357, %broadcast_in_dim3A_358 : vector<8x128x128xi1>, vector<8x128x128xf32>
      %add3A_360 = arith.addf %add3A_343, %select_n3A_359 : vector<8x128x128xf32>
      %mul3A_361 = arith.constant 8 : i32
      %mul3A_362 = arith.muli %mul3A_361, %while3A_309 : i32
      %add3A_363 = arith.constant 3 : i32
      %add3A_364 = arith.addi %mul3A_362, %add3A_363 : i32
      %get3A_365 = arith.index_cast %add3A_364 : i32 to index
      %get3A_366 = arith.constant 0 : index
      %get3A_367 = vector.load %arg2[%get3A_365, %get3A_366] : memref<128x128xf32, #tpu.memory_space<vmem>>, vector<1x128xf32>
      %reshape3A_368 = vector.shape_cast %get3A_367 : vector<1x128xf32> to vector<1x1x128xf32>
      %ge3A_369 = vector.broadcast %reshape3A_368 : vector<1x1x128xf32> to vector<8x128x128xf32>
      %ge3A_370 = vector.broadcast %broadcast_in_dim3A : vector<8x128x1xf32> to vector<8x128x128xf32>
      %ge3A_371 = arith.cmpf oge, %ge3A_369, %ge3A_370 : vector<8x128x128xf32>
      %jit3A_372 = arith.constant 1.000000e+00 : f32
      %jit3A_373 = arith.constant 0.000000e+00 : f32
      %broadcast_in_dim3A_374 = vector.broadcast %jit3A_372 : f32 to vector<8x128x128xf32>
      %broadcast_in_dim3A_375 = vector.broadcast %jit3A_373 : f32 to vector<8x128x128xf32>
      %select_n3A_376 = arith.select %ge3A_371, %broadcast_in_dim3A_374, %broadcast_in_dim3A_375 : vector<8x128x128xi1>, vector<8x128x128xf32>
      %add3A_377 = arith.addf %add3A_360, %select_n3A_376 : vector<8x128x128xf32>
      %mul3A_378 = arith.constant 8 : i32
      %mul3A_379 = arith.muli %mul3A_378, %while3A_309 : i32
      %add3A_380 = arith.constant 4 : i32
      %add3A_381 = arith.addi %mul3A_379, %add3A_380 : i32
      %get3A_382 = arith.index_cast %add3A_381 : i32 to index
      %get3A_383 = arith.constant 0 : index
      %get3A_384 = vector.load %arg2[%get3A_382, %get3A_383] : memref<128x128xf32, #tpu.memory_space<vmem>>, vector<1x128xf32>
      %reshape3A_385 = vector.shape_cast %get3A_384 : vector<1x128xf32> to vector<1x1x128xf32>
      %ge3A_386 = vector.broadcast %reshape3A_385 : vector<1x1x128xf32> to vector<8x128x128xf32>
      %ge3A_387 = vector.broadcast %broadcast_in_dim3A : vector<8x128x1xf32> to vector<8x128x128xf32>
      %ge3A_388 = arith.cmpf oge, %ge3A_386, %ge3A_387 : vector<8x128x128xf32>
      %jit3A_389 = arith.constant 1.000000e+00 : f32
      %jit3A_390 = arith.constant 0.000000e+00 : f32
      %broadcast_in_dim3A_391 = vector.broadcast %jit3A_389 : f32 to vector<8x128x128xf32>
      %broadcast_in_dim3A_392 = vector.broadcast %jit3A_390 : f32 to vector<8x128x128xf32>
      %select_n3A_393 = arith.select %ge3A_388, %broadcast_in_dim3A_391, %broadcast_in_dim3A_392 : vector<8x128x128xi1>, vector<8x128x128xf32>
      %add3A_394 = arith.addf %add3A_377, %select_n3A_393 : vector<8x128x128xf32>
      %mul3A_395 = arith.constant 8 : i32
      %mul3A_396 = arith.muli %mul3A_395, %while3A_309 : i32
      %add3A_397 = arith.constant 5 : i32
      %add3A_398 = arith.addi %mul3A_396, %add3A_397 : i32
      %get3A_399 = arith.index_cast %add3A_398 : i32 to index
      %get3A_400 = arith.constant 0 : index
      %get3A_401 = vector.load %arg2[%get3A_399, %get3A_400] : memref<128x128xf32, #tpu.memory_space<vmem>>, vector<1x128xf32>
      %reshape3A_402 = vector.shape_cast %get3A_401 : vector<1x128xf32> to vector<1x1x128xf32>
      %ge3A_403 = vector.broadcast %reshape3A_402 : vector<1x1x128xf32> to vector<8x128x128xf32>
      %ge3A_404 = vector.broadcast %broadcast_in_dim3A : vector<8x128x1xf32> to vector<8x128x128xf32>
      %ge3A_405 = arith.cmpf oge, %ge3A_403, %ge3A_404 : vector<8x128x128xf32>
      %jit3A_406 = arith.constant 1.000000e+00 : f32
      %jit3A_407 = arith.constant 0.000000e+00 : f32
      %broadcast_in_dim3A_408 = vector.broadcast %jit3A_406 : f32 to vector<8x128x128xf32>
      %broadcast_in_dim3A_409 = vector.broadcast %jit3A_407 : f32 to vector<8x128x128xf32>
      %select_n3A_410 = arith.select %ge3A_405, %broadcast_in_dim3A_408, %broadcast_in_dim3A_409 : vector<8x128x128xi1>, vector<8x128x128xf32>
      %add3A_411 = arith.addf %add3A_394, %select_n3A_410 : vector<8x128x128xf32>
      %mul3A_412 = arith.constant 8 : i32
      %mul3A_413 = arith.muli %mul3A_412, %while3A_309 : i32
      %add3A_414 = arith.constant 6 : i32
      %add3A_415 = arith.addi %mul3A_413, %add3A_414 : i32
      %get3A_416 = arith.index_cast %add3A_415 : i32 to index
      %get3A_417 = arith.constant 0 : index
      %get3A_418 = vector.load %arg2[%get3A_416, %get3A_417] : memref<128x128xf32, #tpu.memory_space<vmem>>, vector<1x128xf32>
      %reshape3A_419 = vector.shape_cast %get3A_418 : vector<1x128xf32> to vector<1x1x128xf32>
      %ge3A_420 = vector.broadcast %reshape3A_419 : vector<1x1x128xf32> to vector<8x128x128xf32>
      %ge3A_421 = vector.broadcast %broadcast_in_dim3A : vector<8x128x1xf32> to vector<8x128x128xf32>
      %ge3A_422 = arith.cmpf oge, %ge3A_420, %ge3A_421 : vector<8x128x128xf32>
      %jit3A_423 = arith.constant 1.000000e+00 : f32
      %jit3A_424 = arith.constant 0.000000e+00 : f32
      %broadcast_in_dim3A_425 = vector.broadcast %jit3A_423 : f32 to vector<8x128x128xf32>
      %broadcast_in_dim3A_426 = vector.broadcast %jit3A_424 : f32 to vector<8x128x128xf32>
      %select_n3A_427 = arith.select %ge3A_422, %broadcast_in_dim3A_425, %broadcast_in_dim3A_426 : vector<8x128x128xi1>, vector<8x128x128xf32>
      %add3A_428 = arith.addf %add3A_411, %select_n3A_427 : vector<8x128x128xf32>
      %mul3A_429 = arith.constant 8 : i32
      %mul3A_430 = arith.muli %mul3A_429, %while3A_309 : i32
      %add3A_431 = arith.constant 7 : i32
      %add3A_432 = arith.addi %mul3A_430, %add3A_431 : i32
      %get3A_433 = arith.index_cast %add3A_432 : i32 to index
      %get3A_434 = arith.constant 0 : index
      %get3A_435 = vector.load %arg2[%get3A_433, %get3A_434] : memref<128x128xf32, #tpu.memory_space<vmem>>, vector<1x128xf32>
      %reshape3A_436 = vector.shape_cast %get3A_435 : vector<1x128xf32> to vector<1x1x128xf32>
      %ge3A_437 = vector.broadcast %reshape3A_436 : vector<1x1x128xf32> to vector<8x128x128xf32>
      %ge3A_438 = vector.broadcast %broadcast_in_dim3A : vector<8x128x1xf32> to vector<8x128x128xf32>
      %ge3A_439 = arith.cmpf oge, %ge3A_437, %ge3A_438 : vector<8x128x128xf32>
      %jit3A_440 = arith.constant 1.000000e+00 : f32
      %jit3A_441 = arith.constant 0.000000e+00 : f32
      %broadcast_in_dim3A_442 = vector.broadcast %jit3A_440 : f32 to vector<8x128x128xf32>
      %broadcast_in_dim3A_443 = vector.broadcast %jit3A_441 : f32 to vector<8x128x128xf32>
      %select_n3A_444 = arith.select %ge3A_439, %broadcast_in_dim3A_442, %broadcast_in_dim3A_443 : vector<8x128x128xi1>, vector<8x128x128xf32>
      %add3A_445 = arith.addf %add3A_428, %select_n3A_444 : vector<8x128x128xf32>
      scf.yield %add3A_445 : vector<8x128x128xf32>
    }
    %while3A_29 = arith.constant 1 : i32
    %while3A_30 = scf.for %while3A_309 = %while3A_26 to %while3A_22 step %while3A_29 iter_args(%while3A_310 = %while3A_28) -> (vector<8x128x128xf32>)  : i32 {
      %mul3A_311 = arith.constant 8 : i32
      %mul3A_312 = arith.muli %mul3A_311, %while3A_309 : i32
      %add3A_313 = arith.constant 0 : i32
      %add3A_314 = arith.addi %mul3A_312, %add3A_313 : i32
      %get3A_315 = arith.index_cast %add3A_314 : i32 to index
      %get3A_316 = arith.constant 0 : index
      %get3A_317 = vector.load %arg2[%get3A_315, %get3A_316] : memref<128x128xf32, #tpu.memory_space<vmem>>, vector<1x128xf32>
      %reshape3A_318 = vector.shape_cast %get3A_317 : vector<1x128xf32> to vector<1x1x128xf32>
      %ge3A = vector.broadcast %reshape3A_318 : vector<1x1x128xf32> to vector<8x128x128xf32>
      %ge3A_319 = vector.broadcast %broadcast_in_dim3A : vector<8x128x1xf32> to vector<8x128x128xf32>
      %ge3A_320 = arith.cmpf oge, %ge3A, %ge3A_319 : vector<8x128x128xf32>
      %jit3A_321 = arith.constant 1.000000e+00 : f32
      %jit3A_322 = arith.constant 0.000000e+00 : f32
      %broadcast_in_dim3A_323 = vector.broadcast %jit3A_321 : f32 to vector<8x128x128xf32>
      %broadcast_in_dim3A_324 = vector.broadcast %jit3A_322 : f32 to vector<8x128x128xf32>
      %select_n3A_325 = arith.select %ge3A_320, %broadcast_in_dim3A_323, %broadcast_in_dim3A_324 : vector<8x128x128xi1>, vector<8x128x128xf32>
      %add3A_326 = arith.addf %while3A_310, %select_n3A_325 : vector<8x128x128xf32>
      %mul3A_327 = arith.constant 8 : i32
      %mul3A_328 = arith.muli %mul3A_327, %while3A_309 : i32
      %add3A_329 = arith.constant 1 : i32
      %add3A_330 = arith.addi %mul3A_328, %add3A_329 : i32
      %get3A_331 = arith.index_cast %add3A_330 : i32 to index
      %get3A_332 = arith.constant 0 : index
      %get3A_333 = vector.load %arg2[%get3A_331, %get3A_332] : memref<128x128xf32, #tpu.memory_space<vmem>>, vector<1x128xf32>
      %reshape3A_334 = vector.shape_cast %get3A_333 : vector<1x128xf32> to vector<1x1x128xf32>
      %ge3A_335 = vector.broadcast %reshape3A_334 : vector<1x1x128xf32> to vector<8x128x128xf32>
      %ge3A_336 = vector.broadcast %broadcast_in_dim3A : vector<8x128x1xf32> to vector<8x128x128xf32>
      %ge3A_337 = arith.cmpf oge, %ge3A_335, %ge3A_336 : vector<8x128x128xf32>
      %jit3A_338 = arith.constant 1.000000e+00 : f32
      %jit3A_339 = arith.constant 0.000000e+00 : f32
      %broadcast_in_dim3A_340 = vector.broadcast %jit3A_338 : f32 to vector<8x128x128xf32>
      %broadcast_in_dim3A_341 = vector.broadcast %jit3A_339 : f32 to vector<8x128x128xf32>
      %select_n3A_342 = arith.select %ge3A_337, %broadcast_in_dim3A_340, %broadcast_in_dim3A_341 : vector<8x128x128xi1>, vector<8x128x128xf32>
      %add3A_343 = arith.addf %add3A_326, %select_n3A_342 : vector<8x128x128xf32>
      %mul3A_344 = arith.constant 8 : i32
      %mul3A_345 = arith.muli %mul3A_344, %while3A_309 : i32
      %add3A_346 = arith.constant 2 : i32
      %add3A_347 = arith.addi %mul3A_345, %add3A_346 : i32
      %get3A_348 = arith.index_cast %add3A_347 : i32 to index
      %get3A_349 = arith.constant 0 : index
      %get3A_350 = vector.load %arg2[%get3A_348, %get3A_349] : memref<128x128xf32, #tpu.memory_space<vmem>>, vector<1x128xf32>
      %reshape3A_351 = vector.shape_cast %get3A_350 : vector<1x128xf32> to vector<1x1x128xf32>
      %ge3A_352 = vector.broadcast %reshape3A_351 : vector<1x1x128xf32> to vector<8x128x128xf32>
      %ge3A_353 = vector.broadcast %broadcast_in_dim3A : vector<8x128x1xf32> to vector<8x128x128xf32>
      %ge3A_354 = arith.cmpf oge, %ge3A_352, %ge3A_353 : vector<8x128x128xf32>
      %jit3A_355 = arith.constant 1.000000e+00 : f32
      %jit3A_356 = arith.constant 0.000000e+00 : f32
      %broadcast_in_dim3A_357 = vector.broadcast %jit3A_355 : f32 to vector<8x128x128xf32>
      %broadcast_in_dim3A_358 = vector.broadcast %jit3A_356 : f32 to vector<8x128x128xf32>
      %select_n3A_359 = arith.select %ge3A_354, %broadcast_in_dim3A_357, %broadcast_in_dim3A_358 : vector<8x128x128xi1>, vector<8x128x128xf32>
      %add3A_360 = arith.addf %add3A_343, %select_n3A_359 : vector<8x128x128xf32>
      %mul3A_361 = arith.constant 8 : i32
      %mul3A_362 = arith.muli %mul3A_361, %while3A_309 : i32
      %add3A_363 = arith.constant 3 : i32
      %add3A_364 = arith.addi %mul3A_362, %add3A_363 : i32
      %get3A_365 = arith.index_cast %add3A_364 : i32 to index
      %get3A_366 = arith.constant 0 : index
      %get3A_367 = vector.load %arg2[%get3A_365, %get3A_366] : memref<128x128xf32, #tpu.memory_space<vmem>>, vector<1x128xf32>
      %reshape3A_368 = vector.shape_cast %get3A_367 : vector<1x128xf32> to vector<1x1x128xf32>
      %ge3A_369 = vector.broadcast %reshape3A_368 : vector<1x1x128xf32> to vector<8x128x128xf32>
      %ge3A_370 = vector.broadcast %broadcast_in_dim3A : vector<8x128x1xf32> to vector<8x128x128xf32>
      %ge3A_371 = arith.cmpf oge, %ge3A_369, %ge3A_370 : vector<8x128x128xf32>
      %jit3A_372 = arith.constant 1.000000e+00 : f32
      %jit3A_373 = arith.constant 0.000000e+00 : f32
      %broadcast_in_dim3A_374 = vector.broadcast %jit3A_372 : f32 to vector<8x128x128xf32>
      %broadcast_in_dim3A_375 = vector.broadcast %jit3A_373 : f32 to vector<8x128x128xf32>
      %select_n3A_376 = arith.select %ge3A_371, %broadcast_in_dim3A_374, %broadcast_in_dim3A_375 : vector<8x128x128xi1>, vector<8x128x128xf32>
      %add3A_377 = arith.addf %add3A_360, %select_n3A_376 : vector<8x128x128xf32>
      %mul3A_378 = arith.constant 8 : i32
      %mul3A_379 = arith.muli %mul3A_378, %while3A_309 : i32
      %add3A_380 = arith.constant 4 : i32
      %add3A_381 = arith.addi %mul3A_379, %add3A_380 : i32
      %get3A_382 = arith.index_cast %add3A_381 : i32 to index
      %get3A_383 = arith.constant 0 : index
      %get3A_384 = vector.load %arg2[%get3A_382, %get3A_383] : memref<128x128xf32, #tpu.memory_space<vmem>>, vector<1x128xf32>
      %reshape3A_385 = vector.shape_cast %get3A_384 : vector<1x128xf32> to vector<1x1x128xf32>
      %ge3A_386 = vector.broadcast %reshape3A_385 : vector<1x1x128xf32> to vector<8x128x128xf32>
      %ge3A_387 = vector.broadcast %broadcast_in_dim3A : vector<8x128x1xf32> to vector<8x128x128xf32>
      %ge3A_388 = arith.cmpf oge, %ge3A_386, %ge3A_387 : vector<8x128x128xf32>
      %jit3A_389 = arith.constant 1.000000e+00 : f32
      %jit3A_390 = arith.constant 0.000000e+00 : f32
      %broadcast_in_dim3A_391 = vector.broadcast %jit3A_389 : f32 to vector<8x128x128xf32>
      %broadcast_in_dim3A_392 = vector.broadcast %jit3A_390 : f32 to vector<8x128x128xf32>
      %select_n3A_393 = arith.select %ge3A_388, %broadcast_in_dim3A_391, %broadcast_in_dim3A_392 : vector<8x128x128xi1>, vector<8x128x128xf32>
      %add3A_394 = arith.addf %add3A_377, %select_n3A_393 : vector<8x128x128xf32>
      %mul3A_395 = arith.constant 8 : i32
      %mul3A_396 = arith.muli %mul3A_395, %while3A_309 : i32
      %add3A_397 = arith.constant 5 : i32
      %add3A_398 = arith.addi %mul3A_396, %add3A_397 : i32
      %get3A_399 = arith.index_cast %add3A_398 : i32 to index
      %get3A_400 = arith.constant 0 : index
      %get3A_401 = vector.load %arg2[%get3A_399, %get3A_400] : memref<128x128xf32, #tpu.memory_space<vmem>>, vector<1x128xf32>
      %reshape3A_402 = vector.shape_cast %get3A_401 : vector<1x128xf32> to vector<1x1x128xf32>
      %ge3A_403 = vector.broadcast %reshape3A_402 : vector<1x1x128xf32> to vector<8x128x128xf32>
      %ge3A_404 = vector.broadcast %broadcast_in_dim3A : vector<8x128x1xf32> to vector<8x128x128xf32>
      %ge3A_405 = arith.cmpf oge, %ge3A_403, %ge3A_404 : vector<8x128x128xf32>
      %jit3A_406 = arith.constant 1.000000e+00 : f32
      %jit3A_407 = arith.constant 0.000000e+00 : f32
      %broadcast_in_dim3A_408 = vector.broadcast %jit3A_406 : f32 to vector<8x128x128xf32>
      %broadcast_in_dim3A_409 = vector.broadcast %jit3A_407 : f32 to vector<8x128x128xf32>
      %select_n3A_410 = arith.select %ge3A_405, %broadcast_in_dim3A_408, %broadcast_in_dim3A_409 : vector<8x128x128xi1>, vector<8x128x128xf32>
      %add3A_411 = arith.addf %add3A_394, %select_n3A_410 : vector<8x128x128xf32>
      %mul3A_412 = arith.constant 8 : i32
      %mul3A_413 = arith.muli %mul3A_412, %while3A_309 : i32
      %add3A_414 = arith.constant 6 : i32
      %add3A_415 = arith.addi %mul3A_413, %add3A_414 : i32
      %get3A_416 = arith.index_cast %add3A_415 : i32 to index
      %get3A_417 = arith.constant 0 : index
      %get3A_418 = vector.load %arg2[%get3A_416, %get3A_417] : memref<128x128xf32, #tpu.memory_space<vmem>>, vector<1x128xf32>
      %reshape3A_419 = vector.shape_cast %get3A_418 : vector<1x128xf32> to vector<1x1x128xf32>
      %ge3A_420 = vector.broadcast %reshape3A_419 : vector<1x1x128xf32> to vector<8x128x128xf32>
      %ge3A_421 = vector.broadcast %broadcast_in_dim3A : vector<8x128x1xf32> to vector<8x128x128xf32>
      %ge3A_422 = arith.cmpf oge, %ge3A_420, %ge3A_421 : vector<8x128x128xf32>
      %jit3A_423 = arith.constant 1.000000e+00 : f32
      %jit3A_424 = arith.constant 0.000000e+00 : f32
      %broadcast_in_dim3A_425 = vector.broadcast %jit3A_423 : f32 to vector<8x128x128xf32>
      %broadcast_in_dim3A_426 = vector.broadcast %jit3A_424 : f32 to vector<8x128x128xf32>
      %select_n3A_427 = arith.select %ge3A_422, %broadcast_in_dim3A_425, %broadcast_in_dim3A_426 : vector<8x128x128xi1>, vector<8x128x128xf32>
      %add3A_428 = arith.addf %add3A_411, %select_n3A_427 : vector<8x128x128xf32>
      %mul3A_429 = arith.constant 8 : i32
      %mul3A_430 = arith.muli %mul3A_429, %while3A_309 : i32
      %add3A_431 = arith.constant 7 : i32
      %add3A_432 = arith.addi %mul3A_430, %add3A_431 : i32
      %get3A_433 = arith.index_cast %add3A_432 : i32 to index
      %get3A_434 = arith.constant 0 : index
      %get3A_435 = vector.load %arg2[%get3A_433, %get3A_434] : memref<128x128xf32, #tpu.memory_space<vmem>>, vector<1x128xf32>
      %reshape3A_436 = vector.shape_cast %get3A_435 : vector<1x128xf32> to vector<1x1x128xf32>
      %ge3A_437 = vector.broadcast %reshape3A_436 : vector<1x1x128xf32> to vector<8x128x128xf32>
      %ge3A_438 = vector.broadcast %broadcast_in_dim3A : vector<8x128x1xf32> to vector<8x128x128xf32>
      %ge3A_439 = arith.cmpf oge, %ge3A_437, %ge3A_438 : vector<8x128x128xf32>
      %jit3A_440 = arith.constant 1.000000e+00 : f32
      %jit3A_441 = arith.constant 0.000000e+00 : f32
      %broadcast_in_dim3A_442 = vector.broadcast %jit3A_440 : f32 to vector<8x128x128xf32>
      %broadcast_in_dim3A_443 = vector.broadcast %jit3A_441 : f32 to vector<8x128x128xf32>
      %select_n3A_444 = arith.select %ge3A_439, %broadcast_in_dim3A_442, %broadcast_in_dim3A_443 : vector<8x128x128xi1>, vector<8x128x128xf32>
      %add3A_445 = arith.addf %add3A_428, %select_n3A_444 : vector<8x128x128xf32>
      scf.yield %add3A_445 : vector<8x128x128xf32>
    }
    %add3A = arith.constant 1 : i32
    %add3A_31 = arith.addi %arg0, %add3A : i32
    %mul3A_32 = arith.constant 8 : i32
    %mul3A_33 = arith.muli %mul3A_32, %add3A_31 : i32
    %jit3A_34 = arith.constant 8 : i32
    %div3A_35 = arith.divsi %mul3A_33, %jit3A_34 : i32
    %sign3A_36 = arith.constant 0 : i32
    %sign3A_37 = arith.cmpi sgt, %mul3A_33, %sign3A_36 : i32
    %sign3A_38 = arith.extui %sign3A_37 : i1 to i32
    %sign3A_39 = arith.constant 0 : i32
    %sign3A_40 = arith.cmpi slt, %mul3A_33, %sign3A_39 : i32
    %sign3A_41 = arith.extui %sign3A_40 : i1 to i32
    %sign3A_42 = arith.subi %sign3A_38, %sign3A_41 : i32
    %sign3A_43 = arith.constant 0 : i32
    %sign3A_44 = arith.cmpi sgt, %jit3A_34, %sign3A_43 : i32
    %sign3A_45 = arith.extui %sign3A_44 : i1 to i32
    %sign3A_46 = arith.constant 0 : i32
    %sign3A_47 = arith.cmpi slt, %jit3A_34, %sign3A_46 : i32
    %sign3A_48 = arith.extui %sign3A_47 : i1 to i32
    %sign3A_49 = arith.subi %sign3A_45, %sign3A_48 : i32
    %ne3A_50 = arith.cmpi ne, %sign3A_42, %sign3A_49 : i32
    %rem3A_51 = arith.remsi %mul3A_33, %jit3A_34 : i32
    %ne3A_52 = arith.constant 0 : i32
    %ne3A_53 = arith.cmpi ne, %rem3A_51, %ne3A_52 : i32
    %and3A_54 = arith.andi %ne3A_50, %ne3A_53 : i1
    %sub3A_55 = arith.constant 1 : i32
    %sub3A_56 = arith.subi %div3A_35, %sub3A_55 : i32
    %select_n3A_57 = arith.select %and3A_54, %sub3A_56, %div3A_35 : i32
    %while3A_58 = arith.constant 16 : i32
    %while3A_59 = arith.subi %while3A_58, %select_n3A_57 : i32
    %while3A_60 = arith.addi %select_n3A_57, %while3A_59 : i32
    %while3A_61 = arith.constant 1 : i32
    %while3A_62 = arith.divsi %while3A_59, %while3A_61 : i32
    %while3A_63 = arith.muli %while3A_62, %while3A_61 : i32
    %while3A_64 = arith.addi %select_n3A_57, %while3A_63 : i32
    %while3A_65 = arith.constant 1 : i32
    %while3A_66 = scf.for %while3A_309 = %select_n3A_57 to %while3A_64 step %while3A_65 iter_args(%while3A_310 = %while3A_30) -> (vector<8x128x128xf32>)  : i32 {
      %mul3A_311 = arith.constant 8 : i32
      %mul3A_312 = arith.muli %mul3A_311, %while3A_309 : i32
      %add3A_313 = arith.constant 0 : i32
      %add3A_314 = arith.addi %mul3A_312, %add3A_313 : i32
      %get3A_315 = arith.index_cast %add3A_314 : i32 to index
      %get3A_316 = arith.constant 0 : index
      %get3A_317 = vector.load %arg2[%get3A_315, %get3A_316] : memref<128x128xf32, #tpu.memory_space<vmem>>, vector<1x128xf32>
      %reshape3A_318 = vector.shape_cast %get3A_317 : vector<1x128xf32> to vector<1x1x128xf32>
      %gt3A_319 = vector.broadcast %reshape3A_318 : vector<1x1x128xf32> to vector<8x128x128xf32>
      %gt3A_320 = vector.broadcast %broadcast_in_dim3A : vector<8x128x1xf32> to vector<8x128x128xf32>
      %gt3A_321 = arith.cmpf ogt, %gt3A_319, %gt3A_320 : vector<8x128x128xf32>
      %jit3A_322 = arith.constant 1.000000e+00 : f32
      %jit3A_323 = arith.constant 0.000000e+00 : f32
      %broadcast_in_dim3A_324 = vector.broadcast %jit3A_322 : f32 to vector<8x128x128xf32>
      %broadcast_in_dim3A_325 = vector.broadcast %jit3A_323 : f32 to vector<8x128x128xf32>
      %select_n3A_326 = arith.select %gt3A_321, %broadcast_in_dim3A_324, %broadcast_in_dim3A_325 : vector<8x128x128xi1>, vector<8x128x128xf32>
      %add3A_327 = arith.addf %while3A_310, %select_n3A_326 : vector<8x128x128xf32>
      %mul3A_328 = arith.constant 8 : i32
      %mul3A_329 = arith.muli %mul3A_328, %while3A_309 : i32
      %add3A_330 = arith.constant 1 : i32
      %add3A_331 = arith.addi %mul3A_329, %add3A_330 : i32
      %get3A_332 = arith.index_cast %add3A_331 : i32 to index
      %get3A_333 = arith.constant 0 : index
      %get3A_334 = vector.load %arg2[%get3A_332, %get3A_333] : memref<128x128xf32, #tpu.memory_space<vmem>>, vector<1x128xf32>
      %reshape3A_335 = vector.shape_cast %get3A_334 : vector<1x128xf32> to vector<1x1x128xf32>
      %gt3A_336 = vector.broadcast %reshape3A_335 : vector<1x1x128xf32> to vector<8x128x128xf32>
      %gt3A_337 = vector.broadcast %broadcast_in_dim3A : vector<8x128x1xf32> to vector<8x128x128xf32>
      %gt3A_338 = arith.cmpf ogt, %gt3A_336, %gt3A_337 : vector<8x128x128xf32>
      %jit3A_339 = arith.constant 1.000000e+00 : f32
      %jit3A_340 = arith.constant 0.000000e+00 : f32
      %broadcast_in_dim3A_341 = vector.broadcast %jit3A_339 : f32 to vector<8x128x128xf32>
      %broadcast_in_dim3A_342 = vector.broadcast %jit3A_340 : f32 to vector<8x128x128xf32>
      %select_n3A_343 = arith.select %gt3A_338, %broadcast_in_dim3A_341, %broadcast_in_dim3A_342 : vector<8x128x128xi1>, vector<8x128x128xf32>
      %add3A_344 = arith.addf %add3A_327, %select_n3A_343 : vector<8x128x128xf32>
      %mul3A_345 = arith.constant 8 : i32
      %mul3A_346 = arith.muli %mul3A_345, %while3A_309 : i32
      %add3A_347 = arith.constant 2 : i32
      %add3A_348 = arith.addi %mul3A_346, %add3A_347 : i32
      %get3A_349 = arith.index_cast %add3A_348 : i32 to index
      %get3A_350 = arith.constant 0 : index
      %get3A_351 = vector.load %arg2[%get3A_349, %get3A_350] : memref<128x128xf32, #tpu.memory_space<vmem>>, vector<1x128xf32>
      %reshape3A_352 = vector.shape_cast %get3A_351 : vector<1x128xf32> to vector<1x1x128xf32>
      %gt3A_353 = vector.broadcast %reshape3A_352 : vector<1x1x128xf32> to vector<8x128x128xf32>
      %gt3A_354 = vector.broadcast %broadcast_in_dim3A : vector<8x128x1xf32> to vector<8x128x128xf32>
      %gt3A_355 = arith.cmpf ogt, %gt3A_353, %gt3A_354 : vector<8x128x128xf32>
      %jit3A_356 = arith.constant 1.000000e+00 : f32
      %jit3A_357 = arith.constant 0.000000e+00 : f32
      %broadcast_in_dim3A_358 = vector.broadcast %jit3A_356 : f32 to vector<8x128x128xf32>
      %broadcast_in_dim3A_359 = vector.broadcast %jit3A_357 : f32 to vector<8x128x128xf32>
      %select_n3A_360 = arith.select %gt3A_355, %broadcast_in_dim3A_358, %broadcast_in_dim3A_359 : vector<8x128x128xi1>, vector<8x128x128xf32>
      %add3A_361 = arith.addf %add3A_344, %select_n3A_360 : vector<8x128x128xf32>
      %mul3A_362 = arith.constant 8 : i32
      %mul3A_363 = arith.muli %mul3A_362, %while3A_309 : i32
      %add3A_364 = arith.constant 3 : i32
      %add3A_365 = arith.addi %mul3A_363, %add3A_364 : i32
      %get3A_366 = arith.index_cast %add3A_365 : i32 to index
      %get3A_367 = arith.constant 0 : index
      %get3A_368 = vector.load %arg2[%get3A_366, %get3A_367] : memref<128x128xf32, #tpu.memory_space<vmem>>, vector<1x128xf32>
      %reshape3A_369 = vector.shape_cast %get3A_368 : vector<1x128xf32> to vector<1x1x128xf32>
      %gt3A_370 = vector.broadcast %reshape3A_369 : vector<1x1x128xf32> to vector<8x128x128xf32>
      %gt3A_371 = vector.broadcast %broadcast_in_dim3A : vector<8x128x1xf32> to vector<8x128x128xf32>
      %gt3A_372 = arith.cmpf ogt, %gt3A_370, %gt3A_371 : vector<8x128x128xf32>
      %jit3A_373 = arith.constant 1.000000e+00 : f32
      %jit3A_374 = arith.constant 0.000000e+00 : f32
      %broadcast_in_dim3A_375 = vector.broadcast %jit3A_373 : f32 to vector<8x128x128xf32>
      %broadcast_in_dim3A_376 = vector.broadcast %jit3A_374 : f32 to vector<8x128x128xf32>
      %select_n3A_377 = arith.select %gt3A_372, %broadcast_in_dim3A_375, %broadcast_in_dim3A_376 : vector<8x128x128xi1>, vector<8x128x128xf32>
      %add3A_378 = arith.addf %add3A_361, %select_n3A_377 : vector<8x128x128xf32>
      %mul3A_379 = arith.constant 8 : i32
      %mul3A_380 = arith.muli %mul3A_379, %while3A_309 : i32
      %add3A_381 = arith.constant 4 : i32
      %add3A_382 = arith.addi %mul3A_380, %add3A_381 : i32
      %get3A_383 = arith.index_cast %add3A_382 : i32 to index
      %get3A_384 = arith.constant 0 : index
      %get3A_385 = vector.load %arg2[%get3A_383, %get3A_384] : memref<128x128xf32, #tpu.memory_space<vmem>>, vector<1x128xf32>
      %reshape3A_386 = vector.shape_cast %get3A_385 : vector<1x128xf32> to vector<1x1x128xf32>
      %gt3A_387 = vector.broadcast %reshape3A_386 : vector<1x1x128xf32> to vector<8x128x128xf32>
      %gt3A_388 = vector.broadcast %broadcast_in_dim3A : vector<8x128x1xf32> to vector<8x128x128xf32>
      %gt3A_389 = arith.cmpf ogt, %gt3A_387, %gt3A_388 : vector<8x128x128xf32>
      %jit3A_390 = arith.constant 1.000000e+00 : f32
      %jit3A_391 = arith.constant 0.000000e+00 : f32
      %broadcast_in_dim3A_392 = vector.broadcast %jit3A_390 : f32 to vector<8x128x128xf32>
      %broadcast_in_dim3A_393 = vector.broadcast %jit3A_391 : f32 to vector<8x128x128xf32>
      %select_n3A_394 = arith.select %gt3A_389, %broadcast_in_dim3A_392, %broadcast_in_dim3A_393 : vector<8x128x128xi1>, vector<8x128x128xf32>
      %add3A_395 = arith.addf %add3A_378, %select_n3A_394 : vector<8x128x128xf32>
      %mul3A_396 = arith.constant 8 : i32
      %mul3A_397 = arith.muli %mul3A_396, %while3A_309 : i32
      %add3A_398 = arith.constant 5 : i32
      %add3A_399 = arith.addi %mul3A_397, %add3A_398 : i32
      %get3A_400 = arith.index_cast %add3A_399 : i32 to index
      %get3A_401 = arith.constant 0 : index
      %get3A_402 = vector.load %arg2[%get3A_400, %get3A_401] : memref<128x128xf32, #tpu.memory_space<vmem>>, vector<1x128xf32>
      %reshape3A_403 = vector.shape_cast %get3A_402 : vector<1x128xf32> to vector<1x1x128xf32>
      %gt3A_404 = vector.broadcast %reshape3A_403 : vector<1x1x128xf32> to vector<8x128x128xf32>
      %gt3A_405 = vector.broadcast %broadcast_in_dim3A : vector<8x128x1xf32> to vector<8x128x128xf32>
      %gt3A_406 = arith.cmpf ogt, %gt3A_404, %gt3A_405 : vector<8x128x128xf32>
      %jit3A_407 = arith.constant 1.000000e+00 : f32
      %jit3A_408 = arith.constant 0.000000e+00 : f32
      %broadcast_in_dim3A_409 = vector.broadcast %jit3A_407 : f32 to vector<8x128x128xf32>
      %broadcast_in_dim3A_410 = vector.broadcast %jit3A_408 : f32 to vector<8x128x128xf32>
      %select_n3A_411 = arith.select %gt3A_406, %broadcast_in_dim3A_409, %broadcast_in_dim3A_410 : vector<8x128x128xi1>, vector<8x128x128xf32>
      %add3A_412 = arith.addf %add3A_395, %select_n3A_411 : vector<8x128x128xf32>
      %mul3A_413 = arith.constant 8 : i32
      %mul3A_414 = arith.muli %mul3A_413, %while3A_309 : i32
      %add3A_415 = arith.constant 6 : i32
      %add3A_416 = arith.addi %mul3A_414, %add3A_415 : i32
      %get3A_417 = arith.index_cast %add3A_416 : i32 to index
      %get3A_418 = arith.constant 0 : index
      %get3A_419 = vector.load %arg2[%get3A_417, %get3A_418] : memref<128x128xf32, #tpu.memory_space<vmem>>, vector<1x128xf32>
      %reshape3A_420 = vector.shape_cast %get3A_419 : vector<1x128xf32> to vector<1x1x128xf32>
      %gt3A_421 = vector.broadcast %reshape3A_420 : vector<1x1x128xf32> to vector<8x128x128xf32>
      %gt3A_422 = vector.broadcast %broadcast_in_dim3A : vector<8x128x1xf32> to vector<8x128x128xf32>
      %gt3A_423 = arith.cmpf ogt, %gt3A_421, %gt3A_422 : vector<8x128x128xf32>
      %jit3A_424 = arith.constant 1.000000e+00 : f32
      %jit3A_425 = arith.constant 0.000000e+00 : f32
      %broadcast_in_dim3A_426 = vector.broadcast %jit3A_424 : f32 to vector<8x128x128xf32>
      %broadcast_in_dim3A_427 = vector.broadcast %jit3A_425 : f32 to vector<8x128x128xf32>
      %select_n3A_428 = arith.select %gt3A_423, %broadcast_in_dim3A_426, %broadcast_in_dim3A_427 : vector<8x128x128xi1>, vector<8x128x128xf32>
      %add3A_429 = arith.addf %add3A_412, %select_n3A_428 : vector<8x128x128xf32>
      %mul3A_430 = arith.constant 8 : i32
      %mul3A_431 = arith.muli %mul3A_430, %while3A_309 : i32
      %add3A_432 = arith.constant 7 : i32
      %add3A_433 = arith.addi %mul3A_431, %add3A_432 : i32
      %get3A_434 = arith.index_cast %add3A_433 : i32 to index
      %get3A_435 = arith.constant 0 : index
      %get3A_436 = vector.load %arg2[%get3A_434, %get3A_435] : memref<128x128xf32, #tpu.memory_space<vmem>>, vector<1x128xf32>
      %reshape3A_437 = vector.shape_cast %get3A_436 : vector<1x128xf32> to vector<1x1x128xf32>
      %gt3A_438 = vector.broadcast %reshape3A_437 : vector<1x1x128xf32> to vector<8x128x128xf32>
      %gt3A_439 = vector.broadcast %broadcast_in_dim3A : vector<8x128x1xf32> to vector<8x128x128xf32>
      %gt3A_440 = arith.cmpf ogt, %gt3A_438, %gt3A_439 : vector<8x128x128xf32>
      %jit3A_441 = arith.constant 1.000000e+00 : f32
      %jit3A_442 = arith.constant 0.000000e+00 : f32
      %broadcast_in_dim3A_443 = vector.broadcast %jit3A_441 : f32 to vector<8x128x128xf32>
      %broadcast_in_dim3A_444 = vector.broadcast %jit3A_442 : f32 to vector<8x128x128xf32>
      %select_n3A_445 = arith.select %gt3A_440, %broadcast_in_dim3A_443, %broadcast_in_dim3A_444 : vector<8x128x128xi1>, vector<8x128x128xf32>
      %add3A_446 = arith.addf %add3A_429, %select_n3A_445 : vector<8x128x128xf32>
      scf.yield %add3A_446 : vector<8x128x128xf32>
    }
    %while3A_67 = arith.constant 1 : i32
    %while3A_68 = scf.for %while3A_309 = %while3A_64 to %while3A_60 step %while3A_67 iter_args(%while3A_310 = %while3A_66) -> (vector<8x128x128xf32>)  : i32 {
      %mul3A_311 = arith.constant 8 : i32
      %mul3A_312 = arith.muli %mul3A_311, %while3A_309 : i32
      %add3A_313 = arith.constant 0 : i32
      %add3A_314 = arith.addi %mul3A_312, %add3A_313 : i32
      %get3A_315 = arith.index_cast %add3A_314 : i32 to index
      %get3A_316 = arith.constant 0 : index
      %get3A_317 = vector.load %arg2[%get3A_315, %get3A_316] : memref<128x128xf32, #tpu.memory_space<vmem>>, vector<1x128xf32>
      %reshape3A_318 = vector.shape_cast %get3A_317 : vector<1x128xf32> to vector<1x1x128xf32>
      %gt3A_319 = vector.broadcast %reshape3A_318 : vector<1x1x128xf32> to vector<8x128x128xf32>
      %gt3A_320 = vector.broadcast %broadcast_in_dim3A : vector<8x128x1xf32> to vector<8x128x128xf32>
      %gt3A_321 = arith.cmpf ogt, %gt3A_319, %gt3A_320 : vector<8x128x128xf32>
      %jit3A_322 = arith.constant 1.000000e+00 : f32
      %jit3A_323 = arith.constant 0.000000e+00 : f32
      %broadcast_in_dim3A_324 = vector.broadcast %jit3A_322 : f32 to vector<8x128x128xf32>
      %broadcast_in_dim3A_325 = vector.broadcast %jit3A_323 : f32 to vector<8x128x128xf32>
      %select_n3A_326 = arith.select %gt3A_321, %broadcast_in_dim3A_324, %broadcast_in_dim3A_325 : vector<8x128x128xi1>, vector<8x128x128xf32>
      %add3A_327 = arith.addf %while3A_310, %select_n3A_326 : vector<8x128x128xf32>
      %mul3A_328 = arith.constant 8 : i32
      %mul3A_329 = arith.muli %mul3A_328, %while3A_309 : i32
      %add3A_330 = arith.constant 1 : i32
      %add3A_331 = arith.addi %mul3A_329, %add3A_330 : i32
      %get3A_332 = arith.index_cast %add3A_331 : i32 to index
      %get3A_333 = arith.constant 0 : index
      %get3A_334 = vector.load %arg2[%get3A_332, %get3A_333] : memref<128x128xf32, #tpu.memory_space<vmem>>, vector<1x128xf32>
      %reshape3A_335 = vector.shape_cast %get3A_334 : vector<1x128xf32> to vector<1x1x128xf32>
      %gt3A_336 = vector.broadcast %reshape3A_335 : vector<1x1x128xf32> to vector<8x128x128xf32>
      %gt3A_337 = vector.broadcast %broadcast_in_dim3A : vector<8x128x1xf32> to vector<8x128x128xf32>
      %gt3A_338 = arith.cmpf ogt, %gt3A_336, %gt3A_337 : vector<8x128x128xf32>
      %jit3A_339 = arith.constant 1.000000e+00 : f32
      %jit3A_340 = arith.constant 0.000000e+00 : f32
      %broadcast_in_dim3A_341 = vector.broadcast %jit3A_339 : f32 to vector<8x128x128xf32>
      %broadcast_in_dim3A_342 = vector.broadcast %jit3A_340 : f32 to vector<8x128x128xf32>
      %select_n3A_343 = arith.select %gt3A_338, %broadcast_in_dim3A_341, %broadcast_in_dim3A_342 : vector<8x128x128xi1>, vector<8x128x128xf32>
      %add3A_344 = arith.addf %add3A_327, %select_n3A_343 : vector<8x128x128xf32>
      %mul3A_345 = arith.constant 8 : i32
      %mul3A_346 = arith.muli %mul3A_345, %while3A_309 : i32
      %add3A_347 = arith.constant 2 : i32
      %add3A_348 = arith.addi %mul3A_346, %add3A_347 : i32
      %get3A_349 = arith.index_cast %add3A_348 : i32 to index
      %get3A_350 = arith.constant 0 : index
      %get3A_351 = vector.load %arg2[%get3A_349, %get3A_350] : memref<128x128xf32, #tpu.memory_space<vmem>>, vector<1x128xf32>
      %reshape3A_352 = vector.shape_cast %get3A_351 : vector<1x128xf32> to vector<1x1x128xf32>
      %gt3A_353 = vector.broadcast %reshape3A_352 : vector<1x1x128xf32> to vector<8x128x128xf32>
      %gt3A_354 = vector.broadcast %broadcast_in_dim3A : vector<8x128x1xf32> to vector<8x128x128xf32>
      %gt3A_355 = arith.cmpf ogt, %gt3A_353, %gt3A_354 : vector<8x128x128xf32>
      %jit3A_356 = arith.constant 1.000000e+00 : f32
      %jit3A_357 = arith.constant 0.000000e+00 : f32
      %broadcast_in_dim3A_358 = vector.broadcast %jit3A_356 : f32 to vector<8x128x128xf32>
      %broadcast_in_dim3A_359 = vector.broadcast %jit3A_357 : f32 to vector<8x128x128xf32>
      %select_n3A_360 = arith.select %gt3A_355, %broadcast_in_dim3A_358, %broadcast_in_dim3A_359 : vector<8x128x128xi1>, vector<8x128x128xf32>
      %add3A_361 = arith.addf %add3A_344, %select_n3A_360 : vector<8x128x128xf32>
      %mul3A_362 = arith.constant 8 : i32
      %mul3A_363 = arith.muli %mul3A_362, %while3A_309 : i32
      %add3A_364 = arith.constant 3 : i32
      %add3A_365 = arith.addi %mul3A_363, %add3A_364 : i32
      %get3A_366 = arith.index_cast %add3A_365 : i32 to index
      %get3A_367 = arith.constant 0 : index
      %get3A_368 = vector.load %arg2[%get3A_366, %get3A_367] : memref<128x128xf32, #tpu.memory_space<vmem>>, vector<1x128xf32>
      %reshape3A_369 = vector.shape_cast %get3A_368 : vector<1x128xf32> to vector<1x1x128xf32>
      %gt3A_370 = vector.broadcast %reshape3A_369 : vector<1x1x128xf32> to vector<8x128x128xf32>
      %gt3A_371 = vector.broadcast %broadcast_in_dim3A : vector<8x128x1xf32> to vector<8x128x128xf32>
      %gt3A_372 = arith.cmpf ogt, %gt3A_370, %gt3A_371 : vector<8x128x128xf32>
      %jit3A_373 = arith.constant 1.000000e+00 : f32
      %jit3A_374 = arith.constant 0.000000e+00 : f32
      %broadcast_in_dim3A_375 = vector.broadcast %jit3A_373 : f32 to vector<8x128x128xf32>
      %broadcast_in_dim3A_376 = vector.broadcast %jit3A_374 : f32 to vector<8x128x128xf32>
      %select_n3A_377 = arith.select %gt3A_372, %broadcast_in_dim3A_375, %broadcast_in_dim3A_376 : vector<8x128x128xi1>, vector<8x128x128xf32>
      %add3A_378 = arith.addf %add3A_361, %select_n3A_377 : vector<8x128x128xf32>
      %mul3A_379 = arith.constant 8 : i32
      %mul3A_380 = arith.muli %mul3A_379, %while3A_309 : i32
      %add3A_381 = arith.constant 4 : i32
      %add3A_382 = arith.addi %mul3A_380, %add3A_381 : i32
      %get3A_383 = arith.index_cast %add3A_382 : i32 to index
      %get3A_384 = arith.constant 0 : index
      %get3A_385 = vector.load %arg2[%get3A_383, %get3A_384] : memref<128x128xf32, #tpu.memory_space<vmem>>, vector<1x128xf32>
      %reshape3A_386 = vector.shape_cast %get3A_385 : vector<1x128xf32> to vector<1x1x128xf32>
      %gt3A_387 = vector.broadcast %reshape3A_386 : vector<1x1x128xf32> to vector<8x128x128xf32>
      %gt3A_388 = vector.broadcast %broadcast_in_dim3A : vector<8x128x1xf32> to vector<8x128x128xf32>
      %gt3A_389 = arith.cmpf ogt, %gt3A_387, %gt3A_388 : vector<8x128x128xf32>
      %jit3A_390 = arith.constant 1.000000e+00 : f32
      %jit3A_391 = arith.constant 0.000000e+00 : f32
      %broadcast_in_dim3A_392 = vector.broadcast %jit3A_390 : f32 to vector<8x128x128xf32>
      %broadcast_in_dim3A_393 = vector.broadcast %jit3A_391 : f32 to vector<8x128x128xf32>
      %select_n3A_394 = arith.select %gt3A_389, %broadcast_in_dim3A_392, %broadcast_in_dim3A_393 : vector<8x128x128xi1>, vector<8x128x128xf32>
      %add3A_395 = arith.addf %add3A_378, %select_n3A_394 : vector<8x128x128xf32>
      %mul3A_396 = arith.constant 8 : i32
      %mul3A_397 = arith.muli %mul3A_396, %while3A_309 : i32
      %add3A_398 = arith.constant 5 : i32
      %add3A_399 = arith.addi %mul3A_397, %add3A_398 : i32
      %get3A_400 = arith.index_cast %add3A_399 : i32 to index
      %get3A_401 = arith.constant 0 : index
      %get3A_402 = vector.load %arg2[%get3A_400, %get3A_401] : memref<128x128xf32, #tpu.memory_space<vmem>>, vector<1x128xf32>
      %reshape3A_403 = vector.shape_cast %get3A_402 : vector<1x128xf32> to vector<1x1x128xf32>
      %gt3A_404 = vector.broadcast %reshape3A_403 : vector<1x1x128xf32> to vector<8x128x128xf32>
      %gt3A_405 = vector.broadcast %broadcast_in_dim3A : vector<8x128x1xf32> to vector<8x128x128xf32>
      %gt3A_406 = arith.cmpf ogt, %gt3A_404, %gt3A_405 : vector<8x128x128xf32>
      %jit3A_407 = arith.constant 1.000000e+00 : f32
      %jit3A_408 = arith.constant 0.000000e+00 : f32
      %broadcast_in_dim3A_409 = vector.broadcast %jit3A_407 : f32 to vector<8x128x128xf32>
      %broadcast_in_dim3A_410 = vector.broadcast %jit3A_408 : f32 to vector<8x128x128xf32>
      %select_n3A_411 = arith.select %gt3A_406, %broadcast_in_dim3A_409, %broadcast_in_dim3A_410 : vector<8x128x128xi1>, vector<8x128x128xf32>
      %add3A_412 = arith.addf %add3A_395, %select_n3A_411 : vector<8x128x128xf32>
      %mul3A_413 = arith.constant 8 : i32
      %mul3A_414 = arith.muli %mul3A_413, %while3A_309 : i32
      %add3A_415 = arith.constant 6 : i32
      %add3A_416 = arith.addi %mul3A_414, %add3A_415 : i32
      %get3A_417 = arith.index_cast %add3A_416 : i32 to index
      %get3A_418 = arith.constant 0 : index
      %get3A_419 = vector.load %arg2[%get3A_417, %get3A_418] : memref<128x128xf32, #tpu.memory_space<vmem>>, vector<1x128xf32>
      %reshape3A_420 = vector.shape_cast %get3A_419 : vector<1x128xf32> to vector<1x1x128xf32>
      %gt3A_421 = vector.broadcast %reshape3A_420 : vector<1x1x128xf32> to vector<8x128x128xf32>
      %gt3A_422 = vector.broadcast %broadcast_in_dim3A : vector<8x128x1xf32> to vector<8x128x128xf32>
      %gt3A_423 = arith.cmpf ogt, %gt3A_421, %gt3A_422 : vector<8x128x128xf32>
      %jit3A_424 = arith.constant 1.000000e+00 : f32
      %jit3A_425 = arith.constant 0.000000e+00 : f32
      %broadcast_in_dim3A_426 = vector.broadcast %jit3A_424 : f32 to vector<8x128x128xf32>
      %broadcast_in_dim3A_427 = vector.broadcast %jit3A_425 : f32 to vector<8x128x128xf32>
      %select_n3A_428 = arith.select %gt3A_423, %broadcast_in_dim3A_426, %broadcast_in_dim3A_427 : vector<8x128x128xi1>, vector<8x128x128xf32>
      %add3A_429 = arith.addf %add3A_412, %select_n3A_428 : vector<8x128x128xf32>
      %mul3A_430 = arith.constant 8 : i32
      %mul3A_431 = arith.muli %mul3A_430, %while3A_309 : i32
      %add3A_432 = arith.constant 7 : i32
      %add3A_433 = arith.addi %mul3A_431, %add3A_432 : i32
      %get3A_434 = arith.index_cast %add3A_433 : i32 to index
      %get3A_435 = arith.constant 0 : index
      %get3A_436 = vector.load %arg2[%get3A_434, %get3A_435] : memref<128x128xf32, #tpu.memory_space<vmem>>, vector<1x128xf32>
      %reshape3A_437 = vector.shape_cast %get3A_436 : vector<1x128xf32> to vector<1x1x128xf32>
      %gt3A_438 = vector.broadcast %reshape3A_437 : vector<1x1x128xf32> to vector<8x128x128xf32>
      %gt3A_439 = vector.broadcast %broadcast_in_dim3A : vector<8x128x1xf32> to vector<8x128x128xf32>
      %gt3A_440 = arith.cmpf ogt, %gt3A_438, %gt3A_439 : vector<8x128x128xf32>
      %jit3A_441 = arith.constant 1.000000e+00 : f32
      %jit3A_442 = arith.constant 0.000000e+00 : f32
      %broadcast_in_dim3A_443 = vector.broadcast %jit3A_441 : f32 to vector<8x128x128xf32>
      %broadcast_in_dim3A_444 = vector.broadcast %jit3A_442 : f32 to vector<8x128x128xf32>
      %select_n3A_445 = arith.select %gt3A_440, %broadcast_in_dim3A_443, %broadcast_in_dim3A_444 : vector<8x128x128xi1>, vector<8x128x128xf32>
      %add3A_446 = arith.addf %add3A_429, %select_n3A_445 : vector<8x128x128xf32>
      scf.yield %add3A_446 : vector<8x128x128xf32>
    }
    %iota3A = tpu.iota {dimensions = array<i32: 0>} : vector<8x128x1xi32>
    %iota3A_69 = tpu.iota {dimensions = array<i32: 1>} : vector<8x128x1xi32>
    %mul3A_70 = arith.constant 8 : i32
    %mul3A_71 = arith.muli %mul3A_70, %arg0 : i32
    %add3A_72 = vector.broadcast %mul3A_71 : i32 to vector<8x128x1xi32>
    %add3A_73 = arith.addi %add3A_72, %iota3A : vector<8x128x1xi32>
    %mul3A_74 = arith.constant 128 : i32
    %mul3A_75 = vector.broadcast %mul3A_74 : i32 to vector<8x128x1xi32>
    %mul3A_76 = arith.muli %mul3A_75, %add3A_73 : vector<8x128x1xi32>
    %add3A_77 = arith.addi %mul3A_76, %iota3A_69 : vector<8x128x1xi32>
    %iota3A_78 = tpu.iota {dimensions = array<i32: 2>} : vector<1x1x128xi32>
    %mul3A_79 = arith.constant 8 : i32
    %mul3A_80 = arith.muli %mul3A_79, %arg0 : i32
    %add3A_81 = arith.constant 0 : i32
    %add3A_82 = arith.addi %mul3A_80, %add3A_81 : i32
    %get3A_83 = arith.index_cast %add3A_82 : i32 to index
    %get3A_84 = arith.constant 0 : index
    %get3A_85 = vector.load %arg2[%get3A_83, %get3A_84] : memref<128x128xf32, #tpu.memory_space<vmem>>, vector<1x128xf32>
    %reshape3A = vector.shape_cast %get3A_85 : vector<1x128xf32> to vector<1x1x128xf32>
    %mul3A_86 = arith.constant 128 : i32
    %mul3A_87 = arith.muli %mul3A_86, %add3A_82 : i32
    %add3A_88 = vector.broadcast %mul3A_87 : i32 to vector<1x1x128xi32>
    %add3A_89 = arith.addi %add3A_88, %iota3A_78 : vector<1x1x128xi32>
    %gt3A = vector.broadcast %reshape3A : vector<1x1x128xf32> to vector<8x128x128xf32>
    %gt3A_90 = vector.broadcast %broadcast_in_dim3A : vector<8x128x1xf32> to vector<8x128x128xf32>
    %gt3A_91 = arith.cmpf ogt, %gt3A, %gt3A_90 : vector<8x128x128xf32>
    %eq3A = vector.broadcast %reshape3A : vector<1x1x128xf32> to vector<8x128x128xf32>
    %eq3A_92 = vector.broadcast %broadcast_in_dim3A : vector<8x128x1xf32> to vector<8x128x128xf32>
    %eq3A_93 = arith.cmpf oeq, %eq3A, %eq3A_92 : vector<8x128x128xf32>
    %lt3A = vector.broadcast %add3A_89 : vector<1x1x128xi32> to vector<8x128x128xi32>
    %lt3A_94 = vector.broadcast %add3A_77 : vector<8x128x1xi32> to vector<8x128x128xi32>
    %lt3A_95 = arith.cmpi slt, %lt3A, %lt3A_94 : vector<8x128x128xi32>
    %and3A_96 = arith.andi %eq3A_93, %lt3A_95 : vector<8x128x128xi1>
    %or3A = arith.ori %gt3A_91, %and3A_96 : vector<8x128x128xi1>
    %jit3A_97 = arith.constant 1.000000e+00 : f32
    %jit3A_98 = arith.constant 0.000000e+00 : f32
    %broadcast_in_dim3A_99 = vector.broadcast %jit3A_97 : f32 to vector<8x128x128xf32>
    %broadcast_in_dim3A_100 = vector.broadcast %jit3A_98 : f32 to vector<8x128x128xf32>
    %select_n3A_101 = arith.select %or3A, %broadcast_in_dim3A_99, %broadcast_in_dim3A_100 : vector<8x128x128xi1>, vector<8x128x128xf32>
    %add3A_102 = arith.addf %while3A_68, %select_n3A_101 : vector<8x128x128xf32>
    %mul3A_103 = arith.constant 8 : i32
    %mul3A_104 = arith.muli %mul3A_103, %arg0 : i32
    %add3A_105 = arith.constant 1 : i32
    %add3A_106 = arith.addi %mul3A_104, %add3A_105 : i32
    %get3A_107 = arith.index_cast %add3A_106 : i32 to index
    %get3A_108 = arith.constant 0 : index
    %get3A_109 = vector.load %arg2[%get3A_107, %get3A_108] : memref<128x128xf32, #tpu.memory_space<vmem>>, vector<1x128xf32>
    %reshape3A_110 = vector.shape_cast %get3A_109 : vector<1x128xf32> to vector<1x1x128xf32>
    %mul3A_111 = arith.constant 128 : i32
    %mul3A_112 = arith.muli %mul3A_111, %add3A_106 : i32
    %add3A_113 = vector.broadcast %mul3A_112 : i32 to vector<1x1x128xi32>
    %add3A_114 = arith.addi %add3A_113, %iota3A_78 : vector<1x1x128xi32>
    %gt3A_115 = vector.broadcast %reshape3A_110 : vector<1x1x128xf32> to vector<8x128x128xf32>
    %gt3A_116 = vector.broadcast %broadcast_in_dim3A : vector<8x128x1xf32> to vector<8x128x128xf32>
    %gt3A_117 = arith.cmpf ogt, %gt3A_115, %gt3A_116 : vector<8x128x128xf32>
    %eq3A_118 = vector.broadcast %reshape3A_110 : vector<1x1x128xf32> to vector<8x128x128xf32>
    %eq3A_119 = vector.broadcast %broadcast_in_dim3A : vector<8x128x1xf32> to vector<8x128x128xf32>
    %eq3A_120 = arith.cmpf oeq, %eq3A_118, %eq3A_119 : vector<8x128x128xf32>
    %lt3A_121 = vector.broadcast %add3A_114 : vector<1x1x128xi32> to vector<8x128x128xi32>
    %lt3A_122 = vector.broadcast %add3A_77 : vector<8x128x1xi32> to vector<8x128x128xi32>
    %lt3A_123 = arith.cmpi slt, %lt3A_121, %lt3A_122 : vector<8x128x128xi32>
    %and3A_124 = arith.andi %eq3A_120, %lt3A_123 : vector<8x128x128xi1>
    %or3A_125 = arith.ori %gt3A_117, %and3A_124 : vector<8x128x128xi1>
    %jit3A_126 = arith.constant 1.000000e+00 : f32
    %jit3A_127 = arith.constant 0.000000e+00 : f32
    %broadcast_in_dim3A_128 = vector.broadcast %jit3A_126 : f32 to vector<8x128x128xf32>
    %broadcast_in_dim3A_129 = vector.broadcast %jit3A_127 : f32 to vector<8x128x128xf32>
    %select_n3A_130 = arith.select %or3A_125, %broadcast_in_dim3A_128, %broadcast_in_dim3A_129 : vector<8x128x128xi1>, vector<8x128x128xf32>
    %add3A_131 = arith.addf %add3A_102, %select_n3A_130 : vector<8x128x128xf32>
    %mul3A_132 = arith.constant 8 : i32
    %mul3A_133 = arith.muli %mul3A_132, %arg0 : i32
    %add3A_134 = arith.constant 2 : i32
    %add3A_135 = arith.addi %mul3A_133, %add3A_134 : i32
    %get3A_136 = arith.index_cast %add3A_135 : i32 to index
    %get3A_137 = arith.constant 0 : index
    %get3A_138 = vector.load %arg2[%get3A_136, %get3A_137] : memref<128x128xf32, #tpu.memory_space<vmem>>, vector<1x128xf32>
    %reshape3A_139 = vector.shape_cast %get3A_138 : vector<1x128xf32> to vector<1x1x128xf32>
    %mul3A_140 = arith.constant 128 : i32
    %mul3A_141 = arith.muli %mul3A_140, %add3A_135 : i32
    %add3A_142 = vector.broadcast %mul3A_141 : i32 to vector<1x1x128xi32>
    %add3A_143 = arith.addi %add3A_142, %iota3A_78 : vector<1x1x128xi32>
    %gt3A_144 = vector.broadcast %reshape3A_139 : vector<1x1x128xf32> to vector<8x128x128xf32>
    %gt3A_145 = vector.broadcast %broadcast_in_dim3A : vector<8x128x1xf32> to vector<8x128x128xf32>
    %gt3A_146 = arith.cmpf ogt, %gt3A_144, %gt3A_145 : vector<8x128x128xf32>
    %eq3A_147 = vector.broadcast %reshape3A_139 : vector<1x1x128xf32> to vector<8x128x128xf32>
    %eq3A_148 = vector.broadcast %broadcast_in_dim3A : vector<8x128x1xf32> to vector<8x128x128xf32>
    %eq3A_149 = arith.cmpf oeq, %eq3A_147, %eq3A_148 : vector<8x128x128xf32>
    %lt3A_150 = vector.broadcast %add3A_143 : vector<1x1x128xi32> to vector<8x128x128xi32>
    %lt3A_151 = vector.broadcast %add3A_77 : vector<8x128x1xi32> to vector<8x128x128xi32>
    %lt3A_152 = arith.cmpi slt, %lt3A_150, %lt3A_151 : vector<8x128x128xi32>
    %and3A_153 = arith.andi %eq3A_149, %lt3A_152 : vector<8x128x128xi1>
    %or3A_154 = arith.ori %gt3A_146, %and3A_153 : vector<8x128x128xi1>
    %jit3A_155 = arith.constant 1.000000e+00 : f32
    %jit3A_156 = arith.constant 0.000000e+00 : f32
    %broadcast_in_dim3A_157 = vector.broadcast %jit3A_155 : f32 to vector<8x128x128xf32>
    %broadcast_in_dim3A_158 = vector.broadcast %jit3A_156 : f32 to vector<8x128x128xf32>
    %select_n3A_159 = arith.select %or3A_154, %broadcast_in_dim3A_157, %broadcast_in_dim3A_158 : vector<8x128x128xi1>, vector<8x128x128xf32>
    %add3A_160 = arith.addf %add3A_131, %select_n3A_159 : vector<8x128x128xf32>
    %mul3A_161 = arith.constant 8 : i32
    %mul3A_162 = arith.muli %mul3A_161, %arg0 : i32
    %add3A_163 = arith.constant 3 : i32
    %add3A_164 = arith.addi %mul3A_162, %add3A_163 : i32
    %get3A_165 = arith.index_cast %add3A_164 : i32 to index
    %get3A_166 = arith.constant 0 : index
    %get3A_167 = vector.load %arg2[%get3A_165, %get3A_166] : memref<128x128xf32, #tpu.memory_space<vmem>>, vector<1x128xf32>
    %reshape3A_168 = vector.shape_cast %get3A_167 : vector<1x128xf32> to vector<1x1x128xf32>
    %mul3A_169 = arith.constant 128 : i32
    %mul3A_170 = arith.muli %mul3A_169, %add3A_164 : i32
    %add3A_171 = vector.broadcast %mul3A_170 : i32 to vector<1x1x128xi32>
    %add3A_172 = arith.addi %add3A_171, %iota3A_78 : vector<1x1x128xi32>
    %gt3A_173 = vector.broadcast %reshape3A_168 : vector<1x1x128xf32> to vector<8x128x128xf32>
    %gt3A_174 = vector.broadcast %broadcast_in_dim3A : vector<8x128x1xf32> to vector<8x128x128xf32>
    %gt3A_175 = arith.cmpf ogt, %gt3A_173, %gt3A_174 : vector<8x128x128xf32>
    %eq3A_176 = vector.broadcast %reshape3A_168 : vector<1x1x128xf32> to vector<8x128x128xf32>
    %eq3A_177 = vector.broadcast %broadcast_in_dim3A : vector<8x128x1xf32> to vector<8x128x128xf32>
    %eq3A_178 = arith.cmpf oeq, %eq3A_176, %eq3A_177 : vector<8x128x128xf32>
    %lt3A_179 = vector.broadcast %add3A_172 : vector<1x1x128xi32> to vector<8x128x128xi32>
    %lt3A_180 = vector.broadcast %add3A_77 : vector<8x128x1xi32> to vector<8x128x128xi32>
    %lt3A_181 = arith.cmpi slt, %lt3A_179, %lt3A_180 : vector<8x128x128xi32>
    %and3A_182 = arith.andi %eq3A_178, %lt3A_181 : vector<8x128x128xi1>
    %or3A_183 = arith.ori %gt3A_175, %and3A_182 : vector<8x128x128xi1>
    %jit3A_184 = arith.constant 1.000000e+00 : f32
    %jit3A_185 = arith.constant 0.000000e+00 : f32
    %broadcast_in_dim3A_186 = vector.broadcast %jit3A_184 : f32 to vector<8x128x128xf32>
    %broadcast_in_dim3A_187 = vector.broadcast %jit3A_185 : f32 to vector<8x128x128xf32>
    %select_n3A_188 = arith.select %or3A_183, %broadcast_in_dim3A_186, %broadcast_in_dim3A_187 : vector<8x128x128xi1>, vector<8x128x128xf32>
    %add3A_189 = arith.addf %add3A_160, %select_n3A_188 : vector<8x128x128xf32>
    %mul3A_190 = arith.constant 8 : i32
    %mul3A_191 = arith.muli %mul3A_190, %arg0 : i32
    %add3A_192 = arith.constant 4 : i32
    %add3A_193 = arith.addi %mul3A_191, %add3A_192 : i32
    %get3A_194 = arith.index_cast %add3A_193 : i32 to index
    %get3A_195 = arith.constant 0 : index
    %get3A_196 = vector.load %arg2[%get3A_194, %get3A_195] : memref<128x128xf32, #tpu.memory_space<vmem>>, vector<1x128xf32>
    %reshape3A_197 = vector.shape_cast %get3A_196 : vector<1x128xf32> to vector<1x1x128xf32>
    %mul3A_198 = arith.constant 128 : i32
    %mul3A_199 = arith.muli %mul3A_198, %add3A_193 : i32
    %add3A_200 = vector.broadcast %mul3A_199 : i32 to vector<1x1x128xi32>
    %add3A_201 = arith.addi %add3A_200, %iota3A_78 : vector<1x1x128xi32>
    %gt3A_202 = vector.broadcast %reshape3A_197 : vector<1x1x128xf32> to vector<8x128x128xf32>
    %gt3A_203 = vector.broadcast %broadcast_in_dim3A : vector<8x128x1xf32> to vector<8x128x128xf32>
    %gt3A_204 = arith.cmpf ogt, %gt3A_202, %gt3A_203 : vector<8x128x128xf32>
    %eq3A_205 = vector.broadcast %reshape3A_197 : vector<1x1x128xf32> to vector<8x128x128xf32>
    %eq3A_206 = vector.broadcast %broadcast_in_dim3A : vector<8x128x1xf32> to vector<8x128x128xf32>
    %eq3A_207 = arith.cmpf oeq, %eq3A_205, %eq3A_206 : vector<8x128x128xf32>
    %lt3A_208 = vector.broadcast %add3A_201 : vector<1x1x128xi32> to vector<8x128x128xi32>
    %lt3A_209 = vector.broadcast %add3A_77 : vector<8x128x1xi32> to vector<8x128x128xi32>
    %lt3A_210 = arith.cmpi slt, %lt3A_208, %lt3A_209 : vector<8x128x128xi32>
    %and3A_211 = arith.andi %eq3A_207, %lt3A_210 : vector<8x128x128xi1>
    %or3A_212 = arith.ori %gt3A_204, %and3A_211 : vector<8x128x128xi1>
    %jit3A_213 = arith.constant 1.000000e+00 : f32
    %jit3A_214 = arith.constant 0.000000e+00 : f32
    %broadcast_in_dim3A_215 = vector.broadcast %jit3A_213 : f32 to vector<8x128x128xf32>
    %broadcast_in_dim3A_216 = vector.broadcast %jit3A_214 : f32 to vector<8x128x128xf32>
    %select_n3A_217 = arith.select %or3A_212, %broadcast_in_dim3A_215, %broadcast_in_dim3A_216 : vector<8x128x128xi1>, vector<8x128x128xf32>
    %add3A_218 = arith.addf %add3A_189, %select_n3A_217 : vector<8x128x128xf32>
    %mul3A_219 = arith.constant 8 : i32
    %mul3A_220 = arith.muli %mul3A_219, %arg0 : i32
    %add3A_221 = arith.constant 5 : i32
    %add3A_222 = arith.addi %mul3A_220, %add3A_221 : i32
    %get3A_223 = arith.index_cast %add3A_222 : i32 to index
    %get3A_224 = arith.constant 0 : index
    %get3A_225 = vector.load %arg2[%get3A_223, %get3A_224] : memref<128x128xf32, #tpu.memory_space<vmem>>, vector<1x128xf32>
    %reshape3A_226 = vector.shape_cast %get3A_225 : vector<1x128xf32> to vector<1x1x128xf32>
    %mul3A_227 = arith.constant 128 : i32
    %mul3A_228 = arith.muli %mul3A_227, %add3A_222 : i32
    %add3A_229 = vector.broadcast %mul3A_228 : i32 to vector<1x1x128xi32>
    %add3A_230 = arith.addi %add3A_229, %iota3A_78 : vector<1x1x128xi32>
    %gt3A_231 = vector.broadcast %reshape3A_226 : vector<1x1x128xf32> to vector<8x128x128xf32>
    %gt3A_232 = vector.broadcast %broadcast_in_dim3A : vector<8x128x1xf32> to vector<8x128x128xf32>
    %gt3A_233 = arith.cmpf ogt, %gt3A_231, %gt3A_232 : vector<8x128x128xf32>
    %eq3A_234 = vector.broadcast %reshape3A_226 : vector<1x1x128xf32> to vector<8x128x128xf32>
    %eq3A_235 = vector.broadcast %broadcast_in_dim3A : vector<8x128x1xf32> to vector<8x128x128xf32>
    %eq3A_236 = arith.cmpf oeq, %eq3A_234, %eq3A_235 : vector<8x128x128xf32>
    %lt3A_237 = vector.broadcast %add3A_230 : vector<1x1x128xi32> to vector<8x128x128xi32>
    %lt3A_238 = vector.broadcast %add3A_77 : vector<8x128x1xi32> to vector<8x128x128xi32>
    %lt3A_239 = arith.cmpi slt, %lt3A_237, %lt3A_238 : vector<8x128x128xi32>
    %and3A_240 = arith.andi %eq3A_236, %lt3A_239 : vector<8x128x128xi1>
    %or3A_241 = arith.ori %gt3A_233, %and3A_240 : vector<8x128x128xi1>
    %jit3A_242 = arith.constant 1.000000e+00 : f32
    %jit3A_243 = arith.constant 0.000000e+00 : f32
    %broadcast_in_dim3A_244 = vector.broadcast %jit3A_242 : f32 to vector<8x128x128xf32>
    %broadcast_in_dim3A_245 = vector.broadcast %jit3A_243 : f32 to vector<8x128x128xf32>
    %select_n3A_246 = arith.select %or3A_241, %broadcast_in_dim3A_244, %broadcast_in_dim3A_245 : vector<8x128x128xi1>, vector<8x128x128xf32>
    %add3A_247 = arith.addf %add3A_218, %select_n3A_246 : vector<8x128x128xf32>
    %mul3A_248 = arith.constant 8 : i32
    %mul3A_249 = arith.muli %mul3A_248, %arg0 : i32
    %add3A_250 = arith.constant 6 : i32
    %add3A_251 = arith.addi %mul3A_249, %add3A_250 : i32
    %get3A_252 = arith.index_cast %add3A_251 : i32 to index
    %get3A_253 = arith.constant 0 : index
    %get3A_254 = vector.load %arg2[%get3A_252, %get3A_253] : memref<128x128xf32, #tpu.memory_space<vmem>>, vector<1x128xf32>
    %reshape3A_255 = vector.shape_cast %get3A_254 : vector<1x128xf32> to vector<1x1x128xf32>
    %mul3A_256 = arith.constant 128 : i32
    %mul3A_257 = arith.muli %mul3A_256, %add3A_251 : i32
    %add3A_258 = vector.broadcast %mul3A_257 : i32 to vector<1x1x128xi32>
    %add3A_259 = arith.addi %add3A_258, %iota3A_78 : vector<1x1x128xi32>
    %gt3A_260 = vector.broadcast %reshape3A_255 : vector<1x1x128xf32> to vector<8x128x128xf32>
    %gt3A_261 = vector.broadcast %broadcast_in_dim3A : vector<8x128x1xf32> to vector<8x128x128xf32>
    %gt3A_262 = arith.cmpf ogt, %gt3A_260, %gt3A_261 : vector<8x128x128xf32>
    %eq3A_263 = vector.broadcast %reshape3A_255 : vector<1x1x128xf32> to vector<8x128x128xf32>
    %eq3A_264 = vector.broadcast %broadcast_in_dim3A : vector<8x128x1xf32> to vector<8x128x128xf32>
    %eq3A_265 = arith.cmpf oeq, %eq3A_263, %eq3A_264 : vector<8x128x128xf32>
    %lt3A_266 = vector.broadcast %add3A_259 : vector<1x1x128xi32> to vector<8x128x128xi32>
    %lt3A_267 = vector.broadcast %add3A_77 : vector<8x128x1xi32> to vector<8x128x128xi32>
    %lt3A_268 = arith.cmpi slt, %lt3A_266, %lt3A_267 : vector<8x128x128xi32>
    %and3A_269 = arith.andi %eq3A_265, %lt3A_268 : vector<8x128x128xi1>
    %or3A_270 = arith.ori %gt3A_262, %and3A_269 : vector<8x128x128xi1>
    %jit3A_271 = arith.constant 1.000000e+00 : f32
    %jit3A_272 = arith.constant 0.000000e+00 : f32
    %broadcast_in_dim3A_273 = vector.broadcast %jit3A_271 : f32 to vector<8x128x128xf32>
    %broadcast_in_dim3A_274 = vector.broadcast %jit3A_272 : f32 to vector<8x128x128xf32>
    %select_n3A_275 = arith.select %or3A_270, %broadcast_in_dim3A_273, %broadcast_in_dim3A_274 : vector<8x128x128xi1>, vector<8x128x128xf32>
    %add3A_276 = arith.addf %add3A_247, %select_n3A_275 : vector<8x128x128xf32>
    %mul3A_277 = arith.constant 8 : i32
    %mul3A_278 = arith.muli %mul3A_277, %arg0 : i32
    %add3A_279 = arith.constant 7 : i32
    %add3A_280 = arith.addi %mul3A_278, %add3A_279 : i32
    %get3A_281 = arith.index_cast %add3A_280 : i32 to index
    %get3A_282 = arith.constant 0 : index
    %get3A_283 = vector.load %arg2[%get3A_281, %get3A_282] : memref<128x128xf32, #tpu.memory_space<vmem>>, vector<1x128xf32>
    %reshape3A_284 = vector.shape_cast %get3A_283 : vector<1x128xf32> to vector<1x1x128xf32>
    %mul3A_285 = arith.constant 128 : i32
    %mul3A_286 = arith.muli %mul3A_285, %add3A_280 : i32
    %add3A_287 = vector.broadcast %mul3A_286 : i32 to vector<1x1x128xi32>
    %add3A_288 = arith.addi %add3A_287, %iota3A_78 : vector<1x1x128xi32>
    %gt3A_289 = vector.broadcast %reshape3A_284 : vector<1x1x128xf32> to vector<8x128x128xf32>
    %gt3A_290 = vector.broadcast %broadcast_in_dim3A : vector<8x128x1xf32> to vector<8x128x128xf32>
    %gt3A_291 = arith.cmpf ogt, %gt3A_289, %gt3A_290 : vector<8x128x128xf32>
    %eq3A_292 = vector.broadcast %reshape3A_284 : vector<1x1x128xf32> to vector<8x128x128xf32>
    %eq3A_293 = vector.broadcast %broadcast_in_dim3A : vector<8x128x1xf32> to vector<8x128x128xf32>
    %eq3A_294 = arith.cmpf oeq, %eq3A_292, %eq3A_293 : vector<8x128x128xf32>
    %lt3A_295 = vector.broadcast %add3A_288 : vector<1x1x128xi32> to vector<8x128x128xi32>
    %lt3A_296 = vector.broadcast %add3A_77 : vector<8x128x1xi32> to vector<8x128x128xi32>
    %lt3A_297 = arith.cmpi slt, %lt3A_295, %lt3A_296 : vector<8x128x128xi32>
    %and3A_298 = arith.andi %eq3A_294, %lt3A_297 : vector<8x128x128xi1>
    %or3A_299 = arith.ori %gt3A_291, %and3A_298 : vector<8x128x128xi1>
    %jit3A_300 = arith.constant 1.000000e+00 : f32
    %jit3A_301 = arith.constant 0.000000e+00 : f32
    %broadcast_in_dim3A_302 = vector.broadcast %jit3A_300 : f32 to vector<8x128x128xf32>
    %broadcast_in_dim3A_303 = vector.broadcast %jit3A_301 : f32 to vector<8x128x128xf32>
    %select_n3A_304 = arith.select %or3A_299, %broadcast_in_dim3A_302, %broadcast_in_dim3A_303 : vector<8x128x128xi1>, vector<8x128x128xf32>
    %add3A_305 = arith.addf %add3A_276, %select_n3A_304 : vector<8x128x128xf32>
    %reduce_sum3A = arith.constant dense<0.000000e+00> : vector<8x128xf32>
    %reduce_sum3A_306 = vector.multi_reduction <add>, %add3A_305, %reduce_sum3A [2] : vector<8x128x128xf32> to vector<8x128xf32>
    %convert_element_type3A = arith.fptosi %reduce_sum3A_306 : vector<8x128xf32> to vector<8x128xi32>
    %swap3A = arith.constant 0 : index
    %swap3A_307 = arith.constant 0 : index
    %swap3A_308 = vector.load %arg3[%swap3A, %swap3A_307] : memref<8x128xi32, #tpu.memory_space<vmem>>, vector<8x128xi32>
    tpu.vector_store %arg3[%swap3A, %swap3A_307], %convert_element_type3A {strides = array<i32>} : memref<8x128xi32, #tpu.memory_space<vmem>>, vector<8x128xi32>,
    return
  }
  func.func @transform_0(%arg0: i32) -> (i32, i32) {
    %c0_i32 = arith.constant 0 : i32
    %c0_i32_0 = arith.constant 0 : i32
    return %arg0, %c0_i32 : i32, i32
  }
  func.func @transform_1(%arg0: i32) -> (i32, i32) {
    %c0_i32 = arith.constant 0 : i32
    %c0_i32_0 = arith.constant 0 : i32
    %c0_i32_1 = arith.constant 0 : i32
    return %c0_i32, %c0_i32_0 : i32, i32
  }
  func.func @transform_2(%arg0: i32) -> (i32, i32) {
    %c0_i32 = arith.constant 0 : i32
    %c0_i32_0 = arith.constant 0 : i32
    return %arg0, %c0_i32 : i32, i32
  }
}

module attributes {stable_mosaic.version = 14 : i64} {
  func.func @_loss_body(%arg0: i32, %arg1: memref<256x4096xf32, #tpu.memory_space<vmem>>, %arg2: memref<4096x1000xf32, #tpu.memory_space<vmem>>, %arg3: memref<256xi32, #tpu.memory_space<vmem>>, %arg4: memref<256xi32, #tpu.memory_space<vmem>>, %arg5: memref<1x1xf32, #tpu.memory_space<vmem>>, %arg6: memref<1x1xf32, #tpu.memory_space<vmem>>) attributes {dimension_semantics = [#tpu.dimension_semantics<arbitrary>], iteration_bounds = array<i64: 16>, scalar_prefetch = 0 : i64, scratch_operands = 0 : i64, tpu.core_type = #tpu.core_type<tc>, window_params = [{transform_indices = @transform_0, window_bounds = array<i64: 256, 4096>}, {pipeline_mode = #tpu.pipeline_mode<synchronous>, transform_indices = @transform_1, window_bounds = array<i64: 4096, 1000>}, {transform_indices = @transform_2, window_bounds = array<i64: 256>}, {transform_indices = @transform_3, window_bounds = array<i64: 256>}, {pipeline_mode = #tpu.pipeline_mode<synchronous>, transform_indices = @transform_4, window_bounds = array<i64: 1, 1>}, {pipeline_mode = #tpu.pipeline_mode<synchronous>, transform_indices = @transform_5, window_bounds = array<i64: 1, 1>}]} {
    %get3A = arith.constant 0 : index
    %get3A_0 = arith.constant 0 : index
    %get3A_1 = vector.load %arg1[%get3A, %get3A_0] : memref<256x4096xf32, #tpu.memory_space<vmem>>, vector<256x4096xf32>
    %get3A_2 = arith.constant 0 : index
    %get3A_3 = arith.constant 0 : index
    %get3A_4 = vector.load %arg2[%get3A_2, %get3A_3] : memref<4096x1000xf32, #tpu.memory_space<vmem>>, vector<4096x1000xf32>
    %dot_general3A = arith.constant dense<0.000000e+00> : vector<256x1000xf32>
    %dot_general3A_5 = tpu.matmul %get3A_1, %get3A_4, %dot_general3A {dimension_numbers = #tpu.dot_dimension_numbers<[1], [0], [0], [1], [0, 0, 1, 1], [], []>, transpose_lhs_hint = false} : vector<256x4096xf32>, vector<4096x1000xf32>, vector<256x1000xf32> -> vector<256x1000xf32>
    %reduce_max3A = arith.constant dense<0xFF800000> : vector<256xf32>
    %reduce_max3A_6 = vector.multi_reduction <maximumf>, %dot_general3A_5, %reduce_max3A [1] : vector<256x1000xf32> to vector<256xf32>
    %broadcast_in_dim3A = vector.shape_cast %reduce_max3A_6 : vector<256xf32> to vector<256x1xf32>
    %sub3A = vector.broadcast %broadcast_in_dim3A : vector<256x1xf32> to vector<256x1000xf32>
    %sub3A_7 = arith.subf %dot_general3A_5, %sub3A : vector<256x1000xf32>
    %exp3A = math.exp %sub3A_7 : vector<256x1000xf32>
    %reduce_sum3A = arith.constant dense<0.000000e+00> : vector<256xf32>
    %reduce_sum3A_8 = vector.multi_reduction <add>, %exp3A, %reduce_sum3A [1] : vector<256x1000xf32> to vector<256xf32>
    %broadcast_in_dim3A_9 = vector.shape_cast %reduce_sum3A_8 : vector<256xf32> to vector<256x1xf32>
    %log3A = math.log %broadcast_in_dim3A_9 : vector<256x1xf32>
    %add3A = arith.addf %log3A, %broadcast_in_dim3A : vector<256x1xf32>
    %get3A_10 = arith.constant 0 : index
    %get3A_11 = vector.load %arg3[%get3A_10] : memref<256xi32, #tpu.memory_space<vmem>>, vector<256xi32>
    %iota3A = tpu.iota {dimensions = array<i32: 1>} : vector<256x1000xi32>
    %broadcast_in_dim3A_12 = vector.shape_cast %get3A_11 : vector<256xi32> to vector<256x1xi32>
    %eq3A = vector.broadcast %broadcast_in_dim3A_12 : vector<256x1xi32> to vector<256x1000xi32>
    %eq3A_13 = arith.cmpi eq, %iota3A, %eq3A : vector<256x1000xi32>
    %jit3A = arith.constant 0.000000e+00 : f32
    %broadcast_in_dim3A_14 = vector.broadcast %jit3A : f32 to vector<256x1000xf32>
    %select_n3A = arith.select %eq3A_13, %dot_general3A_5, %broadcast_in_dim3A_14 : vector<256x1000xi1>, vector<256x1000xf32>
    %reduce_sum3A_15 = arith.constant dense<0.000000e+00> : vector<256xf32>
    %reduce_sum3A_16 = vector.multi_reduction <add>, %select_n3A, %reduce_sum3A_15 [1] : vector<256x1000xf32> to vector<256xf32>
    %squeeze3A = vector.shape_cast %add3A : vector<256x1xf32> to vector<256xf32>
    %sub3A_17 = arith.subf %squeeze3A, %reduce_sum3A_16 : vector<256xf32>
    %reduce_sum3A_18 = vector.shape_cast %sub3A_17 : vector<256xf32> to vector<1x256xf32>
    %reduce_sum3A_19 = arith.constant dense<0.000000e+00> : vector<1xf32>
    %reduce_sum3A_20 = vector.multi_reduction <add>, %reduce_sum3A_18, %reduce_sum3A_19 [1] : vector<1x256xf32> to vector<1xf32>
    %reduce_sum3A_21 = vector.shape_cast %reduce_sum3A_20 : vector<1xf32> to vector<1x1xf32>
    %reduce_sum3A_22 = vector.extract %reduce_sum3A_21[0, 0] : f32 from vector<1x1xf32>
    %get3A_23 = arith.constant 0 : index
    %get3A_24 = vector.load %arg4[%get3A_23] : memref<256xi32, #tpu.memory_space<vmem>>, vector<256xi32>
    %eq3A_25 = arith.cmpi eq, %get3A_11, %get3A_24 : vector<256xi32>
    %convert_element_type3A = arith.extui %eq3A_25 : vector<256xi1> to vector<256xi32>
    %convert_element_type3A_26 = arith.sitofp %convert_element_type3A : vector<256xi32> to vector<256xf32>
    %reduce_sum3A_27 = vector.shape_cast %convert_element_type3A_26 : vector<256xf32> to vector<1x256xf32>
    %reduce_sum3A_28 = arith.constant dense<0.000000e+00> : vector<1xf32>
    %reduce_sum3A_29 = vector.multi_reduction <add>, %reduce_sum3A_27, %reduce_sum3A_28 [1] : vector<1x256xf32> to vector<1xf32>
    %reduce_sum3A_30 = vector.shape_cast %reduce_sum3A_29 : vector<1xf32> to vector<1x1xf32>
    %reduce_sum3A_31 = vector.extract %reduce_sum3A_30[0, 0] : f32 from vector<1x1xf32>
    %eq3A_32 = arith.constant 0 : i32
    %eq3A_33 = arith.cmpi eq, %arg0, %eq3A_32 : i32
    %convert_element_type3A_34 = arith.extui %eq3A_33 : i1 to i32
    %cond3A = arith.constant 0 : i32
    %cond3A_35 = arith.cmpi ne, %convert_element_type3A_34, %cond3A : i32
    scf.if %cond3A_35 {
      %broadcast_in_dim3A_56 = arith.constant 0.000000e+00 : f32
      %broadcast_in_dim3A_57 = vector.broadcast %broadcast_in_dim3A_56 : f32 to vector<1x1xf32>
      %swap3A_58 = arith.constant 0 : index
      %swap3A_59 = arith.constant 0 : index
      %swap3A_60 = vector.load %arg5[%swap3A_58, %swap3A_59] : memref<1x1xf32, #tpu.memory_space<vmem>>, vector<1x1xf32>
      tpu.vector_store %arg5[%swap3A_58, %swap3A_59], %broadcast_in_dim3A_57 {strides = array<i32>} : memref<1x1xf32, #tpu.memory_space<vmem>>, vector<1x1xf32>,
      %broadcast_in_dim3A_61 = arith.constant 0.000000e+00 : f32
      %broadcast_in_dim3A_62 = vector.broadcast %broadcast_in_dim3A_61 : f32 to vector<1x1xf32>
      %swap3A_63 = arith.constant 0 : index
      %swap3A_64 = arith.constant 0 : index
      %swap3A_65 = vector.load %arg6[%swap3A_63, %swap3A_64] : memref<1x1xf32, #tpu.memory_space<vmem>>, vector<1x1xf32>
      tpu.vector_store %arg6[%swap3A_63, %swap3A_64], %broadcast_in_dim3A_62 {strides = array<i32>} : memref<1x1xf32, #tpu.memory_space<vmem>>, vector<1x1xf32>,
    } else {
    }
    %get3A_36 = arith.constant 0 : index
    %get3A_37 = arith.constant 0 : index
    %get3A_38 = vector.load %arg5[%get3A_36, %get3A_37] : memref<1x1xf32, #tpu.memory_space<vmem>>, vector<1x1xf32>
    %add3A_39 = vector.broadcast %reduce_sum3A_22 : f32 to vector<1x1xf32>
    %add3A_40 = arith.addf %get3A_38, %add3A_39 : vector<1x1xf32>
    %swap3A = arith.constant 0 : index
    %swap3A_41 = arith.constant 0 : index
    %swap3A_42 = vector.load %arg5[%swap3A, %swap3A_41] : memref<1x1xf32, #tpu.memory_space<vmem>>, vector<1x1xf32>
    tpu.vector_store %arg5[%swap3A, %swap3A_41], %add3A_40 {strides = array<i32>} : memref<1x1xf32, #tpu.memory_space<vmem>>, vector<1x1xf32>,
    %get3A_43 = arith.constant 0 : index
    %get3A_44 = arith.constant 0 : index
    %get3A_45 = vector.load %arg6[%get3A_43, %get3A_44] : memref<1x1xf32, #tpu.memory_space<vmem>>, vector<1x1xf32>
    %add3A_46 = vector.broadcast %reduce_sum3A_31 : f32 to vector<1x1xf32>
    %add3A_47 = arith.addf %get3A_45, %add3A_46 : vector<1x1xf32>
    %swap3A_48 = arith.constant 0 : index
    %swap3A_49 = arith.constant 0 : index
    %swap3A_50 = vector.load %arg6[%swap3A_48, %swap3A_49] : memref<1x1xf32, #tpu.memory_space<vmem>>, vector<1x1xf32>
    tpu.vector_store %arg6[%swap3A_48, %swap3A_49], %add3A_47 {strides = array<i32>} : memref<1x1xf32, #tpu.memory_space<vmem>>, vector<1x1xf32>,
    %eq3A_51 = arith.constant 15 : i32
    %eq3A_52 = arith.cmpi eq, %arg0, %eq3A_51 : i32
    %convert_element_type3A_53 = arith.extui %eq3A_52 : i1 to i32
    %cond3A_54 = arith.constant 0 : i32
    %cond3A_55 = arith.cmpi ne, %convert_element_type3A_53, %cond3A_54 : i32
    scf.if %cond3A_55 {
      %get3A_56 = arith.constant 0 : index
      %get3A_57 = arith.constant 0 : index
      %get3A_58 = vector.load %arg5[%get3A_56, %get3A_57] : memref<1x1xf32, #tpu.memory_space<vmem>>, vector<1x1xf32>
      %eq3A_59 = arith.constant 0.000000e+00 : f32
      %eq3A_60 = vector.broadcast %eq3A_59 : f32 to vector<1x1xf32>
      %eq3A_61 = arith.cmpf oeq, %get3A_58, %eq3A_60 : vector<1x1xf32>
      %div3A = arith.constant 4.096000e+03 : f32
      %div3A_62 = vector.broadcast %div3A : f32 to vector<1x1xf32>
      %div3A_63 = arith.divf %get3A_58, %div3A_62 : vector<1x1xf32>
      %jit3A_64 = arith.constant 0.000000e+00 : f32
      %broadcast_in_dim3A_65 = vector.broadcast %jit3A_64 : f32 to vector<1x1xf32>
      %select_n3A_66 = arith.select %eq3A_61, %broadcast_in_dim3A_65, %div3A_63 : vector<1x1xi1>, vector<1x1xf32>
      %swap3A_67 = arith.constant 0 : index
      %swap3A_68 = arith.constant 0 : index
      %swap3A_69 = vector.load %arg5[%swap3A_67, %swap3A_68] : memref<1x1xf32, #tpu.memory_space<vmem>>, vector<1x1xf32>
      tpu.vector_store %arg5[%swap3A_67, %swap3A_68], %select_n3A_66 {strides = array<i32>} : memref<1x1xf32, #tpu.memory_space<vmem>>, vector<1x1xf32>,
      %get3A_70 = arith.constant 0 : index
      %get3A_71 = arith.constant 0 : index
      %get3A_72 = vector.load %arg6[%get3A_70, %get3A_71] : memref<1x1xf32, #tpu.memory_space<vmem>>, vector<1x1xf32>
      %div3A_73 = arith.constant 4.096000e+03 : f32
      %div3A_74 = vector.broadcast %div3A_73 : f32 to vector<1x1xf32>
      %div3A_75 = arith.divf %get3A_72, %div3A_74 : vector<1x1xf32>
      %swap3A_76 = arith.constant 0 : index
      %swap3A_77 = arith.constant 0 : index
      %swap3A_78 = vector.load %arg6[%swap3A_76, %swap3A_77] : memref<1x1xf32, #tpu.memory_space<vmem>>, vector<1x1xf32>
      tpu.vector_store %arg6[%swap3A_76, %swap3A_77], %div3A_75 {strides = array<i32>} : memref<1x1xf32, #tpu.memory_space<vmem>>, vector<1x1xf32>,
    } else {
    }
    return
  }
  func.func @transform_0(%arg0: i32) -> (i32, i32) {
    %c0_i32 = arith.constant 0 : i32
    %c0_i32_0 = arith.constant 0 : i32
    return %arg0, %c0_i32 : i32, i32
  }
  func.func @transform_1(%arg0: i32) -> (i32, i32) {
    %c0_i32 = arith.constant 0 : i32
    %c0_i32_0 = arith.constant 0 : i32
    %c0_i32_1 = arith.constant 0 : i32
    return %c0_i32, %c0_i32_0 : i32, i32
  }
  func.func @transform_2(%arg0: i32) -> i32 {
    %c0_i32 = arith.constant 0 : i32
    return %arg0 : i32
  }
  func.func @transform_3(%arg0: i32) -> i32 {
    %c0_i32 = arith.constant 0 : i32
    return %arg0 : i32
  }
  func.func @transform_4(%arg0: i32) -> (i32, i32) {
    %c0_i32 = arith.constant 0 : i32
    %c0_i32_0 = arith.constant 0 : i32
    %c0_i32_1 = arith.constant 0 : i32
    return %c0_i32, %c0_i32_0 : i32, i32
  }
  func.func @transform_5(%arg0: i32) -> (i32, i32) {
    %c0_i32 = arith.constant 0 : i32
    %c0_i32_0 = arith.constant 0 : i32
    %c0_i32_1 = arith.constant 0 : i32
    return %c0_i32, %c0_i32_0 : i32, i32
  }
}

</mosaic_0001>

<sc_bundles>
// kernel: kernel.6.cloned.1.call-start
scs
__scs_entry_jumppad:
0x0: {  	(pc) =	sbr.rel $0x88, $3  }
0x1: {  	(tag) =	ssettag $0x0;
	lr =	simm.s32 $0x1  }
0x2: {  	[smem:$0x3F9D] =	sst lr;
	_ =	strace $0xD0000000  }
0x3: {  	_ = 	snop  }
0x4: {  	_ = 	snop  }
0x5: {  	_ = 	snop  }
0x6: {  	_ = 	snop  }
0x7: {  	_ = 	snop  }
__scs_overlays_trampoline_lowered:
0x8: {  	[smem:$0x3FAC] =	sst s0  }
0x9: {  	[smem:$0x3FAD] =	sst s1  }
0xa: {  	[smem:$0x3FAE] =	sst s2  }
0xb: {  	[smem:$0x3FAF] =	sst s3  }
0xc: {  	[smem:$0x3FB0] =	sst s4  }
0xd: {  	[smem:$0x3FB1] =	sst s5  }
0xe: {  	[smem:$0x3FB2] =	sst s6  }
0xf: {  	[smem:$0x3FB3] =	sst s7  }
0x10: {  	[smem:$0x3FB4] =	sst s8  }
0x11: {  	[smem:$0x3FB5] =	sst s9;
	s0 =	simm.s32 @!p0 $0x0  }
0x12: {  	s1 =	sld [smem:$0x3F9B];
	s0 =	simm.s32 @p0 $0x1  }
0x13: {  	[smem:$0x3FB6] =	sst s0;
	s0 =	simm.s32 @!p1 $0x0  }
0x14: {  	s2 =	sld [smem:$0x3F9A];
	s0 =	simm.s32 @p1 $0x1  }
0x15: {  	[smem:$0x3FB7] =	sst s0;
	s0 =	simm.s32 @!p2 $0x0  }
0x16: {  	s3 =	sld [smem:$0x3FDB];
	s0 =	simm.s32 @p2 $0x1  }
0x17: {  	s4 =	simm.s32 $0x1BF5;
	[smem:$0x3FB9] =	sst s0  }
0x18: {  	s0 =	sld [smem:$0x3F9C];
	_ =	swait.ge [sflag:s4], $0x0  }
0x19: {  	s7 =	sld [smem:$0x3F9D]  }
0x1a: {  	s8 =	sadd.s32 $0xFFFFE003, lr  }
0x1b: {  	s9 =	sadd.s32 $0xFFFFFEF7, lr;
	s5 =	simm.s32 $0xFFFFFFFF;
	p2 =	slt.u32 s8, $0xFFFFF086  }
0x1c: {  	p1 =	slt.u32 s9, $0xF7A;
	s5 =	simm.s32 @!p2 $0x0  }
0x1d: {  	s5 =	simm.s32 @p1 $0x1;
	p0 =	seq.s32 s7, s2  }
0x1e: {  	s7 =	smul.u32 @!p0 $0xF7A, s2;
	p2 =	seq.s32 @!p0 s5, $0x0  }
0x1f: {  	s9 =	smul.u32 $0xF7A, s1;
	s8 =	simm.s32 @!p0 $0x1BF5;
	p2 =	por !p2, p0  }
0x20: {  	[sflag:s8] =	ssyncset.s32 @!p0 $0xFFFFF086;
	s6 =	sadd.s32 @!p0 s3, s7;
	s7 =	simm.s32 @!p0 $0x108  }
0x21: {  	s3 =	sadd.s32 s3, s9;
	s6 =	sadd.s32 @!p0 $0x88, s6;
	s7 =	simm.s32 @p2 $0x1082  }
0x22: {  	[simem:s7], [sflag:s8] =	dma.local @!p0 [hbm:s6], $0xF7A  }
0x23: {  	s9 =	sor.u32 $0xD0000000, s2;
	s6 =	simm.s32 $0x108;
	_ =	swait.ge @!p0 [sflag:s8], $0x0  }
0x24: {  	s3 =	sadd.s32 $0x88, s3;
	s6 =	simm.s32 @!p1 $0x1082;
	[sflag:s4] =	ssyncset.s32 $0xFFFFF086  }
0x25: {  	[simem:s6], [sflag:s4] =	dma.local [hbm:s3], $0xF7A  }
0x26: {  	[smem:$0x3F9D] =	sst s1;
	(tag) =	ssettag s2;
	_ =	strace s9  }
0x27: {  	s1 =	sld [smem:$0x3FAD]  }
0x28: {  	s2 =	sld [smem:$0x3FAE]  }
0x29: {  	s4 =	sld [smem:$0x3FB0]  }
0x2a: {  	p0 =	seq.s32 s5, $0x0;
	s5 =	sld [smem:$0x3FB1]  }
0x2b: {  	s6 =	sld [smem:$0x3FB2]  }
0x2c: {  	s7 =	sld [smem:$0x3FB3]  }
0x2d: {  	s3 =	simm.s32 $0x108;
	s8 =	sld [smem:$0x3FB4]  }
0x2e: {  	s3 =	simm.s32 @!p0 $0x1082;
	s9 =	sld [smem:$0x3FB5]  }
0x2f: {  	lr =	sadd.s32 s0, s3;
	s0 =	sld [smem:$0x3FAC]  }
0x30: {  	s3 =	sld [smem:$0x3FAF]  }
0x31: {  	[smem:$0x3FB8] =	sst s10  }
0x32: {  	s10 =	sld [smem:$0x3FB6];
	_ =	sdelay $0x3  }
0x33: {  	p0 =	seq.s32 s10, $0x1;
	s10 =	sld [smem:$0x3FB8];
	_ =	sdelay $0x3  }
0x34: {  	[smem:$0x3FB8] =	sst s10  }
0x35: {  	s10 =	sld [smem:$0x3FB7];
	_ =	sdelay $0x3  }
0x36: {  	p1 =	seq.s32 s10, $0x1;
	s10 =	sld [smem:$0x3FB8];
	_ =	sdelay $0x3  }
0x37: {  	[smem:$0x3FB8] =	sst s10  }
0x38: {  	s10 =	sld [smem:$0x3FB9]  }
0x39: {  	_ = 	snop;
	(pc) =	sbr.ind lr, $3  }
0x3a: {  	_ = 	snop  }
0x3b: {  	_ = 	snop  }
0x3c: {  	p2 =	seq.s32 s10, $0x1;
	s10 =	sld [smem:$0x3FB8]  }
0x3d: {  	_ =	shalt  }
0x3e: {  	_ =	shalt  }
0x3f: {  	_ =	shalt  }
0x40: {  	_ =	shalt  }
0x41: {  	_ =	shalt  }
0x42: {  	_ =	shalt  }
0x43: {  	_ =	shalt  }
0x44: {  	_ =	shalt  }
0x45: {  	_ =	shalt  }
0x46: {  	_ =	shalt  }
0x47: {  	_ =	shalt  }
0x48: {  	_ =	shalt  }
0x49: {  	_ =	shalt  }
0x4a: {  	_ =	shalt  }
0x4b: {  	_ =	shalt  }
0x4c: {  	_ =	shalt  }
0x4d: {  	_ =	shalt  }
0x4e: {  	_ =	shalt  }
0x4f: {  	_ =	shalt  }
0x50: {  	_ =	shalt  }
0x51: {  	_ =	shalt  }
0x52: {  	_ =	shalt  }
0x53: {  	_ =	shalt  }
0x54: {  	_ =	shalt  }
0x55: {  	_ =	shalt  }
0x56: {  	_ =	shalt  }
0x57: {  	_ =	shalt  }
0x58: {  	_ =	shalt  }
0x59: {  	_ =	shalt  }
0x5a: {  	_ =	shalt  }
0x5b: {  	_ =	shalt  }
0x5c: {  	_ =	shalt  }
0x5d: {  	_ =	shalt  }
0x5e: {  	_ =	shalt  }
0x5f: {  	_ =	shalt  }
0x60: {  	_ =	shalt  }
0x61: {  	_ =	shalt  }
0x62: {  	_ =	shalt  }
0x63: {  	_ =	shalt  }
0x64: {  	_ =	shalt  }
0x65: {  	_ =	shalt  }
0x66: {  	_ =	shalt  }
0x67: {  	_ =	shalt  }
0x68: {  	_ =	shalt  }
0x69: {  	_ =	shalt  }
0x6a: {  	_ =	shalt  }
0x6b: {  	_ =	shalt  }
0x6c: {  	_ =	shalt  }
0x6d: {  	_ =	shalt  }
0x6e: {  	_ =	shalt  }
0x6f: {  	_ =	shalt  }
0x70: {  	_ =	shalt  }
0x71: {  	_ =	shalt  }
0x72: {  	_ =	shalt  }
0x73: {  	_ =	shalt  }
0x74: {  	_ =	shalt  }
0x75: {  	_ =	shalt  }
0x76: {  	_ =	shalt  }
0x77: {  	_ =	shalt  }
0x78: {  	_ =	shalt  }
0x79: {  	_ =	shalt  }
0x7a: {  	_ =	shalt  }
0x7b: {  	_ =	shalt  }
0x7c: {  	_ =	shalt  }
0x7d: {  	_ =	shalt  }
0x7e: {  	_ =	shalt  }
0x7f: {  	_ =	shalt  }
0x80: {  	_ =	shalt  }
0x81: {  	_ =	shalt  }
0x82: {  	_ =	shalt  }
0x83: {  	_ =	shalt  }
0x84: {  	_ =	shalt  }
0x85: {  	_ =	shalt  }
0x86: {  	_ =	shalt  }
0x87: {  	_ =	shalt  }
.Lfunc_end0:
.L_simem_size_0:
called_computation_lowered:
.L_overlay_start_0:
0x88: {  	s2 =	sld [smem:$0x3FD9]  }
0x89: {  	s3 =	sld [smem:$0x3FFE];
	_ =	sdelay $0x1  }
0x8a: {  	s1 =	srdreg.scid  }
0x8b: {  	s0 =	sand.u32 $0x1, s1  }
0x8c: {  	s14 =	sshll.u32 s0, $0xA;
	s2 =	sadd.s32 s3, s2  }
0x8d: {  	s2 =	sadd.s32 s2, s14  }
0x8e: {  	[smem:$0x3FC4] =	sst s2  }
0x8f: {  	_ = 	snop  }
0x90: {  	s2 =	sld [smem:$0x3FD0];
	_ =	sdelay $0x2  }
0x91: {  	s15 =	simm.s32 $0xA;
	s4 =	simm.s32 $0x10  }
0x92: {  	[smem:s4], [sflag:s15] =	dma.local [hbm:s2], $0x1  }
0x93: {  	_ =	swait.eq [sflag:s15], $0x1  }
0x94: {  	[sflag:s15] =	ssyncset.done $0x0  }
0x95: {  	[sflag:s15] =	ssyncadd.s32 $0xFFFFFFFF  }
0x96: {  	s16 =	sld [smem:$0x12];
	(tm) =	ssettm $0x1  }
0x97: {  	s17 =	sld [smem:$0x3FFB];
	_ =	sdelay $0x3  }
0x98: {  	_ =	strace s17  }
0x99: {  	s3 =	sld [smem:$0x3FFC];
	_ =	sdelay $0x3  }
0x9a: {  	_ =	strace s3  }
0x9b: {  	s3 =	sld [smem:$0x3FFD];
	_ =	sdelay $0x3  }
0x9c: {  	_ =	strace s3  }
0x9d: {  	_ =	strace $0x8FFFFFFF  }
0x9e: {  	s18 =	sld [smem:$0x3FDB];
	_ =	sdelay $0x1  }
0x9f: {  	s19 =	simm.s32 $_scs_section_size  }
0xa0: {  	s5 =	simm.s32 $_size__tile_overlayer_lowered;
	s6 =	simm.s32 $_tile_overlayer_lowered  }
0xa1: {  	s22 =	simm.s32 $0x1BFF;
	s21 =	sshll.u32 s6, $0x1;
	s3 =	sadd.s32 s19, s18  }
0xa2: {  	s7 =	simm.s32 $0x0;
	s20 =	sshll.u32 s5, $0x1;
	s5 =	sadd.s32 s21, s3  }
0xa3: {  	[timem:s7], [sflag:s22] =	dma.local [hbm:s5], s20  }
0xa4: {  	_ =	swait.ge [sflag:s22], s20  }
0xa5: {  	s4 =	ssub.s32 $0x0, s20;
	[sflag:s22] =	ssyncset.done $0x0  }
0xa6: {  	[sflag:s22] =	ssyncadd.s32 s4;
	_ =	sdelay $0x1  }
0xa7: {  	s23 =	simm.s32 $0x1B8B  }
0xa8: {  	_ =	swait.ge [sflag:s23], $0x1  }
0xa9: {  	[sflag:s23] =	ssyncset.done $0x0  }
0xaa: {  	s25 =	simm.s32 $0x1B8E;
	s24 =	sld [smem:$0x3FFE];
	[sflag:s23] =	ssyncadd.s32 $0xFFFFFFFF  }
0xab: {  	s26 =	simm.s32 $execute0_lowered;
	[smem:$0x3FD2] =	sst s25  }
0xac: {  	s5 =	sshll.u32 s26, $0x1;
	_ =	strace $0x80000046;
	[dreg:$0x1] =	wrdreg $0xFFFFFFFF  }
0xad: {  	s28 =	simm.s32 $_size_execute0_lowered;
	s3 =	sadd.s32 s3, s5;
	[dreg:$0x0] =	wrdreg $0x0  }
0xae: {  	s5 =	sshll.u32 s28, $0x1;
	[dreg:$0x2] =	wrdreg s3  }
0xaf: {  	[dreg:$0x3] =	wrdreg s5  }
0xb0: {  	[dreg:$0x4] =	wrdreg $0xC0  }
0xb1: {  	_ =	task [dreg:s7], $0x5FFFF  }
0xb2: {  	[dreg:$0x1] =	wrdreg $0xFFFFFFFF  }
0xb3: {  	[dreg:$0x0] =	wrdreg $0x60  }
0xb4: {  	[dreg:$0x2] =	wrdreg s24  }
0xb5: {  	[dreg:$0x3] =	wrdreg s16  }
0xb6: {  	[dreg:$0x4] =	wrdreg $0xC000  }
0xb7: {  	[dreg:$0x5] =	wrdreg $0x9  }
0xb8: {  	_ =	task.clear_ibuf [dreg:s7], $0x6FFFF;
	_ =	strace $0x90000046  }
0xb9: {  	s29 =	simm.s32 $0x9;
	_ =	strace $0x80000048  }
0xba: {  	_ =	swait.ge [sflag:s29], $0x1  }
0xbb: {  	[sflag:s29] =	ssyncadd.s32 $0xFFFFFFFF  }
0xbc: {  	_ =	strace $0x90000048  }
0xbd: {  	_ =	sfence  }
0xbe: {  	s30 =	sld [smem:$0x0];
	_ =	sdelay $0x2  }
0xbf: {  	s31 =	sshll.u32 s1, $0xD;
	s1 =	sshrl.u32 s1, $0x2  }
0xc0: {  	s3 =	sand.u32 $0x4000, s31;
	s1 =	sadd.s32 s1, s30  }
0xc1: {  	s0 =	sor.u32 s3, s0;
	s1 =	sshll.u32 s1, $0x11  }
0xc2: {  	s0 =	sor.u32 s1, s0  }
0xc3: {  	s0 =	sadd.s32 $0x8F2B, s0  }
0xc4: {  	[sflag:s0] =	ssyncadd.remote.s32 $0x1  }
0xc5: {  	_ =	sfence.sel $0xFFFF  }
0xc6: {  	[dreg:$0x0] =	wrdreg $0xFFFFFFFF;
	(pc) =	sbr.abs _section_cstart, $3  }
0xc7: {  	[dreg:$0x1] =	wrdreg $0xFFFFFFFF  }
0xc8: {  	_ =	task.clear_ibuf [dreg:s7], $0x2FFFF;
	_ =	strace $0x9FFFFFFF  }
0xc9: {  	(tm) =	ssettm $0x7FFFFFFF  }
tec
execute0_lowered:
.L_overlay_start_1:
0x0: {  	(tag) =	ssettag $0x1  }
0x1: {  	s0 =	stileid.u32  }
0x2: {  	v62 =	vlaneseq.u32;
	s5 =	sshll.u32 s0, $0xA  }
0x3: {  	v63 =	vor.u32 $0x1000, v62;
	v0 =	vor.u32 s5, v62  }
0x4: {  	v52 =	vadd.s32 s5, v63;
	s1 =	sor.u32 $0x10, s5;
	[tilespmem:$0x1FB90] =	vst v0  }
0x5: {  	[tilespmem:$0x1FBA0] =	vst v52;
	v53 =	vor.u32 s1, v62  }
0x6: {  	s2 =	sor.u32 $0x20, s5;
	v54 =	vadd.s32 s1, v63;
	[tilespmem:$0x1FBB0] =	vst v53  }
0x7: {  	v55 =	vor.u32 s2, v62;
	[tilespmem:$0x1FBC0] =	vst v54  }
0x8: {  	s31 =	sor.u32 $0x30, s5;
	v56 =	vadd.s32 s2, v63;
	[tilespmem:$0x1FBD0] =	vst v55  }
0x9: {  	v57 =	vor.u32 s31, v62;
	[tilespmem:$0x1FBE0] =	vst v56  }
0xa: {  	s3 =	sor.u32 $0x40, s5;
	v58 =	vadd.s32 s31, v63;
	[tilespmem:$0x1FBF0] =	vst v57  }
0xb: {  	v59 =	vor.u32 s3, v62;
	[tilespmem:$0x1FC00] =	vst v58  }
0xc: {  	s4 =	sor.u32 $0x50, s5;
	v60 =	vadd.s32 s3, v63;
	[tilespmem:$0x1FC10] =	vst v59  }
0xd: {  	v61 =	vor.u32 s4, v62;
	[tilespmem:$0x1FC20] =	vst v60  }
0xe: {  	s6 =	sor.u32 $0x60, s5;
	v32 =	vadd.s32 s4, v63;
	[tilespmem:$0x1FC30] =	vst v61  }
0xf: {  	v33 =	vor.u32 s6, v62;
	[tilespmem:$0x1FC40] =	vst v32  }
0x10: {  	s7 =	sor.u32 $0x70, s5;
	v34 =	vadd.s32 s6, v63;
	[tilespmem:$0x1FC50] =	vst v33  }
0x11: {  	v35 =	vor.u32 s7, v62;
	[tilespmem:$0x1FC60] =	vst v34  }
0x12: {  	s8 =	sor.u32 $0x80, s5;
	v36 =	vadd.s32 s7, v63;
	[tilespmem:$0x1FC70] =	vst v35  }
0x13: {  	v37 =	vor.u32 s8, v62;
	[tilespmem:$0x1FC80] =	vst v36  }
0x14: {  	s9 =	sor.u32 $0x90, s5;
	v38 =	vadd.s32 s8, v63;
	[tilespmem:$0x1FC90] =	vst v37  }
0x15: {  	v39 =	vor.u32 s9, v62;
	[tilespmem:$0x1FCA0] =	vst v38  }
0x16: {  	s10 =	sor.u32 $0xA0, s5;
	v40 =	vadd.s32 s9, v63;
	[tilespmem:$0x1FCB0] =	vst v39  }
0x17: {  	v41 =	vor.u32 s10, v62;
	[tilespmem:$0x1FCC0] =	vst v40  }
0x18: {  	s11 =	sor.u32 $0xB0, s5;
	v42 =	vadd.s32 s10, v63;
	[tilespmem:$0x1FCD0] =	vst v41  }
0x19: {  	v43 =	vor.u32 s11, v62;
	[tilespmem:$0x1FCE0] =	vst v42  }
0x1a: {  	s12 =	sor.u32 $0xC0, s5;
	v44 =	vadd.s32 s11, v63;
	[tilespmem:$0x1FCF0] =	vst v43  }
0x1b: {  	v45 =	vor.u32 s12, v62;
	[tilespmem:$0x1FD00] =	vst v44  }
0x1c: {  	s13 =	sor.u32 $0xD0, s5;
	v46 =	vadd.s32 s12, v63;
	[tilespmem:$0x1FD10] =	vst v45  }
0x1d: {  	v47 =	vor.u32 s13, v62;
	[tilespmem:$0x1FD20] =	vst v46  }
0x1e: {  	s14 =	sor.u32 $0xE0, s5;
	v48 =	vadd.s32 s13, v63;
	[tilespmem:$0x1FD30] =	vst v47  }
0x1f: {  	v49 =	vor.u32 s14, v62;
	[tilespmem:$0x1FD40] =	vst v48  }
0x20: {  	s15 =	sor.u32 $0xF0, s5;
	v50 =	vadd.s32 s14, v63;
	[tilespmem:$0x1FD50] =	vst v49  }
0x21: {  	v51 =	vor.u32 s15, v62;
	[tilespmem:$0x1FD60] =	vst v50  }
0x22: {  	s16 =	sor.u32 $0x100, s5;
	v52 =	vadd.s32 s15, v63;
	[tilespmem:$0x1FD70] =	vst v51  }
0x23: {  	[tilespmem:$0x1FD80] =	vst v52;
	v53 =	vor.u32 s16, v62  }
0x24: {  	s17 =	sor.u32 $0x110, s5;
	v54 =	vadd.s32 s16, v63;
	[tilespmem:$0x1FD90] =	vst v53  }
0x25: {  	v55 =	vor.u32 s17, v62;
	[tilespmem:$0x1FDA0] =	vst v54  }
0x26: {  	s18 =	sor.u32 $0x120, s5;
	v56 =	vadd.s32 s17, v63;
	[tilespmem:$0x1FDB0] =	vst v55  }
0x27: {  	v57 =	vor.u32 s18, v62;
	[tilespmem:$0x1FDC0] =	vst v56  }
0x28: {  	s19 =	sor.u32 $0x130, s5;
	v58 =	vadd.s32 s18, v63;
	[tilespmem:$0x1FDD0] =	vst v57  }
0x29: {  	v59 =	vor.u32 s19, v62;
	[tilespmem:$0x1FDE0] =	vst v58  }
0x2a: {  	s20 =	sor.u32 $0x140, s5;
	v60 =	vadd.s32 s19, v63;
	[tilespmem:$0x1FDF0] =	vst v59  }
0x2b: {  	v61 =	vor.u32 s20, v62;
	[tilespmem:$0x1FE00] =	vst v60  }
0x2c: {  	s21 =	sor.u32 $0x150, s5;
	v32 =	vadd.s32 s20, v63;
	[tilespmem:$0x1FE10] =	vst v61  }
0x2d: {  	v33 =	vor.u32 s21, v62;
	[tilespmem:$0x1FE20] =	vst v32  }
0x2e: {  	s22 =	sor.u32 $0x160, s5;
	v34 =	vadd.s32 s21, v63;
	[tilespmem:$0x1FE30] =	vst v33  }
0x2f: {  	v35 =	vor.u32 s22, v62;
	[tilespmem:$0x1FE40] =	vst v34  }
0x30: {  	s23 =	sor.u32 $0x170, s5;
	v36 =	vadd.s32 s22, v63;
	[tilespmem:$0x1FE50] =	vst v35  }
0x31: {  	s24 =	sor.u32 $0x180, s5;
	v37 =	vor.u32 s23, v62;
	[tilespmem:$0x1FE60] =	vst v36  }
0x32: {  	s25 =	sor.u32 $0x190, s5;
	s4 =	rddreg [dreg:$0x0];
	s3 =	sor.u32 $0x1A0, s5;
	v38 =	vadd.s32 s23, v63;
	v39 =	vor.u32 s24, v62;
	v40 =	vadd.s32 s24, v63;
	[tilespmem:$0x1FE70] =	vst v37  }
0x33: {  	s26 =	sor.u32 $0x1B0, s5;
	s28 =	sor.u32 $0x1E0, s5;
	s6 =	rddreg [dreg:$0x1];
	v41 =	vor.u32 s25, v62;
	v42 =	vadd.s32 s25, v63;
	v43 =	vor.u32 s3, v62;
	[tilespmem:$0x1FE80] =	vst v38  }
0x34: {  	s2 =	rddreg [dreg:$0x2];
	s7 =	sor.u32 $0x1C0, s5;
	s8 =	sor.u32 $0x1D0, s5;
	v44 =	vadd.s32 s3, v63;
	v45 =	vor.u32 s26, v62;
	v46 =	vadd.s32 s26, v63;
	[tilespmem:$0x1FE90] =	vst v39  }
0x35: {  	s29 =	sor.u32 $0x1F0, s5;
	s30 =	sor.u32 $0x200, s5;
	s1 =	rddreg [dreg:$0x3];
	v47 =	vor.u32 s7, v62;
	v48 =	vadd.s32 s7, v63;
	v49 =	vor.u32 s8, v62;
	[tilespmem:$0x1FEA0] =	vst v40  }
0x36: {  	s9 =	srdreg.scid;
	s11 =	sor.u32 $0x230, s5;
	s12 =	sor.u32 $0x240, s5;
	v50 =	vadd.s32 s8, v63;
	v51 =	vor.u32 s28, v62;
	v52 =	vadd.s32 s28, v63;
	[tilespmem:$0x1FEB0] =	vst v41  }
0x37: {  	s10 =	sor.u32 $0x210, s5;
	s13 =	sor.u32 $0x250, s5;
	s14 =	sor.u32 $0x260, s5;
	v7 =	vadd.s32 s11, v63;
	v8 =	vor.u32 s12, v62;
	v9 =	vadd.s32 s12, v63;
	[tilespmem:$0x1FEC0] =	vst v42  }
0x38: {  	s31 =	sor.u32 $0x220, s5;
	s3 =	simm.s32 $0x0;
	s7 =	sand.u32 $0x1, s9;
	v10 =	vor.u32 s13, v62;
	v11 =	vadd.s32 s13, v63;
	v12 =	vor.u32 s14, v62;
	[tilespmem:$0x1FED0] =	vst v43  }
0x39: {  	s17 =	sor.u32 $0x270, s5;
	s18 =	sor.u32 $0x280, s5;
	s19 =	sor.u32 $0x290, s5;
	v13 =	vadd.s32 s14, v63;
	[tilespmem:$0x1FEE0] =	vst v44;
	v53 =	vor.u32 s29, v62;
	v54 =	vadd.s32 s29, v63  }
0x3a: {  	s20 =	sor.u32 $0x2A0, s5;
	s21 =	sor.u32 $0x2B0, s5;
	s22 =	sor.u32 $0x2C0, s5;
	[tilespmem:$0x1FEF0] =	vst v45;
	v55 =	vor.u32 s30, v62;
	v56 =	vadd.s32 s30, v63;
	v57 =	vor.u32 s10, v62  }
0x3b: {  	s23 =	sor.u32 $0x2D0, s5;
	s24 =	sor.u32 $0x2E0, s5;
	s25 =	sor.u32 $0x300, s5;
	[tilespmem:$0x1FF00] =	vst v46;
	v58 =	vadd.s32 s10, v63;
	v59 =	vor.u32 s31, v62;
	v60 =	vadd.s32 s31, v63  }
0x3c: {  	s26 =	sor.u32 $0x310, s5;
	s28 =	sor.u32 $0x330, s5;
	s13 =	sor.u32 $0x360, s5;
	[tilespmem:$0x1FF10] =	vst v47;
	v61 =	vor.u32 s11, v62;
	v14 =	vor.u32 s17, v62;
	v15 =	vadd.s32 s17, v63  }
0x3d: {  	s9 =	simm.s32 $0x800;
	s12 =	simm.s32 $0x480;
	s14 =	simm.s32 $0x500;
	[tilespmem:$0x1FF20] =	vst v48;
	v16 =	vor.u32 s18, v62;
	v17 =	vadd.s32 s18, v63;
	v18 =	vor.u32 s19, v62  }
0x3e: {  	[tilespmem:$0x1FF30] =	vst v49;
	[smem:$0x7FF] =	sst s3;
	s10 =	sshll.u32 s0, $0x7;
	s15 =	ssub.s32 $0x2, s7;
	v19 =	vadd.s32 s19, v63;
	v20 =	vor.u32 s20, v62;
	v21 =	vadd.s32 s20, v63  }
0x3f: {  	[tilespmem:$0x1FF40] =	vst v50;
	v22 =	vor.u32 s21, v62;
	v23 =	vadd.s32 s21, v63;
	v24 =	vor.u32 s22, v62;
	s17 =	sor.u32 $0x340, s5;
	s18 =	sor.u32 $0x350, s5;
	s29 =	sor.u32 $0x370, s5  }
0x40: {  	[tilespmem:$0x1FF50] =	vst v51;
	v25 =	vadd.s32 s22, v63;
	v26 =	vor.u32 s23, v62;
	v27 =	vadd.s32 s23, v63;
	s19 =	sor.u32 $0x380, s5;
	s20 =	sor.u32 $0x390, s5;
	s21 =	sor.u32 $0x3A0, s5  }
0x41: {  	[tilespmem:$0x1FF60] =	vst v52;
	v28 =	vor.u32 s24, v62;
	v29 =	vadd.s32 s24, v63;
	s22 =	sor.u32 $0x3B0, s5;
	v32 =	vor.u32 s25, v62;
	s23 =	sor.u32 $0x3C0, s5;
	s24 =	sor.u32 $0x3D0, s5  }
0x42: {  	v33 =	vadd.s32 s25, v63;
	s25 =	sor.u32 $0x3E0, s5;
	v34 =	vor.u32 s26, v62;
	v35 =	vadd.s32 s26, v63;
	s26 =	sor.u32 $0x3F0, s5;
	_ =	strace $0x80000047;
	[tilespmem:$0x1FF70] =	vst v53  }
0x43: {  	s30 =	sshll.u32 s0, $0x5;
	s31 =	sshrl.u32 s5, $0x2;
	v38 =	vor.u32 s28, v62;
	v39 =	vadd.s32 s28, v63;
	p0 =	sne.s32 s7, $0x0;
	v44 =	vor.u32 s13, v62;
	[tilespmem:$0x1FF80] =	vst v54  }
0x44: {  	s7 =	simm.s32 $0x2;
	v45 =	vadd.s32 s13, v63;
	s11 =	simm.s32 $0x880;
	s13 =	simm.s32 $0x900;
	[tilespmem:$0x1FF90] =	vst v55;
	v40 =	vor.u32 s17, v62;
	v41 =	vadd.s32 s17, v63  }
0x45: {  	[tilespmem:$0x1FFA0] =	vst v56;
	s16 =	sshrl.u32 s15, $0x1;
	s4 =	sadd.s32 s10, s4;
	s28 =	sadd.s32 s31, s2;
	v42 =	vor.u32 s18, v62;
	v43 =	vadd.s32 s18, v63;
	v48 =	vor.u32 s19, v62  }
0x46: {  	[tilespmem:$0x1FFB0] =	vst v57;
	s10 =	simm.s32 $0x400;
	v49 =	vadd.s32 s19, v63;
	v50 =	vor.u32 s20, v62;
	v51 =	vadd.s32 s20, v63;
	s17 =	simm.s32 $0xA00;
	s18 =	simm.s32 $0x600  }
0x47: {  	[tilespmem:$0x1FFC0] =	vst v58;
	v52 =	vor.u32 s21, v62;
	v53 =	vadd.s32 s21, v63;
	v54 =	vor.u32 s22, v62;
	s19 =	simm.s32 $0xA80;
	s20 =	simm.s32 $0x680;
	s21 =	simm.s32 $0xB00  }
.Ltmp0:
0x48: {  	[tilespmem:$0x1FFD0] =	vst v59;
	v55 =	vadd.s32 s22, v63;
	v56 =	vor.u32 s23, v62;
	v57 =	vadd.s32 s23, v63;
	s22 =	simm.s32 $0x700;
	s23 =	simm.s32 $0xB80;
	(pc) =	sbr.rel .LBB2_1-.Ltmp0, $4  }
0x49: {  	[tilespmem:$0x1FFE0] =	vst v60;
	v46 =	vor.u32 s29, v62;
	v58 =	vor.u32 s24, v62;
	v59 =	vadd.s32 s24, v63;
	s24 =	simm.s32 $0x780;
	s8 =	ssub.s32 s15, s16;
	s4 =	sadd.s32 $0x800, s4  }
0x4a: {  	[tilespmem:$0x1FFF0] =	vst v61;
	v47 =	vadd.s32 s29, v63;
	v60 =	vor.u32 s25, v62;
	v61 =	vadd.s32 s25, v63;
	s15 =	sor.u32 $0x2F0, s5;
	s16 =	sor.u32 $0x320, s5;
	s5 =	sadd.s32 s6, s30  }
0x4b: {  	s25 =	sshrl.u32 s28, $0x3;
	v30 =	vor.u32 s15, v62;
	v31 =	vadd.s32 s15, v63;
	v36 =	vor.u32 s16, v62;
	s6 =	smax.u32 s8, $0x1;
	s8 =	simm.s32 $0x80  }
0x4c: {  	v37 =	vadd.s32 s16, v63;
	s15 =	simm.s32 $0x980;
	s16 =	simm.s32 $0x580;
	v62 =	vor.u32 s26, v62;
	v63 =	vadd.s32 s26, v63;
	s26 =	simm.s32 $0x1  }
.LBB2_3:
0x4d: {  	[bflag:$0x0] =	sbarrier.arrive $0xFFFF  }
.LBB2_4:
0x4e: {  	s6 =	sadd.s32 $0xFFFFFFFF, s6  }
0x4f: {  	p1 =	sne.s32 s6, $0x0  }
.Ltmp1:
0x50: {  	_ = 	snop;
	(pc) =	sbr.rel @!p1 .LBB2_5-.Ltmp1, $1  }
0x51: {  	_ =	sdelay $0x3  }
.LBB2_1:
.Ltmp2:
0x52: {  	(pc) =	sbr.rel @p0 .LBB2_3-.Ltmp2, $1  }
0x53: {  	_ =	sdelay $0x3  }
0x54: {  	[tilespmem:s3], [sflag:$0x2] =	stream.linear.gather [hbm4b:s4+s3], $0x400, $0x38;
	[tilespmem:$0x1100] =	vst v63  }
0x55: {  	_ =	swait.ge [sflag:s7], $0x400  }
0x56: {  	[sflag:s7] =	ssyncset.done $0x0  }
0x57: {  	[sflag:s7] =	ssyncadd.s32 $0xFFFFFC00  }
0x58: {  	v0 =	vld [tilespmem:$0x0]  }
0x59: {  	v6 =	vld [tilespmem:$0x1FBA0];
	_ =	sdelay $0x3  }
0x5a: {  	vm0 =	vlt.s32 v0, $0x1000  }
0x5b: {  	v1 =	vld [tilespmem:$0x10];
	v0 =	vsel vm0, v0, v6  }
0x5c: {  	[tilespmem:$0x800] =	vst v0;
	v0 =	vld [tilespmem:$0x1FBC0];
	_ =	sdelay $0x3  }
0x5d: {  	vm13 =	vlt.s32 v1, $0x1000  }
0x5e: {  	v2 =	vld [tilespmem:$0x20];
	v0 =	vsel vm13, v1, v0  }
0x5f: {  	[tilespmem:$0x810] =	vst v0;
	v0 =	vld [tilespmem:$0x1FBE0];
	_ =	sdelay $0x3  }
0x60: {  	vm14 =	vlt.s32 v2, $0x1000  }
0x61: {  	v3 =	vld [tilespmem:$0x30];
	v0 =	vsel vm14, v2, v0  }
0x62: {  	[tilespmem:$0x820] =	vst v0;
	v0 =	vld [tilespmem:$0x1FC00];
	_ =	sdelay $0x3  }
0x63: {  	vm15 =	vlt.s32 v3, $0x1000  }
0x64: {  	v4 =	vld [tilespmem:$0x40];
	v0 =	vsel vm15, v3, v0  }
0x65: {  	[tilespmem:$0x830] =	vst v0;
	v0 =	vld [tilespmem:$0x1FC20];
	_ =	sdelay $0x3  }
0x66: {  	vm4 =	vlt.s32 v4, $0x1000  }
0x67: {  	v5 =	vld [tilespmem:$0x50];
	v0 =	vsel vm4, v4, v0  }
0x68: {  	[tilespmem:$0x840] =	vst v0;
	v0 =	vld [tilespmem:$0x1FC40];
	_ =	sdelay $0x3  }
0x69: {  	vm5 =	vlt.s32 v5, $0x1000  }
0x6a: {  	v6 =	vld [tilespmem:$0x60];
	v0 =	vsel vm5, v5, v0  }
0x6b: {  	[tilespmem:$0x850] =	vst v0;
	v0 =	vld [tilespmem:$0x1FC60];
	_ =	sdelay $0x3  }
0x6c: {  	vm6 =	vlt.s32 v6, $0x1000  }
0x6d: {  	v1 =	vld [tilespmem:$0x70];
	v0 =	vsel vm6, v6, v0  }
0x6e: {  	[tilespmem:$0x860] =	vst v0;
	v0 =	vld [tilespmem:$0x1FC80];
	_ =	sdelay $0x3  }
0x6f: {  	vm7 =	vlt.s32 v1, $0x1000  }
0x70: {  	v2 =	vld [tilespmem:$0x80];
	v0 =	vsel vm7, v1, v0  }
0x71: {  	[tilespmem:$0x870] =	vst v0;
	v0 =	vld [tilespmem:$0x1FCA0];
	_ =	sdelay $0x3  }
0x72: {  	vm8 =	vlt.s32 v2, $0x1000  }
0x73: {  	v3 =	vld [tilespmem:$0x90];
	v0 =	vsel vm8, v2, v0  }
0x74: {  	[tilespmem:$0x880] =	vst v0;
	v0 =	vld [tilespmem:$0x1FCC0];
	_ =	sdelay $0x3  }
0x75: {  	vm9 =	vlt.s32 v3, $0x1000  }
0x76: {  	v4 =	vld [tilespmem:$0xA0];
	v0 =	vsel vm9, v3, v0  }
0x77: {  	[tilespmem:$0x890] =	vst v0;
	v0 =	vld [tilespmem:$0x1FCE0];
	_ =	sdelay $0x3  }
0x78: {  	vm10 =	vlt.s32 v4, $0x1000  }
0x79: {  	v5 =	vld [tilespmem:$0xB0];
	v0 =	vsel vm10, v4, v0  }
0x7a: {  	[tilespmem:$0x8A0] =	vst v0;
	v0 =	vld [tilespmem:$0x1FD00];
	_ =	sdelay $0x3  }
0x7b: {  	vm11 =	vlt.s32 v5, $0x1000  }
0x7c: {  	v6 =	vld [tilespmem:$0xC0];
	v0 =	vsel vm11, v5, v0  }
0x7d: {  	[tilespmem:$0x8B0] =	vst v0;
	v0 =	vld [tilespmem:$0x1FD20];
	_ =	sdelay $0x3  }
0x7e: {  	vm12 =	vlt.s32 v6, $0x1000  }
0x7f: {  	v1 =	vld [tilespmem:$0xD0];
	v0 =	vsel vm12, v6, v0  }
0x80: {  	[tilespmem:$0x8C0] =	vst v0;
	v0 =	vld [tilespmem:$0x1FD40];
	_ =	sdelay $0x3  }
0x81: {  	vm13 =	vlt.s32 v1, $0x1000  }
0x82: {  	v2 =	vld [tilespmem:$0xE0];
	v0 =	vsel vm13, v1, v0  }
0x83: {  	[tilespmem:$0x8D0] =	vst v0;
	v0 =	vld [tilespmem:$0x1FD60];
	_ =	sdelay $0x3  }
0x84: {  	vm14 =	vlt.s32 v2, $0x1000  }
0x85: {  	v3 =	vld [tilespmem:$0xF0];
	v0 =	vsel vm14, v2, v0  }
0x86: {  	[tilespmem:$0x8E0] =	vst v0;
	v0 =	vld [tilespmem:$0x1FD80];
	_ =	sdelay $0x3  }
0x87: {  	vm15 =	vlt.s32 v3, $0x1000  }
0x88: {  	v4 =	vld [tilespmem:$0x100];
	v0 =	vsel vm15, v3, v0  }
0x89: {  	[tilespmem:$0x8F0] =	vst v0;
	v0 =	vld [tilespmem:$0x1FDA0];
	_ =	sdelay $0x3  }
0x8a: {  	vm4 =	vlt.s32 v4, $0x1000  }
0x8b: {  	v5 =	vld [tilespmem:$0x110];
	v0 =	vsel vm4, v4, v0  }
0x8c: {  	[tilespmem:$0x900] =	vst v0;
	v0 =	vld [tilespmem:$0x1FDC0];
	_ =	sdelay $0x3  }
0x8d: {  	vm5 =	vlt.s32 v5, $0x1000  }
0x8e: {  	v6 =	vld [tilespmem:$0x120];
	v0 =	vsel vm5, v5, v0  }
0x8f: {  	[tilespmem:$0x910] =	vst v0;
	v0 =	vld [tilespmem:$0x1FDE0];
	_ =	sdelay $0x3  }
0x90: {  	vm6 =	vlt.s32 v6, $0x1000  }
0x91: {  	v1 =	vld [tilespmem:$0x130];
	v0 =	vsel vm6, v6, v0  }
0x92: {  	[tilespmem:$0x920] =	vst v0;
	v0 =	vld [tilespmem:$0x1FE00];
	_ =	sdelay $0x3  }
0x93: {  	vm7 =	vlt.s32 v1, $0x1000  }
0x94: {  	v2 =	vld [tilespmem:$0x140];
	v0 =	vsel vm7, v1, v0  }
0x95: {  	[tilespmem:$0x930] =	vst v0;
	v0 =	vld [tilespmem:$0x1FE20];
	_ =	sdelay $0x3  }
0x96: {  	vm8 =	vlt.s32 v2, $0x1000  }
0x97: {  	v3 =	vld [tilespmem:$0x150];
	v0 =	vsel vm8, v2, v0  }
0x98: {  	[tilespmem:$0x940] =	vst v0;
	v0 =	vld [tilespmem:$0x1FE40];
	_ =	sdelay $0x3  }
0x99: {  	vm9 =	vlt.s32 v3, $0x1000  }
0x9a: {  	v4 =	vld [tilespmem:$0x160];
	v0 =	vsel vm9, v3, v0  }
0x9b: {  	[tilespmem:$0x950] =	vst v0;
	v0 =	vld [tilespmem:$0x1FE60];
	_ =	sdelay $0x3  }
0x9c: {  	vm10 =	vlt.s32 v4, $0x1000  }
0x9d: {  	v5 =	vld [tilespmem:$0x170];
	v0 =	vsel vm10, v4, v0  }
0x9e: {  	[tilespmem:$0x960] =	vst v0;
	v0 =	vld [tilespmem:$0x1FE80];
	_ =	sdelay $0x3  }
0x9f: {  	vm11 =	vlt.s32 v5, $0x1000  }
0xa0: {  	v6 =	vld [tilespmem:$0x180];
	v0 =	vsel vm11, v5, v0  }
0xa1: {  	[tilespmem:$0x970] =	vst v0;
	v0 =	vld [tilespmem:$0x1FEA0];
	_ =	sdelay $0x3  }
0xa2: {  	vm12 =	vlt.s32 v6, $0x1000  }
0xa3: {  	v1 =	vld [tilespmem:$0x190];
	v0 =	vsel vm12, v6, v0  }
0xa4: {  	[tilespmem:$0x980] =	vst v0;
	v0 =	vld [tilespmem:$0x1FEC0];
	_ =	sdelay $0x3  }
0xa5: {  	vm13 =	vlt.s32 v1, $0x1000  }
0xa6: {  	v2 =	vld [tilespmem:$0x1A0];
	v0 =	vsel vm13, v1, v0  }
0xa7: {  	[tilespmem:$0x990] =	vst v0;
	v0 =	vld [tilespmem:$0x1FEE0];
	_ =	sdelay $0x3  }
0xa8: {  	vm14 =	vlt.s32 v2, $0x1000  }
0xa9: {  	v3 =	vld [tilespmem:$0x1B0];
	v0 =	vsel vm14, v2, v0  }
0xaa: {  	[tilespmem:$0x9A0] =	vst v0;
	v0 =	vld [tilespmem:$0x1FF00];
	_ =	sdelay $0x3  }
0xab: {  	vm15 =	vlt.s32 v3, $0x1000  }
0xac: {  	v4 =	vld [tilespmem:$0x1C0];
	v0 =	vsel vm15, v3, v0  }
0xad: {  	[tilespmem:$0x9B0] =	vst v0;
	v0 =	vld [tilespmem:$0x1FF20];
	_ =	sdelay $0x3  }
0xae: {  	vm4 =	vlt.s32 v4, $0x1000  }
0xaf: {  	v5 =	vld [tilespmem:$0x1D0];
	v0 =	vsel vm4, v4, v0  }
0xb0: {  	[tilespmem:$0x9C0] =	vst v0;
	v0 =	vld [tilespmem:$0x1FF40];
	_ =	sdelay $0x3  }
0xb1: {  	vm5 =	vlt.s32 v5, $0x1000  }
0xb2: {  	v6 =	vld [tilespmem:$0x1E0];
	v0 =	vsel vm5, v5, v0  }
0xb3: {  	[tilespmem:$0x9D0] =	vst v0;
	v0 =	vld [tilespmem:$0x1FF60];
	_ =	sdelay $0x3  }
0xb4: {  	vm6 =	vlt.s32 v6, $0x1000  }
0xb5: {  	v1 =	vld [tilespmem:$0x1F0];
	v0 =	vsel vm6, v6, v0  }
0xb6: {  	[tilespmem:$0x9E0] =	vst v0;
	v0 =	vld [tilespmem:$0x1FF80];
	_ =	sdelay $0x3  }
0xb7: {  	vm7 =	vlt.s32 v1, $0x1000  }
0xb8: {  	v2 =	vld [tilespmem:$0x200];
	v0 =	vsel vm7, v1, v0  }
0xb9: {  	[tilespmem:$0x9F0] =	vst v0;
	v0 =	vld [tilespmem:$0x1FFA0];
	_ =	sdelay $0x3  }
0xba: {  	vm8 =	vlt.s32 v2, $0x1000  }
0xbb: {  	v3 =	vld [tilespmem:$0x210];
	v0 =	vsel vm8, v2, v0  }
0xbc: {  	[tilespmem:$0xA00] =	vst v0;
	v0 =	vld [tilespmem:$0x1FFC0];
	_ =	sdelay $0x3  }
0xbd: {  	vm9 =	vlt.s32 v3, $0x1000;
	v4 =	vld [tilespmem:$0x220]  }
0xbe: {  	v5 =	vld [tilespmem:$0x230];
	v0 =	vsel vm9, v3, v0  }
0xbf: {  	[tilespmem:$0xA10] =	vst v0;
	v0 =	vld [tilespmem:$0x1FFE0]  }
0xc0: {  	v6 =	vld [tilespmem:$0x240]  }
0xc1: {  	v1 =	vld [tilespmem:$0x250]  }
0xc2: {  	v2 =	vld [tilespmem:$0x260]  }
0xc3: {  	vm10 =	vlt.s32 v4, $0x1000;
	v3 =	vld [tilespmem:$0x270]  }
0xc4: {  	vm11 =	vlt.s32 v5, $0x1000;
	v0 =	vsel vm10, v4, v0;
	v4 =	vld [tilespmem:$0x280]  }
0xc5: {  	vm12 =	vlt.s32 v6, $0x1000;
	[tilespmem:$0xA20] =	vst v0;
	v0 =	vsel vm11, v5, v7;
	v5 =	vld [tilespmem:$0x290]  }
0xc6: {  	vm13 =	vlt.s32 v1, $0x1000;
	[tilespmem:$0xA30] =	vst v0;
	v0 =	vsel vm12, v6, v9;
	v6 =	vld [tilespmem:$0x2A0]  }
0xc7: {  	vm14 =	vlt.s32 v2, $0x1000;
	[tilespmem:$0xA40] =	vst v0;
	v0 =	vsel vm13, v1, v11;
	v1 =	vld [tilespmem:$0x2B0]  }
0xc8: {  	vm15 =	vlt.s32 v3, $0x1000;
	[tilespmem:$0xA50] =	vst v0;
	v0 =	vsel vm14, v2, v13;
	v2 =	vld [tilespmem:$0x2C0]  }
0xc9: {  	[tilespmem:$0xA60] =	vst v0;
	v0 =	vsel vm15, v3, v15;
	vm4 =	vlt.s32 v4, $0x1000;
	v3 =	vld [tilespmem:$0x2D0]  }
0xca: {  	[tilespmem:$0xA70] =	vst v0;
	v0 =	vsel vm4, v4, v17;
	vm5 =	vlt.s32 v5, $0x1000;
	v4 =	vld [tilespmem:$0x2E0]  }
0xcb: {  	[tilespmem:$0xA80] =	vst v0;
	v0 =	vsel vm5, v5, v19;
	vm6 =	vlt.s32 v6, $0x1000;
	v5 =	vld [tilespmem:$0x2F0]  }
0xcc: {  	[tilespmem:$0xA90] =	vst v0;
	v0 =	vsel vm6, v6, v21;
	vm7 =	vlt.s32 v1, $0x1000;
	v6 =	vld [tilespmem:$0x300]  }
0xcd: {  	[tilespmem:$0xAA0] =	vst v0;
	v0 =	vsel vm7, v1, v23;
	vm8 =	vlt.s32 v2, $0x1000;
	v1 =	vld [tilespmem:$0x310]  }
0xce: {  	[tilespmem:$0xAB0] =	vst v0;
	v0 =	vsel vm8, v2, v25;
	vm9 =	vlt.s32 v3, $0x1000;
	v2 =	vld [tilespmem:$0x320]  }
0xcf: {  	[tilespmem:$0xAC0] =	vst v0;
	v0 =	vsel vm9, v3, v27;
	vm10 =	vlt.s32 v4, $0x1000;
	v3 =	vld [tilespmem:$0x330]  }
0xd0: {  	[tilespmem:$0xAD0] =	vst v0;
	v0 =	vsel vm10, v4, v29;
	vm11 =	vlt.s32 v5, $0x1000;
	v4 =	vld [tilespmem:$0x340]  }
0xd1: {  	[tilespmem:$0xAE0] =	vst v0;
	v0 =	vsel vm11, v5, v31;
	vm12 =	vlt.s32 v6, $0x1000;
	v5 =	vld [tilespmem:$0x350]  }
0xd2: {  	[tilespmem:$0xAF0] =	vst v0;
	v0 =	vsel vm12, v6, v33;
	vm13 =	vlt.s32 v1, $0x1000;
	v6 =	vld [tilespmem:$0x360]  }
0xd3: {  	[tilespmem:$0xB00] =	vst v0;
	v0 =	vsel vm13, v1, v35;
	vm14 =	vlt.s32 v2, $0x1000;
	v1 =	vld [tilespmem:$0x370]  }
0xd4: {  	[tilespmem:$0xB10] =	vst v0;
	v0 =	vsel vm14, v2, v37;
	vm15 =	vlt.s32 v3, $0x1000;
	v2 =	vld [tilespmem:$0x380]  }
0xd5: {  	[tilespmem:$0xB20] =	vst v0;
	v0 =	vsel vm15, v3, v39;
	vm4 =	vlt.s32 v4, $0x1000;
	v3 =	vld [tilespmem:$0x390]  }
0xd6: {  	[tilespmem:$0xB30] =	vst v0;
	v0 =	vsel vm4, v4, v41;
	vm5 =	vlt.s32 v5, $0x1000;
	v4 =	vld [tilespmem:$0x3A0]  }
0xd7: {  	[tilespmem:$0xB40] =	vst v0;
	v0 =	vsel vm5, v5, v43;
	vm6 =	vlt.s32 v6, $0x1000;
	v5 =	vld [tilespmem:$0x3B0]  }
0xd8: {  	[tilespmem:$0xB50] =	vst v0;
	v0 =	vsel vm6, v6, v45;
	vm7 =	vlt.s32 v1, $0x1000;
	v6 =	vld [tilespmem:$0x3C0]  }
0xd9: {  	[tilespmem:$0xB60] =	vst v0;
	v0 =	vsel vm7, v1, v47;
	vm8 =	vlt.s32 v2, $0x1000;
	v1 =	vld [tilespmem:$0x3D0]  }
0xda: {  	[tilespmem:$0xB70] =	vst v0;
	v0 =	vsel vm8, v2, v49;
	vm9 =	vlt.s32 v3, $0x1000;
	v2 =	vld [tilespmem:$0x3E0]  }
0xdb: {  	[tilespmem:$0xB80] =	vst v0;
	v0 =	vsel vm9, v3, v51;
	vm10 =	vlt.s32 v4, $0x1000;
	v3 =	vld [tilespmem:$0x3F0]  }
0xdc: {  	[tilespmem:$0xB90] =	vst v0;
	v0 =	vsel vm10, v4, v53;
	vm11 =	vlt.s32 v5, $0x1000  }
0xdd: {  	[tilespmem:$0xBA0] =	vst v0;
	v0 =	vsel vm11, v5, v55;
	vm12 =	vlt.s32 v6, $0x1000  }
0xde: {  	[tilespmem:$0xBB0] =	vst v0;
	v0 =	vsel vm12, v6, v57;
	vm13 =	vlt.s32 v1, $0x1000  }
0xdf: {  	[tilespmem:$0xBC0] =	vst v0;
	v0 =	vsel vm13, v1, v59;
	vm14 =	vlt.s32 v2, $0x1000  }
0xe0: {  	[tilespmem:$0xBD0] =	vst v0;
	v0 =	vsel vm14, v2, v61;
	vm15 =	vlt.s32 v3, $0x1000  }
0xe1: {  	[tilespmem:$0xBE0] =	vst v0;
	v0 =	vsel vm15, v3, v63  }
0xe2: {  	[tilespmem:$0xBF0] =	vst v0;
	v0 =	vld [tilespmem:$0x1FB90];
	_ =	sdelay $0x4  }
0xe3: {  	[tilespmem:$0x400] =	vst v0;
	v0 =	vld [tilespmem:$0x1FBB0];
	_ =	sdelay $0x4  }
0xe4: {  	[tilespmem:$0x410] =	vst v0;
	v0 =	vld [tilespmem:$0x1FBD0];
	_ =	sdelay $0x4  }
0xe5: {  	[tilespmem:$0x420] =	vst v0;
	v0 =	vld [tilespmem:$0x1FBF0];
	_ =	sdelay $0x4  }
0xe6: {  	[tilespmem:$0x430] =	vst v0;
	v0 =	vld [tilespmem:$0x1FC10];
	_ =	sdelay $0x4  }
0xe7: {  	[tilespmem:$0x440] =	vst v0;
	v0 =	vld [tilespmem:$0x1FC30];
	_ =	sdelay $0x4  }
0xe8: {  	[tilespmem:$0x450] =	vst v0;
	v0 =	vld [tilespmem:$0x1FC50];
	_ =	sdelay $0x4  }
0xe9: {  	[tilespmem:$0x460] =	vst v0;
	v0 =	vld [tilespmem:$0x1FC70];
	_ =	sdelay $0x4  }
0xea: {  	[tilespmem:$0x470] =	vst v0;
	v0 =	vld [tilespmem:$0x1FC90];
	_ =	sdelay $0x4  }
0xeb: {  	[tilespmem:$0x480] =	vst v0;
	v0 =	vld [tilespmem:$0x1FCB0];
	_ =	sdelay $0x4  }
0xec: {  	[tilespmem:$0x490] =	vst v0;
	v0 =	vld [tilespmem:$0x1FCD0];
	_ =	sdelay $0x4  }
0xed: {  	[tilespmem:$0x4A0] =	vst v0;
	v0 =	vld [tilespmem:$0x1FCF0];
	_ =	sdelay $0x4  }
0xee: {  	[tilespmem:$0x4B0] =	vst v0;
	v0 =	vld [tilespmem:$0x1FD10];
	_ =	sdelay $0x4  }
0xef: {  	[tilespmem:$0x4C0] =	vst v0;
	v0 =	vld [tilespmem:$0x1FD30];
	_ =	sdelay $0x4  }
0xf0: {  	[tilespmem:$0x4D0] =	vst v0;
	v0 =	vld [tilespmem:$0x1FD50];
	_ =	sdelay $0x4  }
0xf1: {  	[tilespmem:$0x4E0] =	vst v0;
	v0 =	vld [tilespmem:$0x1FD70];
	_ =	sdelay $0x4  }
0xf2: {  	[tilespmem:$0x4F0] =	vst v0;
	v0 =	vld [tilespmem:$0x1FD90];
	_ =	sdelay $0x4  }
0xf3: {  	[tilespmem:$0x500] =	vst v0;
	v0 =	vld [tilespmem:$0x1FDB0];
	_ =	sdelay $0x4  }
0xf4: {  	[tilespmem:$0x510] =	vst v0;
	v0 =	vld [tilespmem:$0x1FDD0];
	_ =	sdelay $0x4  }
0xf5: {  	[tilespmem:$0x520] =	vst v0;
	v0 =	vld [tilespmem:$0x1FDF0];
	_ =	sdelay $0x4  }
0xf6: {  	[tilespmem:$0x530] =	vst v0;
	v0 =	vld [tilespmem:$0x1FE10];
	_ =	sdelay $0x4  }
0xf7: {  	[tilespmem:$0x540] =	vst v0;
	v0 =	vld [tilespmem:$0x1FE30];
	_ =	sdelay $0x4  }
0xf8: {  	[tilespmem:$0x550] =	vst v0;
	v0 =	vld [tilespmem:$0x1FE50];
	_ =	sdelay $0x4  }
0xf9: {  	[tilespmem:$0x560] =	vst v0;
	v0 =	vld [tilespmem:$0x1FE70];
	_ =	sdelay $0x4  }
0xfa: {  	[tilespmem:$0x570] =	vst v0;
	v0 =	vld [tilespmem:$0x1FE90];
	_ =	sdelay $0x4  }
0xfb: {  	[tilespmem:$0x580] =	vst v0;
	v0 =	vld [tilespmem:$0x1FEB0];
	_ =	sdelay $0x4  }
0xfc: {  	[tilespmem:$0x590] =	vst v0;
	v0 =	vld [tilespmem:$0x1FED0];
	_ =	sdelay $0x4  }
0xfd: {  	[tilespmem:$0x5A0] =	vst v0;
	v0 =	vld [tilespmem:$0x1FEF0];
	_ =	sdelay $0x4  }
0xfe: {  	[tilespmem:$0x5B0] =	vst v0;
	v0 =	vld [tilespmem:$0x1FF10];
	_ =	sdelay $0x4  }
0xff: {  	[tilespmem:$0x5C0] =	vst v0;
	v0 =	vld [tilespmem:$0x1FF30]  }
0x100: {  	[tilespmem:$0x640] =	vst v8  }
0x101: {  	[tilespmem:$0x650] =	vst v10  }
0x102: {  	[tilespmem:$0x660] =	vst v12  }
0x103: {  	[tilespmem:$0x670] =	vst v14  }
0x104: {  	[tilespmem:$0x5D0] =	vst v0;
	v0 =	vld [tilespmem:$0x1FF50]  }
0x105: {  	[tilespmem:$0x680] =	vst v16  }
0x106: {  	[tilespmem:$0x690] =	vst v18  }
0x107: {  	[tilespmem:$0x6A0] =	vst v20  }
0x108: {  	[tilespmem:$0x6B0] =	vst v22  }
0x109: {  	[tilespmem:$0x5E0] =	vst v0;
	v0 =	vld [tilespmem:$0x1FF70]  }
0x10a: {  	[tilespmem:$0x6C0] =	vst v24  }
0x10b: {  	[tilespmem:$0x6D0] =	vst v26  }
0x10c: {  	[tilespmem:$0x6E0] =	vst v28  }
0x10d: {  	[tilespmem:$0x6F0] =	vst v30  }
0x10e: {  	[tilespmem:$0x5F0] =	vst v0;
	v0 =	vld [tilespmem:$0x1FF90]  }
0x10f: {  	[tilespmem:$0x700] =	vst v32  }
0x110: {  	[tilespmem:$0x710] =	vst v34  }
0x111: {  	[tilespmem:$0x720] =	vst v36  }
0x112: {  	[tilespmem:$0x730] =	vst v38  }
0x113: {  	[tilespmem:$0x600] =	vst v0;
	v0 =	vld [tilespmem:$0x1FFB0]  }
0x114: {  	[tilespmem:$0x740] =	vst v40  }
0x115: {  	[tilespmem:$0x750] =	vst v42  }
0x116: {  	[tilespmem:$0x760] =	vst v44  }
0x117: {  	[tilespmem:$0x770] =	vst v46  }
0x118: {  	[tilespmem:$0x610] =	vst v0;
	v0 =	vld [tilespmem:$0x1FFD0]  }
0x119: {  	[tilespmem:$0x780] =	vst v48  }
0x11a: {  	[tilespmem:$0x790] =	vst v50  }
0x11b: {  	[tilespmem:$0x7A0] =	vst v52  }
0x11c: {  	[tilespmem:$0x7B0] =	vst v54  }
0x11d: {  	[tilespmem:$0x620] =	vst v0;
	v0 =	vld [tilespmem:$0x1FFF0]  }
0x11e: {  	[tilespmem:$0x7C0] =	vst v56  }
0x11f: {  	[tilespmem:$0x7D0] =	vst v58  }
0x120: {  	[tilespmem:$0x7E0] =	vst v60  }
0x121: {  	[tilespmem:$0x7F0] =	vst v62  }
0x122: {  	[tilespmem:$0x630] =	vst v0  }
0x123: {  	[spmem:s2] =	stream.indirect.scatter [tilespmem:s10], [sflag:$0x1], $0x1, s9, s8, $0xb8;
	[tilespmem:$0x1100] =	vst v63  }
0x124: {  	_ = 	snop  }
0x125: {  	[spmem:s2] =	stream.indirect.scatter [tilespmem:s12], [sflag:$0x1], $0x1, s11, s8, $0xb8;
	[tilespmem:$0x1100] =	vst v63  }
0x126: {  	_ = 	snop  }
0x127: {  	[spmem:s2] =	stream.indirect.scatter [tilespmem:s14], [sflag:$0x1], $0x1, s13, s8, $0xb8;
	[tilespmem:$0x1100] =	vst v63  }
0x128: {  	_ = 	snop  }
0x129: {  	[spmem:s2] =	stream.indirect.scatter [tilespmem:s16], [sflag:$0x1], $0x1, s15, s8, $0xb8;
	[tilespmem:$0x1100] =	vst v63  }
0x12a: {  	_ = 	snop  }
0x12b: {  	[spmem:s2] =	stream.indirect.scatter [tilespmem:s18], [sflag:$0x1], $0x1, s17, s8, $0xb8;
	[tilespmem:$0x1100] =	vst v63  }
0x12c: {  	_ = 	snop  }
0x12d: {  	[spmem:s2] =	stream.indirect.scatter [tilespmem:s20], [sflag:$0x1], $0x1, s19, s8, $0xb8;
	[tilespmem:$0x1100] =	vst v63  }
0x12e: {  	_ = 	snop  }
0x12f: {  	[spmem:s2] =	stream.indirect.scatter [tilespmem:s22], [sflag:$0x1], $0x1, s21, s8, $0xb8;
	[tilespmem:$0x1100] =	vst v63  }
0x130: {  	_ = 	snop  }
0x131: {  	[spmem:s2] =	stream.indirect.scatter [tilespmem:s24], [sflag:$0x1], $0x1, s23, s8, $0xb8;
	[tilespmem:$0x1100] =	vst v63  }
0x132: {  	_ =	swait.ge [sflag:s26], $0x80  }
0x133: {  	[sflag:s26] =	ssyncset.done $0x0  }
0x134: {  	[sflag:s26] =	ssyncadd.s32 $0xFFFFFF80  }
0x135: {  	_ =	swait.ge [sflag:s26], $0x80  }
0x136: {  	[sflag:s26] =	ssyncset.done $0x0  }
0x137: {  	[sflag:s26] =	ssyncadd.s32 $0xFFFFFF80  }
0x138: {  	_ =	swait.ge [sflag:s26], $0x80  }
0x139: {  	[sflag:s26] =	ssyncset.done $0x0  }
0x13a: {  	[sflag:s26] =	ssyncadd.s32 $0xFFFFFF80  }
0x13b: {  	_ =	swait.ge [sflag:s26], $0x80  }
0x13c: {  	[sflag:s26] =	ssyncset.done $0x0  }
0x13d: {  	[sflag:s26] =	ssyncadd.s32 $0xFFFFFF80  }
0x13e: {  	_ =	swait.ge [sflag:s26], $0x80  }
0x13f: {  	[sflag:s26] =	ssyncset.done $0x0  }
0x140: {  	[sflag:s26] =	ssyncadd.s32 $0xFFFFFF80  }
0x141: {  	_ =	swait.ge [sflag:s26], $0x80  }
0x142: {  	[sflag:s26] =	ssyncset.done $0x0  }
0x143: {  	[sflag:s26] =	ssyncadd.s32 $0xFFFFFF80  }
0x144: {  	_ =	swait.ge [sflag:s26], $0x80  }
0x145: {  	[sflag:s26] =	ssyncset.done $0x0  }
0x146: {  	[sflag:s26] =	ssyncadd.s32 $0xFFFFFF80  }
0x147: {  	_ =	swait.ge [sflag:s26], $0x80  }
0x148: {  	[sflag:s26] =	ssyncset.done $0x0  }
0x149: {  	s28 =	sshll.u32 s0, $0x6;
	[sflag:s26] =	ssyncadd.s32 $0xFFFFFF80  }
.Ltmp3:
0x14a: {  	s28 =	sor.u32 $0x1C02, s28;
	[bflag:$0x0] =	sbarrier.arrive $0xFFFF;
	(pc) =	sbr.rel .LBB2_4-.Ltmp3, $4  }
0x14b: {  	[hbm:s5], [sflag:s28] =	dma.local [spmem:s25], $0x20  }
0x14c: {  	_ =	swait.ge [sflag:s7], $0x20  }
0x14d: {  	[sflag:s7] =	ssyncset.done $0x0  }
0x14e: {  	[sflag:s7] =	ssyncadd.s32 $0xFFFFFFE0  }
.LBB2_5:
0x14f: {  	_ =	sfence.sel $0x180000  }
0x150: {  	[bflag:$0x0] =	sbarrier.arrive $0xFFFF  }
0x151: {  	p0 =	sne.s32 s0, $0x0;
	_ =	strace $0x90000047  }
0x152: {  	s0 =	sadd.s32 @!p0 $0x100000, s1;
	[bflag:$0x2] =	sbarrier.arrive $0xFFFF  }
0x153: {  	[sflag:s0] =	ssyncadd.tile.s32 @!p0 $0x1;
	_ =	shalt  }
.Lfunc_end2:
_tile_overlayer_lowered:
.L_overlay_start_2:
0x154: {  	(tag) =	ssettag $0x2  }
0x155: {  	s0 =	rddreg [dreg:$0x0];
	s2 =	stileid.u32  }
0x156: {  	s1 =	rddreg [dreg:$0x1];
	p0 =	sne.s32 s2, $0x0  }
0x157: {  	s3 =	rddreg [dreg:$0x2];
	[bflag:$0x3] =	sbarrier.arrive $0xFFFF;
	s2 =	simm.s32 @!p0 $0x1C02  }
0x158: {  	[timem:s3], [sflag:s2] =	dma.local @!p0 [hbm:s0], s1  }
0x159: {  	s0 =	simm.s32 @!p0 $0x2  }
0x15a: {  	_ =	swait.ge @!p0 [sflag:s0], s1  }
0x15b: {  	s1 =	ssub.s32 @!p0 $0x0, s1;
	[sflag:s0] =	ssyncset.done @!p0 $0x0  }
0x15c: {  	[sflag:s0] =	ssyncadd.s32 @!p0 s1  }
0x15d: {  	[bflag:$0x3] =	sbarrier.arrive $0xFFFF  }
0x15e: {  	_ =	shalt  }

// kernel: kernel.9.cloned.1.call-start
scs
__scs_entry_jumppad:
0x0: {  	(pc) =	sbr.rel $0x88, $3  }
0x1: {  	(tag) =	ssettag $0x0;
	lr =	simm.s32 $0x1  }
0x2: {  	[smem:$0x3F9D] =	sst lr;
	_ =	strace $0xD0000000  }
0x3: {  	_ = 	snop  }
0x4: {  	_ = 	snop  }
0x5: {  	_ = 	snop  }
0x6: {  	_ = 	snop  }
0x7: {  	_ = 	snop  }
__scs_overlays_trampoline_lowered:
0x8: {  	[smem:$0x3FAC] =	sst s0  }
0x9: {  	[smem:$0x3FAD] =	sst s1  }
0xa: {  	[smem:$0x3FAE] =	sst s2  }
0xb: {  	[smem:$0x3FAF] =	sst s3  }
0xc: {  	[smem:$0x3FB0] =	sst s4  }
0xd: {  	[smem:$0x3FB1] =	sst s5  }
0xe: {  	[smem:$0x3FB2] =	sst s6  }
0xf: {  	[smem:$0x3FB3] =	sst s7  }
0x10: {  	[smem:$0x3FB4] =	sst s8  }
0x11: {  	[smem:$0x3FB5] =	sst s9;
	s0 =	simm.s32 @!p0 $0x0  }
0x12: {  	s1 =	sld [smem:$0x3F9B];
	s0 =	simm.s32 @p0 $0x1  }
0x13: {  	[smem:$0x3FB6] =	sst s0;
	s0 =	simm.s32 @!p1 $0x0  }
0x14: {  	s2 =	sld [smem:$0x3F9A];
	s0 =	simm.s32 @p1 $0x1  }
0x15: {  	[smem:$0x3FB7] =	sst s0;
	s0 =	simm.s32 @!p2 $0x0  }
0x16: {  	s3 =	sld [smem:$0x3FDB];
	s0 =	simm.s32 @p2 $0x1  }
0x17: {  	s4 =	simm.s32 $0x1BF5;
	[smem:$0x3FB9] =	sst s0  }
0x18: {  	s0 =	sld [smem:$0x3F9C];
	_ =	swait.ge [sflag:s4], $0x0  }
0x19: {  	s7 =	sld [smem:$0x3F9D]  }
0x1a: {  	s8 =	sadd.s32 $0xFFFFE003, lr  }
0x1b: {  	s9 =	sadd.s32 $0xFFFFFEF7, lr;
	s5 =	simm.s32 $0xFFFFFFFF;
	p2 =	slt.u32 s8, $0xFFFFF086  }
0x1c: {  	p1 =	slt.u32 s9, $0xF7A;
	s5 =	simm.s32 @!p2 $0x0  }
0x1d: {  	s5 =	simm.s32 @p1 $0x1;
	p0 =	seq.s32 s7, s2  }
0x1e: {  	s7 =	smul.u32 @!p0 $0xF7A, s2;
	p2 =	seq.s32 @!p0 s5, $0x0  }
0x1f: {  	s9 =	smul.u32 $0xF7A, s1;
	s8 =	simm.s32 @!p0 $0x1BF5;
	p2 =	por !p2, p0  }
0x20: {  	[sflag:s8] =	ssyncset.s32 @!p0 $0xFFFFF086;
	s6 =	sadd.s32 @!p0 s3, s7;
	s7 =	simm.s32 @!p0 $0x108  }
0x21: {  	s3 =	sadd.s32 s3, s9;
	s6 =	sadd.s32 @!p0 $0x88, s6;
	s7 =	simm.s32 @p2 $0x1082  }
0x22: {  	[simem:s7], [sflag:s8] =	dma.local @!p0 [hbm:s6], $0xF7A  }
0x23: {  	s9 =	sor.u32 $0xD0000000, s2;
	s6 =	simm.s32 $0x108;
	_ =	swait.ge @!p0 [sflag:s8], $0x0  }
0x24: {  	s3 =	sadd.s32 $0x88, s3;
	s6 =	simm.s32 @!p1 $0x1082;
	[sflag:s4] =	ssyncset.s32 $0xFFFFF086  }
0x25: {  	[simem:s6], [sflag:s4] =	dma.local [hbm:s3], $0xF7A  }
0x26: {  	[smem:$0x3F9D] =	sst s1;
	(tag) =	ssettag s2;
	_ =	strace s9  }
0x27: {  	s1 =	sld [smem:$0x3FAD]  }
0x28: {  	s2 =	sld [smem:$0x3FAE]  }
0x29: {  	s4 =	sld [smem:$0x3FB0]  }
0x2a: {  	p0 =	seq.s32 s5, $0x0;
	s5 =	sld [smem:$0x3FB1]  }
0x2b: {  	s6 =	sld [smem:$0x3FB2]  }
0x2c: {  	s7 =	sld [smem:$0x3FB3]  }
0x2d: {  	s3 =	simm.s32 $0x108;
	s8 =	sld [smem:$0x3FB4]  }
0x2e: {  	s3 =	simm.s32 @!p0 $0x1082;
	s9 =	sld [smem:$0x3FB5]  }
0x2f: {  	lr =	sadd.s32 s0, s3;
	s0 =	sld [smem:$0x3FAC]  }
0x30: {  	s3 =	sld [smem:$0x3FAF]  }
0x31: {  	[smem:$0x3FB8] =	sst s10  }
0x32: {  	s10 =	sld [smem:$0x3FB6];
	_ =	sdelay $0x3  }
0x33: {  	p0 =	seq.s32 s10, $0x1;
	s10 =	sld [smem:$0x3FB8];
	_ =	sdelay $0x3  }
0x34: {  	[smem:$0x3FB8] =	sst s10  }
0x35: {  	s10 =	sld [smem:$0x3FB7];
	_ =	sdelay $0x3  }
0x36: {  	p1 =	seq.s32 s10, $0x1;
	s10 =	sld [smem:$0x3FB8];
	_ =	sdelay $0x3  }
0x37: {  	[smem:$0x3FB8] =	sst s10  }
0x38: {  	s10 =	sld [smem:$0x3FB9]  }
0x39: {  	_ = 	snop;
	(pc) =	sbr.ind lr, $3  }
0x3a: {  	_ = 	snop  }
0x3b: {  	_ = 	snop  }
0x3c: {  	p2 =	seq.s32 s10, $0x1;
	s10 =	sld [smem:$0x3FB8]  }
0x3d: {  	_ =	shalt  }
0x3e: {  	_ =	shalt  }
0x3f: {  	_ =	shalt  }
0x40: {  	_ =	shalt  }
0x41: {  	_ =	shalt  }
0x42: {  	_ =	shalt  }
0x43: {  	_ =	shalt  }
0x44: {  	_ =	shalt  }
0x45: {  	_ =	shalt  }
0x46: {  	_ =	shalt  }
0x47: {  	_ =	shalt  }
0x48: {  	_ =	shalt  }
0x49: {  	_ =	shalt  }
0x4a: {  	_ =	shalt  }
0x4b: {  	_ =	shalt  }
0x4c: {  	_ =	shalt  }
0x4d: {  	_ =	shalt  }
0x4e: {  	_ =	shalt  }
0x4f: {  	_ =	shalt  }
0x50: {  	_ =	shalt  }
0x51: {  	_ =	shalt  }
0x52: {  	_ =	shalt  }
0x53: {  	_ =	shalt  }
0x54: {  	_ =	shalt  }
0x55: {  	_ =	shalt  }
0x56: {  	_ =	shalt  }
0x57: {  	_ =	shalt  }
0x58: {  	_ =	shalt  }
0x59: {  	_ =	shalt  }
0x5a: {  	_ =	shalt  }
0x5b: {  	_ =	shalt  }
0x5c: {  	_ =	shalt  }
0x5d: {  	_ =	shalt  }
0x5e: {  	_ =	shalt  }
0x5f: {  	_ =	shalt  }
0x60: {  	_ =	shalt  }
0x61: {  	_ =	shalt  }
0x62: {  	_ =	shalt  }
0x63: {  	_ =	shalt  }
0x64: {  	_ =	shalt  }
0x65: {  	_ =	shalt  }
0x66: {  	_ =	shalt  }
0x67: {  	_ =	shalt  }
0x68: {  	_ =	shalt  }
0x69: {  	_ =	shalt  }
0x6a: {  	_ =	shalt  }
0x6b: {  	_ =	shalt  }
0x6c: {  	_ =	shalt  }
0x6d: {  	_ =	shalt  }
0x6e: {  	_ =	shalt  }
0x6f: {  	_ =	shalt  }
0x70: {  	_ =	shalt  }
0x71: {  	_ =	shalt  }
0x72: {  	_ =	shalt  }
0x73: {  	_ =	shalt  }
0x74: {  	_ =	shalt  }
0x75: {  	_ =	shalt  }
0x76: {  	_ =	shalt  }
0x77: {  	_ =	shalt  }
0x78: {  	_ =	shalt  }
0x79: {  	_ =	shalt  }
0x7a: {  	_ =	shalt  }
0x7b: {  	_ =	shalt  }
0x7c: {  	_ =	shalt  }
0x7d: {  	_ =	shalt  }
0x7e: {  	_ =	shalt  }
0x7f: {  	_ =	shalt  }
0x80: {  	_ =	shalt  }
0x81: {  	_ =	shalt  }
0x82: {  	_ =	shalt  }
0x83: {  	_ =	shalt  }
0x84: {  	_ =	shalt  }
0x85: {  	_ =	shalt  }
0x86: {  	_ =	shalt  }
0x87: {  	_ =	shalt  }
.Lfunc_end0:
.L_simem_size_0:
called_computation.1_lowered:
.L_overlay_start_0:
0x88: {  	s2 =	sld [smem:$0x3FD9]  }
0x89: {  	s3 =	sld [smem:$0x3FFE];
	_ =	sdelay $0x1  }
0x8a: {  	s1 =	srdreg.scid  }
0x8b: {  	s0 =	sand.u32 $0x1, s1  }
0x8c: {  	s14 =	sshll.u32 s0, $0xA;
	s2 =	sadd.s32 s3, s2  }
0x8d: {  	s2 =	sadd.s32 s2, s14  }
0x8e: {  	[smem:$0x3FC4] =	sst s2  }
0x8f: {  	_ = 	snop  }
0x90: {  	s2 =	sld [smem:$0x3FD0];
	_ =	sdelay $0x1  }
0x91: {  	s15 =	sld [smem:$0x3FC9]  }
0x92: {  	s5 =	simm.s32 $0xA;
	s6 =	simm.s32 $0x10;
	s4 =	sld [smem:$0x3FC7]  }
0x93: {  	[smem:s6], [sflag:s5] =	dma.local [hbm:s2], $0x1  }
0x94: {  	_ =	swait.eq [sflag:s5], $0x1  }
0x95: {  	[sflag:s5] =	ssyncset.done $0x0  }
0x96: {  	[sflag:s5] =	ssyncadd.s32 $0xFFFFFFFF  }
0x97: {  	s16 =	sld [smem:$0x12];
	(tm) =	ssettm $0x1  }
0x98: {  	s17 =	sld [smem:$0x3FFB];
	_ =	sdelay $0x3  }
0x99: {  	_ =	strace s17  }
0x9a: {  	s5 =	sld [smem:$0x3FFC];
	_ =	sdelay $0x3  }
0x9b: {  	_ =	strace s5  }
0x9c: {  	s5 =	sld [smem:$0x3FFD];
	_ =	sdelay $0x3  }
0x9d: {  	_ =	strace s5  }
0x9e: {  	_ =	strace $0x8FFFFFFF  }
0x9f: {  	s18 =	sld [smem:$0x3FDB];
	_ =	sdelay $0x1  }
0xa0: {  	s19 =	simm.s32 $_scs_section_size  }
0xa1: {  	s7 =	simm.s32 $_size__tile_overlayer_lowered;
	s8 =	simm.s32 $_tile_overlayer_lowered  }
0xa2: {  	s22 =	simm.s32 $0x1BFF;
	s21 =	sshll.u32 s8, $0x1;
	s5 =	sadd.s32 s19, s18  }
0xa3: {  	s9 =	simm.s32 $0x0;
	s20 =	sshll.u32 s7, $0x1;
	s7 =	sadd.s32 s21, s5  }
0xa4: {  	[timem:s9], [sflag:s22] =	dma.local [hbm:s7], s20  }
0xa5: {  	_ =	swait.ge [sflag:s22], s20  }
0xa6: {  	s6 =	ssub.s32 $0x0, s20;
	[sflag:s22] =	ssyncset.done $0x0  }
0xa7: {  	[sflag:s22] =	ssyncadd.s32 s6;
	_ =	sdelay $0x1  }
0xa8: {  	s23 =	simm.s32 $0x1B8B  }
0xa9: {  	_ =	swait.ge [sflag:s23], $0x1  }
0xaa: {  	[sflag:s23] =	ssyncset.done $0x0  }
0xab: {  	s25 =	simm.s32 $0x1B8E;
	s24 =	sld [smem:$0x3FFE];
	[sflag:s23] =	ssyncadd.s32 $0xFFFFFFFF  }
0xac: {  	s26 =	simm.s32 $execute0_lowered;
	[smem:$0x3FD2] =	sst s25  }
0xad: {  	s7 =	sshll.u32 s26, $0x1;
	_ =	strace $0x80000049;
	[dreg:$0x1] =	wrdreg $0xFFFFFFFF  }
0xae: {  	s28 =	simm.s32 $_size_execute0_lowered;
	s5 =	sadd.s32 s5, s7;
	[dreg:$0x0] =	wrdreg $0x0  }
0xaf: {  	s7 =	sshll.u32 s28, $0x1;
	[dreg:$0x2] =	wrdreg s5  }
0xb0: {  	[dreg:$0x3] =	wrdreg s7  }
0xb1: {  	[dreg:$0x4] =	wrdreg $0xC0  }
0xb2: {  	_ =	task [dreg:s9], $0x5FFFF  }
0xb3: {  	[dreg:$0x1] =	wrdreg $0xFFFFFFFF  }
0xb4: {  	[dreg:$0x0] =	wrdreg $0x60  }
0xb5: {  	[dreg:$0x2] =	wrdreg s15  }
0xb6: {  	[dreg:$0x3] =	wrdreg s16  }
0xb7: {  	[dreg:$0x4] =	wrdreg s24  }
0xb8: {  	[dreg:$0x5] =	wrdreg s4  }
0xb9: {  	[dreg:$0x6] =	wrdreg $0x9  }
0xba: {  	_ =	task.clear_ibuf [dreg:s9], $0x7FFFF;
	_ =	strace $0x90000049  }
0xbb: {  	s29 =	simm.s32 $0x9;
	_ =	strace $0x8000004B  }
0xbc: {  	_ =	swait.ge [sflag:s29], $0x1  }
0xbd: {  	[sflag:s29] =	ssyncadd.s32 $0xFFFFFFFF  }
0xbe: {  	_ =	strace $0x9000004B  }
0xbf: {  	_ =	sfence  }
0xc0: {  	s30 =	sld [smem:$0x0];
	_ =	sdelay $0x2  }
0xc1: {  	s31 =	sshll.u32 s1, $0xD;
	s1 =	sshrl.u32 s1, $0x2  }
0xc2: {  	s3 =	sand.u32 $0x4000, s31;
	s1 =	sadd.s32 s1, s30  }
0xc3: {  	s0 =	sor.u32 s3, s0;
	s1 =	sshll.u32 s1, $0x11  }
0xc4: {  	s0 =	sor.u32 s1, s0  }
0xc5: {  	s0 =	sadd.s32 $0x8F2B, s0  }
0xc6: {  	[sflag:s0] =	ssyncadd.remote.s32 $0x1  }
0xc7: {  	_ =	sfence.sel $0xFFFF  }
0xc8: {  	[dreg:$0x0] =	wrdreg $0xFFFFFFFF;
	(pc) =	sbr.abs _section_cstart, $3  }
0xc9: {  	[dreg:$0x1] =	wrdreg $0xFFFFFFFF  }
0xca: {  	_ =	task.clear_ibuf [dreg:s9], $0x2FFFF;
	_ =	strace $0x9FFFFFFF  }
0xcb: {  	(tm) =	ssettm $0x7FFFFFFF  }
tec
execute0_lowered:
.L_overlay_start_1:
0x0: {  	(tag) =	ssettag $0x1  }
0x1: {  	s1 =	rddreg [dreg:$0x0]  }
0x2: {  	s0 =	rddreg [dreg:$0x1]  }
0x3: {  	s6 =	rddreg [dreg:$0x2]  }
0x4: {  	s2 =	rddreg [dreg:$0x3];
	s9 =	srdreg.scid  }
0x5: {  	s3 =	stileid.u32;
	[dreg:$0x5] =	wrdreg s2;
	s2 =	sand.u32 $0x1, s9  }
0x6: {  	s4 =	simm.s32 $0x0;
	s3 =	sshll.u32 s3, $0x8;
	s5 =	sshll.u32 s2, $0x7  }
0x7: {  	[smem:$0x7FF] =	sst s4;
	s7 =	sadd.s32 $0x300, s1;
	s3 =	sor.u32 s5, s3  }
0x8: {  	s8 =	sadd.s32 $0x400, s1;
	s5 =	sshll.u32 s3, $0x9;
	s3 =	sshrl.u32 s3, $0x3  }
0x9: {  	s9 =	sadd.s32 $0x500, s1;
	s18 =	sadd.s32 s5, s6;
	s0 =	sadd.s32 s0, s3  }
0xa: {  	_ =	strace $0x8000004A;
	[dreg:$0x6] =	wrdreg s0;
	s10 =	sadd.s32 $0xC00, s18  }
0xb: {  	s2 =	ssub.s32 $0x2, s2;
	s12 =	sadd.s32 $0x1C00, s18;
	[dreg:$0x7] =	wrdreg s10  }
0xc: {  	s11 =	sshrl.u32 s2, $0x1;
	s13 =	sadd.s32 $0x2C00, s18;
	[dreg:$0x8] =	wrdreg s12  }
0xd: {  	s2 =	ssub.s32 s2, s11;
	s14 =	sadd.s32 $0x3C00, s18;
	[dreg:$0x9] =	wrdreg s13  }
0xe: {  	s11 =	sadd.s32 $0x700, s1;
	s15 =	sadd.s32 $0x4C00, s18;
	[dreg:$0xa] =	wrdreg s14  }
0xf: {  	s20 =	sadd.s32 s3, s6;
	s16 =	sadd.s32 $0x5C00, s18;
	[dreg:$0xb] =	wrdreg s15  }
0x10: {  	s5 =	sadd.s32 $0x100, s1;
	s17 =	sadd.s32 $0x6C00, s18;
	[dreg:$0xc] =	wrdreg s16  }
0x11: {  	s6 =	sadd.s32 $0x200, s1;
	s19 =	sadd.s32 $0x7C00, s18;
	[dreg:$0xd] =	wrdreg s17  }
0x12: {  	s2 =	smax.u32 s2, $0x1;
	s21 =	sadd.s32 $0x8C00, s18;
	[dreg:$0xe] =	wrdreg s19  }
0x13: {  	s22 =	sadd.s32 $0x9C00, s18;
	s23 =	sadd.s32 $0xAC00, s18;
	[dreg:$0xf] =	wrdreg s21  }
0x14: {  	s24 =	sadd.s32 $0xBC00, s18;
	s25 =	sadd.s32 $0xCC00, s18;
	[dreg:$0x10] =	wrdreg s22  }
0x15: {  	s26 =	sadd.s32 $0xDC00, s18;
	s28 =	sadd.s32 $0xEC00, s18;
	[dreg:$0x11] =	wrdreg s23  }
0x16: {  	s29 =	sadd.s32 $0xFC00, s18;
	s18 =	sadd.s32 $0xE00, s1;
	[dreg:$0x12] =	wrdreg s24  }
0x17: {  	s30 =	sadd.s32 $0x800, s20;
	s31 =	sadd.s32 $0xA00, s20;
	[dreg:$0x13] =	wrdreg s25  }
0x18: {  	s10 =	sadd.s32 $0x600, s1;
	s12 =	sadd.s32 $0x800, s1;
	[dreg:$0x14] =	wrdreg s26  }
0x19: {  	s13 =	sadd.s32 $0x900, s1;
	s14 =	sadd.s32 $0xA00, s1;
	[dreg:$0x15] =	wrdreg s28  }
0x1a: {  	v0 =	vlaneseq.u32;
	s15 =	sadd.s32 $0xB00, s1;
	s16 =	sadd.s32 $0xC00, s1;
	[dreg:$0x16] =	wrdreg s29  }
0x1b: {  	v1 =	vshrl.u32 v0, $0x3;
	s17 =	sadd.s32 $0xD00, s1;
	s19 =	sadd.s32 $0xF00, s1;
	[dreg:$0x17] =	wrdreg s30  }
0x1c: {  	vm0 =	vmmov $0xffff;
	v0 =	vand.u32 $0x7, v0;
	v1 =	vmul.u32 $0x8, v1;
	[dreg:$0x18] =	wrdreg s31;
	s22 =	simm.s32 $0x1;
	s25 =	simm.s32 $0x2  }
.LBB2_1:
0x1d: {  	[dreg:$0x19] =	wrdreg s2  }
0x1e: {  	s26 =	rddreg [dreg:$0x6];
	s0 =	simm.s32 $0x3  }
0x1f: {  	[tilespmem:s4], [sflag:$0x3] =	stream.linear.gather [hbm4b:s26+s4], $0x80, $0x38;
	[tilespmem:$0x10180] =	vst v63  }
0x20: {  	_ =	swait.ge [sflag:s0], $0x80  }
0x21: {  	[sflag:s0] =	ssyncset.done $0x0  }
0x22: {  	[sflag:s0] =	ssyncadd.s32 $0xFFFFFF80  }
0x23: {  	s20 =	simm.s32 $0x80;
	s28 =	rddreg [dreg:$0x2]  }
0x24: {  	[tilespmem:s20], [sflag:$0x1] =	stream.indirect.gather [hbm4b:s28+s20], $0x1, s4, s20, $0xb8;
	[tilespmem:$0x10180] =	vst v63  }
0x25: {  	s21 =	simm.s32 $0x100;
	s3 =	rddreg [dreg:$0x5]  }
0x26: {  	[tilespmem:s21], [sflag:$0x1] =	stream.indirect.gather [hbm4b:s3+s20], $0x1, s4, s20, $0xb8;
	[tilespmem:$0x10180] =	vst v63  }
0x27: {  	v2 =	vld.msk [tilespmem:$0x0], $0xff;
	_ =	sdelay $0x4  }
0x28: {  	v3 =	vshll.u32 v2, $0x5  }
0x29: {  	v2 =	vand.u32 $0x7, v2;
	v3 =	vand.u32 $0xFFFFFF00, v3  }
0x2a: {  	v2 =	vor.u32 v2, v3  }
0x2b: {  	v2 =	vperm.xlane v2, v0;
	_ =	sdelay $0x1  }
0x2c: {  	v2 =	vadd.s32 v1, v2;
	_ =	sdelay $0x3  }
0x2d: {  	s23 =	simm.s32 $0x180;
	s24 =	rddreg [dreg:$0x0]  }
0x2e: {  	[tilespmem:s23], [sflag:$0x1] =	stream.indirect_vreg.gather [hbm4b:s24+s4], $0x80, v2, vm0, $0xb8;
	[tilespmem:$0x10180] =	vst v63  }
0x2f: {  	s26 =	simm.s32 $0x980  }
0x30: {  	[tilespmem:s26], [sflag:$0x1] =	stream.indirect_vreg.gather [hbm4b:s5+s4], $0x80, v2, vm0, $0xb8;
	[tilespmem:$0x10180] =	vst v63  }
0x31: {  	s28 =	simm.s32 $0x1180  }
0x32: {  	[tilespmem:s28], [sflag:$0x1] =	stream.indirect_vreg.gather [hbm4b:s6+s4], $0x80, v2, vm0, $0xb8;
	[tilespmem:$0x10180] =	vst v63  }
0x33: {  	s29 =	simm.s32 $0x1980  }
0x34: {  	[tilespmem:s29], [sflag:$0x1] =	stream.indirect_vreg.gather [hbm4b:s7+s4], $0x80, v2, vm0, $0xb8;
	[tilespmem:$0x10180] =	vst v63  }
0x35: {  	s30 =	simm.s32 $0x2180  }
0x36: {  	[tilespmem:s30], [sflag:$0x1] =	stream.indirect_vreg.gather [hbm4b:s8+s4], $0x80, v2, vm0, $0xb8;
	[tilespmem:$0x10180] =	vst v63  }
0x37: {  	s31 =	simm.s32 $0x2980  }
0x38: {  	[tilespmem:s31], [sflag:$0x1] =	stream.indirect_vreg.gather [hbm4b:s9+s4], $0x80, v2, vm0, $0xb8;
	[tilespmem:$0x10180] =	vst v63  }
0x39: {  	s1 =	simm.s32 $0x3180  }
0x3a: {  	[tilespmem:s1], [sflag:$0x1] =	stream.indirect_vreg.gather [hbm4b:s10+s4], $0x80, v2, vm0, $0xb8;
	[tilespmem:$0x10180] =	vst v63  }
0x3b: {  	s2 =	simm.s32 $0x3980  }
0x3c: {  	[tilespmem:s2], [sflag:$0x1] =	stream.indirect_vreg.gather [hbm4b:s11+s4], $0x80, v2, vm0, $0xb8;
	[tilespmem:$0x10180] =	vst v63  }
0x3d: {  	s3 =	simm.s32 $0x4180  }
0x3e: {  	[tilespmem:s3], [sflag:$0x1] =	stream.indirect_vreg.gather [hbm4b:s12+s4], $0x80, v2, vm0, $0xb8;
	[tilespmem:$0x10180] =	vst v63  }
0x3f: {  	s20 =	simm.s32 $0x4980  }
0x40: {  	[tilespmem:s20], [sflag:$0x1] =	stream.indirect_vreg.gather [hbm4b:s13+s4], $0x80, v2, vm0, $0xb8;
	[tilespmem:$0x10180] =	vst v63  }
0x41: {  	s21 =	simm.s32 $0x5180  }
0x42: {  	[tilespmem:s21], [sflag:$0x1] =	stream.indirect_vreg.gather [hbm4b:s14+s4], $0x80, v2, vm0, $0xb8;
	[tilespmem:$0x10180] =	vst v63  }
0x43: {  	s23 =	simm.s32 $0x5980  }
0x44: {  	[tilespmem:s23], [sflag:$0x1] =	stream.indirect_vreg.gather [hbm4b:s15+s4], $0x80, v2, vm0, $0xb8;
	[tilespmem:$0x10180] =	vst v63  }
0x45: {  	s26 =	simm.s32 $0x6180  }
0x46: {  	[tilespmem:s26], [sflag:$0x1] =	stream.indirect_vreg.gather [hbm4b:s16+s4], $0x80, v2, vm0, $0xb8;
	[tilespmem:$0x10180] =	vst v63  }
0x47: {  	s28 =	simm.s32 $0x6980  }
0x48: {  	[tilespmem:s28], [sflag:$0x1] =	stream.indirect_vreg.gather [hbm4b:s17+s4], $0x80, v2, vm0, $0xb8;
	[tilespmem:$0x10180] =	vst v63  }
0x49: {  	s29 =	simm.s32 $0x7180  }
0x4a: {  	[tilespmem:s29], [sflag:$0x1] =	stream.indirect_vreg.gather [hbm4b:s18+s4], $0x80, v2, vm0, $0xb8;
	[tilespmem:$0x10180] =	vst v63  }
0x4b: {  	s30 =	simm.s32 $0x7980  }
0x4c: {  	[tilespmem:s30], [sflag:$0x1] =	stream.indirect_vreg.gather [hbm4b:s19+s4], $0x80, v2, vm0, $0xb8;
	[tilespmem:$0x10180] =	vst v63  }
0x4d: {  	v2 =	vld.msk [tilespmem:$0x8], $0xff;
	_ =	sdelay $0x4  }
0x4e: {  	v3 =	vshll.u32 v2, $0x5  }
0x4f: {  	v2 =	vand.u32 $0x7, v2;
	v3 =	vand.u32 $0xFFFFFF00, v3  }
0x50: {  	v2 =	vor.u32 v2, v3  }
0x51: {  	v2 =	vperm.xlane v2, v0;
	_ =	sdelay $0x1  }
0x52: {  	v2 =	vadd.s32 v1, v2;
	_ =	sdelay $0x3  }
0x53: {  	s2 =	simm.s32 $0x8180  }
0x54: {  	[tilespmem:s2], [sflag:$0x1] =	stream.indirect_vreg.gather [hbm4b:s24+s4], $0x80, v2, vm0, $0xb8;
	[tilespmem:$0x10180] =	vst v63  }
0x55: {  	s31 =	simm.s32 $0x8980  }
0x56: {  	[tilespmem:s31], [sflag:$0x1] =	stream.indirect_vreg.gather [hbm4b:s5+s4], $0x80, v2, vm0, $0xb8;
	[tilespmem:$0x10180] =	vst v63  }
0x57: {  	s0 =	simm.s32 $0x9180  }
0x58: {  	[tilespmem:s0], [sflag:$0x1] =	stream.indirect_vreg.gather [hbm4b:s6+s4], $0x80, v2, vm0, $0xb8;
	[tilespmem:$0x10180] =	vst v63  }
0x59: {  	s1 =	simm.s32 $0x9980  }
0x5a: {  	[tilespmem:s1], [sflag:$0x1] =	stream.indirect_vreg.gather [hbm4b:s7+s4], $0x80, v2, vm0, $0xb8;
	[tilespmem:$0x10180] =	vst v63  }
0x5b: {  	s3 =	simm.s32 $0xA180  }
0x5c: {  	[tilespmem:s3], [sflag:$0x1] =	stream.indirect_vreg.gather [hbm4b:s8+s4], $0x80, v2, vm0, $0xb8;
	[tilespmem:$0x10180] =	vst v63  }
0x5d: {  	s20 =	simm.s32 $0xA980  }
0x5e: {  	[tilespmem:s20], [sflag:$0x1] =	stream.indirect_vreg.gather [hbm4b:s9+s4], $0x80, v2, vm0, $0xb8;
	[tilespmem:$0x10180] =	vst v63  }
0x5f: {  	s21 =	simm.s32 $0xB180  }
0x60: {  	[tilespmem:s21], [sflag:$0x1] =	stream.indirect_vreg.gather [hbm4b:s10+s4], $0x80, v2, vm0, $0xb8;
	[tilespmem:$0x10180] =	vst v63  }
0x61: {  	s23 =	simm.s32 $0xB980  }
0x62: {  	[tilespmem:s23], [sflag:$0x1] =	stream.indirect_vreg.gather [hbm4b:s11+s4], $0x80, v2, vm0, $0xb8;
	[tilespmem:$0x10180] =	vst v63  }
0x63: {  	s28 =	simm.s32 $0xC180  }
0x64: {  	[tilespmem:s28], [sflag:$0x1] =	stream.indirect_vreg.gather [hbm4b:s12+s4], $0x80, v2, vm0, $0xb8;
	[tilespmem:$0x10180] =	vst v63  }
0x65: {  	s29 =	simm.s32 $0xC980  }
0x66: {  	[tilespmem:s29], [sflag:$0x1] =	stream.indirect_vreg.gather [hbm4b:s13+s4], $0x80, v2, vm0, $0xb8;
	[tilespmem:$0x10180] =	vst v63  }
0x67: {  	s30 =	simm.s32 $0xD180  }
0x68: {  	[tilespmem:s30], [sflag:$0x1] =	stream.indirect_vreg.gather [hbm4b:s14+s4], $0x80, v2, vm0, $0xb8;
	[tilespmem:$0x10180] =	vst v63  }
0x69: {  	s31 =	simm.s32 $0xD980  }
0x6a: {  	[tilespmem:s31], [sflag:$0x1] =	stream.indirect_vreg.gather [hbm4b:s15+s4], $0x80, v2, vm0, $0xb8;
	[tilespmem:$0x10180] =	vst v63  }
0x6b: {  	s0 =	simm.s32 $0xE180  }
0x6c: {  	[tilespmem:s0], [sflag:$0x1] =	stream.indirect_vreg.gather [hbm4b:s16+s4], $0x80, v2, vm0, $0xb8;
	[tilespmem:$0x10180] =	vst v63  }
0x6d: {  	s1 =	simm.s32 $0xE980  }
0x6e: {  	[tilespmem:s1], [sflag:$0x1] =	stream.indirect_vreg.gather [hbm4b:s17+s4], $0x80, v2, vm0, $0xb8;
	[tilespmem:$0x10180] =	vst v63  }
0x6f: {  	s3 =	simm.s32 $0xF180  }
0x70: {  	[tilespmem:s3], [sflag:$0x1] =	stream.indirect_vreg.gather [hbm4b:s18+s4], $0x80, v2, vm0, $0xb8;
	[tilespmem:$0x10180] =	vst v63  }
0x71: {  	s20 =	simm.s32 $0xF980  }
0x72: {  	[tilespmem:s20], [sflag:$0x1] =	stream.indirect_vreg.gather [hbm4b:s19+s4], $0x80, v2, vm0, $0xb8;
	[tilespmem:$0x10180] =	vst v63  }
0x73: {  	_ =	swait.ge [sflag:s22], $0x8000  }
0x74: {  	[sflag:s22] =	ssyncset.done $0x0  }
0x75: {  	s1 =	simm.s32 $0x180;
	s21 =	rddreg [dreg:$0x7];
	[sflag:s22] =	ssyncadd.s32 $0xFFFF8000  }
0x76: {  	[hbm4b:s21+s4] =	stream.linear.scatter [tilespmem:s1], [sflag:$0x2], $0x8000, $0x38;
	[tilespmem:$0x10180] =	vst v63  }
0x77: {  	_ =	swait.ge [sflag:s25], $0x8000  }
0x78: {  	[sflag:s25] =	ssyncset.done $0x0  }
0x79: {  	[sflag:s25] =	ssyncadd.s32 $0xFFFF8000  }
0x7a: {  	v2 =	vld.msk [tilespmem:$0x10], $0xff;
	_ =	sdelay $0x4  }
0x7b: {  	v3 =	vshll.u32 v2, $0x5  }
0x7c: {  	v2 =	vand.u32 $0x7, v2;
	v3 =	vand.u32 $0xFFFFFF00, v3  }
0x7d: {  	v2 =	vor.u32 v2, v3  }
0x7e: {  	v2 =	vperm.xlane v2, v0;
	_ =	sdelay $0x1  }
0x7f: {  	v2 =	vadd.s32 v1, v2;
	_ =	sdelay $0x4  }
0x80: {  	[tilespmem:s1], [sflag:$0x1] =	stream.indirect_vreg.gather [hbm4b:s24+s4], $0x80, v2, vm0, $0xb8;
	[tilespmem:$0x10180] =	vst v63  }
0x81: {  	s23 =	simm.s32 $0x980  }
0x82: {  	[tilespmem:s23], [sflag:$0x1] =	stream.indirect_vreg.gather [hbm4b:s5+s4], $0x80, v2, vm0, $0xb8;
	[tilespmem:$0x10180] =	vst v63  }
0x83: {  	s20 =	simm.s32 $0x1180  }
0x84: {  	[tilespmem:s20], [sflag:$0x1] =	stream.indirect_vreg.gather [hbm4b:s6+s4], $0x80, v2, vm0, $0xb8;
	[tilespmem:$0x10180] =	vst v63  }
0x85: {  	s3 =	simm.s32 $0x1980  }
0x86: {  	[tilespmem:s3], [sflag:$0x1] =	stream.indirect_vreg.gather [hbm4b:s7+s4], $0x80, v2, vm0, $0xb8;
	[tilespmem:$0x10180] =	vst v63  }
0x87: {  	s21 =	simm.s32 $0x2180  }
0x88: {  	[tilespmem:s21], [sflag:$0x1] =	stream.indirect_vreg.gather [hbm4b:s8+s4], $0x80, v2, vm0, $0xb8;
	[tilespmem:$0x10180] =	vst v63  }
0x89: {  	s23 =	simm.s32 $0x2980  }
0x8a: {  	[tilespmem:s23], [sflag:$0x1] =	stream.indirect_vreg.gather [hbm4b:s9+s4], $0x80, v2, vm0, $0xb8;
	[tilespmem:$0x10180] =	vst v63  }
0x8b: {  	s29 =	simm.s32 $0x3180  }
0x8c: {  	[tilespmem:s29], [sflag:$0x1] =	stream.indirect_vreg.gather [hbm4b:s10+s4], $0x80, v2, vm0, $0xb8;
	[tilespmem:$0x10180] =	vst v63  }
0x8d: {  	s31 =	simm.s32 $0x3980  }
0x8e: {  	[tilespmem:s31], [sflag:$0x1] =	stream.indirect_vreg.gather [hbm4b:s11+s4], $0x80, v2, vm0, $0xb8;
	[tilespmem:$0x10180] =	vst v63  }
0x8f: {  	s1 =	simm.s32 $0x4180  }
0x90: {  	[tilespmem:s1], [sflag:$0x1] =	stream.indirect_vreg.gather [hbm4b:s12+s4], $0x80, v2, vm0, $0xb8;
	[tilespmem:$0x10180] =	vst v63  }
0x91: {  	s30 =	simm.s32 $0x4980  }
0x92: {  	[tilespmem:s30], [sflag:$0x1] =	stream.indirect_vreg.gather [hbm4b:s13+s4], $0x80, v2, vm0, $0xb8;
	[tilespmem:$0x10180] =	vst v63  }
0x93: {  	s28 =	simm.s32 $0x5180  }
0x94: {  	[tilespmem:s28], [sflag:$0x1] =	stream.indirect_vreg.gather [hbm4b:s14+s4], $0x80, v2, vm0, $0xb8;
	[tilespmem:$0x10180] =	vst v63  }
0x95: {  	s26 =	simm.s32 $0x5980  }
0x96: {  	[tilespmem:s26], [sflag:$0x1] =	stream.indirect_vreg.gather [hbm4b:s15+s4], $0x80, v2, vm0, $0xb8;
	[tilespmem:$0x10180] =	vst v63  }
0x97: {  	s26 =	simm.s32 $0x6180  }
0x98: {  	[tilespmem:s26], [sflag:$0x1] =	stream.indirect_vreg.gather [hbm4b:s16+s4], $0x80, v2, vm0, $0xb8;
	[tilespmem:$0x10180] =	vst v63  }
0x99: {  	s26 =	simm.s32 $0x6980  }
0x9a: {  	[tilespmem:s26], [sflag:$0x1] =	stream.indirect_vreg.gather [hbm4b:s17+s4], $0x80, v2, vm0, $0xb8;
	[tilespmem:$0x10180] =	vst v63  }
0x9b: {  	s26 =	simm.s32 $0x7180  }
0x9c: {  	[tilespmem:s26], [sflag:$0x1] =	stream.indirect_vreg.gather [hbm4b:s18+s4], $0x80, v2, vm0, $0xb8;
	[tilespmem:$0x10180] =	vst v63  }
0x9d: {  	s26 =	simm.s32 $0x7980  }
0x9e: {  	[tilespmem:s26], [sflag:$0x1] =	stream.indirect_vreg.gather [hbm4b:s19+s4], $0x80, v2, vm0, $0xb8;
	[tilespmem:$0x10180] =	vst v63  }
0x9f: {  	_ =	swait.ge [sflag:s22], $0x8000  }
0xa0: {  	[sflag:s22] =	ssyncset.done $0x0  }
0xa1: {  	s0 =	rddreg [dreg:$0x8];
	[sflag:s22] =	ssyncadd.s32 $0xFFFF8000  }
0xa2: {  	[hbm4b:s0+s4] =	stream.linear.scatter [tilespmem:s2], [sflag:$0x2], $0x8000, $0x38;
	[tilespmem:$0x10180] =	vst v63  }
0xa3: {  	_ =	swait.ge [sflag:s25], $0x8000  }
0xa4: {  	[sflag:s25] =	ssyncset.done $0x0  }
0xa5: {  	[sflag:s25] =	ssyncadd.s32 $0xFFFF8000  }
0xa6: {  	v2 =	vld.msk [tilespmem:$0x18], $0xff;
	_ =	sdelay $0x4  }
0xa7: {  	v3 =	vshll.u32 v2, $0x5  }
0xa8: {  	v2 =	vand.u32 $0x7, v2;
	v3 =	vand.u32 $0xFFFFFF00, v3  }
0xa9: {  	v2 =	vor.u32 v2, v3  }
0xaa: {  	v2 =	vperm.xlane v2, v0;
	_ =	sdelay $0x1  }
0xab: {  	v2 =	vadd.s32 v1, v2;
	_ =	sdelay $0x4  }
0xac: {  	[tilespmem:s2], [sflag:$0x1] =	stream.indirect_vreg.gather [hbm4b:s24+s4], $0x80, v2, vm0, $0xb8;
	[tilespmem:$0x10180] =	vst v63  }
0xad: {  	s26 =	simm.s32 $0x8980  }
0xae: {  	[tilespmem:s26], [sflag:$0x1] =	stream.indirect_vreg.gather [hbm4b:s5+s4], $0x80, v2, vm0, $0xb8;
	[tilespmem:$0x10180] =	vst v63  }
0xaf: {  	s26 =	simm.s32 $0x9180  }
0xb0: {  	[tilespmem:s26], [sflag:$0x1] =	stream.indirect_vreg.gather [hbm4b:s6+s4], $0x80, v2, vm0, $0xb8;
	[tilespmem:$0x10180] =	vst v63  }
0xb1: {  	s26 =	simm.s32 $0x9980  }
0xb2: {  	[tilespmem:s26], [sflag:$0x1] =	stream.indirect_vreg.gather [hbm4b:s7+s4], $0x80, v2, vm0, $0xb8;
	[tilespmem:$0x10180] =	vst v63  }
0xb3: {  	s26 =	simm.s32 $0xA180  }
0xb4: {  	[tilespmem:s26], [sflag:$0x1] =	stream.indirect_vreg.gather [hbm4b:s8+s4], $0x80, v2, vm0, $0xb8;
	[tilespmem:$0x10180] =	vst v63  }
0xb5: {  	s26 =	simm.s32 $0xA980  }
0xb6: {  	[tilespmem:s26], [sflag:$0x1] =	stream.indirect_vreg.gather [hbm4b:s9+s4], $0x80, v2, vm0, $0xb8;
	[tilespmem:$0x10180] =	vst v63  }
0xb7: {  	s26 =	simm.s32 $0xB180  }
0xb8: {  	[tilespmem:s26], [sflag:$0x1] =	stream.indirect_vreg.gather [hbm4b:s10+s4], $0x80, v2, vm0, $0xb8;
	[tilespmem:$0x10180] =	vst v63  }
0xb9: {  	s26 =	simm.s32 $0xB980  }
0xba: {  	[tilespmem:s26], [sflag:$0x1] =	stream.indirect_vreg.gather [hbm4b:s11+s4], $0x80, v2, vm0, $0xb8;
	[tilespmem:$0x10180] =	vst v63  }
0xbb: {  	s26 =	simm.s32 $0xC180  }
0xbc: {  	[tilespmem:s26], [sflag:$0x1] =	stream.indirect_vreg.gather [hbm4b:s12+s4], $0x80, v2, vm0, $0xb8;
	[tilespmem:$0x10180] =	vst v63  }
0xbd: {  	s26 =	simm.s32 $0xC980  }
0xbe: {  	[tilespmem:s26], [sflag:$0x1] =	stream.indirect_vreg.gather [hbm4b:s13+s4], $0x80, v2, vm0, $0xb8;
	[tilespmem:$0x10180] =	vst v63  }
0xbf: {  	s26 =	simm.s32 $0xD180  }
0xc0: {  	[tilespmem:s26], [sflag:$0x1] =	stream.indirect_vreg.gather [hbm4b:s14+s4], $0x80, v2, vm0, $0xb8;
	[tilespmem:$0x10180] =	vst v63  }
0xc1: {  	s26 =	simm.s32 $0xD980  }
0xc2: {  	[tilespmem:s26], [sflag:$0x1] =	stream.indirect_vreg.gather [hbm4b:s15+s4], $0x80, v2, vm0, $0xb8;
	[tilespmem:$0x10180] =	vst v63  }
0xc3: {  	s26 =	simm.s32 $0xE180  }
0xc4: {  	[tilespmem:s26], [sflag:$0x1] =	stream.indirect_vreg.gather [hbm4b:s16+s4], $0x80, v2, vm0, $0xb8;
	[tilespmem:$0x10180] =	vst v63  }
0xc5: {  	s26 =	simm.s32 $0xE980  }
0xc6: {  	[tilespmem:s26], [sflag:$0x1] =	stream.indirect_vreg.gather [hbm4b:s17+s4], $0x80, v2, vm0, $0xb8;
	[tilespmem:$0x10180] =	vst v63  }
0xc7: {  	s26 =	simm.s32 $0xF180  }
0xc8: {  	[tilespmem:s26], [sflag:$0x1] =	stream.indirect_vreg.gather [hbm4b:s18+s4], $0x80, v2, vm0, $0xb8;
	[tilespmem:$0x10180] =	vst v63  }
0xc9: {  	s26 =	simm.s32 $0xF980  }
0xca: {  	[tilespmem:s26], [sflag:$0x1] =	stream.indirect_vreg.gather [hbm4b:s19+s4], $0x80, v2, vm0, $0xb8;
	[tilespmem:$0x10180] =	vst v63  }
0xcb: {  	_ =	swait.ge [sflag:s22], $0x8000  }
0xcc: {  	[sflag:s22] =	ssyncset.done $0x0  }
0xcd: {  	s0 =	simm.s32 $0x180;
	s26 =	rddreg [dreg:$0x9];
	[sflag:s22] =	ssyncadd.s32 $0xFFFF8000  }
0xce: {  	[hbm4b:s26+s4] =	stream.linear.scatter [tilespmem:s0], [sflag:$0x2], $0x8000, $0x38;
	[tilespmem:$0x10180] =	vst v63  }
0xcf: {  	_ =	swait.ge [sflag:s25], $0x8000  }
0xd0: {  	[sflag:s25] =	ssyncset.done $0x0  }
0xd1: {  	[sflag:s25] =	ssyncadd.s32 $0xFFFF8000  }
0xd2: {  	v2 =	vld.msk [tilespmem:$0x20], $0xff;
	_ =	sdelay $0x4  }
0xd3: {  	v3 =	vshll.u32 v2, $0x5  }
0xd4: {  	v2 =	vand.u32 $0x7, v2;
	v3 =	vand.u32 $0xFFFFFF00, v3  }
0xd5: {  	v2 =	vor.u32 v2, v3  }
0xd6: {  	v2 =	vperm.xlane v2, v0;
	_ =	sdelay $0x1  }
0xd7: {  	v2 =	vadd.s32 v1, v2;
	_ =	sdelay $0x4  }
0xd8: {  	[tilespmem:s0], [sflag:$0x1] =	stream.indirect_vreg.gather [hbm4b:s24+s4], $0x80, v2, vm0, $0xb8;
	[tilespmem:$0x10180] =	vst v63  }
0xd9: {  	s26 =	simm.s32 $0x980  }
0xda: {  	[tilespmem:s26], [sflag:$0x1] =	stream.indirect_vreg.gather [hbm4b:s5+s4], $0x80, v2, vm0, $0xb8;
	[tilespmem:$0x10180] =	vst v63  }
0xdb: {  	_ = 	snop  }
0xdc: {  	[tilespmem:s20], [sflag:$0x1] =	stream.indirect_vreg.gather [hbm4b:s6+s4], $0x80, v2, vm0, $0xb8;
	[tilespmem:$0x10180] =	vst v63  }
0xdd: {  	_ = 	snop  }
0xde: {  	[tilespmem:s3], [sflag:$0x1] =	stream.indirect_vreg.gather [hbm4b:s7+s4], $0x80, v2, vm0, $0xb8;
	[tilespmem:$0x10180] =	vst v63  }
0xdf: {  	_ = 	snop  }
0xe0: {  	[tilespmem:s21], [sflag:$0x1] =	stream.indirect_vreg.gather [hbm4b:s8+s4], $0x80, v2, vm0, $0xb8;
	[tilespmem:$0x10180] =	vst v63  }
0xe1: {  	_ = 	snop  }
0xe2: {  	[tilespmem:s23], [sflag:$0x1] =	stream.indirect_vreg.gather [hbm4b:s9+s4], $0x80, v2, vm0, $0xb8;
	[tilespmem:$0x10180] =	vst v63  }
0xe3: {  	_ = 	snop  }
0xe4: {  	[tilespmem:s29], [sflag:$0x1] =	stream.indirect_vreg.gather [hbm4b:s10+s4], $0x80, v2, vm0, $0xb8;
	[tilespmem:$0x10180] =	vst v63  }
0xe5: {  	_ = 	snop  }
0xe6: {  	[tilespmem:s31], [sflag:$0x1] =	stream.indirect_vreg.gather [hbm4b:s11+s4], $0x80, v2, vm0, $0xb8;
	[tilespmem:$0x10180] =	vst v63  }
0xe7: {  	_ = 	snop  }
0xe8: {  	[tilespmem:s1], [sflag:$0x1] =	stream.indirect_vreg.gather [hbm4b:s12+s4], $0x80, v2, vm0, $0xb8;
	[tilespmem:$0x10180] =	vst v63  }
0xe9: {  	_ = 	snop  }
0xea: {  	[tilespmem:s30], [sflag:$0x1] =	stream.indirect_vreg.gather [hbm4b:s13+s4], $0x80, v2, vm0, $0xb8;
	[tilespmem:$0x10180] =	vst v63  }
0xeb: {  	_ = 	snop  }
0xec: {  	[tilespmem:s28], [sflag:$0x1] =	stream.indirect_vreg.gather [hbm4b:s14+s4], $0x80, v2, vm0, $0xb8;
	[tilespmem:$0x10180] =	vst v63  }
0xed: {  	s30 =	simm.s32 $0x5980  }
0xee: {  	[tilespmem:s30], [sflag:$0x1] =	stream.indirect_vreg.gather [hbm4b:s15+s4], $0x80, v2, vm0, $0xb8;
	[tilespmem:$0x10180] =	vst v63  }
0xef: {  	s31 =	simm.s32 $0x6180  }
0xf0: {  	[tilespmem:s31], [sflag:$0x1] =	stream.indirect_vreg.gather [hbm4b:s16+s4], $0x80, v2, vm0, $0xb8;
	[tilespmem:$0x10180] =	vst v63  }
0xf1: {  	s1 =	simm.s32 $0x6980  }
0xf2: {  	[tilespmem:s1], [sflag:$0x1] =	stream.indirect_vreg.gather [hbm4b:s17+s4], $0x80, v2, vm0, $0xb8;
	[tilespmem:$0x10180] =	vst v63  }
0xf3: {  	s3 =	simm.s32 $0x7180  }
0xf4: {  	[tilespmem:s3], [sflag:$0x1] =	stream.indirect_vreg.gather [hbm4b:s18+s4], $0x80, v2, vm0, $0xb8;
	[tilespmem:$0x10180] =	vst v63  }
0xf5: {  	s20 =	simm.s32 $0x7980  }
0xf6: {  	[tilespmem:s20], [sflag:$0x1] =	stream.indirect_vreg.gather [hbm4b:s19+s4], $0x80, v2, vm0, $0xb8;
	[tilespmem:$0x10180] =	vst v63  }
0xf7: {  	_ =	swait.ge [sflag:s22], $0x8000  }
0xf8: {  	[sflag:s22] =	ssyncset.done $0x0  }
0xf9: {  	s21 =	rddreg [dreg:$0xa];
	[sflag:s22] =	ssyncadd.s32 $0xFFFF8000  }
0xfa: {  	[hbm4b:s21+s4] =	stream.linear.scatter [tilespmem:s2], [sflag:$0x2], $0x8000, $0x38;
	[tilespmem:$0x10180] =	vst v63  }
0xfb: {  	_ =	swait.ge [sflag:s25], $0x8000  }
0xfc: {  	[sflag:s25] =	ssyncset.done $0x0  }
0xfd: {  	[sflag:s25] =	ssyncadd.s32 $0xFFFF8000  }
0xfe: {  	v2 =	vld.msk [tilespmem:$0x28], $0xff;
	_ =	sdelay $0x4  }
0xff: {  	v3 =	vshll.u32 v2, $0x5  }
0x100: {  	v2 =	vand.u32 $0x7, v2;
	v3 =	vand.u32 $0xFFFFFF00, v3  }
0x101: {  	v2 =	vor.u32 v2, v3  }
0x102: {  	v2 =	vperm.xlane v2, v0;
	_ =	sdelay $0x1  }
0x103: {  	v2 =	vadd.s32 v1, v2;
	_ =	sdelay $0x4  }
0x104: {  	[tilespmem:s2], [sflag:$0x1] =	stream.indirect_vreg.gather [hbm4b:s24+s4], $0x80, v2, vm0, $0xb8;
	[tilespmem:$0x10180] =	vst v63  }
0x105: {  	s23 =	simm.s32 $0x8980  }
0x106: {  	[tilespmem:s23], [sflag:$0x1] =	stream.indirect_vreg.gather [hbm4b:s5+s4], $0x80, v2, vm0, $0xb8;
	[tilespmem:$0x10180] =	vst v63  }
0x107: {  	s1 =	simm.s32 $0x9180  }
0x108: {  	[tilespmem:s1], [sflag:$0x1] =	stream.indirect_vreg.gather [hbm4b:s6+s4], $0x80, v2, vm0, $0xb8;
	[tilespmem:$0x10180] =	vst v63  }
0x109: {  	s3 =	simm.s32 $0x9980  }
0x10a: {  	[tilespmem:s3], [sflag:$0x1] =	stream.indirect_vreg.gather [hbm4b:s7+s4], $0x80, v2, vm0, $0xb8;
	[tilespmem:$0x10180] =	vst v63  }
0x10b: {  	s20 =	simm.s32 $0xA180  }
0x10c: {  	[tilespmem:s20], [sflag:$0x1] =	stream.indirect_vreg.gather [hbm4b:s8+s4], $0x80, v2, vm0, $0xb8;
	[tilespmem:$0x10180] =	vst v63  }
0x10d: {  	s21 =	simm.s32 $0xA980  }
0x10e: {  	[tilespmem:s21], [sflag:$0x1] =	stream.indirect_vreg.gather [hbm4b:s9+s4], $0x80, v2, vm0, $0xb8;
	[tilespmem:$0x10180] =	vst v63  }
0x10f: {  	s23 =	simm.s32 $0xB180  }
0x110: {  	[tilespmem:s23], [sflag:$0x1] =	stream.indirect_vreg.gather [hbm4b:s10+s4], $0x80, v2, vm0, $0xb8;
	[tilespmem:$0x10180] =	vst v63  }
0x111: {  	s28 =	simm.s32 $0xB980  }
0x112: {  	[tilespmem:s28], [sflag:$0x1] =	stream.indirect_vreg.gather [hbm4b:s11+s4], $0x80, v2, vm0, $0xb8;
	[tilespmem:$0x10180] =	vst v63  }
0x113: {  	s29 =	simm.s32 $0xC180  }
0x114: {  	[tilespmem:s29], [sflag:$0x1] =	stream.indirect_vreg.gather [hbm4b:s12+s4], $0x80, v2, vm0, $0xb8;
	[tilespmem:$0x10180] =	vst v63  }
0x115: {  	s30 =	simm.s32 $0xC980  }
0x116: {  	[tilespmem:s30], [sflag:$0x1] =	stream.indirect_vreg.gather [hbm4b:s13+s4], $0x80, v2, vm0, $0xb8;
	[tilespmem:$0x10180] =	vst v63  }
0x117: {  	s31 =	simm.s32 $0xD180  }
0x118: {  	[tilespmem:s31], [sflag:$0x1] =	stream.indirect_vreg.gather [hbm4b:s14+s4], $0x80, v2, vm0, $0xb8;
	[tilespmem:$0x10180] =	vst v63  }
0x119: {  	s26 =	simm.s32 $0xD980  }
0x11a: {  	[tilespmem:s26], [sflag:$0x1] =	stream.indirect_vreg.gather [hbm4b:s15+s4], $0x80, v2, vm0, $0xb8;
	[tilespmem:$0x10180] =	vst v63  }
0x11b: {  	s26 =	simm.s32 $0xE180  }
0x11c: {  	[tilespmem:s26], [sflag:$0x1] =	stream.indirect_vreg.gather [hbm4b:s16+s4], $0x80, v2, vm0, $0xb8;
	[tilespmem:$0x10180] =	vst v63  }
0x11d: {  	s26 =	simm.s32 $0xE980  }
0x11e: {  	[tilespmem:s26], [sflag:$0x1] =	stream.indirect_vreg.gather [hbm4b:s17+s4], $0x80, v2, vm0, $0xb8;
	[tilespmem:$0x10180] =	vst v63  }
0x11f: {  	s26 =	simm.s32 $0xF180  }
0x120: {  	[tilespmem:s26], [sflag:$0x1] =	stream.indirect_vreg.gather [hbm4b:s18+s4], $0x80, v2, vm0, $0xb8;
	[tilespmem:$0x10180] =	vst v63  }
0x121: {  	s26 =	simm.s32 $0xF980  }
0x122: {  	[tilespmem:s26], [sflag:$0x1] =	stream.indirect_vreg.gather [hbm4b:s19+s4], $0x80, v2, vm0, $0xb8;
	[tilespmem:$0x10180] =	vst v63  }
0x123: {  	_ =	swait.ge [sflag:s22], $0x8000  }
0x124: {  	[sflag:s22] =	ssyncset.done $0x0  }
0x125: {  	s0 =	simm.s32 $0x180;
	s26 =	rddreg [dreg:$0xb];
	[sflag:s22] =	ssyncadd.s32 $0xFFFF8000  }
0x126: {  	[hbm4b:s26+s4] =	stream.linear.scatter [tilespmem:s0], [sflag:$0x2], $0x8000, $0x38;
	[tilespmem:$0x10180] =	vst v63  }
0x127: {  	_ =	swait.ge [sflag:s25], $0x8000  }
0x128: {  	[sflag:s25] =	ssyncset.done $0x0  }
0x129: {  	[sflag:s25] =	ssyncadd.s32 $0xFFFF8000  }
0x12a: {  	v2 =	vld.msk [tilespmem:$0x30], $0xff;
	_ =	sdelay $0x4  }
0x12b: {  	v3 =	vshll.u32 v2, $0x5  }
0x12c: {  	v2 =	vand.u32 $0x7, v2;
	v3 =	vand.u32 $0xFFFFFF00, v3  }
0x12d: {  	v2 =	vor.u32 v2, v3  }
0x12e: {  	v2 =	vperm.xlane v2, v0;
	_ =	sdelay $0x1  }
0x12f: {  	v2 =	vadd.s32 v1, v2;
	_ =	sdelay $0x4  }
0x130: {  	[tilespmem:s0], [sflag:$0x1] =	stream.indirect_vreg.gather [hbm4b:s24+s4], $0x80, v2, vm0, $0xb8;
	[tilespmem:$0x10180] =	vst v63  }
0x131: {  	s0 =	simm.s32 $0x980  }
0x132: {  	[tilespmem:s0], [sflag:$0x1] =	stream.indirect_vreg.gather [hbm4b:s5+s4], $0x80, v2, vm0, $0xb8;
	[tilespmem:$0x10180] =	vst v63  }
0x133: {  	s26 =	simm.s32 $0x1180  }
0x134: {  	[tilespmem:s26], [sflag:$0x1] =	stream.indirect_vreg.gather [hbm4b:s6+s4], $0x80, v2, vm0, $0xb8;
	[tilespmem:$0x10180] =	vst v63  }
0x135: {  	s26 =	simm.s32 $0x1980  }
0x136: {  	[tilespmem:s26], [sflag:$0x1] =	stream.indirect_vreg.gather [hbm4b:s7+s4], $0x80, v2, vm0, $0xb8;
	[tilespmem:$0x10180] =	vst v63  }
0x137: {  	s26 =	simm.s32 $0x2180  }
0x138: {  	[tilespmem:s26], [sflag:$0x1] =	stream.indirect_vreg.gather [hbm4b:s8+s4], $0x80, v2, vm0, $0xb8;
	[tilespmem:$0x10180] =	vst v63  }
0x139: {  	s26 =	simm.s32 $0x2980  }
0x13a: {  	[tilespmem:s26], [sflag:$0x1] =	stream.indirect_vreg.gather [hbm4b:s9+s4], $0x80, v2, vm0, $0xb8;
	[tilespmem:$0x10180] =	vst v63  }
0x13b: {  	s26 =	simm.s32 $0x3180  }
0x13c: {  	[tilespmem:s26], [sflag:$0x1] =	stream.indirect_vreg.gather [hbm4b:s10+s4], $0x80, v2, vm0, $0xb8;
	[tilespmem:$0x10180] =	vst v63  }
0x13d: {  	s26 =	simm.s32 $0x3980  }
0x13e: {  	[tilespmem:s26], [sflag:$0x1] =	stream.indirect_vreg.gather [hbm4b:s11+s4], $0x80, v2, vm0, $0xb8;
	[tilespmem:$0x10180] =	vst v63  }
0x13f: {  	s26 =	simm.s32 $0x4180  }
0x140: {  	[tilespmem:s26], [sflag:$0x1] =	stream.indirect_vreg.gather [hbm4b:s12+s4], $0x80, v2, vm0, $0xb8;
	[tilespmem:$0x10180] =	vst v63  }
0x141: {  	s26 =	simm.s32 $0x4980  }
0x142: {  	[tilespmem:s26], [sflag:$0x1] =	stream.indirect_vreg.gather [hbm4b:s13+s4], $0x80, v2, vm0, $0xb8;
	[tilespmem:$0x10180] =	vst v63  }
0x143: {  	s26 =	simm.s32 $0x5180  }
0x144: {  	[tilespmem:s26], [sflag:$0x1] =	stream.indirect_vreg.gather [hbm4b:s14+s4], $0x80, v2, vm0, $0xb8;
	[tilespmem:$0x10180] =	vst v63  }
0x145: {  	s26 =	simm.s32 $0x5980  }
0x146: {  	[tilespmem:s26], [sflag:$0x1] =	stream.indirect_vreg.gather [hbm4b:s15+s4], $0x80, v2, vm0, $0xb8;
	[tilespmem:$0x10180] =	vst v63  }
0x147: {  	s26 =	simm.s32 $0x6180  }
0x148: {  	[tilespmem:s26], [sflag:$0x1] =	stream.indirect_vreg.gather [hbm4b:s16+s4], $0x80, v2, vm0, $0xb8;
	[tilespmem:$0x10180] =	vst v63  }
0x149: {  	s26 =	simm.s32 $0x6980  }
0x14a: {  	[tilespmem:s26], [sflag:$0x1] =	stream.indirect_vreg.gather [hbm4b:s17+s4], $0x80, v2, vm0, $0xb8;
	[tilespmem:$0x10180] =	vst v63  }
0x14b: {  	s26 =	simm.s32 $0x7180  }
0x14c: {  	[tilespmem:s26], [sflag:$0x1] =	stream.indirect_vreg.gather [hbm4b:s18+s4], $0x80, v2, vm0, $0xb8;
	[tilespmem:$0x10180] =	vst v63  }
0x14d: {  	s26 =	simm.s32 $0x7980  }
0x14e: {  	[tilespmem:s26], [sflag:$0x1] =	stream.indirect_vreg.gather [hbm4b:s19+s4], $0x80, v2, vm0, $0xb8;
	[tilespmem:$0x10180] =	vst v63  }
0x14f: {  	_ =	swait.ge [sflag:s22], $0x8000  }
0x150: {  	[sflag:s22] =	ssyncset.done $0x0  }
0x151: {  	s26 =	rddreg [dreg:$0xc];
	[sflag:s22] =	ssyncadd.s32 $0xFFFF8000  }
0x152: {  	[hbm4b:s26+s4] =	stream.linear.scatter [tilespmem:s2], [sflag:$0x2], $0x8000, $0x38;
	[tilespmem:$0x10180] =	vst v63  }
0x153: {  	_ =	swait.ge [sflag:s25], $0x8000  }
0x154: {  	[sflag:s25] =	ssyncset.done $0x0  }
0x155: {  	[sflag:s25] =	ssyncadd.s32 $0xFFFF8000  }
0x156: {  	v2 =	vld.msk [tilespmem:$0x38], $0xff;
	_ =	sdelay $0x4  }
0x157: {  	v3 =	vshll.u32 v2, $0x5  }
0x158: {  	v2 =	vand.u32 $0x7, v2;
	v3 =	vand.u32 $0xFFFFFF00, v3  }
0x159: {  	v2 =	vor.u32 v2, v3  }
0x15a: {  	v2 =	vperm.xlane v2, v0;
	_ =	sdelay $0x1  }
0x15b: {  	v2 =	vadd.s32 v1, v2;
	_ =	sdelay $0x4  }
0x15c: {  	[tilespmem:s2], [sflag:$0x1] =	stream.indirect_vreg.gather [hbm4b:s24+s4], $0x80, v2, vm0, $0xb8;
	[tilespmem:$0x10180] =	vst v63  }
0x15d: {  	s26 =	simm.s32 $0x8980  }
0x15e: {  	[tilespmem:s26], [sflag:$0x1] =	stream.indirect_vreg.gather [hbm4b:s5+s4], $0x80, v2, vm0, $0xb8;
	[tilespmem:$0x10180] =	vst v63  }
0x15f: {  	_ = 	snop  }
0x160: {  	[tilespmem:s1], [sflag:$0x1] =	stream.indirect_vreg.gather [hbm4b:s6+s4], $0x80, v2, vm0, $0xb8;
	[tilespmem:$0x10180] =	vst v63  }
0x161: {  	_ = 	snop  }
0x162: {  	[tilespmem:s3], [sflag:$0x1] =	stream.indirect_vreg.gather [hbm4b:s7+s4], $0x80, v2, vm0, $0xb8;
	[tilespmem:$0x10180] =	vst v63  }
0x163: {  	_ = 	snop  }
0x164: {  	[tilespmem:s20], [sflag:$0x1] =	stream.indirect_vreg.gather [hbm4b:s8+s4], $0x80, v2, vm0, $0xb8;
	[tilespmem:$0x10180] =	vst v63  }
0x165: {  	_ = 	snop  }
0x166: {  	[tilespmem:s21], [sflag:$0x1] =	stream.indirect_vreg.gather [hbm4b:s9+s4], $0x80, v2, vm0, $0xb8;
	[tilespmem:$0x10180] =	vst v63  }
0x167: {  	_ = 	snop  }
0x168: {  	[tilespmem:s23], [sflag:$0x1] =	stream.indirect_vreg.gather [hbm4b:s10+s4], $0x80, v2, vm0, $0xb8;
	[tilespmem:$0x10180] =	vst v63  }
0x169: {  	_ = 	snop  }
0x16a: {  	[tilespmem:s28], [sflag:$0x1] =	stream.indirect_vreg.gather [hbm4b:s11+s4], $0x80, v2, vm0, $0xb8;
	[tilespmem:$0x10180] =	vst v63  }
0x16b: {  	_ = 	snop  }
0x16c: {  	[tilespmem:s29], [sflag:$0x1] =	stream.indirect_vreg.gather [hbm4b:s12+s4], $0x80, v2, vm0, $0xb8;
	[tilespmem:$0x10180] =	vst v63  }
0x16d: {  	_ = 	snop  }
0x16e: {  	[tilespmem:s30], [sflag:$0x1] =	stream.indirect_vreg.gather [hbm4b:s13+s4], $0x80, v2, vm0, $0xb8;
	[tilespmem:$0x10180] =	vst v63  }
0x16f: {  	_ = 	snop  }
0x170: {  	[tilespmem:s31], [sflag:$0x1] =	stream.indirect_vreg.gather [hbm4b:s14+s4], $0x80, v2, vm0, $0xb8;
	[tilespmem:$0x10180] =	vst v63  }
0x171: {  	s20 =	simm.s32 $0xD980  }
0x172: {  	[tilespmem:s20], [sflag:$0x1] =	stream.indirect_vreg.gather [hbm4b:s15+s4], $0x80, v2, vm0, $0xb8;
	[tilespmem:$0x10180] =	vst v63  }
0x173: {  	s21 =	simm.s32 $0xE180  }
0x174: {  	[tilespmem:s21], [sflag:$0x1] =	stream.indirect_vreg.gather [hbm4b:s16+s4], $0x80, v2, vm0, $0xb8;
	[tilespmem:$0x10180] =	vst v63  }
0x175: {  	s23 =	simm.s32 $0xE980  }
0x176: {  	[tilespmem:s23], [sflag:$0x1] =	stream.indirect_vreg.gather [hbm4b:s17+s4], $0x80, v2, vm0, $0xb8;
	[tilespmem:$0x10180] =	vst v63  }
0x177: {  	s26 =	simm.s32 $0xF180  }
0x178: {  	[tilespmem:s26], [sflag:$0x1] =	stream.indirect_vreg.gather [hbm4b:s18+s4], $0x80, v2, vm0, $0xb8;
	[tilespmem:$0x10180] =	vst v63  }
0x179: {  	s28 =	simm.s32 $0xF980  }
0x17a: {  	[tilespmem:s28], [sflag:$0x1] =	stream.indirect_vreg.gather [hbm4b:s19+s4], $0x80, v2, vm0, $0xb8;
	[tilespmem:$0x10180] =	vst v63  }
0x17b: {  	_ =	swait.ge [sflag:s22], $0x8000  }
0x17c: {  	[sflag:s22] =	ssyncset.done $0x0  }
0x17d: {  	s30 =	simm.s32 $0x180;
	s29 =	rddreg [dreg:$0xd];
	[sflag:s22] =	ssyncadd.s32 $0xFFFF8000  }
0x17e: {  	[hbm4b:s29+s4] =	stream.linear.scatter [tilespmem:s30], [sflag:$0x2], $0x8000, $0x38;
	[tilespmem:$0x10180] =	vst v63  }
0x17f: {  	_ =	swait.ge [sflag:s25], $0x8000  }
0x180: {  	[sflag:s25] =	ssyncset.done $0x0  }
0x181: {  	[sflag:s25] =	ssyncadd.s32 $0xFFFF8000  }
0x182: {  	v2 =	vld.msk [tilespmem:$0x40], $0xff;
	_ =	sdelay $0x4  }
0x183: {  	v3 =	vshll.u32 v2, $0x5  }
0x184: {  	v2 =	vand.u32 $0x7, v2;
	v3 =	vand.u32 $0xFFFFFF00, v3  }
0x185: {  	v2 =	vor.u32 v2, v3  }
0x186: {  	v2 =	vperm.xlane v2, v0;
	_ =	sdelay $0x1  }
0x187: {  	v2 =	vadd.s32 v1, v2;
	_ =	sdelay $0x4  }
0x188: {  	[tilespmem:s30], [sflag:$0x1] =	stream.indirect_vreg.gather [hbm4b:s24+s4], $0x80, v2, vm0, $0xb8;
	[tilespmem:$0x10180] =	vst v63  }
0x189: {  	_ = 	snop  }
0x18a: {  	[tilespmem:s0], [sflag:$0x1] =	stream.indirect_vreg.gather [hbm4b:s5+s4], $0x80, v2, vm0, $0xb8;
	[tilespmem:$0x10180] =	vst v63  }
0x18b: {  	s31 =	simm.s32 $0x1180  }
0x18c: {  	[tilespmem:s31], [sflag:$0x1] =	stream.indirect_vreg.gather [hbm4b:s6+s4], $0x80, v2, vm0, $0xb8;
	[tilespmem:$0x10180] =	vst v63  }
0x18d: {  	s1 =	simm.s32 $0x1980  }
0x18e: {  	[tilespmem:s1], [sflag:$0x1] =	stream.indirect_vreg.gather [hbm4b:s7+s4], $0x80, v2, vm0, $0xb8;
	[tilespmem:$0x10180] =	vst v63  }
0x18f: {  	s3 =	simm.s32 $0x2180  }
0x190: {  	[tilespmem:s3], [sflag:$0x1] =	stream.indirect_vreg.gather [hbm4b:s8+s4], $0x80, v2, vm0, $0xb8;
	[tilespmem:$0x10180] =	vst v63  }
0x191: {  	s20 =	simm.s32 $0x2980  }
0x192: {  	[tilespmem:s20], [sflag:$0x1] =	stream.indirect_vreg.gather [hbm4b:s9+s4], $0x80, v2, vm0, $0xb8;
	[tilespmem:$0x10180] =	vst v63  }
0x193: {  	s21 =	simm.s32 $0x3180  }
0x194: {  	[tilespmem:s21], [sflag:$0x1] =	stream.indirect_vreg.gather [hbm4b:s10+s4], $0x80, v2, vm0, $0xb8;
	[tilespmem:$0x10180] =	vst v63  }
0x195: {  	s23 =	simm.s32 $0x3980  }
0x196: {  	[tilespmem:s23], [sflag:$0x1] =	stream.indirect_vreg.gather [hbm4b:s11+s4], $0x80, v2, vm0, $0xb8;
	[tilespmem:$0x10180] =	vst v63  }
0x197: {  	s26 =	simm.s32 $0x4180  }
0x198: {  	[tilespmem:s26], [sflag:$0x1] =	stream.indirect_vreg.gather [hbm4b:s12+s4], $0x80, v2, vm0, $0xb8;
	[tilespmem:$0x10180] =	vst v63  }
0x199: {  	s28 =	simm.s32 $0x4980  }
0x19a: {  	[tilespmem:s28], [sflag:$0x1] =	stream.indirect_vreg.gather [hbm4b:s13+s4], $0x80, v2, vm0, $0xb8;
	[tilespmem:$0x10180] =	vst v63  }
0x19b: {  	s29 =	simm.s32 $0x5180  }
0x19c: {  	[tilespmem:s29], [sflag:$0x1] =	stream.indirect_vreg.gather [hbm4b:s14+s4], $0x80, v2, vm0, $0xb8;
	[tilespmem:$0x10180] =	vst v63  }
0x19d: {  	s30 =	simm.s32 $0x5980  }
0x19e: {  	[tilespmem:s30], [sflag:$0x1] =	stream.indirect_vreg.gather [hbm4b:s15+s4], $0x80, v2, vm0, $0xb8;
	[tilespmem:$0x10180] =	vst v63  }
0x19f: {  	s31 =	simm.s32 $0x6180  }
0x1a0: {  	[tilespmem:s31], [sflag:$0x1] =	stream.indirect_vreg.gather [hbm4b:s16+s4], $0x80, v2, vm0, $0xb8;
	[tilespmem:$0x10180] =	vst v63  }
0x1a1: {  	s1 =	simm.s32 $0x6980  }
0x1a2: {  	[tilespmem:s1], [sflag:$0x1] =	stream.indirect_vreg.gather [hbm4b:s17+s4], $0x80, v2, vm0, $0xb8;
	[tilespmem:$0x10180] =	vst v63  }
0x1a3: {  	s3 =	simm.s32 $0x7180  }
0x1a4: {  	[tilespmem:s3], [sflag:$0x1] =	stream.indirect_vreg.gather [hbm4b:s18+s4], $0x80, v2, vm0, $0xb8;
	[tilespmem:$0x10180] =	vst v63  }
0x1a5: {  	s20 =	simm.s32 $0x7980  }
0x1a6: {  	[tilespmem:s20], [sflag:$0x1] =	stream.indirect_vreg.gather [hbm4b:s19+s4], $0x80, v2, vm0, $0xb8;
	[tilespmem:$0x10180] =	vst v63  }
0x1a7: {  	_ =	swait.ge [sflag:s22], $0x8000  }
0x1a8: {  	[sflag:s22] =	ssyncset.done $0x0  }
0x1a9: {  	s21 =	rddreg [dreg:$0xe];
	[sflag:s22] =	ssyncadd.s32 $0xFFFF8000  }
0x1aa: {  	[hbm4b:s21+s4] =	stream.linear.scatter [tilespmem:s2], [sflag:$0x2], $0x8000, $0x38;
	[tilespmem:$0x10180] =	vst v63  }
0x1ab: {  	_ =	swait.ge [sflag:s25], $0x8000  }
0x1ac: {  	[sflag:s25] =	ssyncset.done $0x0  }
0x1ad: {  	[sflag:s25] =	ssyncadd.s32 $0xFFFF8000  }
0x1ae: {  	v2 =	vld.msk [tilespmem:$0x48], $0xff;
	_ =	sdelay $0x4  }
0x1af: {  	v3 =	vshll.u32 v2, $0x5  }
0x1b0: {  	v2 =	vand.u32 $0x7, v2;
	v3 =	vand.u32 $0xFFFFFF00, v3  }
0x1b1: {  	v2 =	vor.u32 v2, v3  }
0x1b2: {  	v2 =	vperm.xlane v2, v0;
	_ =	sdelay $0x1  }
0x1b3: {  	v2 =	vadd.s32 v1, v2;
	_ =	sdelay $0x4  }
0x1b4: {  	[tilespmem:s2], [sflag:$0x1] =	stream.indirect_vreg.gather [hbm4b:s24+s4], $0x80, v2, vm0, $0xb8;
	[tilespmem:$0x10180] =	vst v63  }
0x1b5: {  	s23 =	simm.s32 $0x8980  }
0x1b6: {  	[tilespmem:s23], [sflag:$0x1] =	stream.indirect_vreg.gather [hbm4b:s5+s4], $0x80, v2, vm0, $0xb8;
	[tilespmem:$0x10180] =	vst v63  }
0x1b7: {  	s3 =	simm.s32 $0x9180  }
0x1b8: {  	[tilespmem:s3], [sflag:$0x1] =	stream.indirect_vreg.gather [hbm4b:s6+s4], $0x80, v2, vm0, $0xb8;
	[tilespmem:$0x10180] =	vst v63  }
0x1b9: {  	s20 =	simm.s32 $0x9980  }
0x1ba: {  	[tilespmem:s20], [sflag:$0x1] =	stream.indirect_vreg.gather [hbm4b:s7+s4], $0x80, v2, vm0, $0xb8;
	[tilespmem:$0x10180] =	vst v63  }
0x1bb: {  	s21 =	simm.s32 $0xA180  }
0x1bc: {  	[tilespmem:s21], [sflag:$0x1] =	stream.indirect_vreg.gather [hbm4b:s8+s4], $0x80, v2, vm0, $0xb8;
	[tilespmem:$0x10180] =	vst v63  }
0x1bd: {  	s23 =	simm.s32 $0xA980  }
0x1be: {  	[tilespmem:s23], [sflag:$0x1] =	stream.indirect_vreg.gather [hbm4b:s9+s4], $0x80, v2, vm0, $0xb8;
	[tilespmem:$0x10180] =	vst v63  }
0x1bf: {  	s28 =	simm.s32 $0xB180  }
0x1c0: {  	[tilespmem:s28], [sflag:$0x1] =	stream.indirect_vreg.gather [hbm4b:s10+s4], $0x80, v2, vm0, $0xb8;
	[tilespmem:$0x10180] =	vst v63  }
0x1c1: {  	s29 =	simm.s32 $0xB980  }
0x1c2: {  	[tilespmem:s29], [sflag:$0x1] =	stream.indirect_vreg.gather [hbm4b:s11+s4], $0x80, v2, vm0, $0xb8;
	[tilespmem:$0x10180] =	vst v63  }
0x1c3: {  	s30 =	simm.s32 $0xC180  }
0x1c4: {  	[tilespmem:s30], [sflag:$0x1] =	stream.indirect_vreg.gather [hbm4b:s12+s4], $0x80, v2, vm0, $0xb8;
	[tilespmem:$0x10180] =	vst v63  }
0x1c5: {  	s31 =	simm.s32 $0xC980  }
0x1c6: {  	[tilespmem:s31], [sflag:$0x1] =	stream.indirect_vreg.gather [hbm4b:s13+s4], $0x80, v2, vm0, $0xb8;
	[tilespmem:$0x10180] =	vst v63  }
0x1c7: {  	s1 =	simm.s32 $0xD180  }
0x1c8: {  	[tilespmem:s1], [sflag:$0x1] =	stream.indirect_vreg.gather [hbm4b:s14+s4], $0x80, v2, vm0, $0xb8;
	[tilespmem:$0x10180] =	vst v63  }
0x1c9: {  	s26 =	simm.s32 $0xD980  }
0x1ca: {  	[tilespmem:s26], [sflag:$0x1] =	stream.indirect_vreg.gather [hbm4b:s15+s4], $0x80, v2, vm0, $0xb8;
	[tilespmem:$0x10180] =	vst v63  }
0x1cb: {  	s26 =	simm.s32 $0xE180  }
0x1cc: {  	[tilespmem:s26], [sflag:$0x1] =	stream.indirect_vreg.gather [hbm4b:s16+s4], $0x80, v2, vm0, $0xb8;
	[tilespmem:$0x10180] =	vst v63  }
0x1cd: {  	s26 =	simm.s32 $0xE980  }
0x1ce: {  	[tilespmem:s26], [sflag:$0x1] =	stream.indirect_vreg.gather [hbm4b:s17+s4], $0x80, v2, vm0, $0xb8;
	[tilespmem:$0x10180] =	vst v63  }
0x1cf: {  	s26 =	simm.s32 $0xF180  }
0x1d0: {  	[tilespmem:s26], [sflag:$0x1] =	stream.indirect_vreg.gather [hbm4b:s18+s4], $0x80, v2, vm0, $0xb8;
	[tilespmem:$0x10180] =	vst v63  }
0x1d1: {  	s26 =	simm.s32 $0xF980  }
0x1d2: {  	[tilespmem:s26], [sflag:$0x1] =	stream.indirect_vreg.gather [hbm4b:s19+s4], $0x80, v2, vm0, $0xb8;
	[tilespmem:$0x10180] =	vst v63  }
0x1d3: {  	_ =	swait.ge [sflag:s22], $0x8000  }
0x1d4: {  	[sflag:s22] =	ssyncset.done $0x0  }
0x1d5: {  	s0 =	simm.s32 $0x180;
	s26 =	rddreg [dreg:$0xf];
	[sflag:s22] =	ssyncadd.s32 $0xFFFF8000  }
0x1d6: {  	[hbm4b:s26+s4] =	stream.linear.scatter [tilespmem:s0], [sflag:$0x2], $0x8000, $0x38;
	[tilespmem:$0x10180] =	vst v63  }
0x1d7: {  	_ =	swait.ge [sflag:s25], $0x8000  }
0x1d8: {  	[sflag:s25] =	ssyncset.done $0x0  }
0x1d9: {  	[sflag:s25] =	ssyncadd.s32 $0xFFFF8000  }
0x1da: {  	v2 =	vld.msk [tilespmem:$0x50], $0xff;
	_ =	sdelay $0x4  }
0x1db: {  	v3 =	vshll.u32 v2, $0x5  }
0x1dc: {  	v2 =	vand.u32 $0x7, v2;
	v3 =	vand.u32 $0xFFFFFF00, v3  }
0x1dd: {  	v2 =	vor.u32 v2, v3  }
0x1de: {  	v2 =	vperm.xlane v2, v0;
	_ =	sdelay $0x1  }
0x1df: {  	v2 =	vadd.s32 v1, v2;
	_ =	sdelay $0x4  }
0x1e0: {  	[tilespmem:s0], [sflag:$0x1] =	stream.indirect_vreg.gather [hbm4b:s24+s4], $0x80, v2, vm0, $0xb8;
	[tilespmem:$0x10180] =	vst v63  }
0x1e1: {  	s0 =	simm.s32 $0x980  }
0x1e2: {  	[tilespmem:s0], [sflag:$0x1] =	stream.indirect_vreg.gather [hbm4b:s5+s4], $0x80, v2, vm0, $0xb8;
	[tilespmem:$0x10180] =	vst v63  }
0x1e3: {  	s26 =	simm.s32 $0x1180  }
0x1e4: {  	[tilespmem:s26], [sflag:$0x1] =	stream.indirect_vreg.gather [hbm4b:s6+s4], $0x80, v2, vm0, $0xb8;
	[tilespmem:$0x10180] =	vst v63  }
0x1e5: {  	s26 =	simm.s32 $0x1980  }
0x1e6: {  	[tilespmem:s26], [sflag:$0x1] =	stream.indirect_vreg.gather [hbm4b:s7+s4], $0x80, v2, vm0, $0xb8;
	[tilespmem:$0x10180] =	vst v63  }
0x1e7: {  	s26 =	simm.s32 $0x2180  }
0x1e8: {  	[tilespmem:s26], [sflag:$0x1] =	stream.indirect_vreg.gather [hbm4b:s8+s4], $0x80, v2, vm0, $0xb8;
	[tilespmem:$0x10180] =	vst v63  }
0x1e9: {  	s26 =	simm.s32 $0x2980  }
0x1ea: {  	[tilespmem:s26], [sflag:$0x1] =	stream.indirect_vreg.gather [hbm4b:s9+s4], $0x80, v2, vm0, $0xb8;
	[tilespmem:$0x10180] =	vst v63  }
0x1eb: {  	s26 =	simm.s32 $0x3180  }
0x1ec: {  	[tilespmem:s26], [sflag:$0x1] =	stream.indirect_vreg.gather [hbm4b:s10+s4], $0x80, v2, vm0, $0xb8;
	[tilespmem:$0x10180] =	vst v63  }
0x1ed: {  	s26 =	simm.s32 $0x3980  }
0x1ee: {  	[tilespmem:s26], [sflag:$0x1] =	stream.indirect_vreg.gather [hbm4b:s11+s4], $0x80, v2, vm0, $0xb8;
	[tilespmem:$0x10180] =	vst v63  }
0x1ef: {  	s26 =	simm.s32 $0x4180  }
0x1f0: {  	[tilespmem:s26], [sflag:$0x1] =	stream.indirect_vreg.gather [hbm4b:s12+s4], $0x80, v2, vm0, $0xb8;
	[tilespmem:$0x10180] =	vst v63  }
0x1f1: {  	s26 =	simm.s32 $0x4980  }
0x1f2: {  	[tilespmem:s26], [sflag:$0x1] =	stream.indirect_vreg.gather [hbm4b:s13+s4], $0x80, v2, vm0, $0xb8;
	[tilespmem:$0x10180] =	vst v63  }
0x1f3: {  	s26 =	simm.s32 $0x5180  }
0x1f4: {  	[tilespmem:s26], [sflag:$0x1] =	stream.indirect_vreg.gather [hbm4b:s14+s4], $0x80, v2, vm0, $0xb8;
	[tilespmem:$0x10180] =	vst v63  }
0x1f5: {  	s26 =	simm.s32 $0x5980  }
0x1f6: {  	[tilespmem:s26], [sflag:$0x1] =	stream.indirect_vreg.gather [hbm4b:s15+s4], $0x80, v2, vm0, $0xb8;
	[tilespmem:$0x10180] =	vst v63  }
0x1f7: {  	s26 =	simm.s32 $0x6180  }
0x1f8: {  	[tilespmem:s26], [sflag:$0x1] =	stream.indirect_vreg.gather [hbm4b:s16+s4], $0x80, v2, vm0, $0xb8;
	[tilespmem:$0x10180] =	vst v63  }
0x1f9: {  	s26 =	simm.s32 $0x6980  }
0x1fa: {  	[tilespmem:s26], [sflag:$0x1] =	stream.indirect_vreg.gather [hbm4b:s17+s4], $0x80, v2, vm0, $0xb8;
	[tilespmem:$0x10180] =	vst v63  }
0x1fb: {  	s26 =	simm.s32 $0x7180  }
0x1fc: {  	[tilespmem:s26], [sflag:$0x1] =	stream.indirect_vreg.gather [hbm4b:s18+s4], $0x80, v2, vm0, $0xb8;
	[tilespmem:$0x10180] =	vst v63  }
0x1fd: {  	s26 =	simm.s32 $0x7980  }
0x1fe: {  	[tilespmem:s26], [sflag:$0x1] =	stream.indirect_vreg.gather [hbm4b:s19+s4], $0x80, v2, vm0, $0xb8;
	[tilespmem:$0x10180] =	vst v63  }
0x1ff: {  	_ =	swait.ge [sflag:s22], $0x8000  }
0x200: {  	[sflag:s22] =	ssyncset.done $0x0  }
0x201: {  	s26 =	rddreg [dreg:$0x10];
	[sflag:s22] =	ssyncadd.s32 $0xFFFF8000  }
0x202: {  	[hbm4b:s26+s4] =	stream.linear.scatter [tilespmem:s2], [sflag:$0x2], $0x8000, $0x38;
	[tilespmem:$0x10180] =	vst v63  }
0x203: {  	_ =	swait.ge [sflag:s25], $0x8000  }
0x204: {  	[sflag:s25] =	ssyncset.done $0x0  }
0x205: {  	[sflag:s25] =	ssyncadd.s32 $0xFFFF8000  }
0x206: {  	v2 =	vld.msk [tilespmem:$0x58], $0xff;
	_ =	sdelay $0x4  }
0x207: {  	v3 =	vshll.u32 v2, $0x5  }
0x208: {  	v2 =	vand.u32 $0x7, v2;
	v3 =	vand.u32 $0xFFFFFF00, v3  }
0x209: {  	v2 =	vor.u32 v2, v3  }
0x20a: {  	v2 =	vperm.xlane v2, v0;
	_ =	sdelay $0x1  }
0x20b: {  	v2 =	vadd.s32 v1, v2;
	_ =	sdelay $0x4  }
0x20c: {  	[tilespmem:s2], [sflag:$0x1] =	stream.indirect_vreg.gather [hbm4b:s24+s4], $0x80, v2, vm0, $0xb8;
	[tilespmem:$0x10180] =	vst v63  }
0x20d: {  	s26 =	simm.s32 $0x8980  }
0x20e: {  	[tilespmem:s26], [sflag:$0x1] =	stream.indirect_vreg.gather [hbm4b:s5+s4], $0x80, v2, vm0, $0xb8;
	[tilespmem:$0x10180] =	vst v63  }
0x20f: {  	_ = 	snop  }
0x210: {  	[tilespmem:s3], [sflag:$0x1] =	stream.indirect_vreg.gather [hbm4b:s6+s4], $0x80, v2, vm0, $0xb8;
	[tilespmem:$0x10180] =	vst v63  }
0x211: {  	_ = 	snop  }
0x212: {  	[tilespmem:s20], [sflag:$0x1] =	stream.indirect_vreg.gather [hbm4b:s7+s4], $0x80, v2, vm0, $0xb8;
	[tilespmem:$0x10180] =	vst v63  }
0x213: {  	_ = 	snop  }
0x214: {  	[tilespmem:s21], [sflag:$0x1] =	stream.indirect_vreg.gather [hbm4b:s8+s4], $0x80, v2, vm0, $0xb8;
	[tilespmem:$0x10180] =	vst v63  }
0x215: {  	_ = 	snop  }
0x216: {  	[tilespmem:s23], [sflag:$0x1] =	stream.indirect_vreg.gather [hbm4b:s9+s4], $0x80, v2, vm0, $0xb8;
	[tilespmem:$0x10180] =	vst v63  }
0x217: {  	_ = 	snop  }
0x218: {  	[tilespmem:s28], [sflag:$0x1] =	stream.indirect_vreg.gather [hbm4b:s10+s4], $0x80, v2, vm0, $0xb8;
	[tilespmem:$0x10180] =	vst v63  }
0x219: {  	_ = 	snop  }
0x21a: {  	[tilespmem:s29], [sflag:$0x1] =	stream.indirect_vreg.gather [hbm4b:s11+s4], $0x80, v2, vm0, $0xb8;
	[tilespmem:$0x10180] =	vst v63  }
0x21b: {  	_ = 	snop  }
0x21c: {  	[tilespmem:s30], [sflag:$0x1] =	stream.indirect_vreg.gather [hbm4b:s12+s4], $0x80, v2, vm0, $0xb8;
	[tilespmem:$0x10180] =	vst v63  }
0x21d: {  	_ = 	snop  }
0x21e: {  	[tilespmem:s31], [sflag:$0x1] =	stream.indirect_vreg.gather [hbm4b:s13+s4], $0x80, v2, vm0, $0xb8;
	[tilespmem:$0x10180] =	vst v63  }
0x21f: {  	_ = 	snop  }
0x220: {  	[tilespmem:s1], [sflag:$0x1] =	stream.indirect_vreg.gather [hbm4b:s14+s4], $0x80, v2, vm0, $0xb8;
	[tilespmem:$0x10180] =	vst v63  }
0x221: {  	s21 =	simm.s32 $0xD980  }
0x222: {  	[tilespmem:s21], [sflag:$0x1] =	stream.indirect_vreg.gather [hbm4b:s15+s4], $0x80, v2, vm0, $0xb8;
	[tilespmem:$0x10180] =	vst v63  }
0x223: {  	s23 =	simm.s32 $0xE180  }
0x224: {  	[tilespmem:s23], [sflag:$0x1] =	stream.indirect_vreg.gather [hbm4b:s16+s4], $0x80, v2, vm0, $0xb8;
	[tilespmem:$0x10180] =	vst v63  }
0x225: {  	s26 =	simm.s32 $0xE980  }
0x226: {  	[tilespmem:s26], [sflag:$0x1] =	stream.indirect_vreg.gather [hbm4b:s17+s4], $0x80, v2, vm0, $0xb8;
	[tilespmem:$0x10180] =	vst v63  }
0x227: {  	s28 =	simm.s32 $0xF180  }
0x228: {  	[tilespmem:s28], [sflag:$0x1] =	stream.indirect_vreg.gather [hbm4b:s18+s4], $0x80, v2, vm0, $0xb8;
	[tilespmem:$0x10180] =	vst v63  }
0x229: {  	s29 =	simm.s32 $0xF980  }
0x22a: {  	[tilespmem:s29], [sflag:$0x1] =	stream.indirect_vreg.gather [hbm4b:s19+s4], $0x80, v2, vm0, $0xb8;
	[tilespmem:$0x10180] =	vst v63  }
0x22b: {  	_ =	swait.ge [sflag:s22], $0x8000  }
0x22c: {  	[sflag:s22] =	ssyncset.done $0x0  }
0x22d: {  	s31 =	simm.s32 $0x180;
	s30 =	rddreg [dreg:$0x11];
	[sflag:s22] =	ssyncadd.s32 $0xFFFF8000  }
0x22e: {  	[hbm4b:s30+s4] =	stream.linear.scatter [tilespmem:s31], [sflag:$0x2], $0x8000, $0x38;
	[tilespmem:$0x10180] =	vst v63  }
0x22f: {  	_ =	swait.ge [sflag:s25], $0x8000  }
0x230: {  	[sflag:s25] =	ssyncset.done $0x0  }
0x231: {  	[sflag:s25] =	ssyncadd.s32 $0xFFFF8000  }
0x232: {  	v2 =	vld.msk [tilespmem:$0x60], $0xff;
	_ =	sdelay $0x4  }
0x233: {  	v3 =	vshll.u32 v2, $0x5  }
0x234: {  	v2 =	vand.u32 $0x7, v2;
	v3 =	vand.u32 $0xFFFFFF00, v3  }
0x235: {  	v2 =	vor.u32 v2, v3  }
0x236: {  	v2 =	vperm.xlane v2, v0;
	_ =	sdelay $0x1  }
0x237: {  	v2 =	vadd.s32 v1, v2;
	_ =	sdelay $0x4  }
0x238: {  	[tilespmem:s31], [sflag:$0x1] =	stream.indirect_vreg.gather [hbm4b:s24+s4], $0x80, v2, vm0, $0xb8;
	[tilespmem:$0x10180] =	vst v63  }
0x239: {  	_ = 	snop  }
0x23a: {  	[tilespmem:s0], [sflag:$0x1] =	stream.indirect_vreg.gather [hbm4b:s5+s4], $0x80, v2, vm0, $0xb8;
	[tilespmem:$0x10180] =	vst v63  }
0x23b: {  	s0 =	simm.s32 $0x1180  }
0x23c: {  	[tilespmem:s0], [sflag:$0x1] =	stream.indirect_vreg.gather [hbm4b:s6+s4], $0x80, v2, vm0, $0xb8;
	[tilespmem:$0x10180] =	vst v63  }
0x23d: {  	s3 =	simm.s32 $0x1980  }
0x23e: {  	[tilespmem:s3], [sflag:$0x1] =	stream.indirect_vreg.gather [hbm4b:s7+s4], $0x80, v2, vm0, $0xb8;
	[tilespmem:$0x10180] =	vst v63  }
0x23f: {  	s20 =	simm.s32 $0x2180  }
0x240: {  	[tilespmem:s20], [sflag:$0x1] =	stream.indirect_vreg.gather [hbm4b:s8+s4], $0x80, v2, vm0, $0xb8;
	[tilespmem:$0x10180] =	vst v63  }
0x241: {  	s21 =	simm.s32 $0x2980  }
0x242: {  	[tilespmem:s21], [sflag:$0x1] =	stream.indirect_vreg.gather [hbm4b:s9+s4], $0x80, v2, vm0, $0xb8;
	[tilespmem:$0x10180] =	vst v63  }
0x243: {  	s23 =	simm.s32 $0x3180  }
0x244: {  	[tilespmem:s23], [sflag:$0x1] =	stream.indirect_vreg.gather [hbm4b:s10+s4], $0x80, v2, vm0, $0xb8;
	[tilespmem:$0x10180] =	vst v63  }
0x245: {  	s28 =	simm.s32 $0x3980  }
0x246: {  	[tilespmem:s28], [sflag:$0x1] =	stream.indirect_vreg.gather [hbm4b:s11+s4], $0x80, v2, vm0, $0xb8;
	[tilespmem:$0x10180] =	vst v63  }
0x247: {  	s29 =	simm.s32 $0x4180  }
0x248: {  	[tilespmem:s29], [sflag:$0x1] =	stream.indirect_vreg.gather [hbm4b:s12+s4], $0x80, v2, vm0, $0xb8;
	[tilespmem:$0x10180] =	vst v63  }
0x249: {  	s30 =	simm.s32 $0x4980  }
0x24a: {  	[tilespmem:s30], [sflag:$0x1] =	stream.indirect_vreg.gather [hbm4b:s13+s4], $0x80, v2, vm0, $0xb8;
	[tilespmem:$0x10180] =	vst v63  }
0x24b: {  	s31 =	simm.s32 $0x5180  }
0x24c: {  	[tilespmem:s31], [sflag:$0x1] =	stream.indirect_vreg.gather [hbm4b:s14+s4], $0x80, v2, vm0, $0xb8;
	[tilespmem:$0x10180] =	vst v63  }
0x24d: {  	s0 =	simm.s32 $0x5980  }
0x24e: {  	[tilespmem:s0], [sflag:$0x1] =	stream.indirect_vreg.gather [hbm4b:s15+s4], $0x80, v2, vm0, $0xb8;
	[tilespmem:$0x10180] =	vst v63  }
0x24f: {  	s0 =	simm.s32 $0x6180  }
0x250: {  	[tilespmem:s0], [sflag:$0x1] =	stream.indirect_vreg.gather [hbm4b:s16+s4], $0x80, v2, vm0, $0xb8;
	[tilespmem:$0x10180] =	vst v63  }
0x251: {  	s0 =	simm.s32 $0x6980  }
0x252: {  	[tilespmem:s0], [sflag:$0x1] =	stream.indirect_vreg.gather [hbm4b:s17+s4], $0x80, v2, vm0, $0xb8;
	[tilespmem:$0x10180] =	vst v63  }
0x253: {  	s0 =	simm.s32 $0x7180  }
0x254: {  	[tilespmem:s0], [sflag:$0x1] =	stream.indirect_vreg.gather [hbm4b:s18+s4], $0x80, v2, vm0, $0xb8;
	[tilespmem:$0x10180] =	vst v63  }
0x255: {  	s0 =	simm.s32 $0x7980  }
0x256: {  	[tilespmem:s0], [sflag:$0x1] =	stream.indirect_vreg.gather [hbm4b:s19+s4], $0x80, v2, vm0, $0xb8;
	[tilespmem:$0x10180] =	vst v63  }
0x257: {  	_ =	swait.ge [sflag:s22], $0x8000  }
0x258: {  	[sflag:s22] =	ssyncset.done $0x0  }
0x259: {  	s0 =	rddreg [dreg:$0x12];
	[sflag:s22] =	ssyncadd.s32 $0xFFFF8000  }
0x25a: {  	[hbm4b:s0+s4] =	stream.linear.scatter [tilespmem:s2], [sflag:$0x2], $0x8000, $0x38;
	[tilespmem:$0x10180] =	vst v63  }
0x25b: {  	_ =	swait.ge [sflag:s25], $0x8000  }
0x25c: {  	[sflag:s25] =	ssyncset.done $0x0  }
0x25d: {  	[sflag:s25] =	ssyncadd.s32 $0xFFFF8000  }
0x25e: {  	v2 =	vld.msk [tilespmem:$0x68], $0xff;
	_ =	sdelay $0x4  }
0x25f: {  	v3 =	vshll.u32 v2, $0x5  }
0x260: {  	v2 =	vand.u32 $0x7, v2;
	v3 =	vand.u32 $0xFFFFFF00, v3  }
0x261: {  	v2 =	vor.u32 v2, v3  }
0x262: {  	v2 =	vperm.xlane v2, v0;
	_ =	sdelay $0x1  }
0x263: {  	v2 =	vadd.s32 v1, v2;
	_ =	sdelay $0x4  }
0x264: {  	[tilespmem:s2], [sflag:$0x1] =	stream.indirect_vreg.gather [hbm4b:s24+s4], $0x80, v2, vm0, $0xb8;
	[tilespmem:$0x10180] =	vst v63  }
0x265: {  	s0 =	simm.s32 $0x8980  }
0x266: {  	[tilespmem:s0], [sflag:$0x1] =	stream.indirect_vreg.gather [hbm4b:s5+s4], $0x80, v2, vm0, $0xb8;
	[tilespmem:$0x10180] =	vst v63  }
0x267: {  	s26 =	simm.s32 $0x9180  }
0x268: {  	[tilespmem:s26], [sflag:$0x1] =	stream.indirect_vreg.gather [hbm4b:s6+s4], $0x80, v2, vm0, $0xb8;
	[tilespmem:$0x10180] =	vst v63  }
0x269: {  	s26 =	simm.s32 $0x9980  }
0x26a: {  	[tilespmem:s26], [sflag:$0x1] =	stream.indirect_vreg.gather [hbm4b:s7+s4], $0x80, v2, vm0, $0xb8;
	[tilespmem:$0x10180] =	vst v63  }
0x26b: {  	s26 =	simm.s32 $0xA180  }
0x26c: {  	[tilespmem:s26], [sflag:$0x1] =	stream.indirect_vreg.gather [hbm4b:s8+s4], $0x80, v2, vm0, $0xb8;
	[tilespmem:$0x10180] =	vst v63  }
0x26d: {  	s26 =	simm.s32 $0xA980  }
0x26e: {  	[tilespmem:s26], [sflag:$0x1] =	stream.indirect_vreg.gather [hbm4b:s9+s4], $0x80, v2, vm0, $0xb8;
	[tilespmem:$0x10180] =	vst v63  }
0x26f: {  	s26 =	simm.s32 $0xB180  }
0x270: {  	[tilespmem:s26], [sflag:$0x1] =	stream.indirect_vreg.gather [hbm4b:s10+s4], $0x80, v2, vm0, $0xb8;
	[tilespmem:$0x10180] =	vst v63  }
0x271: {  	s26 =	simm.s32 $0xB980  }
0x272: {  	[tilespmem:s26], [sflag:$0x1] =	stream.indirect_vreg.gather [hbm4b:s11+s4], $0x80, v2, vm0, $0xb8;
	[tilespmem:$0x10180] =	vst v63  }
0x273: {  	s26 =	simm.s32 $0xC180  }
0x274: {  	[tilespmem:s26], [sflag:$0x1] =	stream.indirect_vreg.gather [hbm4b:s12+s4], $0x80, v2, vm0, $0xb8;
	[tilespmem:$0x10180] =	vst v63  }
0x275: {  	s26 =	simm.s32 $0xC980  }
0x276: {  	[tilespmem:s26], [sflag:$0x1] =	stream.indirect_vreg.gather [hbm4b:s13+s4], $0x80, v2, vm0, $0xb8;
	[tilespmem:$0x10180] =	vst v63  }
0x277: {  	s26 =	simm.s32 $0xD180  }
0x278: {  	[tilespmem:s26], [sflag:$0x1] =	stream.indirect_vreg.gather [hbm4b:s14+s4], $0x80, v2, vm0, $0xb8;
	[tilespmem:$0x10180] =	vst v63  }
0x279: {  	s26 =	simm.s32 $0xD980  }
0x27a: {  	[tilespmem:s26], [sflag:$0x1] =	stream.indirect_vreg.gather [hbm4b:s15+s4], $0x80, v2, vm0, $0xb8;
	[tilespmem:$0x10180] =	vst v63  }
0x27b: {  	s26 =	simm.s32 $0xE180  }
0x27c: {  	[tilespmem:s26], [sflag:$0x1] =	stream.indirect_vreg.gather [hbm4b:s16+s4], $0x80, v2, vm0, $0xb8;
	[tilespmem:$0x10180] =	vst v63  }
0x27d: {  	s26 =	simm.s32 $0xE980  }
0x27e: {  	[tilespmem:s26], [sflag:$0x1] =	stream.indirect_vreg.gather [hbm4b:s17+s4], $0x80, v2, vm0, $0xb8;
	[tilespmem:$0x10180] =	vst v63  }
0x27f: {  	s26 =	simm.s32 $0xF180  }
0x280: {  	[tilespmem:s26], [sflag:$0x1] =	stream.indirect_vreg.gather [hbm4b:s18+s4], $0x80, v2, vm0, $0xb8;
	[tilespmem:$0x10180] =	vst v63  }
0x281: {  	s26 =	simm.s32 $0xF980  }
0x282: {  	[tilespmem:s26], [sflag:$0x1] =	stream.indirect_vreg.gather [hbm4b:s19+s4], $0x80, v2, vm0, $0xb8;
	[tilespmem:$0x10180] =	vst v63  }
0x283: {  	_ =	swait.ge [sflag:s22], $0x8000  }
0x284: {  	[sflag:s22] =	ssyncset.done $0x0  }
0x285: {  	s1 =	simm.s32 $0x180;
	s26 =	rddreg [dreg:$0x13];
	[sflag:s22] =	ssyncadd.s32 $0xFFFF8000  }
0x286: {  	[hbm4b:s26+s4] =	stream.linear.scatter [tilespmem:s1], [sflag:$0x2], $0x8000, $0x38;
	[tilespmem:$0x10180] =	vst v63  }
0x287: {  	_ =	swait.ge [sflag:s25], $0x8000  }
0x288: {  	[sflag:s25] =	ssyncset.done $0x0  }
0x289: {  	[sflag:s25] =	ssyncadd.s32 $0xFFFF8000  }
0x28a: {  	v2 =	vld.msk [tilespmem:$0x70], $0xff;
	_ =	sdelay $0x4  }
0x28b: {  	v3 =	vshll.u32 v2, $0x5  }
0x28c: {  	v2 =	vand.u32 $0x7, v2;
	v3 =	vand.u32 $0xFFFFFF00, v3  }
0x28d: {  	v2 =	vor.u32 v2, v3  }
0x28e: {  	v2 =	vperm.xlane v2, v0;
	_ =	sdelay $0x1  }
0x28f: {  	v2 =	vadd.s32 v1, v2;
	_ =	sdelay $0x4  }
0x290: {  	[tilespmem:s1], [sflag:$0x1] =	stream.indirect_vreg.gather [hbm4b:s24+s4], $0x80, v2, vm0, $0xb8;
	[tilespmem:$0x10180] =	vst v63  }
0x291: {  	s26 =	simm.s32 $0x980  }
0x292: {  	[tilespmem:s26], [sflag:$0x1] =	stream.indirect_vreg.gather [hbm4b:s5+s4], $0x80, v2, vm0, $0xb8;
	[tilespmem:$0x10180] =	vst v63  }
0x293: {  	s26 =	simm.s32 $0x1180  }
0x294: {  	[tilespmem:s26], [sflag:$0x1] =	stream.indirect_vreg.gather [hbm4b:s6+s4], $0x80, v2, vm0, $0xb8;
	[tilespmem:$0x10180] =	vst v63  }
0x295: {  	s3 =	simm.s32 $0x1980  }
0x296: {  	[tilespmem:s3], [sflag:$0x1] =	stream.indirect_vreg.gather [hbm4b:s7+s4], $0x80, v2, vm0, $0xb8;
	[tilespmem:$0x10180] =	vst v63  }
0x297: {  	s20 =	simm.s32 $0x2180  }
0x298: {  	[tilespmem:s20], [sflag:$0x1] =	stream.indirect_vreg.gather [hbm4b:s8+s4], $0x80, v2, vm0, $0xb8;
	[tilespmem:$0x10180] =	vst v63  }
0x299: {  	s21 =	simm.s32 $0x2980  }
0x29a: {  	[tilespmem:s21], [sflag:$0x1] =	stream.indirect_vreg.gather [hbm4b:s9+s4], $0x80, v2, vm0, $0xb8;
	[tilespmem:$0x10180] =	vst v63  }
0x29b: {  	s23 =	simm.s32 $0x3180  }
0x29c: {  	[tilespmem:s23], [sflag:$0x1] =	stream.indirect_vreg.gather [hbm4b:s10+s4], $0x80, v2, vm0, $0xb8;
	[tilespmem:$0x10180] =	vst v63  }
0x29d: {  	s28 =	simm.s32 $0x3980  }
0x29e: {  	[tilespmem:s28], [sflag:$0x1] =	stream.indirect_vreg.gather [hbm4b:s11+s4], $0x80, v2, vm0, $0xb8;
	[tilespmem:$0x10180] =	vst v63  }
0x29f: {  	s29 =	simm.s32 $0x4180  }
0x2a0: {  	[tilespmem:s29], [sflag:$0x1] =	stream.indirect_vreg.gather [hbm4b:s12+s4], $0x80, v2, vm0, $0xb8;
	[tilespmem:$0x10180] =	vst v63  }
0x2a1: {  	s30 =	simm.s32 $0x4980  }
0x2a2: {  	[tilespmem:s30], [sflag:$0x1] =	stream.indirect_vreg.gather [hbm4b:s13+s4], $0x80, v2, vm0, $0xb8;
	[tilespmem:$0x10180] =	vst v63  }
0x2a3: {  	s31 =	simm.s32 $0x5180  }
0x2a4: {  	[tilespmem:s31], [sflag:$0x1] =	stream.indirect_vreg.gather [hbm4b:s14+s4], $0x80, v2, vm0, $0xb8;
	[tilespmem:$0x10180] =	vst v63  }
0x2a5: {  	s29 =	simm.s32 $0x5980  }
0x2a6: {  	[tilespmem:s29], [sflag:$0x1] =	stream.indirect_vreg.gather [hbm4b:s15+s4], $0x80, v2, vm0, $0xb8;
	[tilespmem:$0x10180] =	vst v63  }
0x2a7: {  	s30 =	simm.s32 $0x6180  }
0x2a8: {  	[tilespmem:s30], [sflag:$0x1] =	stream.indirect_vreg.gather [hbm4b:s16+s4], $0x80, v2, vm0, $0xb8;
	[tilespmem:$0x10180] =	vst v63  }
0x2a9: {  	s31 =	simm.s32 $0x6980  }
0x2aa: {  	[tilespmem:s31], [sflag:$0x1] =	stream.indirect_vreg.gather [hbm4b:s17+s4], $0x80, v2, vm0, $0xb8;
	[tilespmem:$0x10180] =	vst v63  }
0x2ab: {  	s20 =	simm.s32 $0x7180  }
0x2ac: {  	[tilespmem:s20], [sflag:$0x1] =	stream.indirect_vreg.gather [hbm4b:s18+s4], $0x80, v2, vm0, $0xb8;
	[tilespmem:$0x10180] =	vst v63  }
0x2ad: {  	s21 =	simm.s32 $0x7980  }
0x2ae: {  	[tilespmem:s21], [sflag:$0x1] =	stream.indirect_vreg.gather [hbm4b:s19+s4], $0x80, v2, vm0, $0xb8;
	[tilespmem:$0x10180] =	vst v63  }
0x2af: {  	_ =	swait.ge [sflag:s22], $0x8000  }
0x2b0: {  	[sflag:s22] =	ssyncset.done $0x0  }
0x2b1: {  	s23 =	rddreg [dreg:$0x14];
	[sflag:s22] =	ssyncadd.s32 $0xFFFF8000  }
0x2b2: {  	[hbm4b:s23+s4] =	stream.linear.scatter [tilespmem:s2], [sflag:$0x2], $0x8000, $0x38;
	[tilespmem:$0x10180] =	vst v63  }
0x2b3: {  	_ =	swait.ge [sflag:s25], $0x8000  }
0x2b4: {  	[sflag:s25] =	ssyncset.done $0x0  }
0x2b5: {  	[sflag:s25] =	ssyncadd.s32 $0xFFFF8000  }
0x2b6: {  	v2 =	vld.msk [tilespmem:$0x78], $0xff;
	_ =	sdelay $0x4  }
0x2b7: {  	v3 =	vshll.u32 v2, $0x5  }
0x2b8: {  	v2 =	vand.u32 $0x7, v2;
	v3 =	vand.u32 $0xFFFFFF00, v3  }
0x2b9: {  	v2 =	vor.u32 v2, v3  }
0x2ba: {  	v2 =	vperm.xlane v2, v0;
	_ =	sdelay $0x1  }
0x2bb: {  	v2 =	vadd.s32 v1, v2;
	_ =	sdelay $0x4  }
0x2bc: {  	[tilespmem:s2], [sflag:$0x1] =	stream.indirect_vreg.gather [hbm4b:s24+s4], $0x80, v2, vm0, $0xb8;
	[tilespmem:$0x10180] =	vst v63  }
0x2bd: {  	_ = 	snop  }
0x2be: {  	[tilespmem:s0], [sflag:$0x1] =	stream.indirect_vreg.gather [hbm4b:s5+s4], $0x80, v2, vm0, $0xb8;
	[tilespmem:$0x10180] =	vst v63  }
0x2bf: {  	s28 =	simm.s32 $0x9180  }
0x2c0: {  	[tilespmem:s28], [sflag:$0x1] =	stream.indirect_vreg.gather [hbm4b:s6+s4], $0x80, v2, vm0, $0xb8;
	[tilespmem:$0x10180] =	vst v63  }
0x2c1: {  	s29 =	simm.s32 $0x9980  }
0x2c2: {  	[tilespmem:s29], [sflag:$0x1] =	stream.indirect_vreg.gather [hbm4b:s7+s4], $0x80, v2, vm0, $0xb8;
	[tilespmem:$0x10180] =	vst v63  }
0x2c3: {  	s30 =	simm.s32 $0xA180  }
0x2c4: {  	[tilespmem:s30], [sflag:$0x1] =	stream.indirect_vreg.gather [hbm4b:s8+s4], $0x80, v2, vm0, $0xb8;
	[tilespmem:$0x10180] =	vst v63  }
0x2c5: {  	s31 =	simm.s32 $0xA980  }
0x2c6: {  	[tilespmem:s31], [sflag:$0x1] =	stream.indirect_vreg.gather [hbm4b:s9+s4], $0x80, v2, vm0, $0xb8;
	[tilespmem:$0x10180] =	vst v63  }
0x2c7: {  	s3 =	simm.s32 $0xB180  }
0x2c8: {  	[tilespmem:s3], [sflag:$0x1] =	stream.indirect_vreg.gather [hbm4b:s10+s4], $0x80, v2, vm0, $0xb8;
	[tilespmem:$0x10180] =	vst v63  }
0x2c9: {  	s20 =	simm.s32 $0xB980  }
0x2ca: {  	[tilespmem:s20], [sflag:$0x1] =	stream.indirect_vreg.gather [hbm4b:s11+s4], $0x80, v2, vm0, $0xb8;
	[tilespmem:$0x10180] =	vst v63  }
0x2cb: {  	s21 =	simm.s32 $0xC180  }
0x2cc: {  	[tilespmem:s21], [sflag:$0x1] =	stream.indirect_vreg.gather [hbm4b:s12+s4], $0x80, v2, vm0, $0xb8;
	[tilespmem:$0x10180] =	vst v63  }
0x2cd: {  	s23 =	simm.s32 $0xC980  }
0x2ce: {  	[tilespmem:s23], [sflag:$0x1] =	stream.indirect_vreg.gather [hbm4b:s13+s4], $0x80, v2, vm0, $0xb8;
	[tilespmem:$0x10180] =	vst v63  }
0x2cf: {  	s24 =	simm.s32 $0xD180  }
0x2d0: {  	[tilespmem:s24], [sflag:$0x1] =	stream.indirect_vreg.gather [hbm4b:s14+s4], $0x80, v2, vm0, $0xb8;
	[tilespmem:$0x10180] =	vst v63  }
0x2d1: {  	s26 =	simm.s32 $0xD980  }
0x2d2: {  	[tilespmem:s26], [sflag:$0x1] =	stream.indirect_vreg.gather [hbm4b:s15+s4], $0x80, v2, vm0, $0xb8;
	[tilespmem:$0x10180] =	vst v63  }
0x2d3: {  	s28 =	simm.s32 $0xE180  }
0x2d4: {  	[tilespmem:s28], [sflag:$0x1] =	stream.indirect_vreg.gather [hbm4b:s16+s4], $0x80, v2, vm0, $0xb8;
	[tilespmem:$0x10180] =	vst v63  }
0x2d5: {  	s29 =	simm.s32 $0xE980  }
0x2d6: {  	[tilespmem:s29], [sflag:$0x1] =	stream.indirect_vreg.gather [hbm4b:s17+s4], $0x80, v2, vm0, $0xb8;
	[tilespmem:$0x10180] =	vst v63  }
0x2d7: {  	s30 =	simm.s32 $0xF180  }
0x2d8: {  	[tilespmem:s30], [sflag:$0x1] =	stream.indirect_vreg.gather [hbm4b:s18+s4], $0x80, v2, vm0, $0xb8;
	[tilespmem:$0x10180] =	vst v63  }
0x2d9: {  	s31 =	simm.s32 $0xF980  }
0x2da: {  	[tilespmem:s31], [sflag:$0x1] =	stream.indirect_vreg.gather [hbm4b:s19+s4], $0x80, v2, vm0, $0xb8;
	[tilespmem:$0x10180] =	vst v63  }
0x2db: {  	_ =	swait.ge [sflag:s22], $0x8000  }
0x2dc: {  	[sflag:s22] =	ssyncset.done $0x0  }
0x2dd: {  	s3 =	rddreg [dreg:$0x15];
	[sflag:s22] =	ssyncadd.s32 $0xFFFF8000  }
0x2de: {  	[hbm4b:s3+s4] =	stream.linear.scatter [tilespmem:s1], [sflag:$0x2], $0x8000, $0x38;
	[tilespmem:$0x10180] =	vst v63  }
0x2df: {  	_ =	swait.ge [sflag:s22], $0x8000  }
0x2e0: {  	[sflag:s22] =	ssyncset.done $0x0  }
0x2e1: {  	s20 =	rddreg [dreg:$0x16];
	[sflag:s22] =	ssyncadd.s32 $0xFFFF8000  }
0x2e2: {  	[hbm4b:s20+s4] =	stream.linear.scatter [tilespmem:s2], [sflag:$0x2], $0x8000, $0x38;
	[tilespmem:$0x10180] =	vst v63  }
0x2e3: {  	_ =	swait.ge [sflag:s25], $0x8000  }
0x2e4: {  	[sflag:s25] =	ssyncset.done $0x0  }
0x2e5: {  	[sflag:s25] =	ssyncadd.s32 $0xFFFF8000  }
0x2e6: {  	_ =	swait.ge [sflag:s25], $0x8000  }
0x2e7: {  	[sflag:s25] =	ssyncset.done $0x0  }
0x2e8: {  	[sflag:s25] =	ssyncadd.s32 $0xFFFF8000  }
0x2e9: {  	_ =	swait.ge [sflag:s22], $0x80  }
0x2ea: {  	[sflag:s22] =	ssyncset.done $0x0  }
0x2eb: {  	[sflag:s22] =	ssyncadd.s32 $0xFFFFFF80  }
0x2ec: {  	_ =	swait.ge [sflag:s22], $0x80  }
0x2ed: {  	s23 =	simm.s32 $0x80;
	[sflag:s22] =	ssyncset.done $0x0  }
0x2ee: {  	s24 =	simm.s32 $0x3;
	s21 =	rddreg [dreg:$0x17];
	[sflag:s22] =	ssyncadd.s32 $0xFFFFFF80  }
0x2ef: {  	[hbm4b:s21+s4] =	stream.linear.scatter [tilespmem:s23], [sflag:$0x3], $0x80, $0x38;
	[tilespmem:$0x10180] =	vst v63  }
0x2f0: {  	_ =	swait.ge [sflag:s24], $0x80  }
0x2f1: {  	s30 =	rddreg [dreg:$0x19]  }
0x2f2: {  	s29 =	simm.s32 $0x100;
	[sflag:s24] =	ssyncset.done $0x0;
	p0 =	sne.s32 s30, $0x1  }
.Ltmp0:
0x2f3: {  	s28 =	rddreg [dreg:$0x18];
	[sflag:s24] =	ssyncadd.s32 $0xFFFFFF80;
	(pc) =	sbr.rel @p0 .LBB2_1-.Ltmp0, $4  }
0x2f4: {  	[hbm4b:s28+s4] =	stream.linear.scatter [tilespmem:s29], [sflag:$0x3], $0x80, $0x38;
	[tilespmem:$0x10180] =	vst v63  }
0x2f5: {  	_ =	swait.ge [sflag:s24], $0x80  }
0x2f6: {  	s31 =	simm.s32 $0x3;
	[sflag:s24] =	ssyncset.done $0x0  }
0x2f7: {  	s2 =	sadd.s32 $0xFFFFFFFF, s30;
	[sflag:s31] =	ssyncadd.s32 $0xFFFFFF80  }
0x2f8: {  	_ =	sfence.sel $0x180000  }
0x2f9: {  	[bflag:$0x0] =	sbarrier.arrive $0xFFFF  }
0x2fa: {  	_ =	strace $0x9000004A  }
0x2fb: {  	s0 =	stileid.u32;
	[bflag:$0x2] =	sbarrier.arrive $0xFFFF  }
0x2fc: {  	p0 =	sne.s32 s0, $0x0;
	s0 =	rddreg [dreg:$0x4]  }
0x2fd: {  	s0 =	sadd.s32 @!p0 $0x100000, s0  }
0x2fe: {  	[sflag:s0] =	ssyncadd.tile.s32 @!p0 $0x1;
	_ =	shalt  }
.Lfunc_end2:
_tile_overlayer_lowered:
.L_overlay_start_2:
0x2ff: {  	(tag) =	ssettag $0x2  }
0x300: {  	s0 =	rddreg [dreg:$0x0];
	s2 =	stileid.u32  }
0x301: {  	s1 =	rddreg [dreg:$0x1];
	p0 =	sne.s32 s2, $0x0  }
0x302: {  	s3 =	rddreg [dreg:$0x2];
	[bflag:$0x3] =	sbarrier.arrive $0xFFFF;
	s2 =	simm.s32 @!p0 $0x1C03  }
0x303: {  	[timem:s3], [sflag:s2] =	dma.local @!p0 [hbm:s0], s1  }
0x304: {  	s0 =	simm.s32 @!p0 $0x3  }
0x305: {  	_ =	swait.ge @!p0 [sflag:s0], s1  }
0x306: {  	s1 =	ssub.s32 @!p0 $0x0, s1;
	[sflag:s0] =	ssyncset.done @!p0 $0x0  }
0x307: {  	[sflag:s0] =	ssyncadd.s32 @!p0 s1  }
0x308: {  	[bflag:$0x3] =	sbarrier.arrive $0xFFFF  }
0x309: {  	_ =	shalt  }

</sc_bundles>
